<compile_context>
chip_gen: v7x
topology: tpu7x:2x2x1
jax: 0.10.2.dev20260603
libtpu: 0.0.44.dev20260713+nightly
codegen_flags: <defaults>
</compile_context>

<pallas_src>
import functools

import jax
import jax.numpy as jnp
from jax import lax
from jax.experimental import pallas as pl
from jax.experimental.pallas import tpu as pltpu
from jax.experimental.pallas import tpu_sc as plsc

N1 = 10000
D = 256
H = 128
NC = 2
NS = 16
CHUNK = 128
GROUP = 20
ZROWS = 125
NTRASH = 8


def _mm_split(x, w, bn):
    n = x.shape[0]
    nb = n // bn

    def body(x_ref, w_ref, o_ref):
        o_ref[...] = jnp.dot(x_ref[...], w_ref[...],
                             preferred_element_type=jnp.float32)

    return pl.pallas_call(
        body,
        grid=(nb, NC),
        in_specs=[
            pl.BlockSpec((bn, D), lambda i, c: (i, 0)),
            pl.BlockSpec((D, H), lambda i, c: (0, c)),
        ],
        out_specs=pl.BlockSpec((bn, H), lambda i, c: (c * nb + i, 0)),
        out_shape=jax.ShapeDtypeStruct((2 * n, H), jnp.float32),
    )(x, w)


def _make_segsum(n_groups, n_out):
    rps_out = n_out // NS
    nzc = rps_out // ZROWS

    mesh = plsc.VectorSubcoreMesh(core_axis_name="c", subcore_axis_name="s",
                                  num_cores=NC, num_subcores=NS)

    @functools.partial(
        pl.kernel,
        out_type=jax.ShapeDtypeStruct((NC * NS, n_out // NS, H), jnp.float32),
        mesh=mesh,
        scratch_types=[
            pltpu.VMEM_SHARED((n_out + NTRASH, H), jnp.float32),
            pltpu.VMEM((GROUP, CHUNK), jnp.int32),
            pltpu.VMEM((GROUP, CHUNK), jnp.int32),
            pltpu.VMEM((GROUP, CHUNK), jnp.int32),
            pltpu.VMEM((GROUP, CHUNK), jnp.int32),
            pltpu.VMEM((CHUNK, H), jnp.float32),
            pltpu.VMEM((CHUNK, H), jnp.float32),
            pltpu.SemaphoreType.DMA,
            pltpu.SemaphoreType.DMA,
            pltpu.SemaphoreType.DMA,
            pltpu.SemaphoreType.DMA,
        ],
    )
    def seg(y_ref, src_ref, dst_ref, out_ref,
            acc, sidx0, didx0, sidx1, didx1, rows_a, rows_b,
            sem_a, sem_b, sem_i0, sem_i1):
        c = lax.axis_index("c")
        s = lax.axis_index("s")

        def iload(g, sbuf, dbuf, sem):
            pltpu.async_copy(src_ref.at[c, s, g], sbuf, sem)
            pltpu.async_copy(dst_ref.at[s, g], dbuf, sem)

        def iwait(g, sbuf, dbuf, sem):
            pltpu.make_async_copy(src_ref.at[c, s, g], sbuf, sem).wait()
            pltpu.make_async_copy(dst_ref.at[s, g], dbuf, sem).wait()

        iload(0, sidx0, didx0, sem_i0)

        def zrow(r, carry):
            def zcol(k, carry2):
                rows_a[r, pl.ds(k * 16, 16)] = jnp.zeros((16,), jnp.float32)
                return carry2
            return lax.fori_loop(0, H // 16, zcol, carry)
        lax.fori_loop(0, ZROWS, zrow, 0)
        for j in range(nzc):
            pltpu.sync_copy(rows_a.at[pl.ds(0, ZROWS)],
                            acc.at[pl.ds(s * rps_out + j * ZROWS, ZROWS)])

        @pl.when(s == 0)
        def _():
            pltpu.sync_copy(rows_a.at[pl.ds(0, NTRASH)],
                            acc.at[pl.ds(n_out, NTRASH)])

        plsc.subcore_barrier()

        def process(sbuf, dbuf):
            def gather(k, buf, sem):
                return pltpu.async_copy(y_ref.at[sbuf.at[k]], buf, sem)

            def gwait(k, buf, sem):
                pltpu.make_async_copy(y_ref.at[sbuf.at[k]], buf, sem).wait()

            gather(0, rows_a, sem_a)
            for k in range(GROUP):
                buf, sem = (rows_a, sem_a) if k % 2 == 0 else (rows_b, sem_b)
                nbuf, nsem = (rows_b, sem_b) if k % 2 == 0 else (rows_a, sem_a)
                if k + 1 < GROUP:
                    gather(k + 1, nbuf, nsem)
                gwait(k, buf, sem)
                pltpu.sync_copy(buf, acc.at[dbuf.at[k]], add=True)

        def pair(j, carry):
            g = j * 2
            iload(g + 1, sidx1, didx1, sem_i1)
            iwait(g, sidx0, didx0, sem_i0)
            process(sidx0, didx0)
            iload(g + 2, sidx0, didx0, sem_i0)
            iwait(g + 1, sidx1, didx1, sem_i1)
            process(sidx1, didx1)
            return carry
        lax.fori_loop(0, n_groups // 2, pair, 0)
        iwait(n_groups, sidx0, didx0, sem_i0)

        plsc.subcore_barrier()
        pltpu.sync_copy(acc.at[pl.ds(s * rps_out, rps_out)],
                        out_ref.at[c * NS + s])

    return seg


def _prep_edges(ei, n_src, n_out):
    e = ei.shape[1]
    eps_ = e // NS
    gsz = GROUP * CHUNK
    ng = -(-eps_ // gsz)
    npad = ng * gsz - eps_
    srcv = ei[0].reshape(NS, eps_)
    dstv = ei[1].reshape(NS, eps_)
    trash = n_out + (jnp.arange(npad + gsz, dtype=jnp.int32) % NTRASH)
    srcv = jnp.concatenate(
        [srcv, jnp.zeros((NS, npad + gsz), jnp.int32)], axis=1)
    dstv = jnp.concatenate(
        [dstv, jnp.broadcast_to(trash, (NS, npad + gsz))], axis=1)
    src5 = jnp.stack([srcv, srcv + n_src]).reshape(
        NC, NS, ng + 1, GROUP, CHUNK)
    dst4 = dstv.reshape(NS, ng + 1, GROUP, CHUNK)
    return src5, dst4, ng


def _elu(v):
    return jnp.where(v > 0, v, jnp.exp(v) - 1.0)


def _post1a(a1, x1, epsb, wm1, bn):
    nb = N1 // bn

    def body(a1_ref, x_ref, eps_ref, wm1_ref, h_ref):
        ep = eps_ref[0, 0]
        x = x_ref[...]
        u00 = _elu(a1_ref[0]) + ep * x[:, :H]
        u01 = _elu(a1_ref[1]) + ep * x[:, H:]
        w = wm1_ref[...]
        h = jnp.dot(u00, w[0:H], preferred_element_type=jnp.float32)
        h += jnp.dot(u01, w[H:2 * H], preferred_element_type=jnp.float32)
        h_ref[...] = h

    return pl.pallas_call(
        body,
        grid=(nb,),
        in_specs=[
            pl.BlockSpec((NC, bn, H), lambda i: (0, i, 0)),
            pl.BlockSpec((bn, D), lambda i: (i, 0)),
            pl.BlockSpec((1, 1), lambda i: (0, 0)),
            pl.BlockSpec((2 * D, D), lambda i: (0, 0)),
        ],
        out_specs=pl.BlockSpec((bn, D), lambda i: (i, 0)),
        out_shape=jax.ShapeDtypeStruct((N1, D), jnp.float32),
    )(a1, x1, epsb, wm1)


def _post1b(ha, a2, x1, epsb, wm1, bm1, bn):
    nb = N1 // bn

    def body(ha_ref, a2_ref, x_ref, eps_ref, wm1_ref, bm1_ref,
             h_ref, ssum_ref, ssq_ref):
        ep = eps_ref[0, 0]
        x = x_ref[...]
        u10 = _elu(a2_ref[0]) + ep * x[:, :H]
        u11 = _elu(a2_ref[1]) + ep * x[:, H:]
        w = wm1_ref[...]
        h = ha_ref[...] + bm1_ref[...]
        h += jnp.dot(u10, w[2 * H:3 * H], preferred_element_type=jnp.float32)
        h += jnp.dot(u11, w[3 * H:4 * H], preferred_element_type=jnp.float32)
        h_ref[...] = h

        @pl.when(pl.program_id(0) == 0)
        def _():
            ssum_ref[...] = jnp.zeros_like(ssum_ref)
            ssq_ref[...] = jnp.zeros_like(ssq_ref)
        ssum_ref[...] += jnp.sum(h, axis=0, keepdims=True)
        ssq_ref[...] += jnp.sum(h * h, axis=0, keepdims=True)

    return pl.pallas_call(
        body,
        grid=(nb,),
        in_specs=[
            pl.BlockSpec((bn, D), lambda i: (i, 0)),
            pl.BlockSpec((NC, bn, H), lambda i: (0, i, 0)),
            pl.BlockSpec((bn, D), lambda i: (i, 0)),
            pl.BlockSpec((1, 1), lambda i: (0, 0)),
            pl.BlockSpec((2 * D, D), lambda i: (0, 0)),
            pl.BlockSpec((1, D), lambda i: (0, 0)),
        ],
        out_specs=[
            pl.BlockSpec((bn, D), lambda i: (i, 0)),
            pl.BlockSpec((1, D), lambda i: (0, 0)),
            pl.BlockSpec((1, D), lambda i: (0, 0)),
        ],
        out_shape=[
            jax.ShapeDtypeStruct((N1, D), jnp.float32),
            jax.ShapeDtypeStruct((1, D), jnp.float32),
            jax.ShapeDtypeStruct((1, D), jnp.float32),
        ],
    )(ha, a2, x1, epsb, wm1, bm1)


def _post2(hpre, ssum, ssq, gamma, beta, wm2, bm2, bn):
    nb = N1 // bn

    def body(h_ref, ssum_ref, ssq_ref, g_ref, b_ref, wm2_ref, bm2_ref, o_ref):
        inv_n = 1.0 / N1
        mean = ssum_ref[...] * inv_n
        var = ssq_ref[...] * inv_n - mean * mean
        g = g_ref[...] * lax.rsqrt(var + 1e-5)
        b = b_ref[...] - mean * g
        v = jnp.maximum(h_ref[...] * g + b, 0.0)
        o_ref[...] = jnp.dot(v, wm2_ref[...],
                             preferred_element_type=jnp.float32) + bm2_ref[...]

    return pl.pallas_call(
        body,
        grid=(nb,),
        in_specs=[
            pl.BlockSpec((bn, D), lambda i: (i, 0)),
            pl.BlockSpec((1, D), lambda i: (0, 0)),
            pl.BlockSpec((1, D), lambda i: (0, 0)),
            pl.BlockSpec((1, D), lambda i: (0, 0)),
            pl.BlockSpec((1, D), lambda i: (0, 0)),
            pl.BlockSpec((D, D), lambda i: (0, 0)),
            pl.BlockSpec((1, D), lambda i: (0, 0)),
        ],
        out_specs=pl.BlockSpec((bn, D), lambda i: (i, 0)),
        out_shape=jax.ShapeDtypeStruct((N1, D), jnp.float32),
    )(hpre, ssum, ssq, gamma, beta, wm2, bm2)


def kernel(x_1, x_2, edge_index_1_to_1, edge_index_2_to_1, W1, W2, eps,
           Wm1, bm1, gamma, beta, Wm2, bm2):
    n2 = x_2.shape[0]

    y1 = _mm_split(x_1, W1, 1000)
    x_2b, _ = lax.optimization_barrier((x_2, y1))
    y2 = _mm_split(x_2b, W2, 1000)

    src1, dst1, ng1 = _prep_edges(edge_index_1_to_1, N1, N1)
    src2, dst2, ng2 = _prep_edges(edge_index_2_to_1, n2, N1)

    agg1 = _make_segsum(ng1, N1)(y1, src1, dst1)
    agg2 = _make_segsum(ng2, N1)(y2, src2, dst2)

    epsb = (1.0 + eps).reshape(1, 1)
    ha = _post1a(agg1.reshape(NC, N1, H), x_1, epsb, Wm1, 1000)
    hpre, ssum, ssq = _post1b(ha, agg2.reshape(NC, N1, H),
                              x_1, epsb, Wm1, bm1.reshape(1, D), 1000)
    return _post2(hpre, ssum, ssq, gamma.reshape(1, D), beta.reshape(1, D),
                  Wm2, bm2.reshape(1, D), 1000)

# --- scband reference (transcript-rebuilt; emitter-appended) ---
"""Pipeline reference for scband-cwndefault-first-conv-34471407517843 (READ-ONLY COPY).

The authoritative reference and input builder live on the scoring server;
editing this copy changes nothing except your own understanding.
"""

import jax, jax.numpy as jnp
import numpy as np

N1, N2, E1, E2, D = 10000, 20000, 160000, 160000, 256


def setup_inputs(seed: int = 0) -> dict:
    key = jax.random.key(seed)
    ks = jax.random.split(key, 16)
    x_1 = jax.random.normal(ks[0], (N1, D), dtype=jnp.float32)
    x_2 = jax.random.normal(ks[1], (N2, D), dtype=jnp.float32)
    # neighborhood matrices represented in COO form with unit values:
    # row 0 = src (column index of sparse matrix), row 1 = dst (row index)
    src1 = jax.random.randint(ks[2], (E1,), 0, N1, dtype=jnp.int32)
    dst1 = jax.random.randint(ks[3], (E1,), 0, N1, dtype=jnp.int32)
    edge_index_1_to_1 = jnp.stack([src1, dst1], axis=0)
    src2 = jax.random.randint(ks[4], (E2,), 0, N2, dtype=jnp.int32)
    dst2 = jax.random.randint(ks[5], (E2,), 0, N1, dtype=jnp.int32)
    edge_index_2_to_1 = jnp.stack([src2, dst2], axis=0)
    s = 1.0 / np.sqrt(D)
    W1 = jax.random.normal(ks[6], (D, D), dtype=jnp.float32) * s
    W2 = jax.random.normal(ks[7], (D, D), dtype=jnp.float32) * s
    eps = jnp.zeros((1,), dtype=jnp.float32)
    Wm1 = jax.random.normal(ks[8], (2 * D, D), dtype=jnp.float32) * (1.0 / np.sqrt(2 * D))
    bm1 = jnp.zeros((D,), dtype=jnp.float32)
    gamma = jnp.ones((D,), dtype=jnp.float32)
    beta = jnp.zeros((D,), dtype=jnp.float32)
    Wm2 = jax.random.normal(ks[9], (D, D), dtype=jnp.float32) * s
    bm2 = jnp.zeros((D,), dtype=jnp.float32)
    return {
        "x_1": x_1, "x_2": x_2,
        "edge_index_1_to_1": edge_index_1_to_1,
        "edge_index_2_to_1": edge_index_2_to_1,
        "W1": W1, "W2": W2, "eps": eps,
        "Wm1": Wm1, "bm1": bm1, "gamma": gamma, "beta": beta,
        "Wm2": Wm2, "bm2": bm2,
    }


def _spmm(edge_index, x, n_out):
    # neighborhood @ x  with unit-valued COO sparse matrix
    src = edge_index[0]
    dst = edge_index[1]
    return jax.ops.segment_sum(jnp.take(x, src, axis=0), dst, num_segments=n_out)


def reference(x_1, x_2, edge_index_1_to_1, edge_index_2_to_1, W1, W2, eps, Wm1, bm1, gamma, beta, Wm2, bm2):
    n1 = x_1.shape[0]
    # Conv 1->1: neighborhood @ (x_1 @ W1), then ELU
    x_up = jax.nn.elu(_spmm(edge_index_1_to_1, x_1 @ W1, n1))
    x_up = (1.0 + eps) * x_1 + x_up
    # Conv 2->1: neighborhood @ (x_2 @ W2), then ELU
    x_cob = jax.nn.elu(_spmm(edge_index_2_to_1, x_2 @ W2, n1))
    x_cob = (1.0 + eps) * x_1 + x_cob
    h = jnp.concatenate([x_up, x_cob], axis=-1)
    # MLP: Linear(2D->D) -> BatchNorm1d (batch stats, training mode) -> ReLU -> Linear(D->D)
    h = h @ Wm1 + bm1
    mean = jnp.mean(h, axis=0)
    var = jnp.var(h, axis=0)
    h = (h - mean) / jnp.sqrt(var + 1e-5) * gamma + beta
    h = jax.nn.relu(h)
    return h @ Wm2 + bm2

if __name__ == "__main__":
    import jax
    _d = setup_inputs()
    print(jax.jit(kernel)(*tuple(_d.values())))

</pallas_src>

<mosaic_0001>
#map = affine_map<(d0, d1) -> (0, 0)>
#map1 = affine_map<(d0, d1) -> (0, 0, 0, 0, 0)>
#map2 = affine_map<(d0, d1) -> (0, 0, 0, 0)>
#map3 = affine_map<(d0, d1) -> (0, 0, 0)>
module attributes {stable_mosaic.version = 14 : i64} {
  func.func @seg(%arg0: i32, %arg1: i32, %arg2: memref<40000x128xf32, #tpu.memory_space<hbm>>, %arg3: memref<2x16x5x20x128xi32, #tpu.memory_space<hbm>>, %arg4: memref<16x5x20x128xi32, #tpu.memory_space<hbm>>, %arg5: memref<32x625x128xf32, #tpu.memory_space<hbm>>, %arg6: memref<10008x128xf32, #tpu.memory_space<vmem_shared>>, %arg7: memref<20x128xi32, #tpu.memory_space<vmem>>, %arg8: memref<20x128xi32, #tpu.memory_space<vmem>>, %arg9: memref<20x128xi32, #tpu.memory_space<vmem>>, %arg10: memref<20x128xi32, #tpu.memory_space<vmem>>, %arg11: memref<128x128xf32, #tpu.memory_space<vmem>>, %arg12: memref<128x128xf32, #tpu.memory_space<vmem>>, %arg13: memref<!tpu.dma_semaphore, #tpu.memory_space<semaphore_mem>>, %arg14: memref<!tpu.dma_semaphore, #tpu.memory_space<semaphore_mem>>, %arg15: memref<!tpu.dma_semaphore, #tpu.memory_space<semaphore_mem>>, %arg16: memref<!tpu.dma_semaphore, #tpu.memory_space<semaphore_mem>>) attributes {dimension_semantics = [#tpu.dimension_semantics<core_parallel>, #tpu.dimension_semantics<subcore_parallel>], iteration_bounds = array<i64: 2, 16>, scalar_prefetch = 0 : i64, scratch_operands = 11 : i64, tpu.core_type = #tpu.core_type<sc_vector_subcore>, window_params = [{transform_indices = #map}, {transform_indices = #map1}, {transform_indices = #map2}, {transform_indices = #map3}]} {
    %dma_start3A = arith.constant 0 : i32
    %dma_start3A_0 = arith.constant 0 : i32
    %dma_start3A_1 = arith.constant 0 : i32
    %dma_start3A_2 = tpu.memref_slice %arg3[%arg0, %arg1, %dma_start3A, %dma_start3A_0, %dma_start3A_1] : memref<2x16x5x20x128xi32, #tpu.memory_space<hbm>> -> memref<1x1x1x20x128xi32, #tpu.memory_space<hbm>>
    %dma_start3A_3 = tpu.memref_squeeze %dma_start3A_2 : memref<1x1x1x20x128xi32, #tpu.memory_space<hbm>> -> memref<20x128xi32, #tpu.memory_space<hbm>>
    %dma_start3A_4 = arith.constant 0 : i32
    %dma_start3A_5 = arith.constant 0 : i32
    %dma_start3A_6 = tpu.memref_slice %arg3[%arg0, %arg1, %dma_start3A, %dma_start3A_4, %dma_start3A_5] : memref<2x16x5x20x128xi32, #tpu.memory_space<hbm>> -> memref<1x1x1x20x128xi32, #tpu.memory_space<hbm>>
    %dma_start3A_7 = tpu.memref_squeeze %dma_start3A_6 : memref<1x1x1x20x128xi32, #tpu.memory_space<hbm>> -> memref<20x128xi32, #tpu.memory_space<hbm>>
    tpu.enqueue_dma source(%dma_start3A_7 : memref<20x128xi32, #tpu.memory_space<hbm>>) target(%arg7 : memref<20x128xi32, #tpu.memory_space<vmem>>) target_semaphore(%arg15 : memref<!tpu.dma_semaphore, #tpu.memory_space<semaphore_mem>>)
    %dma_start3A_8 = arith.constant 0 : i32
    %dma_start3A_9 = arith.constant 0 : i32
    %dma_start3A_10 = arith.constant 0 : i32
    %dma_start3A_11 = tpu.memref_slice %arg4[%arg1, %dma_start3A_8, %dma_start3A_9, %dma_start3A_10] : memref<16x5x20x128xi32, #tpu.memory_space<hbm>> -> memref<1x1x20x128xi32, #tpu.memory_space<hbm>>
    %dma_start3A_12 = tpu.memref_squeeze %dma_start3A_11 : memref<1x1x20x128xi32, #tpu.memory_space<hbm>> -> memref<20x128xi32, #tpu.memory_space<hbm>>
    %dma_start3A_13 = arith.constant 0 : i32
    %dma_start3A_14 = arith.constant 0 : i32
    %dma_start3A_15 = tpu.memref_slice %arg4[%arg1, %dma_start3A_8, %dma_start3A_13, %dma_start3A_14] : memref<16x5x20x128xi32, #tpu.memory_space<hbm>> -> memref<1x1x20x128xi32, #tpu.memory_space<hbm>>
    %dma_start3A_16 = tpu.memref_squeeze %dma_start3A_15 : memref<1x1x20x128xi32, #tpu.memory_space<hbm>> -> memref<20x128xi32, #tpu.memory_space<hbm>>
    tpu.enqueue_dma source(%dma_start3A_16 : memref<20x128xi32, #tpu.memory_space<hbm>>) target(%arg8 : memref<20x128xi32, #tpu.memory_space<vmem>>) target_semaphore(%arg15 : memref<!tpu.dma_semaphore, #tpu.memory_space<semaphore_mem>>)
    %scan3A = arith.constant 0 : i32
    %scan3A_17 = arith.constant 0 : i32
    %scan3A_18 = arith.constant 125 : i32
    %scan3A_19 = arith.addi %scan3A_17, %scan3A_18 : i32
    %scan3A_20 = arith.constant 1 : i32
    scf.for %scan3A_71 = %scan3A_17 to %scan3A_19 step %scan3A_20  : i32 {
      %scan3A_72 = arith.constant 0 : i32
      %scan3A_73 = arith.constant 8 : i32
      %scan3A_74 = arith.addi %scan3A_72, %scan3A_73 : i32
      %scan3A_75 = arith.constant 1 : i32
      scf.for %scan3A_77 = %scan3A_72 to %scan3A_74 step %scan3A_75  : i32 {
        %broadcast_in_dim3A = arith.constant 0.000000e+00 : f32
        %broadcast_in_dim3A_78 = vector.broadcast %broadcast_in_dim3A : f32 to vector<16xf32>
        %mul3A_79 = arith.constant 16 : i32
        %mul3A_80 = arith.muli %scan3A_77, %mul3A_79 : i32
        %swap3A = arith.index_cast %scan3A_71 : i32 to index
        %swap3A_81 = arith.index_cast %mul3A_80 : i32 to index
        %swap3A_82 = tpu.vector_load %arg11[%swap3A, %swap3A_81] {strides = array<i32>} : memref<128x128xf32, #tpu.memory_space<vmem>>, vector<1x16xf32>,
        %swap3A_83 = vector.shape_cast %swap3A_82 : vector<1x16xf32> to vector<16xf32>
        %swap3A_84 = vector.shape_cast %broadcast_in_dim3A_78 : vector<16xf32> to vector<1x16xf32>
        tpu.vector_store %arg11[%swap3A, %swap3A_81], %swap3A_84 {strides = array<i32>} : memref<128x128xf32, #tpu.memory_space<vmem>>, vector<1x16xf32>,
      }
      %scan3A_76 = arith.constant 8 : i32
    }
    %scan3A_21 = arith.constant 125 : i32
    %mul3A = arith.constant 625 : i32
    %mul3A_22 = arith.muli %arg1, %mul3A : i32
    %add3A = arith.constant 0 : i32
    %add3A_23 = arith.addi %mul3A_22, %add3A : i32
    "tpu.region"() ({
      %run_scoped3A = tpu.sem_alloc : memref<!tpu.dma_semaphore, #tpu.memory_space<semaphore_mem>>
      %dma_start3A_71 = arith.constant 0 : i32
      %dma_start3A_72 = arith.constant 0 : i32
      %dma_start3A_73 = tpu.memref_slice %arg11[%dma_start3A_71, %dma_start3A_72] : memref<128x128xf32, #tpu.memory_space<vmem>> -> memref<125x128xf32, #tpu.memory_space<vmem>>
      %dma_start3A_74 = arith.constant 0 : i32
      %dma_start3A_75 = tpu.memref_slice %arg6[%add3A_23, %dma_start3A_74] : memref<10008x128xf32, #tpu.memory_space<vmem_shared>> -> memref<125x128xf32, #tpu.memory_space<vmem_shared>>
      %dma_start3A_76 = arith.constant 0 : i32
      %dma_start3A_77 = tpu.memref_slice %arg6[%add3A_23, %dma_start3A_76] : memref<10008x128xf32, #tpu.memory_space<vmem_shared>> -> memref<125x128xf32, #tpu.memory_space<vmem_shared>>
      %dma_start3A_78 = arith.constant 0 : i32
      %dma_start3A_79 = arith.constant 0 : i32
      %dma_start3A_80 = tpu.memref_slice %arg11[%dma_start3A_78, %dma_start3A_79] : memref<128x128xf32, #tpu.memory_space<vmem>> -> memref<125x128xf32, #tpu.memory_space<vmem>>
      tpu.enqueue_dma source(%dma_start3A_80 : memref<125x128xf32, #tpu.memory_space<vmem>>) target(%dma_start3A_77 : memref<125x128xf32, #tpu.memory_space<vmem_shared>>) target_semaphore(%run_scoped3A : memref<!tpu.dma_semaphore, #tpu.memory_space<semaphore_mem>>)
      %dma_wait3A_81 = arith.constant 0 : i32
      %dma_wait3A_82 = arith.constant 0 : i32
      %dma_wait3A_83 = tpu.memref_slice %arg11[%dma_wait3A_81, %dma_wait3A_82] : memref<128x128xf32, #tpu.memory_space<vmem>> -> memref<125x128xf32, #tpu.memory_space<vmem>>
      %dma_wait3A_84 = arith.constant 0 : i32
      %dma_wait3A_85 = tpu.memref_slice %arg6[%add3A_23, %dma_wait3A_84] : memref<10008x128xf32, #tpu.memory_space<vmem_shared>> -> memref<125x128xf32, #tpu.memory_space<vmem_shared>>
      %dma_wait3A_86 = arith.constant 0 : i32
      %dma_wait3A_87 = tpu.memref_slice %arg6[%add3A_23, %dma_wait3A_86] : memref<10008x128xf32, #tpu.memory_space<vmem_shared>> -> memref<125x128xf32, #tpu.memory_space<vmem_shared>>
      %dma_wait3A_88 = arith.constant 0 : i32
      %dma_wait3A_89 = arith.constant 0 : i32
      %dma_wait3A_90 = tpu.memref_slice %arg11[%dma_wait3A_88, %dma_wait3A_89] : memref<128x128xf32, #tpu.memory_space<vmem>> -> memref<125x128xf32, #tpu.memory_space<vmem>>
      tpu.wait_dma2 semaphore(%run_scoped3A : memref<!tpu.dma_semaphore, #tpu.memory_space<semaphore_mem>>) src(%dma_wait3A_90 : memref<125x128xf32, #tpu.memory_space<vmem>>) dst(%dma_wait3A_87 : memref<125x128xf32, #tpu.memory_space<vmem_shared>>)
      tpu.yield
    }) : () -> ()
    %mul3A_24 = arith.constant 625 : i32
    %mul3A_25 = arith.muli %arg1, %mul3A_24 : i32
    %add3A_26 = arith.constant 125 : i32
    %add3A_27 = arith.addi %mul3A_25, %add3A_26 : i32
    "tpu.region"() ({
      %run_scoped3A = tpu.sem_alloc : memref<!tpu.dma_semaphore, #tpu.memory_space<semaphore_mem>>
      %dma_start3A_71 = arith.constant 0 : i32
      %dma_start3A_72 = arith.constant 0 : i32
      %dma_start3A_73 = tpu.memref_slice %arg11[%dma_start3A_71, %dma_start3A_72] : memref<128x128xf32, #tpu.memory_space<vmem>> -> memref<125x128xf32, #tpu.memory_space<vmem>>
      %dma_start3A_74 = arith.constant 0 : i32
      %dma_start3A_75 = tpu.memref_slice %arg6[%add3A_27, %dma_start3A_74] : memref<10008x128xf32, #tpu.memory_space<vmem_shared>> -> memref<125x128xf32, #tpu.memory_space<vmem_shared>>
      %dma_start3A_76 = arith.constant 0 : i32
      %dma_start3A_77 = tpu.memref_slice %arg6[%add3A_27, %dma_start3A_76] : memref<10008x128xf32, #tpu.memory_space<vmem_shared>> -> memref<125x128xf32, #tpu.memory_space<vmem_shared>>
      %dma_start3A_78 = arith.constant 0 : i32
      %dma_start3A_79 = arith.constant 0 : i32
      %dma_start3A_80 = tpu.memref_slice %arg11[%dma_start3A_78, %dma_start3A_79] : memref<128x128xf32, #tpu.memory_space<vmem>> -> memref<125x128xf32, #tpu.memory_space<vmem>>
      tpu.enqueue_dma source(%dma_start3A_80 : memref<125x128xf32, #tpu.memory_space<vmem>>) target(%dma_start3A_77 : memref<125x128xf32, #tpu.memory_space<vmem_shared>>) target_semaphore(%run_scoped3A : memref<!tpu.dma_semaphore, #tpu.memory_space<semaphore_mem>>)
      %dma_wait3A_81 = arith.constant 0 : i32
      %dma_wait3A_82 = arith.constant 0 : i32
      %dma_wait3A_83 = tpu.memref_slice %arg11[%dma_wait3A_81, %dma_wait3A_82] : memref<128x128xf32, #tpu.memory_space<vmem>> -> memref<125x128xf32, #tpu.memory_space<vmem>>
      %dma_wait3A_84 = arith.constant 0 : i32
      %dma_wait3A_85 = tpu.memref_slice %arg6[%add3A_27, %dma_wait3A_84] : memref<10008x128xf32, #tpu.memory_space<vmem_shared>> -> memref<125x128xf32, #tpu.memory_space<vmem_shared>>
      %dma_wait3A_86 = arith.constant 0 : i32
      %dma_wait3A_87 = tpu.memref_slice %arg6[%add3A_27, %dma_wait3A_86] : memref<10008x128xf32, #tpu.memory_space<vmem_shared>> -> memref<125x128xf32, #tpu.memory_space<vmem_shared>>
      %dma_wait3A_88 = arith.constant 0 : i32
      %dma_wait3A_89 = arith.constant 0 : i32
      %dma_wait3A_90 = tpu.memref_slice %arg11[%dma_wait3A_88, %dma_wait3A_89] : memref<128x128xf32, #tpu.memory_space<vmem>> -> memref<125x128xf32, #tpu.memory_space<vmem>>
      tpu.wait_dma2 semaphore(%run_scoped3A : memref<!tpu.dma_semaphore, #tpu.memory_space<semaphore_mem>>) src(%dma_wait3A_90 : memref<125x128xf32, #tpu.memory_space<vmem>>) dst(%dma_wait3A_87 : memref<125x128xf32, #tpu.memory_space<vmem_shared>>)
      tpu.yield
    }) : () -> ()
    %mul3A_28 = arith.constant 625 : i32
    %mul3A_29 = arith.muli %arg1, %mul3A_28 : i32
    %add3A_30 = arith.constant 250 : i32
    %add3A_31 = arith.addi %mul3A_29, %add3A_30 : i32
    "tpu.region"() ({
      %run_scoped3A = tpu.sem_alloc : memref<!tpu.dma_semaphore, #tpu.memory_space<semaphore_mem>>
      %dma_start3A_71 = arith.constant 0 : i32
      %dma_start3A_72 = arith.constant 0 : i32
      %dma_start3A_73 = tpu.memref_slice %arg11[%dma_start3A_71, %dma_start3A_72] : memref<128x128xf32, #tpu.memory_space<vmem>> -> memref<125x128xf32, #tpu.memory_space<vmem>>
      %dma_start3A_74 = arith.constant 0 : i32
      %dma_start3A_75 = tpu.memref_slice %arg6[%add3A_31, %dma_start3A_74] : memref<10008x128xf32, #tpu.memory_space<vmem_shared>> -> memref<125x128xf32, #tpu.memory_space<vmem_shared>>
      %dma_start3A_76 = arith.constant 0 : i32
      %dma_start3A_77 = tpu.memref_slice %arg6[%add3A_31, %dma_start3A_76] : memref<10008x128xf32, #tpu.memory_space<vmem_shared>> -> memref<125x128xf32, #tpu.memory_space<vmem_shared>>
      %dma_start3A_78 = arith.constant 0 : i32
      %dma_start3A_79 = arith.constant 0 : i32
      %dma_start3A_80 = tpu.memref_slice %arg11[%dma_start3A_78, %dma_start3A_79] : memref<128x128xf32, #tpu.memory_space<vmem>> -> memref<125x128xf32, #tpu.memory_space<vmem>>
      tpu.enqueue_dma source(%dma_start3A_80 : memref<125x128xf32, #tpu.memory_space<vmem>>) target(%dma_start3A_77 : memref<125x128xf32, #tpu.memory_space<vmem_shared>>) target_semaphore(%run_scoped3A : memref<!tpu.dma_semaphore, #tpu.memory_space<semaphore_mem>>)
      %dma_wait3A_81 = arith.constant 0 : i32
      %dma_wait3A_82 = arith.constant 0 : i32
      %dma_wait3A_83 = tpu.memref_slice %arg11[%dma_wait3A_81, %dma_wait3A_82] : memref<128x128xf32, #tpu.memory_space<vmem>> -> memref<125x128xf32, #tpu.memory_space<vmem>>
      %dma_wait3A_84 = arith.constant 0 : i32
      %dma_wait3A_85 = tpu.memref_slice %arg6[%add3A_31, %dma_wait3A_84] : memref<10008x128xf32, #tpu.memory_space<vmem_shared>> -> memref<125x128xf32, #tpu.memory_space<vmem_shared>>
      %dma_wait3A_86 = arith.constant 0 : i32
      %dma_wait3A_87 = tpu.memref_slice %arg6[%add3A_31, %dma_wait3A_86] : memref<10008x128xf32, #tpu.memory_space<vmem_shared>> -> memref<125x128xf32, #tpu.memory_space<vmem_shared>>
      %dma_wait3A_88 = arith.constant 0 : i32
      %dma_wait3A_89 = arith.constant 0 : i32
      %dma_wait3A_90 = tpu.memref_slice %arg11[%dma_wait3A_88, %dma_wait3A_89] : memref<128x128xf32, #tpu.memory_space<vmem>> -> memref<125x128xf32, #tpu.memory_space<vmem>>
      tpu.wait_dma2 semaphore(%run_scoped3A : memref<!tpu.dma_semaphore, #tpu.memory_space<semaphore_mem>>) src(%dma_wait3A_90 : memref<125x128xf32, #tpu.memory_space<vmem>>) dst(%dma_wait3A_87 : memref<125x128xf32, #tpu.memory_space<vmem_shared>>)
      tpu.yield
    }) : () -> ()
    %mul3A_32 = arith.constant 625 : i32
    %mul3A_33 = arith.muli %arg1, %mul3A_32 : i32
    %add3A_34 = arith.constant 375 : i32
    %add3A_35 = arith.addi %mul3A_33, %add3A_34 : i32
    "tpu.region"() ({
      %run_scoped3A = tpu.sem_alloc : memref<!tpu.dma_semaphore, #tpu.memory_space<semaphore_mem>>
      %dma_start3A_71 = arith.constant 0 : i32
      %dma_start3A_72 = arith.constant 0 : i32
      %dma_start3A_73 = tpu.memref_slice %arg11[%dma_start3A_71, %dma_start3A_72] : memref<128x128xf32, #tpu.memory_space<vmem>> -> memref<125x128xf32, #tpu.memory_space<vmem>>
      %dma_start3A_74 = arith.constant 0 : i32
      %dma_start3A_75 = tpu.memref_slice %arg6[%add3A_35, %dma_start3A_74] : memref<10008x128xf32, #tpu.memory_space<vmem_shared>> -> memref<125x128xf32, #tpu.memory_space<vmem_shared>>
      %dma_start3A_76 = arith.constant 0 : i32
      %dma_start3A_77 = tpu.memref_slice %arg6[%add3A_35, %dma_start3A_76] : memref<10008x128xf32, #tpu.memory_space<vmem_shared>> -> memref<125x128xf32, #tpu.memory_space<vmem_shared>>
      %dma_start3A_78 = arith.constant 0 : i32
      %dma_start3A_79 = arith.constant 0 : i32
      %dma_start3A_80 = tpu.memref_slice %arg11[%dma_start3A_78, %dma_start3A_79] : memref<128x128xf32, #tpu.memory_space<vmem>> -> memref<125x128xf32, #tpu.memory_space<vmem>>
      tpu.enqueue_dma source(%dma_start3A_80 : memref<125x128xf32, #tpu.memory_space<vmem>>) target(%dma_start3A_77 : memref<125x128xf32, #tpu.memory_space<vmem_shared>>) target_semaphore(%run_scoped3A : memref<!tpu.dma_semaphore, #tpu.memory_space<semaphore_mem>>)
      %dma_wait3A_81 = arith.constant 0 : i32
      %dma_wait3A_82 = arith.constant 0 : i32
      %dma_wait3A_83 = tpu.memref_slice %arg11[%dma_wait3A_81, %dma_wait3A_82] : memref<128x128xf32, #tpu.memory_space<vmem>> -> memref<125x128xf32, #tpu.memory_space<vmem>>
      %dma_wait3A_84 = arith.constant 0 : i32
      %dma_wait3A_85 = tpu.memref_slice %arg6[%add3A_35, %dma_wait3A_84] : memref<10008x128xf32, #tpu.memory_space<vmem_shared>> -> memref<125x128xf32, #tpu.memory_space<vmem_shared>>
      %dma_wait3A_86 = arith.constant 0 : i32
      %dma_wait3A_87 = tpu.memref_slice %arg6[%add3A_35, %dma_wait3A_86] : memref<10008x128xf32, #tpu.memory_space<vmem_shared>> -> memref<125x128xf32, #tpu.memory_space<vmem_shared>>
      %dma_wait3A_88 = arith.constant 0 : i32
      %dma_wait3A_89 = arith.constant 0 : i32
      %dma_wait3A_90 = tpu.memref_slice %arg11[%dma_wait3A_88, %dma_wait3A_89] : memref<128x128xf32, #tpu.memory_space<vmem>> -> memref<125x128xf32, #tpu.memory_space<vmem>>
      tpu.wait_dma2 semaphore(%run_scoped3A : memref<!tpu.dma_semaphore, #tpu.memory_space<semaphore_mem>>) src(%dma_wait3A_90 : memref<125x128xf32, #tpu.memory_space<vmem>>) dst(%dma_wait3A_87 : memref<125x128xf32, #tpu.memory_space<vmem_shared>>)
      tpu.yield
    }) : () -> ()
    %mul3A_36 = arith.constant 625 : i32
    %mul3A_37 = arith.muli %arg1, %mul3A_36 : i32
    %add3A_38 = arith.constant 500 : i32
    %add3A_39 = arith.addi %mul3A_37, %add3A_38 : i32
    "tpu.region"() ({
      %run_scoped3A = tpu.sem_alloc : memref<!tpu.dma_semaphore, #tpu.memory_space<semaphore_mem>>
      %dma_start3A_71 = arith.constant 0 : i32
      %dma_start3A_72 = arith.constant 0 : i32
      %dma_start3A_73 = tpu.memref_slice %arg11[%dma_start3A_71, %dma_start3A_72] : memref<128x128xf32, #tpu.memory_space<vmem>> -> memref<125x128xf32, #tpu.memory_space<vmem>>
      %dma_start3A_74 = arith.constant 0 : i32
      %dma_start3A_75 = tpu.memref_slice %arg6[%add3A_39, %dma_start3A_74] : memref<10008x128xf32, #tpu.memory_space<vmem_shared>> -> memref<125x128xf32, #tpu.memory_space<vmem_shared>>
      %dma_start3A_76 = arith.constant 0 : i32
      %dma_start3A_77 = tpu.memref_slice %arg6[%add3A_39, %dma_start3A_76] : memref<10008x128xf32, #tpu.memory_space<vmem_shared>> -> memref<125x128xf32, #tpu.memory_space<vmem_shared>>
      %dma_start3A_78 = arith.constant 0 : i32
      %dma_start3A_79 = arith.constant 0 : i32
      %dma_start3A_80 = tpu.memref_slice %arg11[%dma_start3A_78, %dma_start3A_79] : memref<128x128xf32, #tpu.memory_space<vmem>> -> memref<125x128xf32, #tpu.memory_space<vmem>>
      tpu.enqueue_dma source(%dma_start3A_80 : memref<125x128xf32, #tpu.memory_space<vmem>>) target(%dma_start3A_77 : memref<125x128xf32, #tpu.memory_space<vmem_shared>>) target_semaphore(%run_scoped3A : memref<!tpu.dma_semaphore, #tpu.memory_space<semaphore_mem>>)
      %dma_wait3A_81 = arith.constant 0 : i32
      %dma_wait3A_82 = arith.constant 0 : i32
      %dma_wait3A_83 = tpu.memref_slice %arg11[%dma_wait3A_81, %dma_wait3A_82] : memref<128x128xf32, #tpu.memory_space<vmem>> -> memref<125x128xf32, #tpu.memory_space<vmem>>
      %dma_wait3A_84 = arith.constant 0 : i32
      %dma_wait3A_85 = tpu.memref_slice %arg6[%add3A_39, %dma_wait3A_84] : memref<10008x128xf32, #tpu.memory_space<vmem_shared>> -> memref<125x128xf32, #tpu.memory_space<vmem_shared>>
      %dma_wait3A_86 = arith.constant 0 : i32
      %dma_wait3A_87 = tpu.memref_slice %arg6[%add3A_39, %dma_wait3A_86] : memref<10008x128xf32, #tpu.memory_space<vmem_shared>> -> memref<125x128xf32, #tpu.memory_space<vmem_shared>>
      %dma_wait3A_88 = arith.constant 0 : i32
      %dma_wait3A_89 = arith.constant 0 : i32
      %dma_wait3A_90 = tpu.memref_slice %arg11[%dma_wait3A_88, %dma_wait3A_89] : memref<128x128xf32, #tpu.memory_space<vmem>> -> memref<125x128xf32, #tpu.memory_space<vmem>>
      tpu.wait_dma2 semaphore(%run_scoped3A : memref<!tpu.dma_semaphore, #tpu.memory_space<semaphore_mem>>) src(%dma_wait3A_90 : memref<125x128xf32, #tpu.memory_space<vmem>>) dst(%dma_wait3A_87 : memref<125x128xf32, #tpu.memory_space<vmem_shared>>)
      tpu.yield
    }) : () -> ()
    %eq3A = arith.constant 0 : i32
    %eq3A_40 = arith.cmpi eq, %arg1, %eq3A : i32
    %convert_element_type3A = arith.extui %eq3A_40 : i1 to i32
    %cond3A = arith.constant 0 : i32
    %cond3A_41 = arith.cmpi ne, %convert_element_type3A, %cond3A : i32
    scf.if %cond3A_41 {
      "tpu.region"() ({
        %run_scoped3A = tpu.sem_alloc : memref<!tpu.dma_semaphore, #tpu.memory_space<semaphore_mem>>
        %dma_start3A_71 = arith.constant 0 : i32
        %dma_start3A_72 = arith.constant 0 : i32
        %dma_start3A_73 = tpu.memref_slice %arg11[%dma_start3A_71, %dma_start3A_72] : memref<128x128xf32, #tpu.memory_space<vmem>> -> memref<8x128xf32, #tpu.memory_space<vmem>>
        %dma_start3A_74 = arith.constant 10000 : i32
        %dma_start3A_75 = arith.constant 0 : i32
        %dma_start3A_76 = tpu.memref_slice %arg6[%dma_start3A_74, %dma_start3A_75] : memref<10008x128xf32, #tpu.memory_space<vmem_shared>> -> memref<8x128xf32, #tpu.memory_space<vmem_shared>>
        %dma_start3A_77 = arith.constant 10000 : i32
        %dma_start3A_78 = arith.constant 0 : i32
        %dma_start3A_79 = tpu.memref_slice %arg6[%dma_start3A_77, %dma_start3A_78] : memref<10008x128xf32, #tpu.memory_space<vmem_shared>> -> memref<8x128xf32, #tpu.memory_space<vmem_shared>>
        %dma_start3A_80 = arith.constant 0 : i32
        %dma_start3A_81 = arith.constant 0 : i32
        %dma_start3A_82 = tpu.memref_slice %arg11[%dma_start3A_80, %dma_start3A_81] : memref<128x128xf32, #tpu.memory_space<vmem>> -> memref<8x128xf32, #tpu.memory_space<vmem>>
        tpu.enqueue_dma source(%dma_start3A_82 : memref<8x128xf32, #tpu.memory_space<vmem>>) target(%dma_start3A_79 : memref<8x128xf32, #tpu.memory_space<vmem_shared>>) target_semaphore(%run_scoped3A : memref<!tpu.dma_semaphore, #tpu.memory_space<semaphore_mem>>)
        %dma_wait3A_83 = arith.constant 0 : i32
        %dma_wait3A_84 = arith.constant 0 : i32
        %dma_wait3A_85 = tpu.memref_slice %arg11[%dma_wait3A_83, %dma_wait3A_84] : memref<128x128xf32, #tpu.memory_space<vmem>> -> memref<8x128xf32, #tpu.memory_space<vmem>>
        %dma_wait3A_86 = arith.constant 10000 : i32
        %dma_wait3A_87 = arith.constant 0 : i32
        %dma_wait3A_88 = tpu.memref_slice %arg6[%dma_wait3A_86, %dma_wait3A_87] : memref<10008x128xf32, #tpu.memory_space<vmem_shared>> -> memref<8x128xf32, #tpu.memory_space<vmem_shared>>
        %dma_wait3A_89 = arith.constant 10000 : i32
        %dma_wait3A_90 = arith.constant 0 : i32
        %dma_wait3A_91 = tpu.memref_slice %arg6[%dma_wait3A_89, %dma_wait3A_90] : memref<10008x128xf32, #tpu.memory_space<vmem_shared>> -> memref<8x128xf32, #tpu.memory_space<vmem_shared>>
        %dma_wait3A_92 = arith.constant 0 : i32
        %dma_wait3A_93 = arith.constant 0 : i32
        %dma_wait3A_94 = tpu.memref_slice %arg11[%dma_wait3A_92, %dma_wait3A_93] : memref<128x128xf32, #tpu.memory_space<vmem>> -> memref<8x128xf32, #tpu.memory_space<vmem>>
        tpu.wait_dma2 semaphore(%run_scoped3A : memref<!tpu.dma_semaphore, #tpu.memory_space<semaphore_mem>>) src(%dma_wait3A_94 : memref<8x128xf32, #tpu.memory_space<vmem>>) dst(%dma_wait3A_91 : memref<8x128xf32, #tpu.memory_space<vmem_shared>>)
        tpu.yield
      }) : () -> ()
    } else {
    }
    %barrier3A = arith.constant 0 : index
    tpu.barrier barrier_id(%barrier3A)
    %scan3A_42 = arith.constant 0 : i32
    %scan3A_43 = arith.constant 0 : i32
    %scan3A_44 = arith.constant 2 : i32
    %scan3A_45 = arith.addi %scan3A_43, %scan3A_44 : i32
    %scan3A_46 = arith.constant 1 : i32
    scf.for %scan3A_71 = %scan3A_43 to %scan3A_45 step %scan3A_46  : i32 {
      %mul3A_72 = arith.constant 2 : i32
      %mul3A_73 = arith.muli %scan3A_71, %mul3A_72 : i32
      %add3A_74 = arith.constant 1 : i32
      %add3A_75 = arith.addi %mul3A_73, %add3A_74 : i32
      %dma_start3A_76 = arith.constant 0 : i32
      %dma_start3A_77 = arith.constant 0 : i32
      %dma_start3A_78 = tpu.memref_slice %arg3[%arg0, %arg1, %add3A_75, %dma_start3A_76, %dma_start3A_77] : memref<2x16x5x20x128xi32, #tpu.memory_space<hbm>> -> memref<1x1x1x20x128xi32, #tpu.memory_space<hbm>>
      %dma_start3A_79 = tpu.memref_squeeze %dma_start3A_78 : memref<1x1x1x20x128xi32, #tpu.memory_space<hbm>> -> memref<20x128xi32, #tpu.memory_space<hbm>>
      %dma_start3A_80 = arith.constant 0 : i32
      %dma_start3A_81 = arith.constant 0 : i32
      %dma_start3A_82 = tpu.memref_slice %arg3[%arg0, %arg1, %add3A_75, %dma_start3A_80, %dma_start3A_81] : memref<2x16x5x20x128xi32, #tpu.memory_space<hbm>> -> memref<1x1x1x20x128xi32, #tpu.memory_space<hbm>>
      %dma_start3A_83 = tpu.memref_squeeze %dma_start3A_82 : memref<1x1x1x20x128xi32, #tpu.memory_space<hbm>> -> memref<20x128xi32, #tpu.memory_space<hbm>>
      tpu.enqueue_dma source(%dma_start3A_83 : memref<20x128xi32, #tpu.memory_space<hbm>>) target(%arg9 : memref<20x128xi32, #tpu.memory_space<vmem>>) target_semaphore(%arg16 : memref<!tpu.dma_semaphore, #tpu.memory_space<semaphore_mem>>)
      %dma_start3A_84 = arith.constant 0 : i32
      %dma_start3A_85 = arith.constant 0 : i32
      %dma_start3A_86 = tpu.memref_slice %arg4[%arg1, %add3A_75, %dma_start3A_84, %dma_start3A_85] : memref<16x5x20x128xi32, #tpu.memory_space<hbm>> -> memref<1x1x20x128xi32, #tpu.memory_space<hbm>>
      %dma_start3A_87 = tpu.memref_squeeze %dma_start3A_86 : memref<1x1x20x128xi32, #tpu.memory_space<hbm>> -> memref<20x128xi32, #tpu.memory_space<hbm>>
      %dma_start3A_88 = arith.constant 0 : i32
      %dma_start3A_89 = arith.constant 0 : i32
      %dma_start3A_90 = tpu.memref_slice %arg4[%arg1, %add3A_75, %dma_start3A_88, %dma_start3A_89] : memref<16x5x20x128xi32, #tpu.memory_space<hbm>> -> memref<1x1x20x128xi32, #tpu.memory_space<hbm>>
      %dma_start3A_91 = tpu.memref_squeeze %dma_start3A_90 : memref<1x1x20x128xi32, #tpu.memory_space<hbm>> -> memref<20x128xi32, #tpu.memory_space<hbm>>
      tpu.enqueue_dma source(%dma_start3A_91 : memref<20x128xi32, #tpu.memory_space<hbm>>) target(%arg10 : memref<20x128xi32, #tpu.memory_space<vmem>>) target_semaphore(%arg16 : memref<!tpu.dma_semaphore, #tpu.memory_space<semaphore_mem>>)
      %dma_wait3A_92 = arith.constant 0 : i32
      %dma_wait3A_93 = arith.constant 0 : i32
      %dma_wait3A_94 = tpu.memref_slice %arg3[%arg0, %arg1, %mul3A_73, %dma_wait3A_92, %dma_wait3A_93] : memref<2x16x5x20x128xi32, #tpu.memory_space<hbm>> -> memref<1x1x1x20x128xi32, #tpu.memory_space<hbm>>
      %dma_wait3A_95 = tpu.memref_squeeze %dma_wait3A_94 : memref<1x1x1x20x128xi32, #tpu.memory_space<hbm>> -> memref<20x128xi32, #tpu.memory_space<hbm>>
      %dma_wait3A_96 = arith.constant 0 : i32
      %dma_wait3A_97 = arith.constant 0 : i32
      %dma_wait3A_98 = tpu.memref_slice %arg3[%arg0, %arg1, %mul3A_73, %dma_wait3A_96, %dma_wait3A_97] : memref<2x16x5x20x128xi32, #tpu.memory_space<hbm>> -> memref<1x1x1x20x128xi32, #tpu.memory_space<hbm>>
      %dma_wait3A_99 = tpu.memref_squeeze %dma_wait3A_98 : memref<1x1x1x20x128xi32, #tpu.memory_space<hbm>> -> memref<20x128xi32, #tpu.memory_space<hbm>>
      tpu.wait_dma2 semaphore(%arg15 : memref<!tpu.dma_semaphore, #tpu.memory_space<semaphore_mem>>) src(%dma_wait3A_99 : memref<20x128xi32, #tpu.memory_space<hbm>>) dst(%arg7 : memref<20x128xi32, #tpu.memory_space<vmem>>)
      %dma_wait3A_100 = arith.constant 0 : i32
      %dma_wait3A_101 = arith.constant 0 : i32
      %dma_wait3A_102 = tpu.memref_slice %arg4[%arg1, %mul3A_73, %dma_wait3A_100, %dma_wait3A_101] : memref<16x5x20x128xi32, #tpu.memory_space<hbm>> -> memref<1x1x20x128xi32, #tpu.memory_space<hbm>>
      %dma_wait3A_103 = tpu.memref_squeeze %dma_wait3A_102 : memref<1x1x20x128xi32, #tpu.memory_space<hbm>> -> memref<20x128xi32, #tpu.memory_space<hbm>>
      %dma_wait3A_104 = arith.constant 0 : i32
      %dma_wait3A_105 = arith.constant 0 : i32
      %dma_wait3A_106 = tpu.memref_slice %arg4[%arg1, %mul3A_73, %dma_wait3A_104, %dma_wait3A_105] : memref<16x5x20x128xi32, #tpu.memory_space<hbm>> -> memref<1x1x20x128xi32, #tpu.memory_space<hbm>>
      %dma_wait3A_107 = tpu.memref_squeeze %dma_wait3A_106 : memref<1x1x20x128xi32, #tpu.memory_space<hbm>> -> memref<20x128xi32, #tpu.memory_space<hbm>>
      tpu.wait_dma2 semaphore(%arg15 : memref<!tpu.dma_semaphore, #tpu.memory_space<semaphore_mem>>) src(%dma_wait3A_107 : memref<20x128xi32, #tpu.memory_space<hbm>>) dst(%arg8 : memref<20x128xi32, #tpu.memory_space<vmem>>)
      %dma_start3A_108 = arith.constant 0 : i32
      %dma_start3A_109 = arith.constant 0 : i32
      %dma_start3A_110 = tpu.memref_slice %arg7[%dma_start3A_108, %dma_start3A_109] : memref<20x128xi32, #tpu.memory_space<vmem>> -> memref<1x128xi32, #tpu.memory_space<vmem>>
      %dma_start3A_111 = tpu.memref_squeeze %dma_start3A_110 : memref<1x128xi32, #tpu.memory_space<vmem>> -> memref<128xi32, #tpu.memory_space<vmem>>
      %dma_start3A_112 = arith.constant 0 : i32
      %dma_start3A_113 = arith.constant 0 : i32
      %dma_start3A_114 = tpu.memref_slice %arg2[%dma_start3A_112, %dma_start3A_113] : memref<40000x128xf32, #tpu.memory_space<hbm>> -> memref<40000x128xf32, #tpu.memory_space<hbm>>
      tpu.enqueue_indirect_dma source(%dma_start3A_114 : memref<40000x128xf32, #tpu.memory_space<hbm>>) target(%arg11 : memref<128x128xf32, #tpu.memory_space<vmem>>) offsets(%dma_start3A_111 : memref<128xi32, #tpu.memory_space<vmem>>) semaphore(%arg13 : memref<!tpu.dma_semaphore, #tpu.memory_space<semaphore_mem>>)
      %dma_start3A_115 = arith.constant 1 : i32
      %dma_start3A_116 = arith.constant 0 : i32
      %dma_start3A_117 = tpu.memref_slice %arg7[%dma_start3A_115, %dma_start3A_116] : memref<20x128xi32, #tpu.memory_space<vmem>> -> memref<1x128xi32, #tpu.memory_space<vmem>>
      %dma_start3A_118 = tpu.memref_squeeze %dma_start3A_117 : memref<1x128xi32, #tpu.memory_space<vmem>> -> memref<128xi32, #tpu.memory_space<vmem>>
      %dma_start3A_119 = arith.constant 0 : i32
      %dma_start3A_120 = arith.constant 0 : i32
      %dma_start3A_121 = tpu.memref_slice %arg2[%dma_start3A_119, %dma_start3A_120] : memref<40000x128xf32, #tpu.memory_space<hbm>> -> memref<40000x128xf32, #tpu.memory_space<hbm>>
      tpu.enqueue_indirect_dma source(%dma_start3A_121 : memref<40000x128xf32, #tpu.memory_space<hbm>>) target(%arg12 : memref<128x128xf32, #tpu.memory_space<vmem>>) offsets(%dma_start3A_118 : memref<128xi32, #tpu.memory_space<vmem>>) semaphore(%arg14 : memref<!tpu.dma_semaphore, #tpu.memory_space<semaphore_mem>>)
      %dma_wait3A_122 = arith.constant 0 : i32
      %dma_wait3A_123 = arith.constant 0 : i32
      %dma_wait3A_124 = tpu.memref_slice %arg7[%dma_wait3A_122, %dma_wait3A_123] : memref<20x128xi32, #tpu.memory_space<vmem>> -> memref<1x128xi32, #tpu.memory_space<vmem>>
      %dma_wait3A_125 = tpu.memref_squeeze %dma_wait3A_124 : memref<1x128xi32, #tpu.memory_space<vmem>> -> memref<128xi32, #tpu.memory_space<vmem>>
      %dma_wait3A_126 = arith.constant 0 : i32
      %dma_wait3A_127 = arith.constant 0 : i32
      %dma_wait3A_128 = tpu.memref_slice %arg2[%dma_wait3A_126, %dma_wait3A_127] : memref<40000x128xf32, #tpu.memory_space<hbm>> -> memref<40000x128xf32, #tpu.memory_space<hbm>>
      tpu.wait_indirect_dma semaphore(%arg13 : memref<!tpu.dma_semaphore, #tpu.memory_space<semaphore_mem>>) src(%dma_wait3A_128 : memref<40000x128xf32, #tpu.memory_space<hbm>>) dst(%arg11 : memref<128x128xf32, #tpu.memory_space<vmem>>)
      %run_scoped3A = arith.constant 0 : i32
      "tpu.region"() ({
        %run_scoped3A_743 = tpu.sem_alloc : memref<!tpu.dma_semaphore, #tpu.memory_space<semaphore_mem>>
        %dma_start3A_744 = arith.constant 0 : i32
        %dma_start3A_745 = tpu.memref_slice %arg8[%run_scoped3A, %dma_start3A_744] : memref<20x128xi32, #tpu.memory_space<vmem>> -> memref<1x128xi32, #tpu.memory_space<vmem>>
        %dma_start3A_746 = tpu.memref_squeeze %dma_start3A_745 : memref<1x128xi32, #tpu.memory_space<vmem>> -> memref<128xi32, #tpu.memory_space<vmem>>
        %dma_start3A_747 = arith.constant 0 : i32
        %dma_start3A_748 = arith.constant 0 : i32
        %dma_start3A_749 = tpu.memref_slice %arg6[%dma_start3A_747, %dma_start3A_748] : memref<10008x128xf32, #tpu.memory_space<vmem_shared>> -> memref<10008x128xf32, #tpu.memory_space<vmem_shared>>
        tpu.enqueue_indirect_dma source(%arg11 : memref<128x128xf32, #tpu.memory_space<vmem>>) target(%dma_start3A_749 : memref<10008x128xf32, #tpu.memory_space<vmem_shared>>) offsets(%dma_start3A_746 : memref<128xi32, #tpu.memory_space<vmem>>) semaphore(%run_scoped3A_743 : memref<!tpu.dma_semaphore, #tpu.memory_space<semaphore_mem>>) {add = true}
        %dma_wait3A_750 = arith.constant 0 : i32
        %dma_wait3A_751 = tpu.memref_slice %arg8[%run_scoped3A, %dma_wait3A_750] : memref<20x128xi32, #tpu.memory_space<vmem>> -> memref<1x128xi32, #tpu.memory_space<vmem>>
        %dma_wait3A_752 = tpu.memref_squeeze %dma_wait3A_751 : memref<1x128xi32, #tpu.memory_space<vmem>> -> memref<128xi32, #tpu.memory_space<vmem>>
        %dma_wait3A_753 = arith.constant 0 : i32
        %dma_wait3A_754 = arith.constant 0 : i32
        %dma_wait3A_755 = tpu.memref_slice %arg6[%dma_wait3A_753, %dma_wait3A_754] : memref<10008x128xf32, #tpu.memory_space<vmem_shared>> -> memref<10008x128xf32, #tpu.memory_space<vmem_shared>>
        tpu.wait_indirect_dma semaphore(%run_scoped3A_743 : memref<!tpu.dma_semaphore, #tpu.memory_space<semaphore_mem>>) src(%arg11 : memref<128x128xf32, #tpu.memory_space<vmem>>) dst(%dma_wait3A_755 : memref<10008x128xf32, #tpu.memory_space<vmem_shared>>)
        tpu.yield
      }) : () -> ()
      %dma_start3A_129 = arith.constant 2 : i32
      %dma_start3A_130 = arith.constant 0 : i32
      %dma_start3A_131 = tpu.memref_slice %arg7[%dma_start3A_129, %dma_start3A_130] : memref<20x128xi32, #tpu.memory_space<vmem>> -> memref<1x128xi32, #tpu.memory_space<vmem>>
      %dma_start3A_132 = tpu.memref_squeeze %dma_start3A_131 : memref<1x128xi32, #tpu.memory_space<vmem>> -> memref<128xi32, #tpu.memory_space<vmem>>
      %dma_start3A_133 = arith.constant 0 : i32
      %dma_start3A_134 = arith.constant 0 : i32
      %dma_start3A_135 = tpu.memref_slice %arg2[%dma_start3A_133, %dma_start3A_134] : memref<40000x128xf32, #tpu.memory_space<hbm>> -> memref<40000x128xf32, #tpu.memory_space<hbm>>
      tpu.enqueue_indirect_dma source(%dma_start3A_135 : memref<40000x128xf32, #tpu.memory_space<hbm>>) target(%arg11 : memref<128x128xf32, #tpu.memory_space<vmem>>) offsets(%dma_start3A_132 : memref<128xi32, #tpu.memory_space<vmem>>) semaphore(%arg13 : memref<!tpu.dma_semaphore, #tpu.memory_space<semaphore_mem>>)
      %dma_wait3A_136 = arith.constant 1 : i32
      %dma_wait3A_137 = arith.constant 0 : i32
      %dma_wait3A_138 = tpu.memref_slice %arg7[%dma_wait3A_136, %dma_wait3A_137] : memref<20x128xi32, #tpu.memory_space<vmem>> -> memref<1x128xi32, #tpu.memory_space<vmem>>
      %dma_wait3A_139 = tpu.memref_squeeze %dma_wait3A_138 : memref<1x128xi32, #tpu.memory_space<vmem>> -> memref<128xi32, #tpu.memory_space<vmem>>
      %dma_wait3A_140 = arith.constant 0 : i32
      %dma_wait3A_141 = arith.constant 0 : i32
      %dma_wait3A_142 = tpu.memref_slice %arg2[%dma_wait3A_140, %dma_wait3A_141] : memref<40000x128xf32, #tpu.memory_space<hbm>> -> memref<40000x128xf32, #tpu.memory_space<hbm>>
      tpu.wait_indirect_dma semaphore(%arg14 : memref<!tpu.dma_semaphore, #tpu.memory_space<semaphore_mem>>) src(%dma_wait3A_142 : memref<40000x128xf32, #tpu.memory_space<hbm>>) dst(%arg12 : memref<128x128xf32, #tpu.memory_space<vmem>>)
      %run_scoped3A_143 = arith.constant 1 : i32
      "tpu.region"() ({
        %run_scoped3A_743 = tpu.sem_alloc : memref<!tpu.dma_semaphore, #tpu.memory_space<semaphore_mem>>
        %dma_start3A_744 = arith.constant 0 : i32
        %dma_start3A_745 = tpu.memref_slice %arg8[%run_scoped3A_143, %dma_start3A_744] : memref<20x128xi32, #tpu.memory_space<vmem>> -> memref<1x128xi32, #tpu.memory_space<vmem>>
        %dma_start3A_746 = tpu.memref_squeeze %dma_start3A_745 : memref<1x128xi32, #tpu.memory_space<vmem>> -> memref<128xi32, #tpu.memory_space<vmem>>
        %dma_start3A_747 = arith.constant 0 : i32
        %dma_start3A_748 = arith.constant 0 : i32
        %dma_start3A_749 = tpu.memref_slice %arg6[%dma_start3A_747, %dma_start3A_748] : memref<10008x128xf32, #tpu.memory_space<vmem_shared>> -> memref<10008x128xf32, #tpu.memory_space<vmem_shared>>
        tpu.enqueue_indirect_dma source(%arg12 : memref<128x128xf32, #tpu.memory_space<vmem>>) target(%dma_start3A_749 : memref<10008x128xf32, #tpu.memory_space<vmem_shared>>) offsets(%dma_start3A_746 : memref<128xi32, #tpu.memory_space<vmem>>) semaphore(%run_scoped3A_743 : memref<!tpu.dma_semaphore, #tpu.memory_space<semaphore_mem>>) {add = true}
        %dma_wait3A_750 = arith.constant 0 : i32
        %dma_wait3A_751 = tpu.memref_slice %arg8[%run_scoped3A_143, %dma_wait3A_750] : memref<20x128xi32, #tpu.memory_space<vmem>> -> memref<1x128xi32, #tpu.memory_space<vmem>>
        %dma_wait3A_752 = tpu.memref_squeeze %dma_wait3A_751 : memref<1x128xi32, #tpu.memory_space<vmem>> -> memref<128xi32, #tpu.memory_space<vmem>>
        %dma_wait3A_753 = arith.constant 0 : i32
        %dma_wait3A_754 = arith.constant 0 : i32
        %dma_wait3A_755 = tpu.memref_slice %arg6[%dma_wait3A_753, %dma_wait3A_754] : memref<10008x128xf32, #tpu.memory_space<vmem_shared>> -> memref<10008x128xf32, #tpu.memory_space<vmem_shared>>
        tpu.wait_indirect_dma semaphore(%run_scoped3A_743 : memref<!tpu.dma_semaphore, #tpu.memory_space<semaphore_mem>>) src(%arg12 : memref<128x128xf32, #tpu.memory_space<vmem>>) dst(%dma_wait3A_755 : memref<10008x128xf32, #tpu.memory_space<vmem_shared>>)
        tpu.yield
      }) : () -> ()
      %dma_start3A_144 = arith.constant 3 : i32
      %dma_start3A_145 = arith.constant 0 : i32
      %dma_start3A_146 = tpu.memref_slice %arg7[%dma_start3A_144, %dma_start3A_145] : memref<20x128xi32, #tpu.memory_space<vmem>> -> memref<1x128xi32, #tpu.memory_space<vmem>>
      %dma_start3A_147 = tpu.memref_squeeze %dma_start3A_146 : memref<1x128xi32, #tpu.memory_space<vmem>> -> memref<128xi32, #tpu.memory_space<vmem>>
      %dma_start3A_148 = arith.constant 0 : i32
      %dma_start3A_149 = arith.constant 0 : i32
      %dma_start3A_150 = tpu.memref_slice %arg2[%dma_start3A_148, %dma_start3A_149] : memref<40000x128xf32, #tpu.memory_space<hbm>> -> memref<40000x128xf32, #tpu.memory_space<hbm>>
      tpu.enqueue_indirect_dma source(%dma_start3A_150 : memref<40000x128xf32, #tpu.memory_space<hbm>>) target(%arg12 : memref<128x128xf32, #tpu.memory_space<vmem>>) offsets(%dma_start3A_147 : memref<128xi32, #tpu.memory_space<vmem>>) semaphore(%arg14 : memref<!tpu.dma_semaphore, #tpu.memory_space<semaphore_mem>>)
      %dma_wait3A_151 = arith.constant 2 : i32
      %dma_wait3A_152 = arith.constant 0 : i32
      %dma_wait3A_153 = tpu.memref_slice %arg7[%dma_wait3A_151, %dma_wait3A_152] : memref<20x128xi32, #tpu.memory_space<vmem>> -> memref<1x128xi32, #tpu.memory_space<vmem>>
      %dma_wait3A_154 = tpu.memref_squeeze %dma_wait3A_153 : memref<1x128xi32, #tpu.memory_space<vmem>> -> memref<128xi32, #tpu.memory_space<vmem>>
      %dma_wait3A_155 = arith.constant 0 : i32
      %dma_wait3A_156 = arith.constant 0 : i32
      %dma_wait3A_157 = tpu.memref_slice %arg2[%dma_wait3A_155, %dma_wait3A_156] : memref<40000x128xf32, #tpu.memory_space<hbm>> -> memref<40000x128xf32, #tpu.memory_space<hbm>>
      tpu.wait_indirect_dma semaphore(%arg13 : memref<!tpu.dma_semaphore, #tpu.memory_space<semaphore_mem>>) src(%dma_wait3A_157 : memref<40000x128xf32, #tpu.memory_space<hbm>>) dst(%arg11 : memref<128x128xf32, #tpu.memory_space<vmem>>)
      %run_scoped3A_158 = arith.constant 2 : i32
      "tpu.region"() ({
        %run_scoped3A_743 = tpu.sem_alloc : memref<!tpu.dma_semaphore, #tpu.memory_space<semaphore_mem>>
        %dma_start3A_744 = arith.constant 0 : i32
        %dma_start3A_745 = tpu.memref_slice %arg8[%run_scoped3A_158, %dma_start3A_744] : memref<20x128xi32, #tpu.memory_space<vmem>> -> memref<1x128xi32, #tpu.memory_space<vmem>>
        %dma_start3A_746 = tpu.memref_squeeze %dma_start3A_745 : memref<1x128xi32, #tpu.memory_space<vmem>> -> memref<128xi32, #tpu.memory_space<vmem>>
        %dma_start3A_747 = arith.constant 0 : i32
        %dma_start3A_748 = arith.constant 0 : i32
        %dma_start3A_749 = tpu.memref_slice %arg6[%dma_start3A_747, %dma_start3A_748] : memref<10008x128xf32, #tpu.memory_space<vmem_shared>> -> memref<10008x128xf32, #tpu.memory_space<vmem_shared>>
        tpu.enqueue_indirect_dma source(%arg11 : memref<128x128xf32, #tpu.memory_space<vmem>>) target(%dma_start3A_749 : memref<10008x128xf32, #tpu.memory_space<vmem_shared>>) offsets(%dma_start3A_746 : memref<128xi32, #tpu.memory_space<vmem>>) semaphore(%run_scoped3A_743 : memref<!tpu.dma_semaphore, #tpu.memory_space<semaphore_mem>>) {add = true}
        %dma_wait3A_750 = arith.constant 0 : i32
        %dma_wait3A_751 = tpu.memref_slice %arg8[%run_scoped3A_158, %dma_wait3A_750] : memref<20x128xi32, #tpu.memory_space<vmem>> -> memref<1x128xi32, #tpu.memory_space<vmem>>
        %dma_wait3A_752 = tpu.memref_squeeze %dma_wait3A_751 : memref<1x128xi32, #tpu.memory_space<vmem>> -> memref<128xi32, #tpu.memory_space<vmem>>
        %dma_wait3A_753 = arith.constant 0 : i32
        %dma_wait3A_754 = arith.constant 0 : i32
        %dma_wait3A_755 = tpu.memref_slice %arg6[%dma_wait3A_753, %dma_wait3A_754] : memref<10008x128xf32, #tpu.memory_space<vmem_shared>> -> memref<10008x128xf32, #tpu.memory_space<vmem_shared>>
        tpu.wait_indirect_dma semaphore(%run_scoped3A_743 : memref<!tpu.dma_semaphore, #tpu.memory_space<semaphore_mem>>) src(%arg11 : memref<128x128xf32, #tpu.memory_space<vmem>>) dst(%dma_wait3A_755 : memref<10008x128xf32, #tpu.memory_space<vmem_shared>>)
        tpu.yield
      }) : () -> ()
      %dma_start3A_159 = arith.constant 4 : i32
      %dma_start3A_160 = arith.constant 0 : i32
      %dma_start3A_161 = tpu.memref_slice %arg7[%dma_start3A_159, %dma_start3A_160] : memref<20x128xi32, #tpu.memory_space<vmem>> -> memref<1x128xi32, #tpu.memory_space<vmem>>
      %dma_start3A_162 = tpu.memref_squeeze %dma_start3A_161 : memref<1x128xi32, #tpu.memory_space<vmem>> -> memref<128xi32, #tpu.memory_space<vmem>>
      %dma_start3A_163 = arith.constant 0 : i32
      %dma_start3A_164 = arith.constant 0 : i32
      %dma_start3A_165 = tpu.memref_slice %arg2[%dma_start3A_163, %dma_start3A_164] : memref<40000x128xf32, #tpu.memory_space<hbm>> -> memref<40000x128xf32, #tpu.memory_space<hbm>>
      tpu.enqueue_indirect_dma source(%dma_start3A_165 : memref<40000x128xf32, #tpu.memory_space<hbm>>) target(%arg11 : memref<128x128xf32, #tpu.memory_space<vmem>>) offsets(%dma_start3A_162 : memref<128xi32, #tpu.memory_space<vmem>>) semaphore(%arg13 : memref<!tpu.dma_semaphore, #tpu.memory_space<semaphore_mem>>)
      %dma_wait3A_166 = arith.constant 3 : i32
      %dma_wait3A_167 = arith.constant 0 : i32
      %dma_wait3A_168 = tpu.memref_slice %arg7[%dma_wait3A_166, %dma_wait3A_167] : memref<20x128xi32, #tpu.memory_space<vmem>> -> memref<1x128xi32, #tpu.memory_space<vmem>>
      %dma_wait3A_169 = tpu.memref_squeeze %dma_wait3A_168 : memref<1x128xi32, #tpu.memory_space<vmem>> -> memref<128xi32, #tpu.memory_space<vmem>>
      %dma_wait3A_170 = arith.constant 0 : i32
      %dma_wait3A_171 = arith.constant 0 : i32
      %dma_wait3A_172 = tpu.memref_slice %arg2[%dma_wait3A_170, %dma_wait3A_171] : memref<40000x128xf32, #tpu.memory_space<hbm>> -> memref<40000x128xf32, #tpu.memory_space<hbm>>
      tpu.wait_indirect_dma semaphore(%arg14 : memref<!tpu.dma_semaphore, #tpu.memory_space<semaphore_mem>>) src(%dma_wait3A_172 : memref<40000x128xf32, #tpu.memory_space<hbm>>) dst(%arg12 : memref<128x128xf32, #tpu.memory_space<vmem>>)
      %run_scoped3A_173 = arith.constant 3 : i32
      "tpu.region"() ({
        %run_scoped3A_743 = tpu.sem_alloc : memref<!tpu.dma_semaphore, #tpu.memory_space<semaphore_mem>>
        %dma_start3A_744 = arith.constant 0 : i32
        %dma_start3A_745 = tpu.memref_slice %arg8[%run_scoped3A_173, %dma_start3A_744] : memref<20x128xi32, #tpu.memory_space<vmem>> -> memref<1x128xi32, #tpu.memory_space<vmem>>
        %dma_start3A_746 = tpu.memref_squeeze %dma_start3A_745 : memref<1x128xi32, #tpu.memory_space<vmem>> -> memref<128xi32, #tpu.memory_space<vmem>>
        %dma_start3A_747 = arith.constant 0 : i32
        %dma_start3A_748 = arith.constant 0 : i32
        %dma_start3A_749 = tpu.memref_slice %arg6[%dma_start3A_747, %dma_start3A_748] : memref<10008x128xf32, #tpu.memory_space<vmem_shared>> -> memref<10008x128xf32, #tpu.memory_space<vmem_shared>>
        tpu.enqueue_indirect_dma source(%arg12 : memref<128x128xf32, #tpu.memory_space<vmem>>) target(%dma_start3A_749 : memref<10008x128xf32, #tpu.memory_space<vmem_shared>>) offsets(%dma_start3A_746 : memref<128xi32, #tpu.memory_space<vmem>>) semaphore(%run_scoped3A_743 : memref<!tpu.dma_semaphore, #tpu.memory_space<semaphore_mem>>) {add = true}
        %dma_wait3A_750 = arith.constant 0 : i32
        %dma_wait3A_751 = tpu.memref_slice %arg8[%run_scoped3A_173, %dma_wait3A_750] : memref<20x128xi32, #tpu.memory_space<vmem>> -> memref<1x128xi32, #tpu.memory_space<vmem>>
        %dma_wait3A_752 = tpu.memref_squeeze %dma_wait3A_751 : memref<1x128xi32, #tpu.memory_space<vmem>> -> memref<128xi32, #tpu.memory_space<vmem>>
        %dma_wait3A_753 = arith.constant 0 : i32
        %dma_wait3A_754 = arith.constant 0 : i32
        %dma_wait3A_755 = tpu.memref_slice %arg6[%dma_wait3A_753, %dma_wait3A_754] : memref<10008x128xf32, #tpu.memory_space<vmem_shared>> -> memref<10008x128xf32, #tpu.memory_space<vmem_shared>>
        tpu.wait_indirect_dma semaphore(%run_scoped3A_743 : memref<!tpu.dma_semaphore, #tpu.memory_space<semaphore_mem>>) src(%arg12 : memref<128x128xf32, #tpu.memory_space<vmem>>) dst(%dma_wait3A_755 : memref<10008x128xf32, #tpu.memory_space<vmem_shared>>)
        tpu.yield
      }) : () -> ()
      %dma_start3A_174 = arith.constant 5 : i32
      %dma_start3A_175 = arith.constant 0 : i32
      %dma_start3A_176 = tpu.memref_slice %arg7[%dma_start3A_174, %dma_start3A_175] : memref<20x128xi32, #tpu.memory_space<vmem>> -> memref<1x128xi32, #tpu.memory_space<vmem>>
      %dma_start3A_177 = tpu.memref_squeeze %dma_start3A_176 : memref<1x128xi32, #tpu.memory_space<vmem>> -> memref<128xi32, #tpu.memory_space<vmem>>
      %dma_start3A_178 = arith.constant 0 : i32
      %dma_start3A_179 = arith.constant 0 : i32
      %dma_start3A_180 = tpu.memref_slice %arg2[%dma_start3A_178, %dma_start3A_179] : memref<40000x128xf32, #tpu.memory_space<hbm>> -> memref<40000x128xf32, #tpu.memory_space<hbm>>
      tpu.enqueue_indirect_dma source(%dma_start3A_180 : memref<40000x128xf32, #tpu.memory_space<hbm>>) target(%arg12 : memref<128x128xf32, #tpu.memory_space<vmem>>) offsets(%dma_start3A_177 : memref<128xi32, #tpu.memory_space<vmem>>) semaphore(%arg14 : memref<!tpu.dma_semaphore, #tpu.memory_space<semaphore_mem>>)
      %dma_wait3A_181 = arith.constant 4 : i32
      %dma_wait3A_182 = arith.constant 0 : i32
      %dma_wait3A_183 = tpu.memref_slice %arg7[%dma_wait3A_181, %dma_wait3A_182] : memref<20x128xi32, #tpu.memory_space<vmem>> -> memref<1x128xi32, #tpu.memory_space<vmem>>
      %dma_wait3A_184 = tpu.memref_squeeze %dma_wait3A_183 : memref<1x128xi32, #tpu.memory_space<vmem>> -> memref<128xi32, #tpu.memory_space<vmem>>
      %dma_wait3A_185 = arith.constant 0 : i32
      %dma_wait3A_186 = arith.constant 0 : i32
      %dma_wait3A_187 = tpu.memref_slice %arg2[%dma_wait3A_185, %dma_wait3A_186] : memref<40000x128xf32, #tpu.memory_space<hbm>> -> memref<40000x128xf32, #tpu.memory_space<hbm>>
      tpu.wait_indirect_dma semaphore(%arg13 : memref<!tpu.dma_semaphore, #tpu.memory_space<semaphore_mem>>) src(%dma_wait3A_187 : memref<40000x128xf32, #tpu.memory_space<hbm>>) dst(%arg11 : memref<128x128xf32, #tpu.memory_space<vmem>>)
      %run_scoped3A_188 = arith.constant 4 : i32
      "tpu.region"() ({
        %run_scoped3A_743 = tpu.sem_alloc : memref<!tpu.dma_semaphore, #tpu.memory_space<semaphore_mem>>
        %dma_start3A_744 = arith.constant 0 : i32
        %dma_start3A_745 = tpu.memref_slice %arg8[%run_scoped3A_188, %dma_start3A_744] : memref<20x128xi32, #tpu.memory_space<vmem>> -> memref<1x128xi32, #tpu.memory_space<vmem>>
        %dma_start3A_746 = tpu.memref_squeeze %dma_start3A_745 : memref<1x128xi32, #tpu.memory_space<vmem>> -> memref<128xi32, #tpu.memory_space<vmem>>
        %dma_start3A_747 = arith.constant 0 : i32
        %dma_start3A_748 = arith.constant 0 : i32
        %dma_start3A_749 = tpu.memref_slice %arg6[%dma_start3A_747, %dma_start3A_748] : memref<10008x128xf32, #tpu.memory_space<vmem_shared>> -> memref<10008x128xf32, #tpu.memory_space<vmem_shared>>
        tpu.enqueue_indirect_dma source(%arg11 : memref<128x128xf32, #tpu.memory_space<vmem>>) target(%dma_start3A_749 : memref<10008x128xf32, #tpu.memory_space<vmem_shared>>) offsets(%dma_start3A_746 : memref<128xi32, #tpu.memory_space<vmem>>) semaphore(%run_scoped3A_743 : memref<!tpu.dma_semaphore, #tpu.memory_space<semaphore_mem>>) {add = true}
        %dma_wait3A_750 = arith.constant 0 : i32
        %dma_wait3A_751 = tpu.memref_slice %arg8[%run_scoped3A_188, %dma_wait3A_750] : memref<20x128xi32, #tpu.memory_space<vmem>> -> memref<1x128xi32, #tpu.memory_space<vmem>>
        %dma_wait3A_752 = tpu.memref_squeeze %dma_wait3A_751 : memref<1x128xi32, #tpu.memory_space<vmem>> -> memref<128xi32, #tpu.memory_space<vmem>>
        %dma_wait3A_753 = arith.constant 0 : i32
        %dma_wait3A_754 = arith.constant 0 : i32
        %dma_wait3A_755 = tpu.memref_slice %arg6[%dma_wait3A_753, %dma_wait3A_754] : memref<10008x128xf32, #tpu.memory_space<vmem_shared>> -> memref<10008x128xf32, #tpu.memory_space<vmem_shared>>
        tpu.wait_indirect_dma semaphore(%run_scoped3A_743 : memref<!tpu.dma_semaphore, #tpu.memory_space<semaphore_mem>>) src(%arg11 : memref<128x128xf32, #tpu.memory_space<vmem>>) dst(%dma_wait3A_755 : memref<10008x128xf32, #tpu.memory_space<vmem_shared>>)
        tpu.yield
      }) : () -> ()
      %dma_start3A_189 = arith.constant 6 : i32
      %dma_start3A_190 = arith.constant 0 : i32
      %dma_start3A_191 = tpu.memref_slice %arg7[%dma_start3A_189, %dma_start3A_190] : memref<20x128xi32, #tpu.memory_space<vmem>> -> memref<1x128xi32, #tpu.memory_space<vmem>>
      %dma_start3A_192 = tpu.memref_squeeze %dma_start3A_191 : memref<1x128xi32, #tpu.memory_space<vmem>> -> memref<128xi32, #tpu.memory_space<vmem>>
      %dma_start3A_193 = arith.constant 0 : i32
      %dma_start3A_194 = arith.constant 0 : i32
      %dma_start3A_195 = tpu.memref_slice %arg2[%dma_start3A_193, %dma_start3A_194] : memref<40000x128xf32, #tpu.memory_space<hbm>> -> memref<40000x128xf32, #tpu.memory_space<hbm>>
      tpu.enqueue_indirect_dma source(%dma_start3A_195 : memref<40000x128xf32, #tpu.memory_space<hbm>>) target(%arg11 : memref<128x128xf32, #tpu.memory_space<vmem>>) offsets(%dma_start3A_192 : memref<128xi32, #tpu.memory_space<vmem>>) semaphore(%arg13 : memref<!tpu.dma_semaphore, #tpu.memory_space<semaphore_mem>>)
      %dma_wait3A_196 = arith.constant 5 : i32
      %dma_wait3A_197 = arith.constant 0 : i32
      %dma_wait3A_198 = tpu.memref_slice %arg7[%dma_wait3A_196, %dma_wait3A_197] : memref<20x128xi32, #tpu.memory_space<vmem>> -> memref<1x128xi32, #tpu.memory_space<vmem>>
      %dma_wait3A_199 = tpu.memref_squeeze %dma_wait3A_198 : memref<1x128xi32, #tpu.memory_space<vmem>> -> memref<128xi32, #tpu.memory_space<vmem>>
      %dma_wait3A_200 = arith.constant 0 : i32
      %dma_wait3A_201 = arith.constant 0 : i32
      %dma_wait3A_202 = tpu.memref_slice %arg2[%dma_wait3A_200, %dma_wait3A_201] : memref<40000x128xf32, #tpu.memory_space<hbm>> -> memref<40000x128xf32, #tpu.memory_space<hbm>>
      tpu.wait_indirect_dma semaphore(%arg14 : memref<!tpu.dma_semaphore, #tpu.memory_space<semaphore_mem>>) src(%dma_wait3A_202 : memref<40000x128xf32, #tpu.memory_space<hbm>>) dst(%arg12 : memref<128x128xf32, #tpu.memory_space<vmem>>)
      %run_scoped3A_203 = arith.constant 5 : i32
      "tpu.region"() ({
        %run_scoped3A_743 = tpu.sem_alloc : memref<!tpu.dma_semaphore, #tpu.memory_space<semaphore_mem>>
        %dma_start3A_744 = arith.constant 0 : i32
        %dma_start3A_745 = tpu.memref_slice %arg8[%run_scoped3A_203, %dma_start3A_744] : memref<20x128xi32, #tpu.memory_space<vmem>> -> memref<1x128xi32, #tpu.memory_space<vmem>>
        %dma_start3A_746 = tpu.memref_squeeze %dma_start3A_745 : memref<1x128xi32, #tpu.memory_space<vmem>> -> memref<128xi32, #tpu.memory_space<vmem>>
        %dma_start3A_747 = arith.constant 0 : i32
        %dma_start3A_748 = arith.constant 0 : i32
        %dma_start3A_749 = tpu.memref_slice %arg6[%dma_start3A_747, %dma_start3A_748] : memref<10008x128xf32, #tpu.memory_space<vmem_shared>> -> memref<10008x128xf32, #tpu.memory_space<vmem_shared>>
        tpu.enqueue_indirect_dma source(%arg12 : memref<128x128xf32, #tpu.memory_space<vmem>>) target(%dma_start3A_749 : memref<10008x128xf32, #tpu.memory_space<vmem_shared>>) offsets(%dma_start3A_746 : memref<128xi32, #tpu.memory_space<vmem>>) semaphore(%run_scoped3A_743 : memref<!tpu.dma_semaphore, #tpu.memory_space<semaphore_mem>>) {add = true}
        %dma_wait3A_750 = arith.constant 0 : i32
        %dma_wait3A_751 = tpu.memref_slice %arg8[%run_scoped3A_203, %dma_wait3A_750] : memref<20x128xi32, #tpu.memory_space<vmem>> -> memref<1x128xi32, #tpu.memory_space<vmem>>
        %dma_wait3A_752 = tpu.memref_squeeze %dma_wait3A_751 : memref<1x128xi32, #tpu.memory_space<vmem>> -> memref<128xi32, #tpu.memory_space<vmem>>
        %dma_wait3A_753 = arith.constant 0 : i32
        %dma_wait3A_754 = arith.constant 0 : i32
        %dma_wait3A_755 = tpu.memref_slice %arg6[%dma_wait3A_753, %dma_wait3A_754] : memref<10008x128xf32, #tpu.memory_space<vmem_shared>> -> memref<10008x128xf32, #tpu.memory_space<vmem_shared>>
        tpu.wait_indirect_dma semaphore(%run_scoped3A_743 : memref<!tpu.dma_semaphore, #tpu.memory_space<semaphore_mem>>) src(%arg12 : memref<128x128xf32, #tpu.memory_space<vmem>>) dst(%dma_wait3A_755 : memref<10008x128xf32, #tpu.memory_space<vmem_shared>>)
        tpu.yield
      }) : () -> ()
      %dma_start3A_204 = arith.constant 7 : i32
      %dma_start3A_205 = arith.constant 0 : i32
      %dma_start3A_206 = tpu.memref_slice %arg7[%dma_start3A_204, %dma_start3A_205] : memref<20x128xi32, #tpu.memory_space<vmem>> -> memref<1x128xi32, #tpu.memory_space<vmem>>
      %dma_start3A_207 = tpu.memref_squeeze %dma_start3A_206 : memref<1x128xi32, #tpu.memory_space<vmem>> -> memref<128xi32, #tpu.memory_space<vmem>>
      %dma_start3A_208 = arith.constant 0 : i32
      %dma_start3A_209 = arith.constant 0 : i32
      %dma_start3A_210 = tpu.memref_slice %arg2[%dma_start3A_208, %dma_start3A_209] : memref<40000x128xf32, #tpu.memory_space<hbm>> -> memref<40000x128xf32, #tpu.memory_space<hbm>>
      tpu.enqueue_indirect_dma source(%dma_start3A_210 : memref<40000x128xf32, #tpu.memory_space<hbm>>) target(%arg12 : memref<128x128xf32, #tpu.memory_space<vmem>>) offsets(%dma_start3A_207 : memref<128xi32, #tpu.memory_space<vmem>>) semaphore(%arg14 : memref<!tpu.dma_semaphore, #tpu.memory_space<semaphore_mem>>)
      %dma_wait3A_211 = arith.constant 6 : i32
      %dma_wait3A_212 = arith.constant 0 : i32
      %dma_wait3A_213 = tpu.memref_slice %arg7[%dma_wait3A_211, %dma_wait3A_212] : memref<20x128xi32, #tpu.memory_space<vmem>> -> memref<1x128xi32, #tpu.memory_space<vmem>>
      %dma_wait3A_214 = tpu.memref_squeeze %dma_wait3A_213 : memref<1x128xi32, #tpu.memory_space<vmem>> -> memref<128xi32, #tpu.memory_space<vmem>>
      %dma_wait3A_215 = arith.constant 0 : i32
      %dma_wait3A_216 = arith.constant 0 : i32
      %dma_wait3A_217 = tpu.memref_slice %arg2[%dma_wait3A_215, %dma_wait3A_216] : memref<40000x128xf32, #tpu.memory_space<hbm>> -> memref<40000x128xf32, #tpu.memory_space<hbm>>
      tpu.wait_indirect_dma semaphore(%arg13 : memref<!tpu.dma_semaphore, #tpu.memory_space<semaphore_mem>>) src(%dma_wait3A_217 : memref<40000x128xf32, #tpu.memory_space<hbm>>) dst(%arg11 : memref<128x128xf32, #tpu.memory_space<vmem>>)
      %run_scoped3A_218 = arith.constant 6 : i32
      "tpu.region"() ({
        %run_scoped3A_743 = tpu.sem_alloc : memref<!tpu.dma_semaphore, #tpu.memory_space<semaphore_mem>>
        %dma_start3A_744 = arith.constant 0 : i32
        %dma_start3A_745 = tpu.memref_slice %arg8[%run_scoped3A_218, %dma_start3A_744] : memref<20x128xi32, #tpu.memory_space<vmem>> -> memref<1x128xi32, #tpu.memory_space<vmem>>
        %dma_start3A_746 = tpu.memref_squeeze %dma_start3A_745 : memref<1x128xi32, #tpu.memory_space<vmem>> -> memref<128xi32, #tpu.memory_space<vmem>>
        %dma_start3A_747 = arith.constant 0 : i32
        %dma_start3A_748 = arith.constant 0 : i32
        %dma_start3A_749 = tpu.memref_slice %arg6[%dma_start3A_747, %dma_start3A_748] : memref<10008x128xf32, #tpu.memory_space<vmem_shared>> -> memref<10008x128xf32, #tpu.memory_space<vmem_shared>>
        tpu.enqueue_indirect_dma source(%arg11 : memref<128x128xf32, #tpu.memory_space<vmem>>) target(%dma_start3A_749 : memref<10008x128xf32, #tpu.memory_space<vmem_shared>>) offsets(%dma_start3A_746 : memref<128xi32, #tpu.memory_space<vmem>>) semaphore(%run_scoped3A_743 : memref<!tpu.dma_semaphore, #tpu.memory_space<semaphore_mem>>) {add = true}
        %dma_wait3A_750 = arith.constant 0 : i32
        %dma_wait3A_751 = tpu.memref_slice %arg8[%run_scoped3A_218, %dma_wait3A_750] : memref<20x128xi32, #tpu.memory_space<vmem>> -> memref<1x128xi32, #tpu.memory_space<vmem>>
        %dma_wait3A_752 = tpu.memref_squeeze %dma_wait3A_751 : memref<1x128xi32, #tpu.memory_space<vmem>> -> memref<128xi32, #tpu.memory_space<vmem>>
        %dma_wait3A_753 = arith.constant 0 : i32
        %dma_wait3A_754 = arith.constant 0 : i32
        %dma_wait3A_755 = tpu.memref_slice %arg6[%dma_wait3A_753, %dma_wait3A_754] : memref<10008x128xf32, #tpu.memory_space<vmem_shared>> -> memref<10008x128xf32, #tpu.memory_space<vmem_shared>>
        tpu.wait_indirect_dma semaphore(%run_scoped3A_743 : memref<!tpu.dma_semaphore, #tpu.memory_space<semaphore_mem>>) src(%arg11 : memref<128x128xf32, #tpu.memory_space<vmem>>) dst(%dma_wait3A_755 : memref<10008x128xf32, #tpu.memory_space<vmem_shared>>)
        tpu.yield
      }) : () -> ()
      %dma_start3A_219 = arith.constant 8 : i32
      %dma_start3A_220 = arith.constant 0 : i32
      %dma_start3A_221 = tpu.memref_slice %arg7[%dma_start3A_219, %dma_start3A_220] : memref<20x128xi32, #tpu.memory_space<vmem>> -> memref<1x128xi32, #tpu.memory_space<vmem>>
      %dma_start3A_222 = tpu.memref_squeeze %dma_start3A_221 : memref<1x128xi32, #tpu.memory_space<vmem>> -> memref<128xi32, #tpu.memory_space<vmem>>
      %dma_start3A_223 = arith.constant 0 : i32
      %dma_start3A_224 = arith.constant 0 : i32
      %dma_start3A_225 = tpu.memref_slice %arg2[%dma_start3A_223, %dma_start3A_224] : memref<40000x128xf32, #tpu.memory_space<hbm>> -> memref<40000x128xf32, #tpu.memory_space<hbm>>
      tpu.enqueue_indirect_dma source(%dma_start3A_225 : memref<40000x128xf32, #tpu.memory_space<hbm>>) target(%arg11 : memref<128x128xf32, #tpu.memory_space<vmem>>) offsets(%dma_start3A_222 : memref<128xi32, #tpu.memory_space<vmem>>) semaphore(%arg13 : memref<!tpu.dma_semaphore, #tpu.memory_space<semaphore_mem>>)
      %dma_wait3A_226 = arith.constant 7 : i32
      %dma_wait3A_227 = arith.constant 0 : i32
      %dma_wait3A_228 = tpu.memref_slice %arg7[%dma_wait3A_226, %dma_wait3A_227] : memref<20x128xi32, #tpu.memory_space<vmem>> -> memref<1x128xi32, #tpu.memory_space<vmem>>
      %dma_wait3A_229 = tpu.memref_squeeze %dma_wait3A_228 : memref<1x128xi32, #tpu.memory_space<vmem>> -> memref<128xi32, #tpu.memory_space<vmem>>
      %dma_wait3A_230 = arith.constant 0 : i32
      %dma_wait3A_231 = arith.constant 0 : i32
      %dma_wait3A_232 = tpu.memref_slice %arg2[%dma_wait3A_230, %dma_wait3A_231] : memref<40000x128xf32, #tpu.memory_space<hbm>> -> memref<40000x128xf32, #tpu.memory_space<hbm>>
      tpu.wait_indirect_dma semaphore(%arg14 : memref<!tpu.dma_semaphore, #tpu.memory_space<semaphore_mem>>) src(%dma_wait3A_232 : memref<40000x128xf32, #tpu.memory_space<hbm>>) dst(%arg12 : memref<128x128xf32, #tpu.memory_space<vmem>>)
      %run_scoped3A_233 = arith.constant 7 : i32
      "tpu.region"() ({
        %run_scoped3A_743 = tpu.sem_alloc : memref<!tpu.dma_semaphore, #tpu.memory_space<semaphore_mem>>
        %dma_start3A_744 = arith.constant 0 : i32
        %dma_start3A_745 = tpu.memref_slice %arg8[%run_scoped3A_233, %dma_start3A_744] : memref<20x128xi32, #tpu.memory_space<vmem>> -> memref<1x128xi32, #tpu.memory_space<vmem>>
        %dma_start3A_746 = tpu.memref_squeeze %dma_start3A_745 : memref<1x128xi32, #tpu.memory_space<vmem>> -> memref<128xi32, #tpu.memory_space<vmem>>
        %dma_start3A_747 = arith.constant 0 : i32
        %dma_start3A_748 = arith.constant 0 : i32
        %dma_start3A_749 = tpu.memref_slice %arg6[%dma_start3A_747, %dma_start3A_748] : memref<10008x128xf32, #tpu.memory_space<vmem_shared>> -> memref<10008x128xf32, #tpu.memory_space<vmem_shared>>
        tpu.enqueue_indirect_dma source(%arg12 : memref<128x128xf32, #tpu.memory_space<vmem>>) target(%dma_start3A_749 : memref<10008x128xf32, #tpu.memory_space<vmem_shared>>) offsets(%dma_start3A_746 : memref<128xi32, #tpu.memory_space<vmem>>) semaphore(%run_scoped3A_743 : memref<!tpu.dma_semaphore, #tpu.memory_space<semaphore_mem>>) {add = true}
        %dma_wait3A_750 = arith.constant 0 : i32
        %dma_wait3A_751 = tpu.memref_slice %arg8[%run_scoped3A_233, %dma_wait3A_750] : memref<20x128xi32, #tpu.memory_space<vmem>> -> memref<1x128xi32, #tpu.memory_space<vmem>>
        %dma_wait3A_752 = tpu.memref_squeeze %dma_wait3A_751 : memref<1x128xi32, #tpu.memory_space<vmem>> -> memref<128xi32, #tpu.memory_space<vmem>>
        %dma_wait3A_753 = arith.constant 0 : i32
        %dma_wait3A_754 = arith.constant 0 : i32
        %dma_wait3A_755 = tpu.memref_slice %arg6[%dma_wait3A_753, %dma_wait3A_754] : memref<10008x128xf32, #tpu.memory_space<vmem_shared>> -> memref<10008x128xf32, #tpu.memory_space<vmem_shared>>
        tpu.wait_indirect_dma semaphore(%run_scoped3A_743 : memref<!tpu.dma_semaphore, #tpu.memory_space<semaphore_mem>>) src(%arg12 : memref<128x128xf32, #tpu.memory_space<vmem>>) dst(%dma_wait3A_755 : memref<10008x128xf32, #tpu.memory_space<vmem_shared>>)
        tpu.yield
      }) : () -> ()
      %dma_start3A_234 = arith.constant 9 : i32
      %dma_start3A_235 = arith.constant 0 : i32
      %dma_start3A_236 = tpu.memref_slice %arg7[%dma_start3A_234, %dma_start3A_235] : memref<20x128xi32, #tpu.memory_space<vmem>> -> memref<1x128xi32, #tpu.memory_space<vmem>>
      %dma_start3A_237 = tpu.memref_squeeze %dma_start3A_236 : memref<1x128xi32, #tpu.memory_space<vmem>> -> memref<128xi32, #tpu.memory_space<vmem>>
      %dma_start3A_238 = arith.constant 0 : i32
      %dma_start3A_239 = arith.constant 0 : i32
      %dma_start3A_240 = tpu.memref_slice %arg2[%dma_start3A_238, %dma_start3A_239] : memref<40000x128xf32, #tpu.memory_space<hbm>> -> memref<40000x128xf32, #tpu.memory_space<hbm>>
      tpu.enqueue_indirect_dma source(%dma_start3A_240 : memref<40000x128xf32, #tpu.memory_space<hbm>>) target(%arg12 : memref<128x128xf32, #tpu.memory_space<vmem>>) offsets(%dma_start3A_237 : memref<128xi32, #tpu.memory_space<vmem>>) semaphore(%arg14 : memref<!tpu.dma_semaphore, #tpu.memory_space<semaphore_mem>>)
      %dma_wait3A_241 = arith.constant 8 : i32
      %dma_wait3A_242 = arith.constant 0 : i32
      %dma_wait3A_243 = tpu.memref_slice %arg7[%dma_wait3A_241, %dma_wait3A_242] : memref<20x128xi32, #tpu.memory_space<vmem>> -> memref<1x128xi32, #tpu.memory_space<vmem>>
      %dma_wait3A_244 = tpu.memref_squeeze %dma_wait3A_243 : memref<1x128xi32, #tpu.memory_space<vmem>> -> memref<128xi32, #tpu.memory_space<vmem>>
      %dma_wait3A_245 = arith.constant 0 : i32
      %dma_wait3A_246 = arith.constant 0 : i32
      %dma_wait3A_247 = tpu.memref_slice %arg2[%dma_wait3A_245, %dma_wait3A_246] : memref<40000x128xf32, #tpu.memory_space<hbm>> -> memref<40000x128xf32, #tpu.memory_space<hbm>>
      tpu.wait_indirect_dma semaphore(%arg13 : memref<!tpu.dma_semaphore, #tpu.memory_space<semaphore_mem>>) src(%dma_wait3A_247 : memref<40000x128xf32, #tpu.memory_space<hbm>>) dst(%arg11 : memref<128x128xf32, #tpu.memory_space<vmem>>)
      %run_scoped3A_248 = arith.constant 8 : i32
      "tpu.region"() ({
        %run_scoped3A_743 = tpu.sem_alloc : memref<!tpu.dma_semaphore, #tpu.memory_space<semaphore_mem>>
        %dma_start3A_744 = arith.constant 0 : i32
        %dma_start3A_745 = tpu.memref_slice %arg8[%run_scoped3A_248, %dma_start3A_744] : memref<20x128xi32, #tpu.memory_space<vmem>> -> memref<1x128xi32, #tpu.memory_space<vmem>>
        %dma_start3A_746 = tpu.memref_squeeze %dma_start3A_745 : memref<1x128xi32, #tpu.memory_space<vmem>> -> memref<128xi32, #tpu.memory_space<vmem>>
        %dma_start3A_747 = arith.constant 0 : i32
        %dma_start3A_748 = arith.constant 0 : i32
        %dma_start3A_749 = tpu.memref_slice %arg6[%dma_start3A_747, %dma_start3A_748] : memref<10008x128xf32, #tpu.memory_space<vmem_shared>> -> memref<10008x128xf32, #tpu.memory_space<vmem_shared>>
        tpu.enqueue_indirect_dma source(%arg11 : memref<128x128xf32, #tpu.memory_space<vmem>>) target(%dma_start3A_749 : memref<10008x128xf32, #tpu.memory_space<vmem_shared>>) offsets(%dma_start3A_746 : memref<128xi32, #tpu.memory_space<vmem>>) semaphore(%run_scoped3A_743 : memref<!tpu.dma_semaphore, #tpu.memory_space<semaphore_mem>>) {add = true}
        %dma_wait3A_750 = arith.constant 0 : i32
        %dma_wait3A_751 = tpu.memref_slice %arg8[%run_scoped3A_248, %dma_wait3A_750] : memref<20x128xi32, #tpu.memory_space<vmem>> -> memref<1x128xi32, #tpu.memory_space<vmem>>
        %dma_wait3A_752 = tpu.memref_squeeze %dma_wait3A_751 : memref<1x128xi32, #tpu.memory_space<vmem>> -> memref<128xi32, #tpu.memory_space<vmem>>
        %dma_wait3A_753 = arith.constant 0 : i32
        %dma_wait3A_754 = arith.constant 0 : i32
        %dma_wait3A_755 = tpu.memref_slice %arg6[%dma_wait3A_753, %dma_wait3A_754] : memref<10008x128xf32, #tpu.memory_space<vmem_shared>> -> memref<10008x128xf32, #tpu.memory_space<vmem_shared>>
        tpu.wait_indirect_dma semaphore(%run_scoped3A_743 : memref<!tpu.dma_semaphore, #tpu.memory_space<semaphore_mem>>) src(%arg11 : memref<128x128xf32, #tpu.memory_space<vmem>>) dst(%dma_wait3A_755 : memref<10008x128xf32, #tpu.memory_space<vmem_shared>>)
        tpu.yield
      }) : () -> ()
      %dma_start3A_249 = arith.constant 10 : i32
      %dma_start3A_250 = arith.constant 0 : i32
      %dma_start3A_251 = tpu.memref_slice %arg7[%dma_start3A_249, %dma_start3A_250] : memref<20x128xi32, #tpu.memory_space<vmem>> -> memref<1x128xi32, #tpu.memory_space<vmem>>
      %dma_start3A_252 = tpu.memref_squeeze %dma_start3A_251 : memref<1x128xi32, #tpu.memory_space<vmem>> -> memref<128xi32, #tpu.memory_space<vmem>>
      %dma_start3A_253 = arith.constant 0 : i32
      %dma_start3A_254 = arith.constant 0 : i32
      %dma_start3A_255 = tpu.memref_slice %arg2[%dma_start3A_253, %dma_start3A_254] : memref<40000x128xf32, #tpu.memory_space<hbm>> -> memref<40000x128xf32, #tpu.memory_space<hbm>>
      tpu.enqueue_indirect_dma source(%dma_start3A_255 : memref<40000x128xf32, #tpu.memory_space<hbm>>) target(%arg11 : memref<128x128xf32, #tpu.memory_space<vmem>>) offsets(%dma_start3A_252 : memref<128xi32, #tpu.memory_space<vmem>>) semaphore(%arg13 : memref<!tpu.dma_semaphore, #tpu.memory_space<semaphore_mem>>)
      %dma_wait3A_256 = arith.constant 9 : i32
      %dma_wait3A_257 = arith.constant 0 : i32
      %dma_wait3A_258 = tpu.memref_slice %arg7[%dma_wait3A_256, %dma_wait3A_257] : memref<20x128xi32, #tpu.memory_space<vmem>> -> memref<1x128xi32, #tpu.memory_space<vmem>>
      %dma_wait3A_259 = tpu.memref_squeeze %dma_wait3A_258 : memref<1x128xi32, #tpu.memory_space<vmem>> -> memref<128xi32, #tpu.memory_space<vmem>>
      %dma_wait3A_260 = arith.constant 0 : i32
      %dma_wait3A_261 = arith.constant 0 : i32
      %dma_wait3A_262 = tpu.memref_slice %arg2[%dma_wait3A_260, %dma_wait3A_261] : memref<40000x128xf32, #tpu.memory_space<hbm>> -> memref<40000x128xf32, #tpu.memory_space<hbm>>
      tpu.wait_indirect_dma semaphore(%arg14 : memref<!tpu.dma_semaphore, #tpu.memory_space<semaphore_mem>>) src(%dma_wait3A_262 : memref<40000x128xf32, #tpu.memory_space<hbm>>) dst(%arg12 : memref<128x128xf32, #tpu.memory_space<vmem>>)
      %run_scoped3A_263 = arith.constant 9 : i32
      "tpu.region"() ({
        %run_scoped3A_743 = tpu.sem_alloc : memref<!tpu.dma_semaphore, #tpu.memory_space<semaphore_mem>>
        %dma_start3A_744 = arith.constant 0 : i32
        %dma_start3A_745 = tpu.memref_slice %arg8[%run_scoped3A_263, %dma_start3A_744] : memref<20x128xi32, #tpu.memory_space<vmem>> -> memref<1x128xi32, #tpu.memory_space<vmem>>
        %dma_start3A_746 = tpu.memref_squeeze %dma_start3A_745 : memref<1x128xi32, #tpu.memory_space<vmem>> -> memref<128xi32, #tpu.memory_space<vmem>>
        %dma_start3A_747 = arith.constant 0 : i32
        %dma_start3A_748 = arith.constant 0 : i32
        %dma_start3A_749 = tpu.memref_slice %arg6[%dma_start3A_747, %dma_start3A_748] : memref<10008x128xf32, #tpu.memory_space<vmem_shared>> -> memref<10008x128xf32, #tpu.memory_space<vmem_shared>>
        tpu.enqueue_indirect_dma source(%arg12 : memref<128x128xf32, #tpu.memory_space<vmem>>) target(%dma_start3A_749 : memref<10008x128xf32, #tpu.memory_space<vmem_shared>>) offsets(%dma_start3A_746 : memref<128xi32, #tpu.memory_space<vmem>>) semaphore(%run_scoped3A_743 : memref<!tpu.dma_semaphore, #tpu.memory_space<semaphore_mem>>) {add = true}
        %dma_wait3A_750 = arith.constant 0 : i32
        %dma_wait3A_751 = tpu.memref_slice %arg8[%run_scoped3A_263, %dma_wait3A_750] : memref<20x128xi32, #tpu.memory_space<vmem>> -> memref<1x128xi32, #tpu.memory_space<vmem>>
        %dma_wait3A_752 = tpu.memref_squeeze %dma_wait3A_751 : memref<1x128xi32, #tpu.memory_space<vmem>> -> memref<128xi32, #tpu.memory_space<vmem>>
        %dma_wait3A_753 = arith.constant 0 : i32
        %dma_wait3A_754 = arith.constant 0 : i32
        %dma_wait3A_755 = tpu.memref_slice %arg6[%dma_wait3A_753, %dma_wait3A_754] : memref<10008x128xf32, #tpu.memory_space<vmem_shared>> -> memref<10008x128xf32, #tpu.memory_space<vmem_shared>>
        tpu.wait_indirect_dma semaphore(%run_scoped3A_743 : memref<!tpu.dma_semaphore, #tpu.memory_space<semaphore_mem>>) src(%arg12 : memref<128x128xf32, #tpu.memory_space<vmem>>) dst(%dma_wait3A_755 : memref<10008x128xf32, #tpu.memory_space<vmem_shared>>)
        tpu.yield
      }) : () -> ()
      %dma_start3A_264 = arith.constant 11 : i32
      %dma_start3A_265 = arith.constant 0 : i32
      %dma_start3A_266 = tpu.memref_slice %arg7[%dma_start3A_264, %dma_start3A_265] : memref<20x128xi32, #tpu.memory_space<vmem>> -> memref<1x128xi32, #tpu.memory_space<vmem>>
      %dma_start3A_267 = tpu.memref_squeeze %dma_start3A_266 : memref<1x128xi32, #tpu.memory_space<vmem>> -> memref<128xi32, #tpu.memory_space<vmem>>
      %dma_start3A_268 = arith.constant 0 : i32
      %dma_start3A_269 = arith.constant 0 : i32
      %dma_start3A_270 = tpu.memref_slice %arg2[%dma_start3A_268, %dma_start3A_269] : memref<40000x128xf32, #tpu.memory_space<hbm>> -> memref<40000x128xf32, #tpu.memory_space<hbm>>
      tpu.enqueue_indirect_dma source(%dma_start3A_270 : memref<40000x128xf32, #tpu.memory_space<hbm>>) target(%arg12 : memref<128x128xf32, #tpu.memory_space<vmem>>) offsets(%dma_start3A_267 : memref<128xi32, #tpu.memory_space<vmem>>) semaphore(%arg14 : memref<!tpu.dma_semaphore, #tpu.memory_space<semaphore_mem>>)
      %dma_wait3A_271 = arith.constant 10 : i32
      %dma_wait3A_272 = arith.constant 0 : i32
      %dma_wait3A_273 = tpu.memref_slice %arg7[%dma_wait3A_271, %dma_wait3A_272] : memref<20x128xi32, #tpu.memory_space<vmem>> -> memref<1x128xi32, #tpu.memory_space<vmem>>
      %dma_wait3A_274 = tpu.memref_squeeze %dma_wait3A_273 : memref<1x128xi32, #tpu.memory_space<vmem>> -> memref<128xi32, #tpu.memory_space<vmem>>
      %dma_wait3A_275 = arith.constant 0 : i32
      %dma_wait3A_276 = arith.constant 0 : i32
      %dma_wait3A_277 = tpu.memref_slice %arg2[%dma_wait3A_275, %dma_wait3A_276] : memref<40000x128xf32, #tpu.memory_space<hbm>> -> memref<40000x128xf32, #tpu.memory_space<hbm>>
      tpu.wait_indirect_dma semaphore(%arg13 : memref<!tpu.dma_semaphore, #tpu.memory_space<semaphore_mem>>) src(%dma_wait3A_277 : memref<40000x128xf32, #tpu.memory_space<hbm>>) dst(%arg11 : memref<128x128xf32, #tpu.memory_space<vmem>>)
      %run_scoped3A_278 = arith.constant 10 : i32
      "tpu.region"() ({
        %run_scoped3A_743 = tpu.sem_alloc : memref<!tpu.dma_semaphore, #tpu.memory_space<semaphore_mem>>
        %dma_start3A_744 = arith.constant 0 : i32
        %dma_start3A_745 = tpu.memref_slice %arg8[%run_scoped3A_278, %dma_start3A_744] : memref<20x128xi32, #tpu.memory_space<vmem>> -> memref<1x128xi32, #tpu.memory_space<vmem>>
        %dma_start3A_746 = tpu.memref_squeeze %dma_start3A_745 : memref<1x128xi32, #tpu.memory_space<vmem>> -> memref<128xi32, #tpu.memory_space<vmem>>
        %dma_start3A_747 = arith.constant 0 : i32
        %dma_start3A_748 = arith.constant 0 : i32
        %dma_start3A_749 = tpu.memref_slice %arg6[%dma_start3A_747, %dma_start3A_748] : memref<10008x128xf32, #tpu.memory_space<vmem_shared>> -> memref<10008x128xf32, #tpu.memory_space<vmem_shared>>
        tpu.enqueue_indirect_dma source(%arg11 : memref<128x128xf32, #tpu.memory_space<vmem>>) target(%dma_start3A_749 : memref<10008x128xf32, #tpu.memory_space<vmem_shared>>) offsets(%dma_start3A_746 : memref<128xi32, #tpu.memory_space<vmem>>) semaphore(%run_scoped3A_743 : memref<!tpu.dma_semaphore, #tpu.memory_space<semaphore_mem>>) {add = true}
        %dma_wait3A_750 = arith.constant 0 : i32
        %dma_wait3A_751 = tpu.memref_slice %arg8[%run_scoped3A_278, %dma_wait3A_750] : memref<20x128xi32, #tpu.memory_space<vmem>> -> memref<1x128xi32, #tpu.memory_space<vmem>>
        %dma_wait3A_752 = tpu.memref_squeeze %dma_wait3A_751 : memref<1x128xi32, #tpu.memory_space<vmem>> -> memref<128xi32, #tpu.memory_space<vmem>>
        %dma_wait3A_753 = arith.constant 0 : i32
        %dma_wait3A_754 = arith.constant 0 : i32
        %dma_wait3A_755 = tpu.memref_slice %arg6[%dma_wait3A_753, %dma_wait3A_754] : memref<10008x128xf32, #tpu.memory_space<vmem_shared>> -> memref<10008x128xf32, #tpu.memory_space<vmem_shared>>
        tpu.wait_indirect_dma semaphore(%run_scoped3A_743 : memref<!tpu.dma_semaphore, #tpu.memory_space<semaphore_mem>>) src(%arg11 : memref<128x128xf32, #tpu.memory_space<vmem>>) dst(%dma_wait3A_755 : memref<10008x128xf32, #tpu.memory_space<vmem_shared>>)
        tpu.yield
      }) : () -> ()
      %dma_start3A_279 = arith.constant 12 : i32
      %dma_start3A_280 = arith.constant 0 : i32
      %dma_start3A_281 = tpu.memref_slice %arg7[%dma_start3A_279, %dma_start3A_280] : memref<20x128xi32, #tpu.memory_space<vmem>> -> memref<1x128xi32, #tpu.memory_space<vmem>>
      %dma_start3A_282 = tpu.memref_squeeze %dma_start3A_281 : memref<1x128xi32, #tpu.memory_space<vmem>> -> memref<128xi32, #tpu.memory_space<vmem>>
      %dma_start3A_283 = arith.constant 0 : i32
      %dma_start3A_284 = arith.constant 0 : i32
      %dma_start3A_285 = tpu.memref_slice %arg2[%dma_start3A_283, %dma_start3A_284] : memref<40000x128xf32, #tpu.memory_space<hbm>> -> memref<40000x128xf32, #tpu.memory_space<hbm>>
      tpu.enqueue_indirect_dma source(%dma_start3A_285 : memref<40000x128xf32, #tpu.memory_space<hbm>>) target(%arg11 : memref<128x128xf32, #tpu.memory_space<vmem>>) offsets(%dma_start3A_282 : memref<128xi32, #tpu.memory_space<vmem>>) semaphore(%arg13 : memref<!tpu.dma_semaphore, #tpu.memory_space<semaphore_mem>>)
      %dma_wait3A_286 = arith.constant 11 : i32
      %dma_wait3A_287 = arith.constant 0 : i32
      %dma_wait3A_288 = tpu.memref_slice %arg7[%dma_wait3A_286, %dma_wait3A_287] : memref<20x128xi32, #tpu.memory_space<vmem>> -> memref<1x128xi32, #tpu.memory_space<vmem>>
      %dma_wait3A_289 = tpu.memref_squeeze %dma_wait3A_288 : memref<1x128xi32, #tpu.memory_space<vmem>> -> memref<128xi32, #tpu.memory_space<vmem>>
      %dma_wait3A_290 = arith.constant 0 : i32
      %dma_wait3A_291 = arith.constant 0 : i32
      %dma_wait3A_292 = tpu.memref_slice %arg2[%dma_wait3A_290, %dma_wait3A_291] : memref<40000x128xf32, #tpu.memory_space<hbm>> -> memref<40000x128xf32, #tpu.memory_space<hbm>>
      tpu.wait_indirect_dma semaphore(%arg14 : memref<!tpu.dma_semaphore, #tpu.memory_space<semaphore_mem>>) src(%dma_wait3A_292 : memref<40000x128xf32, #tpu.memory_space<hbm>>) dst(%arg12 : memref<128x128xf32, #tpu.memory_space<vmem>>)
      %run_scoped3A_293 = arith.constant 11 : i32
      "tpu.region"() ({
        %run_scoped3A_743 = tpu.sem_alloc : memref<!tpu.dma_semaphore, #tpu.memory_space<semaphore_mem>>
        %dma_start3A_744 = arith.constant 0 : i32
        %dma_start3A_745 = tpu.memref_slice %arg8[%run_scoped3A_293, %dma_start3A_744] : memref<20x128xi32, #tpu.memory_space<vmem>> -> memref<1x128xi32, #tpu.memory_space<vmem>>
        %dma_start3A_746 = tpu.memref_squeeze %dma_start3A_745 : memref<1x128xi32, #tpu.memory_space<vmem>> -> memref<128xi32, #tpu.memory_space<vmem>>
        %dma_start3A_747 = arith.constant 0 : i32
        %dma_start3A_748 = arith.constant 0 : i32
        %dma_start3A_749 = tpu.memref_slice %arg6[%dma_start3A_747, %dma_start3A_748] : memref<10008x128xf32, #tpu.memory_space<vmem_shared>> -> memref<10008x128xf32, #tpu.memory_space<vmem_shared>>
        tpu.enqueue_indirect_dma source(%arg12 : memref<128x128xf32, #tpu.memory_space<vmem>>) target(%dma_start3A_749 : memref<10008x128xf32, #tpu.memory_space<vmem_shared>>) offsets(%dma_start3A_746 : memref<128xi32, #tpu.memory_space<vmem>>) semaphore(%run_scoped3A_743 : memref<!tpu.dma_semaphore, #tpu.memory_space<semaphore_mem>>) {add = true}
        %dma_wait3A_750 = arith.constant 0 : i32
        %dma_wait3A_751 = tpu.memref_slice %arg8[%run_scoped3A_293, %dma_wait3A_750] : memref<20x128xi32, #tpu.memory_space<vmem>> -> memref<1x128xi32, #tpu.memory_space<vmem>>
        %dma_wait3A_752 = tpu.memref_squeeze %dma_wait3A_751 : memref<1x128xi32, #tpu.memory_space<vmem>> -> memref<128xi32, #tpu.memory_space<vmem>>
        %dma_wait3A_753 = arith.constant 0 : i32
        %dma_wait3A_754 = arith.constant 0 : i32
        %dma_wait3A_755 = tpu.memref_slice %arg6[%dma_wait3A_753, %dma_wait3A_754] : memref<10008x128xf32, #tpu.memory_space<vmem_shared>> -> memref<10008x128xf32, #tpu.memory_space<vmem_shared>>
        tpu.wait_indirect_dma semaphore(%run_scoped3A_743 : memref<!tpu.dma_semaphore, #tpu.memory_space<semaphore_mem>>) src(%arg12 : memref<128x128xf32, #tpu.memory_space<vmem>>) dst(%dma_wait3A_755 : memref<10008x128xf32, #tpu.memory_space<vmem_shared>>)
        tpu.yield
      }) : () -> ()
      %dma_start3A_294 = arith.constant 13 : i32
      %dma_start3A_295 = arith.constant 0 : i32
      %dma_start3A_296 = tpu.memref_slice %arg7[%dma_start3A_294, %dma_start3A_295] : memref<20x128xi32, #tpu.memory_space<vmem>> -> memref<1x128xi32, #tpu.memory_space<vmem>>
      %dma_start3A_297 = tpu.memref_squeeze %dma_start3A_296 : memref<1x128xi32, #tpu.memory_space<vmem>> -> memref<128xi32, #tpu.memory_space<vmem>>
      %dma_start3A_298 = arith.constant 0 : i32
      %dma_start3A_299 = arith.constant 0 : i32
      %dma_start3A_300 = tpu.memref_slice %arg2[%dma_start3A_298, %dma_start3A_299] : memref<40000x128xf32, #tpu.memory_space<hbm>> -> memref<40000x128xf32, #tpu.memory_space<hbm>>
      tpu.enqueue_indirect_dma source(%dma_start3A_300 : memref<40000x128xf32, #tpu.memory_space<hbm>>) target(%arg12 : memref<128x128xf32, #tpu.memory_space<vmem>>) offsets(%dma_start3A_297 : memref<128xi32, #tpu.memory_space<vmem>>) semaphore(%arg14 : memref<!tpu.dma_semaphore, #tpu.memory_space<semaphore_mem>>)
      %dma_wait3A_301 = arith.constant 12 : i32
      %dma_wait3A_302 = arith.constant 0 : i32
      %dma_wait3A_303 = tpu.memref_slice %arg7[%dma_wait3A_301, %dma_wait3A_302] : memref<20x128xi32, #tpu.memory_space<vmem>> -> memref<1x128xi32, #tpu.memory_space<vmem>>
      %dma_wait3A_304 = tpu.memref_squeeze %dma_wait3A_303 : memref<1x128xi32, #tpu.memory_space<vmem>> -> memref<128xi32, #tpu.memory_space<vmem>>
      %dma_wait3A_305 = arith.constant 0 : i32
      %dma_wait3A_306 = arith.constant 0 : i32
      %dma_wait3A_307 = tpu.memref_slice %arg2[%dma_wait3A_305, %dma_wait3A_306] : memref<40000x128xf32, #tpu.memory_space<hbm>> -> memref<40000x128xf32, #tpu.memory_space<hbm>>
      tpu.wait_indirect_dma semaphore(%arg13 : memref<!tpu.dma_semaphore, #tpu.memory_space<semaphore_mem>>) src(%dma_wait3A_307 : memref<40000x128xf32, #tpu.memory_space<hbm>>) dst(%arg11 : memref<128x128xf32, #tpu.memory_space<vmem>>)
      %run_scoped3A_308 = arith.constant 12 : i32
      "tpu.region"() ({
        %run_scoped3A_743 = tpu.sem_alloc : memref<!tpu.dma_semaphore, #tpu.memory_space<semaphore_mem>>
        %dma_start3A_744 = arith.constant 0 : i32
        %dma_start3A_745 = tpu.memref_slice %arg8[%run_scoped3A_308, %dma_start3A_744] : memref<20x128xi32, #tpu.memory_space<vmem>> -> memref<1x128xi32, #tpu.memory_space<vmem>>
        %dma_start3A_746 = tpu.memref_squeeze %dma_start3A_745 : memref<1x128xi32, #tpu.memory_space<vmem>> -> memref<128xi32, #tpu.memory_space<vmem>>
        %dma_start3A_747 = arith.constant 0 : i32
        %dma_start3A_748 = arith.constant 0 : i32
        %dma_start3A_749 = tpu.memref_slice %arg6[%dma_start3A_747, %dma_start3A_748] : memref<10008x128xf32, #tpu.memory_space<vmem_shared>> -> memref<10008x128xf32, #tpu.memory_space<vmem_shared>>
        tpu.enqueue_indirect_dma source(%arg11 : memref<128x128xf32, #tpu.memory_space<vmem>>) target(%dma_start3A_749 : memref<10008x128xf32, #tpu.memory_space<vmem_shared>>) offsets(%dma_start3A_746 : memref<128xi32, #tpu.memory_space<vmem>>) semaphore(%run_scoped3A_743 : memref<!tpu.dma_semaphore, #tpu.memory_space<semaphore_mem>>) {add = true}
        %dma_wait3A_750 = arith.constant 0 : i32
        %dma_wait3A_751 = tpu.memref_slice %arg8[%run_scoped3A_308, %dma_wait3A_750] : memref<20x128xi32, #tpu.memory_space<vmem>> -> memref<1x128xi32, #tpu.memory_space<vmem>>
        %dma_wait3A_752 = tpu.memref_squeeze %dma_wait3A_751 : memref<1x128xi32, #tpu.memory_space<vmem>> -> memref<128xi32, #tpu.memory_space<vmem>>
        %dma_wait3A_753 = arith.constant 0 : i32
        %dma_wait3A_754 = arith.constant 0 : i32
        %dma_wait3A_755 = tpu.memref_slice %arg6[%dma_wait3A_753, %dma_wait3A_754] : memref<10008x128xf32, #tpu.memory_space<vmem_shared>> -> memref<10008x128xf32, #tpu.memory_space<vmem_shared>>
        tpu.wait_indirect_dma semaphore(%run_scoped3A_743 : memref<!tpu.dma_semaphore, #tpu.memory_space<semaphore_mem>>) src(%arg11 : memref<128x128xf32, #tpu.memory_space<vmem>>) dst(%dma_wait3A_755 : memref<10008x128xf32, #tpu.memory_space<vmem_shared>>)
        tpu.yield
      }) : () -> ()
      %dma_start3A_309 = arith.constant 14 : i32
      %dma_start3A_310 = arith.constant 0 : i32
      %dma_start3A_311 = tpu.memref_slice %arg7[%dma_start3A_309, %dma_start3A_310] : memref<20x128xi32, #tpu.memory_space<vmem>> -> memref<1x128xi32, #tpu.memory_space<vmem>>
      %dma_start3A_312 = tpu.memref_squeeze %dma_start3A_311 : memref<1x128xi32, #tpu.memory_space<vmem>> -> memref<128xi32, #tpu.memory_space<vmem>>
      %dma_start3A_313 = arith.constant 0 : i32
      %dma_start3A_314 = arith.constant 0 : i32
      %dma_start3A_315 = tpu.memref_slice %arg2[%dma_start3A_313, %dma_start3A_314] : memref<40000x128xf32, #tpu.memory_space<hbm>> -> memref<40000x128xf32, #tpu.memory_space<hbm>>
      tpu.enqueue_indirect_dma source(%dma_start3A_315 : memref<40000x128xf32, #tpu.memory_space<hbm>>) target(%arg11 : memref<128x128xf32, #tpu.memory_space<vmem>>) offsets(%dma_start3A_312 : memref<128xi32, #tpu.memory_space<vmem>>) semaphore(%arg13 : memref<!tpu.dma_semaphore, #tpu.memory_space<semaphore_mem>>)
      %dma_wait3A_316 = arith.constant 13 : i32
      %dma_wait3A_317 = arith.constant 0 : i32
      %dma_wait3A_318 = tpu.memref_slice %arg7[%dma_wait3A_316, %dma_wait3A_317] : memref<20x128xi32, #tpu.memory_space<vmem>> -> memref<1x128xi32, #tpu.memory_space<vmem>>
      %dma_wait3A_319 = tpu.memref_squeeze %dma_wait3A_318 : memref<1x128xi32, #tpu.memory_space<vmem>> -> memref<128xi32, #tpu.memory_space<vmem>>
      %dma_wait3A_320 = arith.constant 0 : i32
      %dma_wait3A_321 = arith.constant 0 : i32
      %dma_wait3A_322 = tpu.memref_slice %arg2[%dma_wait3A_320, %dma_wait3A_321] : memref<40000x128xf32, #tpu.memory_space<hbm>> -> memref<40000x128xf32, #tpu.memory_space<hbm>>
      tpu.wait_indirect_dma semaphore(%arg14 : memref<!tpu.dma_semaphore, #tpu.memory_space<semaphore_mem>>) src(%dma_wait3A_322 : memref<40000x128xf32, #tpu.memory_space<hbm>>) dst(%arg12 : memref<128x128xf32, #tpu.memory_space<vmem>>)
      %run_scoped3A_323 = arith.constant 13 : i32
      "tpu.region"() ({
        %run_scoped3A_743 = tpu.sem_alloc : memref<!tpu.dma_semaphore, #tpu.memory_space<semaphore_mem>>
        %dma_start3A_744 = arith.constant 0 : i32
        %dma_start3A_745 = tpu.memref_slice %arg8[%run_scoped3A_323, %dma_start3A_744] : memref<20x128xi32, #tpu.memory_space<vmem>> -> memref<1x128xi32, #tpu.memory_space<vmem>>
        %dma_start3A_746 = tpu.memref_squeeze %dma_start3A_745 : memref<1x128xi32, #tpu.memory_space<vmem>> -> memref<128xi32, #tpu.memory_space<vmem>>
        %dma_start3A_747 = arith.constant 0 : i32
        %dma_start3A_748 = arith.constant 0 : i32
        %dma_start3A_749 = tpu.memref_slice %arg6[%dma_start3A_747, %dma_start3A_748] : memref<10008x128xf32, #tpu.memory_space<vmem_shared>> -> memref<10008x128xf32, #tpu.memory_space<vmem_shared>>
        tpu.enqueue_indirect_dma source(%arg12 : memref<128x128xf32, #tpu.memory_space<vmem>>) target(%dma_start3A_749 : memref<10008x128xf32, #tpu.memory_space<vmem_shared>>) offsets(%dma_start3A_746 : memref<128xi32, #tpu.memory_space<vmem>>) semaphore(%run_scoped3A_743 : memref<!tpu.dma_semaphore, #tpu.memory_space<semaphore_mem>>) {add = true}
        %dma_wait3A_750 = arith.constant 0 : i32
        %dma_wait3A_751 = tpu.memref_slice %arg8[%run_scoped3A_323, %dma_wait3A_750] : memref<20x128xi32, #tpu.memory_space<vmem>> -> memref<1x128xi32, #tpu.memory_space<vmem>>
        %dma_wait3A_752 = tpu.memref_squeeze %dma_wait3A_751 : memref<1x128xi32, #tpu.memory_space<vmem>> -> memref<128xi32, #tpu.memory_space<vmem>>
        %dma_wait3A_753 = arith.constant 0 : i32
        %dma_wait3A_754 = arith.constant 0 : i32
        %dma_wait3A_755 = tpu.memref_slice %arg6[%dma_wait3A_753, %dma_wait3A_754] : memref<10008x128xf32, #tpu.memory_space<vmem_shared>> -> memref<10008x128xf32, #tpu.memory_space<vmem_shared>>
        tpu.wait_indirect_dma semaphore(%run_scoped3A_743 : memref<!tpu.dma_semaphore, #tpu.memory_space<semaphore_mem>>) src(%arg12 : memref<128x128xf32, #tpu.memory_space<vmem>>) dst(%dma_wait3A_755 : memref<10008x128xf32, #tpu.memory_space<vmem_shared>>)
        tpu.yield
      }) : () -> ()
      %dma_start3A_324 = arith.constant 15 : i32
      %dma_start3A_325 = arith.constant 0 : i32
      %dma_start3A_326 = tpu.memref_slice %arg7[%dma_start3A_324, %dma_start3A_325] : memref<20x128xi32, #tpu.memory_space<vmem>> -> memref<1x128xi32, #tpu.memory_space<vmem>>
      %dma_start3A_327 = tpu.memref_squeeze %dma_start3A_326 : memref<1x128xi32, #tpu.memory_space<vmem>> -> memref<128xi32, #tpu.memory_space<vmem>>
      %dma_start3A_328 = arith.constant 0 : i32
      %dma_start3A_329 = arith.constant 0 : i32
      %dma_start3A_330 = tpu.memref_slice %arg2[%dma_start3A_328, %dma_start3A_329] : memref<40000x128xf32, #tpu.memory_space<hbm>> -> memref<40000x128xf32, #tpu.memory_space<hbm>>
      tpu.enqueue_indirect_dma source(%dma_start3A_330 : memref<40000x128xf32, #tpu.memory_space<hbm>>) target(%arg12 : memref<128x128xf32, #tpu.memory_space<vmem>>) offsets(%dma_start3A_327 : memref<128xi32, #tpu.memory_space<vmem>>) semaphore(%arg14 : memref<!tpu.dma_semaphore, #tpu.memory_space<semaphore_mem>>)
      %dma_wait3A_331 = arith.constant 14 : i32
      %dma_wait3A_332 = arith.constant 0 : i32
      %dma_wait3A_333 = tpu.memref_slice %arg7[%dma_wait3A_331, %dma_wait3A_332] : memref<20x128xi32, #tpu.memory_space<vmem>> -> memref<1x128xi32, #tpu.memory_space<vmem>>
      %dma_wait3A_334 = tpu.memref_squeeze %dma_wait3A_333 : memref<1x128xi32, #tpu.memory_space<vmem>> -> memref<128xi32, #tpu.memory_space<vmem>>
      %dma_wait3A_335 = arith.constant 0 : i32
      %dma_wait3A_336 = arith.constant 0 : i32
      %dma_wait3A_337 = tpu.memref_slice %arg2[%dma_wait3A_335, %dma_wait3A_336] : memref<40000x128xf32, #tpu.memory_space<hbm>> -> memref<40000x128xf32, #tpu.memory_space<hbm>>
      tpu.wait_indirect_dma semaphore(%arg13 : memref<!tpu.dma_semaphore, #tpu.memory_space<semaphore_mem>>) src(%dma_wait3A_337 : memref<40000x128xf32, #tpu.memory_space<hbm>>) dst(%arg11 : memref<128x128xf32, #tpu.memory_space<vmem>>)
      %run_scoped3A_338 = arith.constant 14 : i32
      "tpu.region"() ({
        %run_scoped3A_743 = tpu.sem_alloc : memref<!tpu.dma_semaphore, #tpu.memory_space<semaphore_mem>>
        %dma_start3A_744 = arith.constant 0 : i32
        %dma_start3A_745 = tpu.memref_slice %arg8[%run_scoped3A_338, %dma_start3A_744] : memref<20x128xi32, #tpu.memory_space<vmem>> -> memref<1x128xi32, #tpu.memory_space<vmem>>
        %dma_start3A_746 = tpu.memref_squeeze %dma_start3A_745 : memref<1x128xi32, #tpu.memory_space<vmem>> -> memref<128xi32, #tpu.memory_space<vmem>>
        %dma_start3A_747 = arith.constant 0 : i32
        %dma_start3A_748 = arith.constant 0 : i32
        %dma_start3A_749 = tpu.memref_slice %arg6[%dma_start3A_747, %dma_start3A_748] : memref<10008x128xf32, #tpu.memory_space<vmem_shared>> -> memref<10008x128xf32, #tpu.memory_space<vmem_shared>>
        tpu.enqueue_indirect_dma source(%arg11 : memref<128x128xf32, #tpu.memory_space<vmem>>) target(%dma_start3A_749 : memref<10008x128xf32, #tpu.memory_space<vmem_shared>>) offsets(%dma_start3A_746 : memref<128xi32, #tpu.memory_space<vmem>>) semaphore(%run_scoped3A_743 : memref<!tpu.dma_semaphore, #tpu.memory_space<semaphore_mem>>) {add = true}
        %dma_wait3A_750 = arith.constant 0 : i32
        %dma_wait3A_751 = tpu.memref_slice %arg8[%run_scoped3A_338, %dma_wait3A_750] : memref<20x128xi32, #tpu.memory_space<vmem>> -> memref<1x128xi32, #tpu.memory_space<vmem>>
        %dma_wait3A_752 = tpu.memref_squeeze %dma_wait3A_751 : memref<1x128xi32, #tpu.memory_space<vmem>> -> memref<128xi32, #tpu.memory_space<vmem>>
        %dma_wait3A_753 = arith.constant 0 : i32
        %dma_wait3A_754 = arith.constant 0 : i32
        %dma_wait3A_755 = tpu.memref_slice %arg6[%dma_wait3A_753, %dma_wait3A_754] : memref<10008x128xf32, #tpu.memory_space<vmem_shared>> -> memref<10008x128xf32, #tpu.memory_space<vmem_shared>>
        tpu.wait_indirect_dma semaphore(%run_scoped3A_743 : memref<!tpu.dma_semaphore, #tpu.memory_space<semaphore_mem>>) src(%arg11 : memref<128x128xf32, #tpu.memory_space<vmem>>) dst(%dma_wait3A_755 : memref<10008x128xf32, #tpu.memory_space<vmem_shared>>)
        tpu.yield
      }) : () -> ()
      %dma_start3A_339 = arith.constant 16 : i32
      %dma_start3A_340 = arith.constant 0 : i32
      %dma_start3A_341 = tpu.memref_slice %arg7[%dma_start3A_339, %dma_start3A_340] : memref<20x128xi32, #tpu.memory_space<vmem>> -> memref<1x128xi32, #tpu.memory_space<vmem>>
      %dma_start3A_342 = tpu.memref_squeeze %dma_start3A_341 : memref<1x128xi32, #tpu.memory_space<vmem>> -> memref<128xi32, #tpu.memory_space<vmem>>
      %dma_start3A_343 = arith.constant 0 : i32
      %dma_start3A_344 = arith.constant 0 : i32
      %dma_start3A_345 = tpu.memref_slice %arg2[%dma_start3A_343, %dma_start3A_344] : memref<40000x128xf32, #tpu.memory_space<hbm>> -> memref<40000x128xf32, #tpu.memory_space<hbm>>
      tpu.enqueue_indirect_dma source(%dma_start3A_345 : memref<40000x128xf32, #tpu.memory_space<hbm>>) target(%arg11 : memref<128x128xf32, #tpu.memory_space<vmem>>) offsets(%dma_start3A_342 : memref<128xi32, #tpu.memory_space<vmem>>) semaphore(%arg13 : memref<!tpu.dma_semaphore, #tpu.memory_space<semaphore_mem>>)
      %dma_wait3A_346 = arith.constant 15 : i32
      %dma_wait3A_347 = arith.constant 0 : i32
      %dma_wait3A_348 = tpu.memref_slice %arg7[%dma_wait3A_346, %dma_wait3A_347] : memref<20x128xi32, #tpu.memory_space<vmem>> -> memref<1x128xi32, #tpu.memory_space<vmem>>
      %dma_wait3A_349 = tpu.memref_squeeze %dma_wait3A_348 : memref<1x128xi32, #tpu.memory_space<vmem>> -> memref<128xi32, #tpu.memory_space<vmem>>
      %dma_wait3A_350 = arith.constant 0 : i32
      %dma_wait3A_351 = arith.constant 0 : i32
      %dma_wait3A_352 = tpu.memref_slice %arg2[%dma_wait3A_350, %dma_wait3A_351] : memref<40000x128xf32, #tpu.memory_space<hbm>> -> memref<40000x128xf32, #tpu.memory_space<hbm>>
      tpu.wait_indirect_dma semaphore(%arg14 : memref<!tpu.dma_semaphore, #tpu.memory_space<semaphore_mem>>) src(%dma_wait3A_352 : memref<40000x128xf32, #tpu.memory_space<hbm>>) dst(%arg12 : memref<128x128xf32, #tpu.memory_space<vmem>>)
      %run_scoped3A_353 = arith.constant 15 : i32
      "tpu.region"() ({
        %run_scoped3A_743 = tpu.sem_alloc : memref<!tpu.dma_semaphore, #tpu.memory_space<semaphore_mem>>
        %dma_start3A_744 = arith.constant 0 : i32
        %dma_start3A_745 = tpu.memref_slice %arg8[%run_scoped3A_353, %dma_start3A_744] : memref<20x128xi32, #tpu.memory_space<vmem>> -> memref<1x128xi32, #tpu.memory_space<vmem>>
        %dma_start3A_746 = tpu.memref_squeeze %dma_start3A_745 : memref<1x128xi32, #tpu.memory_space<vmem>> -> memref<128xi32, #tpu.memory_space<vmem>>
        %dma_start3A_747 = arith.constant 0 : i32
        %dma_start3A_748 = arith.constant 0 : i32
        %dma_start3A_749 = tpu.memref_slice %arg6[%dma_start3A_747, %dma_start3A_748] : memref<10008x128xf32, #tpu.memory_space<vmem_shared>> -> memref<10008x128xf32, #tpu.memory_space<vmem_shared>>
        tpu.enqueue_indirect_dma source(%arg12 : memref<128x128xf32, #tpu.memory_space<vmem>>) target(%dma_start3A_749 : memref<10008x128xf32, #tpu.memory_space<vmem_shared>>) offsets(%dma_start3A_746 : memref<128xi32, #tpu.memory_space<vmem>>) semaphore(%run_scoped3A_743 : memref<!tpu.dma_semaphore, #tpu.memory_space<semaphore_mem>>) {add = true}
        %dma_wait3A_750 = arith.constant 0 : i32
        %dma_wait3A_751 = tpu.memref_slice %arg8[%run_scoped3A_353, %dma_wait3A_750] : memref<20x128xi32, #tpu.memory_space<vmem>> -> memref<1x128xi32, #tpu.memory_space<vmem>>
        %dma_wait3A_752 = tpu.memref_squeeze %dma_wait3A_751 : memref<1x128xi32, #tpu.memory_space<vmem>> -> memref<128xi32, #tpu.memory_space<vmem>>
        %dma_wait3A_753 = arith.constant 0 : i32
        %dma_wait3A_754 = arith.constant 0 : i32
        %dma_wait3A_755 = tpu.memref_slice %arg6[%dma_wait3A_753, %dma_wait3A_754] : memref<10008x128xf32, #tpu.memory_space<vmem_shared>> -> memref<10008x128xf32, #tpu.memory_space<vmem_shared>>
        tpu.wait_indirect_dma semaphore(%run_scoped3A_743 : memref<!tpu.dma_semaphore, #tpu.memory_space<semaphore_mem>>) src(%arg12 : memref<128x128xf32, #tpu.memory_space<vmem>>) dst(%dma_wait3A_755 : memref<10008x128xf32, #tpu.memory_space<vmem_shared>>)
        tpu.yield
      }) : () -> ()
      %dma_start3A_354 = arith.constant 17 : i32
      %dma_start3A_355 = arith.constant 0 : i32
      %dma_start3A_356 = tpu.memref_slice %arg7[%dma_start3A_354, %dma_start3A_355] : memref<20x128xi32, #tpu.memory_space<vmem>> -> memref<1x128xi32, #tpu.memory_space<vmem>>
      %dma_start3A_357 = tpu.memref_squeeze %dma_start3A_356 : memref<1x128xi32, #tpu.memory_space<vmem>> -> memref<128xi32, #tpu.memory_space<vmem>>
      %dma_start3A_358 = arith.constant 0 : i32
      %dma_start3A_359 = arith.constant 0 : i32
      %dma_start3A_360 = tpu.memref_slice %arg2[%dma_start3A_358, %dma_start3A_359] : memref<40000x128xf32, #tpu.memory_space<hbm>> -> memref<40000x128xf32, #tpu.memory_space<hbm>>
      tpu.enqueue_indirect_dma source(%dma_start3A_360 : memref<40000x128xf32, #tpu.memory_space<hbm>>) target(%arg12 : memref<128x128xf32, #tpu.memory_space<vmem>>) offsets(%dma_start3A_357 : memref<128xi32, #tpu.memory_space<vmem>>) semaphore(%arg14 : memref<!tpu.dma_semaphore, #tpu.memory_space<semaphore_mem>>)
      %dma_wait3A_361 = arith.constant 16 : i32
      %dma_wait3A_362 = arith.constant 0 : i32
      %dma_wait3A_363 = tpu.memref_slice %arg7[%dma_wait3A_361, %dma_wait3A_362] : memref<20x128xi32, #tpu.memory_space<vmem>> -> memref<1x128xi32, #tpu.memory_space<vmem>>
      %dma_wait3A_364 = tpu.memref_squeeze %dma_wait3A_363 : memref<1x128xi32, #tpu.memory_space<vmem>> -> memref<128xi32, #tpu.memory_space<vmem>>
      %dma_wait3A_365 = arith.constant 0 : i32
      %dma_wait3A_366 = arith.constant 0 : i32
      %dma_wait3A_367 = tpu.memref_slice %arg2[%dma_wait3A_365, %dma_wait3A_366] : memref<40000x128xf32, #tpu.memory_space<hbm>> -> memref<40000x128xf32, #tpu.memory_space<hbm>>
      tpu.wait_indirect_dma semaphore(%arg13 : memref<!tpu.dma_semaphore, #tpu.memory_space<semaphore_mem>>) src(%dma_wait3A_367 : memref<40000x128xf32, #tpu.memory_space<hbm>>) dst(%arg11 : memref<128x128xf32, #tpu.memory_space<vmem>>)
      %run_scoped3A_368 = arith.constant 16 : i32
      "tpu.region"() ({
        %run_scoped3A_743 = tpu.sem_alloc : memref<!tpu.dma_semaphore, #tpu.memory_space<semaphore_mem>>
        %dma_start3A_744 = arith.constant 0 : i32
        %dma_start3A_745 = tpu.memref_slice %arg8[%run_scoped3A_368, %dma_start3A_744] : memref<20x128xi32, #tpu.memory_space<vmem>> -> memref<1x128xi32, #tpu.memory_space<vmem>>
        %dma_start3A_746 = tpu.memref_squeeze %dma_start3A_745 : memref<1x128xi32, #tpu.memory_space<vmem>> -> memref<128xi32, #tpu.memory_space<vmem>>
        %dma_start3A_747 = arith.constant 0 : i32
        %dma_start3A_748 = arith.constant 0 : i32
        %dma_start3A_749 = tpu.memref_slice %arg6[%dma_start3A_747, %dma_start3A_748] : memref<10008x128xf32, #tpu.memory_space<vmem_shared>> -> memref<10008x128xf32, #tpu.memory_space<vmem_shared>>
        tpu.enqueue_indirect_dma source(%arg11 : memref<128x128xf32, #tpu.memory_space<vmem>>) target(%dma_start3A_749 : memref<10008x128xf32, #tpu.memory_space<vmem_shared>>) offsets(%dma_start3A_746 : memref<128xi32, #tpu.memory_space<vmem>>) semaphore(%run_scoped3A_743 : memref<!tpu.dma_semaphore, #tpu.memory_space<semaphore_mem>>) {add = true}
        %dma_wait3A_750 = arith.constant 0 : i32
        %dma_wait3A_751 = tpu.memref_slice %arg8[%run_scoped3A_368, %dma_wait3A_750] : memref<20x128xi32, #tpu.memory_space<vmem>> -> memref<1x128xi32, #tpu.memory_space<vmem>>
        %dma_wait3A_752 = tpu.memref_squeeze %dma_wait3A_751 : memref<1x128xi32, #tpu.memory_space<vmem>> -> memref<128xi32, #tpu.memory_space<vmem>>
        %dma_wait3A_753 = arith.constant 0 : i32
        %dma_wait3A_754 = arith.constant 0 : i32
        %dma_wait3A_755 = tpu.memref_slice %arg6[%dma_wait3A_753, %dma_wait3A_754] : memref<10008x128xf32, #tpu.memory_space<vmem_shared>> -> memref<10008x128xf32, #tpu.memory_space<vmem_shared>>
        tpu.wait_indirect_dma semaphore(%run_scoped3A_743 : memref<!tpu.dma_semaphore, #tpu.memory_space<semaphore_mem>>) src(%arg11 : memref<128x128xf32, #tpu.memory_space<vmem>>) dst(%dma_wait3A_755 : memref<10008x128xf32, #tpu.memory_space<vmem_shared>>)
        tpu.yield
      }) : () -> ()
      %dma_start3A_369 = arith.constant 18 : i32
      %dma_start3A_370 = arith.constant 0 : i32
      %dma_start3A_371 = tpu.memref_slice %arg7[%dma_start3A_369, %dma_start3A_370] : memref<20x128xi32, #tpu.memory_space<vmem>> -> memref<1x128xi32, #tpu.memory_space<vmem>>
      %dma_start3A_372 = tpu.memref_squeeze %dma_start3A_371 : memref<1x128xi32, #tpu.memory_space<vmem>> -> memref<128xi32, #tpu.memory_space<vmem>>
      %dma_start3A_373 = arith.constant 0 : i32
      %dma_start3A_374 = arith.constant 0 : i32
      %dma_start3A_375 = tpu.memref_slice %arg2[%dma_start3A_373, %dma_start3A_374] : memref<40000x128xf32, #tpu.memory_space<hbm>> -> memref<40000x128xf32, #tpu.memory_space<hbm>>
      tpu.enqueue_indirect_dma source(%dma_start3A_375 : memref<40000x128xf32, #tpu.memory_space<hbm>>) target(%arg11 : memref<128x128xf32, #tpu.memory_space<vmem>>) offsets(%dma_start3A_372 : memref<128xi32, #tpu.memory_space<vmem>>) semaphore(%arg13 : memref<!tpu.dma_semaphore, #tpu.memory_space<semaphore_mem>>)
      %dma_wait3A_376 = arith.constant 17 : i32
      %dma_wait3A_377 = arith.constant 0 : i32
      %dma_wait3A_378 = tpu.memref_slice %arg7[%dma_wait3A_376, %dma_wait3A_377] : memref<20x128xi32, #tpu.memory_space<vmem>> -> memref<1x128xi32, #tpu.memory_space<vmem>>
      %dma_wait3A_379 = tpu.memref_squeeze %dma_wait3A_378 : memref<1x128xi32, #tpu.memory_space<vmem>> -> memref<128xi32, #tpu.memory_space<vmem>>
      %dma_wait3A_380 = arith.constant 0 : i32
      %dma_wait3A_381 = arith.constant 0 : i32
      %dma_wait3A_382 = tpu.memref_slice %arg2[%dma_wait3A_380, %dma_wait3A_381] : memref<40000x128xf32, #tpu.memory_space<hbm>> -> memref<40000x128xf32, #tpu.memory_space<hbm>>
      tpu.wait_indirect_dma semaphore(%arg14 : memref<!tpu.dma_semaphore, #tpu.memory_space<semaphore_mem>>) src(%dma_wait3A_382 : memref<40000x128xf32, #tpu.memory_space<hbm>>) dst(%arg12 : memref<128x128xf32, #tpu.memory_space<vmem>>)
      %run_scoped3A_383 = arith.constant 17 : i32
      "tpu.region"() ({
        %run_scoped3A_743 = tpu.sem_alloc : memref<!tpu.dma_semaphore, #tpu.memory_space<semaphore_mem>>
        %dma_start3A_744 = arith.constant 0 : i32
        %dma_start3A_745 = tpu.memref_slice %arg8[%run_scoped3A_383, %dma_start3A_744] : memref<20x128xi32, #tpu.memory_space<vmem>> -> memref<1x128xi32, #tpu.memory_space<vmem>>
        %dma_start3A_746 = tpu.memref_squeeze %dma_start3A_745 : memref<1x128xi32, #tpu.memory_space<vmem>> -> memref<128xi32, #tpu.memory_space<vmem>>
        %dma_start3A_747 = arith.constant 0 : i32
        %dma_start3A_748 = arith.constant 0 : i32
        %dma_start3A_749 = tpu.memref_slice %arg6[%dma_start3A_747, %dma_start3A_748] : memref<10008x128xf32, #tpu.memory_space<vmem_shared>> -> memref<10008x128xf32, #tpu.memory_space<vmem_shared>>
        tpu.enqueue_indirect_dma source(%arg12 : memref<128x128xf32, #tpu.memory_space<vmem>>) target(%dma_start3A_749 : memref<10008x128xf32, #tpu.memory_space<vmem_shared>>) offsets(%dma_start3A_746 : memref<128xi32, #tpu.memory_space<vmem>>) semaphore(%run_scoped3A_743 : memref<!tpu.dma_semaphore, #tpu.memory_space<semaphore_mem>>) {add = true}
        %dma_wait3A_750 = arith.constant 0 : i32
        %dma_wait3A_751 = tpu.memref_slice %arg8[%run_scoped3A_383, %dma_wait3A_750] : memref<20x128xi32, #tpu.memory_space<vmem>> -> memref<1x128xi32, #tpu.memory_space<vmem>>
        %dma_wait3A_752 = tpu.memref_squeeze %dma_wait3A_751 : memref<1x128xi32, #tpu.memory_space<vmem>> -> memref<128xi32, #tpu.memory_space<vmem>>
        %dma_wait3A_753 = arith.constant 0 : i32
        %dma_wait3A_754 = arith.constant 0 : i32
        %dma_wait3A_755 = tpu.memref_slice %arg6[%dma_wait3A_753, %dma_wait3A_754] : memref<10008x128xf32, #tpu.memory_space<vmem_shared>> -> memref<10008x128xf32, #tpu.memory_space<vmem_shared>>
        tpu.wait_indirect_dma semaphore(%run_scoped3A_743 : memref<!tpu.dma_semaphore, #tpu.memory_space<semaphore_mem>>) src(%arg12 : memref<128x128xf32, #tpu.memory_space<vmem>>) dst(%dma_wait3A_755 : memref<10008x128xf32, #tpu.memory_space<vmem_shared>>)
        tpu.yield
      }) : () -> ()
      %dma_start3A_384 = arith.constant 19 : i32
      %dma_start3A_385 = arith.constant 0 : i32
      %dma_start3A_386 = tpu.memref_slice %arg7[%dma_start3A_384, %dma_start3A_385] : memref<20x128xi32, #tpu.memory_space<vmem>> -> memref<1x128xi32, #tpu.memory_space<vmem>>
      %dma_start3A_387 = tpu.memref_squeeze %dma_start3A_386 : memref<1x128xi32, #tpu.memory_space<vmem>> -> memref<128xi32, #tpu.memory_space<vmem>>
      %dma_start3A_388 = arith.constant 0 : i32
      %dma_start3A_389 = arith.constant 0 : i32
      %dma_start3A_390 = tpu.memref_slice %arg2[%dma_start3A_388, %dma_start3A_389] : memref<40000x128xf32, #tpu.memory_space<hbm>> -> memref<40000x128xf32, #tpu.memory_space<hbm>>
      tpu.enqueue_indirect_dma source(%dma_start3A_390 : memref<40000x128xf32, #tpu.memory_space<hbm>>) target(%arg12 : memref<128x128xf32, #tpu.memory_space<vmem>>) offsets(%dma_start3A_387 : memref<128xi32, #tpu.memory_space<vmem>>) semaphore(%arg14 : memref<!tpu.dma_semaphore, #tpu.memory_space<semaphore_mem>>)
      %dma_wait3A_391 = arith.constant 18 : i32
      %dma_wait3A_392 = arith.constant 0 : i32
      %dma_wait3A_393 = tpu.memref_slice %arg7[%dma_wait3A_391, %dma_wait3A_392] : memref<20x128xi32, #tpu.memory_space<vmem>> -> memref<1x128xi32, #tpu.memory_space<vmem>>
      %dma_wait3A_394 = tpu.memref_squeeze %dma_wait3A_393 : memref<1x128xi32, #tpu.memory_space<vmem>> -> memref<128xi32, #tpu.memory_space<vmem>>
      %dma_wait3A_395 = arith.constant 0 : i32
      %dma_wait3A_396 = arith.constant 0 : i32
      %dma_wait3A_397 = tpu.memref_slice %arg2[%dma_wait3A_395, %dma_wait3A_396] : memref<40000x128xf32, #tpu.memory_space<hbm>> -> memref<40000x128xf32, #tpu.memory_space<hbm>>
      tpu.wait_indirect_dma semaphore(%arg13 : memref<!tpu.dma_semaphore, #tpu.memory_space<semaphore_mem>>) src(%dma_wait3A_397 : memref<40000x128xf32, #tpu.memory_space<hbm>>) dst(%arg11 : memref<128x128xf32, #tpu.memory_space<vmem>>)
      %run_scoped3A_398 = arith.constant 18 : i32
      "tpu.region"() ({
        %run_scoped3A_743 = tpu.sem_alloc : memref<!tpu.dma_semaphore, #tpu.memory_space<semaphore_mem>>
        %dma_start3A_744 = arith.constant 0 : i32
        %dma_start3A_745 = tpu.memref_slice %arg8[%run_scoped3A_398, %dma_start3A_744] : memref<20x128xi32, #tpu.memory_space<vmem>> -> memref<1x128xi32, #tpu.memory_space<vmem>>
        %dma_start3A_746 = tpu.memref_squeeze %dma_start3A_745 : memref<1x128xi32, #tpu.memory_space<vmem>> -> memref<128xi32, #tpu.memory_space<vmem>>
        %dma_start3A_747 = arith.constant 0 : i32
        %dma_start3A_748 = arith.constant 0 : i32
        %dma_start3A_749 = tpu.memref_slice %arg6[%dma_start3A_747, %dma_start3A_748] : memref<10008x128xf32, #tpu.memory_space<vmem_shared>> -> memref<10008x128xf32, #tpu.memory_space<vmem_shared>>
        tpu.enqueue_indirect_dma source(%arg11 : memref<128x128xf32, #tpu.memory_space<vmem>>) target(%dma_start3A_749 : memref<10008x128xf32, #tpu.memory_space<vmem_shared>>) offsets(%dma_start3A_746 : memref<128xi32, #tpu.memory_space<vmem>>) semaphore(%run_scoped3A_743 : memref<!tpu.dma_semaphore, #tpu.memory_space<semaphore_mem>>) {add = true}
        %dma_wait3A_750 = arith.constant 0 : i32
        %dma_wait3A_751 = tpu.memref_slice %arg8[%run_scoped3A_398, %dma_wait3A_750] : memref<20x128xi32, #tpu.memory_space<vmem>> -> memref<1x128xi32, #tpu.memory_space<vmem>>
        %dma_wait3A_752 = tpu.memref_squeeze %dma_wait3A_751 : memref<1x128xi32, #tpu.memory_space<vmem>> -> memref<128xi32, #tpu.memory_space<vmem>>
        %dma_wait3A_753 = arith.constant 0 : i32
        %dma_wait3A_754 = arith.constant 0 : i32
        %dma_wait3A_755 = tpu.memref_slice %arg6[%dma_wait3A_753, %dma_wait3A_754] : memref<10008x128xf32, #tpu.memory_space<vmem_shared>> -> memref<10008x128xf32, #tpu.memory_space<vmem_shared>>
        tpu.wait_indirect_dma semaphore(%run_scoped3A_743 : memref<!tpu.dma_semaphore, #tpu.memory_space<semaphore_mem>>) src(%arg11 : memref<128x128xf32, #tpu.memory_space<vmem>>) dst(%dma_wait3A_755 : memref<10008x128xf32, #tpu.memory_space<vmem_shared>>)
        tpu.yield
      }) : () -> ()
      %dma_wait3A_399 = arith.constant 19 : i32
      %dma_wait3A_400 = arith.constant 0 : i32
      %dma_wait3A_401 = tpu.memref_slice %arg7[%dma_wait3A_399, %dma_wait3A_400] : memref<20x128xi32, #tpu.memory_space<vmem>> -> memref<1x128xi32, #tpu.memory_space<vmem>>
      %dma_wait3A_402 = tpu.memref_squeeze %dma_wait3A_401 : memref<1x128xi32, #tpu.memory_space<vmem>> -> memref<128xi32, #tpu.memory_space<vmem>>
      %dma_wait3A_403 = arith.constant 0 : i32
      %dma_wait3A_404 = arith.constant 0 : i32
      %dma_wait3A_405 = tpu.memref_slice %arg2[%dma_wait3A_403, %dma_wait3A_404] : memref<40000x128xf32, #tpu.memory_space<hbm>> -> memref<40000x128xf32, #tpu.memory_space<hbm>>
      tpu.wait_indirect_dma semaphore(%arg14 : memref<!tpu.dma_semaphore, #tpu.memory_space<semaphore_mem>>) src(%dma_wait3A_405 : memref<40000x128xf32, #tpu.memory_space<hbm>>) dst(%arg12 : memref<128x128xf32, #tpu.memory_space<vmem>>)
      %run_scoped3A_406 = arith.constant 19 : i32
      "tpu.region"() ({
        %run_scoped3A_743 = tpu.sem_alloc : memref<!tpu.dma_semaphore, #tpu.memory_space<semaphore_mem>>
        %dma_start3A_744 = arith.constant 0 : i32
        %dma_start3A_745 = tpu.memref_slice %arg8[%run_scoped3A_406, %dma_start3A_744] : memref<20x128xi32, #tpu.memory_space<vmem>> -> memref<1x128xi32, #tpu.memory_space<vmem>>
        %dma_start3A_746 = tpu.memref_squeeze %dma_start3A_745 : memref<1x128xi32, #tpu.memory_space<vmem>> -> memref<128xi32, #tpu.memory_space<vmem>>
        %dma_start3A_747 = arith.constant 0 : i32
        %dma_start3A_748 = arith.constant 0 : i32
        %dma_start3A_749 = tpu.memref_slice %arg6[%dma_start3A_747, %dma_start3A_748] : memref<10008x128xf32, #tpu.memory_space<vmem_shared>> -> memref<10008x128xf32, #tpu.memory_space<vmem_shared>>
        tpu.enqueue_indirect_dma source(%arg12 : memref<128x128xf32, #tpu.memory_space<vmem>>) target(%dma_start3A_749 : memref<10008x128xf32, #tpu.memory_space<vmem_shared>>) offsets(%dma_start3A_746 : memref<128xi32, #tpu.memory_space<vmem>>) semaphore(%run_scoped3A_743 : memref<!tpu.dma_semaphore, #tpu.memory_space<semaphore_mem>>) {add = true}
        %dma_wait3A_750 = arith.constant 0 : i32
        %dma_wait3A_751 = tpu.memref_slice %arg8[%run_scoped3A_406, %dma_wait3A_750] : memref<20x128xi32, #tpu.memory_space<vmem>> -> memref<1x128xi32, #tpu.memory_space<vmem>>
        %dma_wait3A_752 = tpu.memref_squeeze %dma_wait3A_751 : memref<1x128xi32, #tpu.memory_space<vmem>> -> memref<128xi32, #tpu.memory_space<vmem>>
        %dma_wait3A_753 = arith.constant 0 : i32
        %dma_wait3A_754 = arith.constant 0 : i32
        %dma_wait3A_755 = tpu.memref_slice %arg6[%dma_wait3A_753, %dma_wait3A_754] : memref<10008x128xf32, #tpu.memory_space<vmem_shared>> -> memref<10008x128xf32, #tpu.memory_space<vmem_shared>>
        tpu.wait_indirect_dma semaphore(%run_scoped3A_743 : memref<!tpu.dma_semaphore, #tpu.memory_space<semaphore_mem>>) src(%arg12 : memref<128x128xf32, #tpu.memory_space<vmem>>) dst(%dma_wait3A_755 : memref<10008x128xf32, #tpu.memory_space<vmem_shared>>)
        tpu.yield
      }) : () -> ()
      %add3A_407 = arith.constant 2 : i32
      %add3A_408 = arith.addi %mul3A_73, %add3A_407 : i32
      %dma_start3A_409 = arith.constant 0 : i32
      %dma_start3A_410 = arith.constant 0 : i32
      %dma_start3A_411 = tpu.memref_slice %arg3[%arg0, %arg1, %add3A_408, %dma_start3A_409, %dma_start3A_410] : memref<2x16x5x20x128xi32, #tpu.memory_space<hbm>> -> memref<1x1x1x20x128xi32, #tpu.memory_space<hbm>>
      %dma_start3A_412 = tpu.memref_squeeze %dma_start3A_411 : memref<1x1x1x20x128xi32, #tpu.memory_space<hbm>> -> memref<20x128xi32, #tpu.memory_space<hbm>>
      %dma_start3A_413 = arith.constant 0 : i32
      %dma_start3A_414 = arith.constant 0 : i32
      %dma_start3A_415 = tpu.memref_slice %arg3[%arg0, %arg1, %add3A_408, %dma_start3A_413, %dma_start3A_414] : memref<2x16x5x20x128xi32, #tpu.memory_space<hbm>> -> memref<1x1x1x20x128xi32, #tpu.memory_space<hbm>>
      %dma_start3A_416 = tpu.memref_squeeze %dma_start3A_415 : memref<1x1x1x20x128xi32, #tpu.memory_space<hbm>> -> memref<20x128xi32, #tpu.memory_space<hbm>>
      tpu.enqueue_dma source(%dma_start3A_416 : memref<20x128xi32, #tpu.memory_space<hbm>>) target(%arg7 : memref<20x128xi32, #tpu.memory_space<vmem>>) target_semaphore(%arg15 : memref<!tpu.dma_semaphore, #tpu.memory_space<semaphore_mem>>)
      %dma_start3A_417 = arith.constant 0 : i32
      %dma_start3A_418 = arith.constant 0 : i32
      %dma_start3A_419 = tpu.memref_slice %arg4[%arg1, %add3A_408, %dma_start3A_417, %dma_start3A_418] : memref<16x5x20x128xi32, #tpu.memory_space<hbm>> -> memref<1x1x20x128xi32, #tpu.memory_space<hbm>>
      %dma_start3A_420 = tpu.memref_squeeze %dma_start3A_419 : memref<1x1x20x128xi32, #tpu.memory_space<hbm>> -> memref<20x128xi32, #tpu.memory_space<hbm>>
      %dma_start3A_421 = arith.constant 0 : i32
      %dma_start3A_422 = arith.constant 0 : i32
      %dma_start3A_423 = tpu.memref_slice %arg4[%arg1, %add3A_408, %dma_start3A_421, %dma_start3A_422] : memref<16x5x20x128xi32, #tpu.memory_space<hbm>> -> memref<1x1x20x128xi32, #tpu.memory_space<hbm>>
      %dma_start3A_424 = tpu.memref_squeeze %dma_start3A_423 : memref<1x1x20x128xi32, #tpu.memory_space<hbm>> -> memref<20x128xi32, #tpu.memory_space<hbm>>
      tpu.enqueue_dma source(%dma_start3A_424 : memref<20x128xi32, #tpu.memory_space<hbm>>) target(%arg8 : memref<20x128xi32, #tpu.memory_space<vmem>>) target_semaphore(%arg15 : memref<!tpu.dma_semaphore, #tpu.memory_space<semaphore_mem>>)
      %add3A_425 = arith.constant 1 : i32
      %add3A_426 = arith.addi %mul3A_73, %add3A_425 : i32
      %dma_wait3A_427 = arith.constant 0 : i32
      %dma_wait3A_428 = arith.constant 0 : i32
      %dma_wait3A_429 = tpu.memref_slice %arg3[%arg0, %arg1, %add3A_426, %dma_wait3A_427, %dma_wait3A_428] : memref<2x16x5x20x128xi32, #tpu.memory_space<hbm>> -> memref<1x1x1x20x128xi32, #tpu.memory_space<hbm>>
      %dma_wait3A_430 = tpu.memref_squeeze %dma_wait3A_429 : memref<1x1x1x20x128xi32, #tpu.memory_space<hbm>> -> memref<20x128xi32, #tpu.memory_space<hbm>>
      %dma_wait3A_431 = arith.constant 0 : i32
      %dma_wait3A_432 = arith.constant 0 : i32
      %dma_wait3A_433 = tpu.memref_slice %arg3[%arg0, %arg1, %add3A_426, %dma_wait3A_431, %dma_wait3A_432] : memref<2x16x5x20x128xi32, #tpu.memory_space<hbm>> -> memref<1x1x1x20x128xi32, #tpu.memory_space<hbm>>
      %dma_wait3A_434 = tpu.memref_squeeze %dma_wait3A_433 : memref<1x1x1x20x128xi32, #tpu.memory_space<hbm>> -> memref<20x128xi32, #tpu.memory_space<hbm>>
      tpu.wait_dma2 semaphore(%arg16 : memref<!tpu.dma_semaphore, #tpu.memory_space<semaphore_mem>>) src(%dma_wait3A_434 : memref<20x128xi32, #tpu.memory_space<hbm>>) dst(%arg9 : memref<20x128xi32, #tpu.memory_space<vmem>>)
      %dma_wait3A_435 = arith.constant 0 : i32
      %dma_wait3A_436 = arith.constant 0 : i32
      %dma_wait3A_437 = tpu.memref_slice %arg4[%arg1, %add3A_426, %dma_wait3A_435, %dma_wait3A_436] : memref<16x5x20x128xi32, #tpu.memory_space<hbm>> -> memref<1x1x20x128xi32, #tpu.memory_space<hbm>>
      %dma_wait3A_438 = tpu.memref_squeeze %dma_wait3A_437 : memref<1x1x20x128xi32, #tpu.memory_space<hbm>> -> memref<20x128xi32, #tpu.memory_space<hbm>>
      %dma_wait3A_439 = arith.constant 0 : i32
      %dma_wait3A_440 = arith.constant 0 : i32
      %dma_wait3A_441 = tpu.memref_slice %arg4[%arg1, %add3A_426, %dma_wait3A_439, %dma_wait3A_440] : memref<16x5x20x128xi32, #tpu.memory_space<hbm>> -> memref<1x1x20x128xi32, #tpu.memory_space<hbm>>
      %dma_wait3A_442 = tpu.memref_squeeze %dma_wait3A_441 : memref<1x1x20x128xi32, #tpu.memory_space<hbm>> -> memref<20x128xi32, #tpu.memory_space<hbm>>
      tpu.wait_dma2 semaphore(%arg16 : memref<!tpu.dma_semaphore, #tpu.memory_space<semaphore_mem>>) src(%dma_wait3A_442 : memref<20x128xi32, #tpu.memory_space<hbm>>) dst(%arg10 : memref<20x128xi32, #tpu.memory_space<vmem>>)
      %dma_start3A_443 = arith.constant 0 : i32
      %dma_start3A_444 = arith.constant 0 : i32
      %dma_start3A_445 = tpu.memref_slice %arg9[%dma_start3A_443, %dma_start3A_444] : memref<20x128xi32, #tpu.memory_space<vmem>> -> memref<1x128xi32, #tpu.memory_space<vmem>>
      %dma_start3A_446 = tpu.memref_squeeze %dma_start3A_445 : memref<1x128xi32, #tpu.memory_space<vmem>> -> memref<128xi32, #tpu.memory_space<vmem>>
      %dma_start3A_447 = arith.constant 0 : i32
      %dma_start3A_448 = arith.constant 0 : i32
      %dma_start3A_449 = tpu.memref_slice %arg2[%dma_start3A_447, %dma_start3A_448] : memref<40000x128xf32, #tpu.memory_space<hbm>> -> memref<40000x128xf32, #tpu.memory_space<hbm>>
      tpu.enqueue_indirect_dma source(%dma_start3A_449 : memref<40000x128xf32, #tpu.memory_space<hbm>>) target(%arg11 : memref<128x128xf32, #tpu.memory_space<vmem>>) offsets(%dma_start3A_446 : memref<128xi32, #tpu.memory_space<vmem>>) semaphore(%arg13 : memref<!tpu.dma_semaphore, #tpu.memory_space<semaphore_mem>>)
      %dma_start3A_450 = arith.constant 1 : i32
      %dma_start3A_451 = arith.constant 0 : i32
      %dma_start3A_452 = tpu.memref_slice %arg9[%dma_start3A_450, %dma_start3A_451] : memref<20x128xi32, #tpu.memory_space<vmem>> -> memref<1x128xi32, #tpu.memory_space<vmem>>
      %dma_start3A_453 = tpu.memref_squeeze %dma_start3A_452 : memref<1x128xi32, #tpu.memory_space<vmem>> -> memref<128xi32, #tpu.memory_space<vmem>>
      %dma_start3A_454 = arith.constant 0 : i32
      %dma_start3A_455 = arith.constant 0 : i32
      %dma_start3A_456 = tpu.memref_slice %arg2[%dma_start3A_454, %dma_start3A_455] : memref<40000x128xf32, #tpu.memory_space<hbm>> -> memref<40000x128xf32, #tpu.memory_space<hbm>>
      tpu.enqueue_indirect_dma source(%dma_start3A_456 : memref<40000x128xf32, #tpu.memory_space<hbm>>) target(%arg12 : memref<128x128xf32, #tpu.memory_space<vmem>>) offsets(%dma_start3A_453 : memref<128xi32, #tpu.memory_space<vmem>>) semaphore(%arg14 : memref<!tpu.dma_semaphore, #tpu.memory_space<semaphore_mem>>)
      %dma_wait3A_457 = arith.constant 0 : i32
      %dma_wait3A_458 = arith.constant 0 : i32
      %dma_wait3A_459 = tpu.memref_slice %arg9[%dma_wait3A_457, %dma_wait3A_458] : memref<20x128xi32, #tpu.memory_space<vmem>> -> memref<1x128xi32, #tpu.memory_space<vmem>>
      %dma_wait3A_460 = tpu.memref_squeeze %dma_wait3A_459 : memref<1x128xi32, #tpu.memory_space<vmem>> -> memref<128xi32, #tpu.memory_space<vmem>>
      %dma_wait3A_461 = arith.constant 0 : i32
      %dma_wait3A_462 = arith.constant 0 : i32
      %dma_wait3A_463 = tpu.memref_slice %arg2[%dma_wait3A_461, %dma_wait3A_462] : memref<40000x128xf32, #tpu.memory_space<hbm>> -> memref<40000x128xf32, #tpu.memory_space<hbm>>
      tpu.wait_indirect_dma semaphore(%arg13 : memref<!tpu.dma_semaphore, #tpu.memory_space<semaphore_mem>>) src(%dma_wait3A_463 : memref<40000x128xf32, #tpu.memory_space<hbm>>) dst(%arg11 : memref<128x128xf32, #tpu.memory_space<vmem>>)
      %run_scoped3A_464 = arith.constant 0 : i32
      "tpu.region"() ({
        %run_scoped3A_743 = tpu.sem_alloc : memref<!tpu.dma_semaphore, #tpu.memory_space<semaphore_mem>>
        %dma_start3A_744 = arith.constant 0 : i32
        %dma_start3A_745 = tpu.memref_slice %arg10[%run_scoped3A_464, %dma_start3A_744] : memref<20x128xi32, #tpu.memory_space<vmem>> -> memref<1x128xi32, #tpu.memory_space<vmem>>
        %dma_start3A_746 = tpu.memref_squeeze %dma_start3A_745 : memref<1x128xi32, #tpu.memory_space<vmem>> -> memref<128xi32, #tpu.memory_space<vmem>>
        %dma_start3A_747 = arith.constant 0 : i32
        %dma_start3A_748 = arith.constant 0 : i32
        %dma_start3A_749 = tpu.memref_slice %arg6[%dma_start3A_747, %dma_start3A_748] : memref<10008x128xf32, #tpu.memory_space<vmem_shared>> -> memref<10008x128xf32, #tpu.memory_space<vmem_shared>>
        tpu.enqueue_indirect_dma source(%arg11 : memref<128x128xf32, #tpu.memory_space<vmem>>) target(%dma_start3A_749 : memref<10008x128xf32, #tpu.memory_space<vmem_shared>>) offsets(%dma_start3A_746 : memref<128xi32, #tpu.memory_space<vmem>>) semaphore(%run_scoped3A_743 : memref<!tpu.dma_semaphore, #tpu.memory_space<semaphore_mem>>) {add = true}
        %dma_wait3A_750 = arith.constant 0 : i32
        %dma_wait3A_751 = tpu.memref_slice %arg10[%run_scoped3A_464, %dma_wait3A_750] : memref<20x128xi32, #tpu.memory_space<vmem>> -> memref<1x128xi32, #tpu.memory_space<vmem>>
        %dma_wait3A_752 = tpu.memref_squeeze %dma_wait3A_751 : memref<1x128xi32, #tpu.memory_space<vmem>> -> memref<128xi32, #tpu.memory_space<vmem>>
        %dma_wait3A_753 = arith.constant 0 : i32
        %dma_wait3A_754 = arith.constant 0 : i32
        %dma_wait3A_755 = tpu.memref_slice %arg6[%dma_wait3A_753, %dma_wait3A_754] : memref<10008x128xf32, #tpu.memory_space<vmem_shared>> -> memref<10008x128xf32, #tpu.memory_space<vmem_shared>>
        tpu.wait_indirect_dma semaphore(%run_scoped3A_743 : memref<!tpu.dma_semaphore, #tpu.memory_space<semaphore_mem>>) src(%arg11 : memref<128x128xf32, #tpu.memory_space<vmem>>) dst(%dma_wait3A_755 : memref<10008x128xf32, #tpu.memory_space<vmem_shared>>)
        tpu.yield
      }) : () -> ()
      %dma_start3A_465 = arith.constant 2 : i32
      %dma_start3A_466 = arith.constant 0 : i32
      %dma_start3A_467 = tpu.memref_slice %arg9[%dma_start3A_465, %dma_start3A_466] : memref<20x128xi32, #tpu.memory_space<vmem>> -> memref<1x128xi32, #tpu.memory_space<vmem>>
      %dma_start3A_468 = tpu.memref_squeeze %dma_start3A_467 : memref<1x128xi32, #tpu.memory_space<vmem>> -> memref<128xi32, #tpu.memory_space<vmem>>
      %dma_start3A_469 = arith.constant 0 : i32
      %dma_start3A_470 = arith.constant 0 : i32
      %dma_start3A_471 = tpu.memref_slice %arg2[%dma_start3A_469, %dma_start3A_470] : memref<40000x128xf32, #tpu.memory_space<hbm>> -> memref<40000x128xf32, #tpu.memory_space<hbm>>
      tpu.enqueue_indirect_dma source(%dma_start3A_471 : memref<40000x128xf32, #tpu.memory_space<hbm>>) target(%arg11 : memref<128x128xf32, #tpu.memory_space<vmem>>) offsets(%dma_start3A_468 : memref<128xi32, #tpu.memory_space<vmem>>) semaphore(%arg13 : memref<!tpu.dma_semaphore, #tpu.memory_space<semaphore_mem>>)
      %dma_wait3A_472 = arith.constant 1 : i32
      %dma_wait3A_473 = arith.constant 0 : i32
      %dma_wait3A_474 = tpu.memref_slice %arg9[%dma_wait3A_472, %dma_wait3A_473] : memref<20x128xi32, #tpu.memory_space<vmem>> -> memref<1x128xi32, #tpu.memory_space<vmem>>
      %dma_wait3A_475 = tpu.memref_squeeze %dma_wait3A_474 : memref<1x128xi32, #tpu.memory_space<vmem>> -> memref<128xi32, #tpu.memory_space<vmem>>
      %dma_wait3A_476 = arith.constant 0 : i32
      %dma_wait3A_477 = arith.constant 0 : i32
      %dma_wait3A_478 = tpu.memref_slice %arg2[%dma_wait3A_476, %dma_wait3A_477] : memref<40000x128xf32, #tpu.memory_space<hbm>> -> memref<40000x128xf32, #tpu.memory_space<hbm>>
      tpu.wait_indirect_dma semaphore(%arg14 : memref<!tpu.dma_semaphore, #tpu.memory_space<semaphore_mem>>) src(%dma_wait3A_478 : memref<40000x128xf32, #tpu.memory_space<hbm>>) dst(%arg12 : memref<128x128xf32, #tpu.memory_space<vmem>>)
      %run_scoped3A_479 = arith.constant 1 : i32
      "tpu.region"() ({
        %run_scoped3A_743 = tpu.sem_alloc : memref<!tpu.dma_semaphore, #tpu.memory_space<semaphore_mem>>
        %dma_start3A_744 = arith.constant 0 : i32
        %dma_start3A_745 = tpu.memref_slice %arg10[%run_scoped3A_479, %dma_start3A_744] : memref<20x128xi32, #tpu.memory_space<vmem>> -> memref<1x128xi32, #tpu.memory_space<vmem>>
        %dma_start3A_746 = tpu.memref_squeeze %dma_start3A_745 : memref<1x128xi32, #tpu.memory_space<vmem>> -> memref<128xi32, #tpu.memory_space<vmem>>
        %dma_start3A_747 = arith.constant 0 : i32
        %dma_start3A_748 = arith.constant 0 : i32
        %dma_start3A_749 = tpu.memref_slice %arg6[%dma_start3A_747, %dma_start3A_748] : memref<10008x128xf32, #tpu.memory_space<vmem_shared>> -> memref<10008x128xf32, #tpu.memory_space<vmem_shared>>
        tpu.enqueue_indirect_dma source(%arg12 : memref<128x128xf32, #tpu.memory_space<vmem>>) target(%dma_start3A_749 : memref<10008x128xf32, #tpu.memory_space<vmem_shared>>) offsets(%dma_start3A_746 : memref<128xi32, #tpu.memory_space<vmem>>) semaphore(%run_scoped3A_743 : memref<!tpu.dma_semaphore, #tpu.memory_space<semaphore_mem>>) {add = true}
        %dma_wait3A_750 = arith.constant 0 : i32
        %dma_wait3A_751 = tpu.memref_slice %arg10[%run_scoped3A_479, %dma_wait3A_750] : memref<20x128xi32, #tpu.memory_space<vmem>> -> memref<1x128xi32, #tpu.memory_space<vmem>>
        %dma_wait3A_752 = tpu.memref_squeeze %dma_wait3A_751 : memref<1x128xi32, #tpu.memory_space<vmem>> -> memref<128xi32, #tpu.memory_space<vmem>>
        %dma_wait3A_753 = arith.constant 0 : i32
        %dma_wait3A_754 = arith.constant 0 : i32
        %dma_wait3A_755 = tpu.memref_slice %arg6[%dma_wait3A_753, %dma_wait3A_754] : memref<10008x128xf32, #tpu.memory_space<vmem_shared>> -> memref<10008x128xf32, #tpu.memory_space<vmem_shared>>
        tpu.wait_indirect_dma semaphore(%run_scoped3A_743 : memref<!tpu.dma_semaphore, #tpu.memory_space<semaphore_mem>>) src(%arg12 : memref<128x128xf32, #tpu.memory_space<vmem>>) dst(%dma_wait3A_755 : memref<10008x128xf32, #tpu.memory_space<vmem_shared>>)
        tpu.yield
      }) : () -> ()
      %dma_start3A_480 = arith.constant 3 : i32
      %dma_start3A_481 = arith.constant 0 : i32
      %dma_start3A_482 = tpu.memref_slice %arg9[%dma_start3A_480, %dma_start3A_481] : memref<20x128xi32, #tpu.memory_space<vmem>> -> memref<1x128xi32, #tpu.memory_space<vmem>>
      %dma_start3A_483 = tpu.memref_squeeze %dma_start3A_482 : memref<1x128xi32, #tpu.memory_space<vmem>> -> memref<128xi32, #tpu.memory_space<vmem>>
      %dma_start3A_484 = arith.constant 0 : i32
      %dma_start3A_485 = arith.constant 0 : i32
      %dma_start3A_486 = tpu.memref_slice %arg2[%dma_start3A_484, %dma_start3A_485] : memref<40000x128xf32, #tpu.memory_space<hbm>> -> memref<40000x128xf32, #tpu.memory_space<hbm>>
      tpu.enqueue_indirect_dma source(%dma_start3A_486 : memref<40000x128xf32, #tpu.memory_space<hbm>>) target(%arg12 : memref<128x128xf32, #tpu.memory_space<vmem>>) offsets(%dma_start3A_483 : memref<128xi32, #tpu.memory_space<vmem>>) semaphore(%arg14 : memref<!tpu.dma_semaphore, #tpu.memory_space<semaphore_mem>>)
      %dma_wait3A_487 = arith.constant 2 : i32
      %dma_wait3A_488 = arith.constant 0 : i32
      %dma_wait3A_489 = tpu.memref_slice %arg9[%dma_wait3A_487, %dma_wait3A_488] : memref<20x128xi32, #tpu.memory_space<vmem>> -> memref<1x128xi32, #tpu.memory_space<vmem>>
      %dma_wait3A_490 = tpu.memref_squeeze %dma_wait3A_489 : memref<1x128xi32, #tpu.memory_space<vmem>> -> memref<128xi32, #tpu.memory_space<vmem>>
      %dma_wait3A_491 = arith.constant 0 : i32
      %dma_wait3A_492 = arith.constant 0 : i32
      %dma_wait3A_493 = tpu.memref_slice %arg2[%dma_wait3A_491, %dma_wait3A_492] : memref<40000x128xf32, #tpu.memory_space<hbm>> -> memref<40000x128xf32, #tpu.memory_space<hbm>>
      tpu.wait_indirect_dma semaphore(%arg13 : memref<!tpu.dma_semaphore, #tpu.memory_space<semaphore_mem>>) src(%dma_wait3A_493 : memref<40000x128xf32, #tpu.memory_space<hbm>>) dst(%arg11 : memref<128x128xf32, #tpu.memory_space<vmem>>)
      %run_scoped3A_494 = arith.constant 2 : i32
      "tpu.region"() ({
        %run_scoped3A_743 = tpu.sem_alloc : memref<!tpu.dma_semaphore, #tpu.memory_space<semaphore_mem>>
        %dma_start3A_744 = arith.constant 0 : i32
        %dma_start3A_745 = tpu.memref_slice %arg10[%run_scoped3A_494, %dma_start3A_744] : memref<20x128xi32, #tpu.memory_space<vmem>> -> memref<1x128xi32, #tpu.memory_space<vmem>>
        %dma_start3A_746 = tpu.memref_squeeze %dma_start3A_745 : memref<1x128xi32, #tpu.memory_space<vmem>> -> memref<128xi32, #tpu.memory_space<vmem>>
        %dma_start3A_747 = arith.constant 0 : i32
        %dma_start3A_748 = arith.constant 0 : i32
        %dma_start3A_749 = tpu.memref_slice %arg6[%dma_start3A_747, %dma_start3A_748] : memref<10008x128xf32, #tpu.memory_space<vmem_shared>> -> memref<10008x128xf32, #tpu.memory_space<vmem_shared>>
        tpu.enqueue_indirect_dma source(%arg11 : memref<128x128xf32, #tpu.memory_space<vmem>>) target(%dma_start3A_749 : memref<10008x128xf32, #tpu.memory_space<vmem_shared>>) offsets(%dma_start3A_746 : memref<128xi32, #tpu.memory_space<vmem>>) semaphore(%run_scoped3A_743 : memref<!tpu.dma_semaphore, #tpu.memory_space<semaphore_mem>>) {add = true}
        %dma_wait3A_750 = arith.constant 0 : i32
        %dma_wait3A_751 = tpu.memref_slice %arg10[%run_scoped3A_494, %dma_wait3A_750] : memref<20x128xi32, #tpu.memory_space<vmem>> -> memref<1x128xi32, #tpu.memory_space<vmem>>
        %dma_wait3A_752 = tpu.memref_squeeze %dma_wait3A_751 : memref<1x128xi32, #tpu.memory_space<vmem>> -> memref<128xi32, #tpu.memory_space<vmem>>
        %dma_wait3A_753 = arith.constant 0 : i32
        %dma_wait3A_754 = arith.constant 0 : i32
        %dma_wait3A_755 = tpu.memref_slice %arg6[%dma_wait3A_753, %dma_wait3A_754] : memref<10008x128xf32, #tpu.memory_space<vmem_shared>> -> memref<10008x128xf32, #tpu.memory_space<vmem_shared>>
        tpu.wait_indirect_dma semaphore(%run_scoped3A_743 : memref<!tpu.dma_semaphore, #tpu.memory_space<semaphore_mem>>) src(%arg11 : memref<128x128xf32, #tpu.memory_space<vmem>>) dst(%dma_wait3A_755 : memref<10008x128xf32, #tpu.memory_space<vmem_shared>>)
        tpu.yield
      }) : () -> ()
      %dma_start3A_495 = arith.constant 4 : i32
      %dma_start3A_496 = arith.constant 0 : i32
      %dma_start3A_497 = tpu.memref_slice %arg9[%dma_start3A_495, %dma_start3A_496] : memref<20x128xi32, #tpu.memory_space<vmem>> -> memref<1x128xi32, #tpu.memory_space<vmem>>
      %dma_start3A_498 = tpu.memref_squeeze %dma_start3A_497 : memref<1x128xi32, #tpu.memory_space<vmem>> -> memref<128xi32, #tpu.memory_space<vmem>>
      %dma_start3A_499 = arith.constant 0 : i32
      %dma_start3A_500 = arith.constant 0 : i32
      %dma_start3A_501 = tpu.memref_slice %arg2[%dma_start3A_499, %dma_start3A_500] : memref<40000x128xf32, #tpu.memory_space<hbm>> -> memref<40000x128xf32, #tpu.memory_space<hbm>>
      tpu.enqueue_indirect_dma source(%dma_start3A_501 : memref<40000x128xf32, #tpu.memory_space<hbm>>) target(%arg11 : memref<128x128xf32, #tpu.memory_space<vmem>>) offsets(%dma_start3A_498 : memref<128xi32, #tpu.memory_space<vmem>>) semaphore(%arg13 : memref<!tpu.dma_semaphore, #tpu.memory_space<semaphore_mem>>)
      %dma_wait3A_502 = arith.constant 3 : i32
      %dma_wait3A_503 = arith.constant 0 : i32
      %dma_wait3A_504 = tpu.memref_slice %arg9[%dma_wait3A_502, %dma_wait3A_503] : memref<20x128xi32, #tpu.memory_space<vmem>> -> memref<1x128xi32, #tpu.memory_space<vmem>>
      %dma_wait3A_505 = tpu.memref_squeeze %dma_wait3A_504 : memref<1x128xi32, #tpu.memory_space<vmem>> -> memref<128xi32, #tpu.memory_space<vmem>>
      %dma_wait3A_506 = arith.constant 0 : i32
      %dma_wait3A_507 = arith.constant 0 : i32
      %dma_wait3A_508 = tpu.memref_slice %arg2[%dma_wait3A_506, %dma_wait3A_507] : memref<40000x128xf32, #tpu.memory_space<hbm>> -> memref<40000x128xf32, #tpu.memory_space<hbm>>
      tpu.wait_indirect_dma semaphore(%arg14 : memref<!tpu.dma_semaphore, #tpu.memory_space<semaphore_mem>>) src(%dma_wait3A_508 : memref<40000x128xf32, #tpu.memory_space<hbm>>) dst(%arg12 : memref<128x128xf32, #tpu.memory_space<vmem>>)
      %run_scoped3A_509 = arith.constant 3 : i32
      "tpu.region"() ({
        %run_scoped3A_743 = tpu.sem_alloc : memref<!tpu.dma_semaphore, #tpu.memory_space<semaphore_mem>>
        %dma_start3A_744 = arith.constant 0 : i32
        %dma_start3A_745 = tpu.memref_slice %arg10[%run_scoped3A_509, %dma_start3A_744] : memref<20x128xi32, #tpu.memory_space<vmem>> -> memref<1x128xi32, #tpu.memory_space<vmem>>
        %dma_start3A_746 = tpu.memref_squeeze %dma_start3A_745 : memref<1x128xi32, #tpu.memory_space<vmem>> -> memref<128xi32, #tpu.memory_space<vmem>>
        %dma_start3A_747 = arith.constant 0 : i32
        %dma_start3A_748 = arith.constant 0 : i32
        %dma_start3A_749 = tpu.memref_slice %arg6[%dma_start3A_747, %dma_start3A_748] : memref<10008x128xf32, #tpu.memory_space<vmem_shared>> -> memref<10008x128xf32, #tpu.memory_space<vmem_shared>>
        tpu.enqueue_indirect_dma source(%arg12 : memref<128x128xf32, #tpu.memory_space<vmem>>) target(%dma_start3A_749 : memref<10008x128xf32, #tpu.memory_space<vmem_shared>>) offsets(%dma_start3A_746 : memref<128xi32, #tpu.memory_space<vmem>>) semaphore(%run_scoped3A_743 : memref<!tpu.dma_semaphore, #tpu.memory_space<semaphore_mem>>) {add = true}
        %dma_wait3A_750 = arith.constant 0 : i32
        %dma_wait3A_751 = tpu.memref_slice %arg10[%run_scoped3A_509, %dma_wait3A_750] : memref<20x128xi32, #tpu.memory_space<vmem>> -> memref<1x128xi32, #tpu.memory_space<vmem>>
        %dma_wait3A_752 = tpu.memref_squeeze %dma_wait3A_751 : memref<1x128xi32, #tpu.memory_space<vmem>> -> memref<128xi32, #tpu.memory_space<vmem>>
        %dma_wait3A_753 = arith.constant 0 : i32
        %dma_wait3A_754 = arith.constant 0 : i32
        %dma_wait3A_755 = tpu.memref_slice %arg6[%dma_wait3A_753, %dma_wait3A_754] : memref<10008x128xf32, #tpu.memory_space<vmem_shared>> -> memref<10008x128xf32, #tpu.memory_space<vmem_shared>>
        tpu.wait_indirect_dma semaphore(%run_scoped3A_743 : memref<!tpu.dma_semaphore, #tpu.memory_space<semaphore_mem>>) src(%arg12 : memref<128x128xf32, #tpu.memory_space<vmem>>) dst(%dma_wait3A_755 : memref<10008x128xf32, #tpu.memory_space<vmem_shared>>)
        tpu.yield
      }) : () -> ()
      %dma_start3A_510 = arith.constant 5 : i32
      %dma_start3A_511 = arith.constant 0 : i32
      %dma_start3A_512 = tpu.memref_slice %arg9[%dma_start3A_510, %dma_start3A_511] : memref<20x128xi32, #tpu.memory_space<vmem>> -> memref<1x128xi32, #tpu.memory_space<vmem>>
      %dma_start3A_513 = tpu.memref_squeeze %dma_start3A_512 : memref<1x128xi32, #tpu.memory_space<vmem>> -> memref<128xi32, #tpu.memory_space<vmem>>
      %dma_start3A_514 = arith.constant 0 : i32
      %dma_start3A_515 = arith.constant 0 : i32
      %dma_start3A_516 = tpu.memref_slice %arg2[%dma_start3A_514, %dma_start3A_515] : memref<40000x128xf32, #tpu.memory_space<hbm>> -> memref<40000x128xf32, #tpu.memory_space<hbm>>
      tpu.enqueue_indirect_dma source(%dma_start3A_516 : memref<40000x128xf32, #tpu.memory_space<hbm>>) target(%arg12 : memref<128x128xf32, #tpu.memory_space<vmem>>) offsets(%dma_start3A_513 : memref<128xi32, #tpu.memory_space<vmem>>) semaphore(%arg14 : memref<!tpu.dma_semaphore, #tpu.memory_space<semaphore_mem>>)
      %dma_wait3A_517 = arith.constant 4 : i32
      %dma_wait3A_518 = arith.constant 0 : i32
      %dma_wait3A_519 = tpu.memref_slice %arg9[%dma_wait3A_517, %dma_wait3A_518] : memref<20x128xi32, #tpu.memory_space<vmem>> -> memref<1x128xi32, #tpu.memory_space<vmem>>
      %dma_wait3A_520 = tpu.memref_squeeze %dma_wait3A_519 : memref<1x128xi32, #tpu.memory_space<vmem>> -> memref<128xi32, #tpu.memory_space<vmem>>
      %dma_wait3A_521 = arith.constant 0 : i32
      %dma_wait3A_522 = arith.constant 0 : i32
      %dma_wait3A_523 = tpu.memref_slice %arg2[%dma_wait3A_521, %dma_wait3A_522] : memref<40000x128xf32, #tpu.memory_space<hbm>> -> memref<40000x128xf32, #tpu.memory_space<hbm>>
      tpu.wait_indirect_dma semaphore(%arg13 : memref<!tpu.dma_semaphore, #tpu.memory_space<semaphore_mem>>) src(%dma_wait3A_523 : memref<40000x128xf32, #tpu.memory_space<hbm>>) dst(%arg11 : memref<128x128xf32, #tpu.memory_space<vmem>>)
      %run_scoped3A_524 = arith.constant 4 : i32
      "tpu.region"() ({
        %run_scoped3A_743 = tpu.sem_alloc : memref<!tpu.dma_semaphore, #tpu.memory_space<semaphore_mem>>
        %dma_start3A_744 = arith.constant 0 : i32
        %dma_start3A_745 = tpu.memref_slice %arg10[%run_scoped3A_524, %dma_start3A_744] : memref<20x128xi32, #tpu.memory_space<vmem>> -> memref<1x128xi32, #tpu.memory_space<vmem>>
        %dma_start3A_746 = tpu.memref_squeeze %dma_start3A_745 : memref<1x128xi32, #tpu.memory_space<vmem>> -> memref<128xi32, #tpu.memory_space<vmem>>
        %dma_start3A_747 = arith.constant 0 : i32
        %dma_start3A_748 = arith.constant 0 : i32
        %dma_start3A_749 = tpu.memref_slice %arg6[%dma_start3A_747, %dma_start3A_748] : memref<10008x128xf32, #tpu.memory_space<vmem_shared>> -> memref<10008x128xf32, #tpu.memory_space<vmem_shared>>
        tpu.enqueue_indirect_dma source(%arg11 : memref<128x128xf32, #tpu.memory_space<vmem>>) target(%dma_start3A_749 : memref<10008x128xf32, #tpu.memory_space<vmem_shared>>) offsets(%dma_start3A_746 : memref<128xi32, #tpu.memory_space<vmem>>) semaphore(%run_scoped3A_743 : memref<!tpu.dma_semaphore, #tpu.memory_space<semaphore_mem>>) {add = true}
        %dma_wait3A_750 = arith.constant 0 : i32
        %dma_wait3A_751 = tpu.memref_slice %arg10[%run_scoped3A_524, %dma_wait3A_750] : memref<20x128xi32, #tpu.memory_space<vmem>> -> memref<1x128xi32, #tpu.memory_space<vmem>>
        %dma_wait3A_752 = tpu.memref_squeeze %dma_wait3A_751 : memref<1x128xi32, #tpu.memory_space<vmem>> -> memref<128xi32, #tpu.memory_space<vmem>>
        %dma_wait3A_753 = arith.constant 0 : i32
        %dma_wait3A_754 = arith.constant 0 : i32
        %dma_wait3A_755 = tpu.memref_slice %arg6[%dma_wait3A_753, %dma_wait3A_754] : memref<10008x128xf32, #tpu.memory_space<vmem_shared>> -> memref<10008x128xf32, #tpu.memory_space<vmem_shared>>
        tpu.wait_indirect_dma semaphore(%run_scoped3A_743 : memref<!tpu.dma_semaphore, #tpu.memory_space<semaphore_mem>>) src(%arg11 : memref<128x128xf32, #tpu.memory_space<vmem>>) dst(%dma_wait3A_755 : memref<10008x128xf32, #tpu.memory_space<vmem_shared>>)
        tpu.yield
      }) : () -> ()
      %dma_start3A_525 = arith.constant 6 : i32
      %dma_start3A_526 = arith.constant 0 : i32
      %dma_start3A_527 = tpu.memref_slice %arg9[%dma_start3A_525, %dma_start3A_526] : memref<20x128xi32, #tpu.memory_space<vmem>> -> memref<1x128xi32, #tpu.memory_space<vmem>>
      %dma_start3A_528 = tpu.memref_squeeze %dma_start3A_527 : memref<1x128xi32, #tpu.memory_space<vmem>> -> memref<128xi32, #tpu.memory_space<vmem>>
      %dma_start3A_529 = arith.constant 0 : i32
      %dma_start3A_530 = arith.constant 0 : i32
      %dma_start3A_531 = tpu.memref_slice %arg2[%dma_start3A_529, %dma_start3A_530] : memref<40000x128xf32, #tpu.memory_space<hbm>> -> memref<40000x128xf32, #tpu.memory_space<hbm>>
      tpu.enqueue_indirect_dma source(%dma_start3A_531 : memref<40000x128xf32, #tpu.memory_space<hbm>>) target(%arg11 : memref<128x128xf32, #tpu.memory_space<vmem>>) offsets(%dma_start3A_528 : memref<128xi32, #tpu.memory_space<vmem>>) semaphore(%arg13 : memref<!tpu.dma_semaphore, #tpu.memory_space<semaphore_mem>>)
      %dma_wait3A_532 = arith.constant 5 : i32
      %dma_wait3A_533 = arith.constant 0 : i32
      %dma_wait3A_534 = tpu.memref_slice %arg9[%dma_wait3A_532, %dma_wait3A_533] : memref<20x128xi32, #tpu.memory_space<vmem>> -> memref<1x128xi32, #tpu.memory_space<vmem>>
      %dma_wait3A_535 = tpu.memref_squeeze %dma_wait3A_534 : memref<1x128xi32, #tpu.memory_space<vmem>> -> memref<128xi32, #tpu.memory_space<vmem>>
      %dma_wait3A_536 = arith.constant 0 : i32
      %dma_wait3A_537 = arith.constant 0 : i32
      %dma_wait3A_538 = tpu.memref_slice %arg2[%dma_wait3A_536, %dma_wait3A_537] : memref<40000x128xf32, #tpu.memory_space<hbm>> -> memref<40000x128xf32, #tpu.memory_space<hbm>>
      tpu.wait_indirect_dma semaphore(%arg14 : memref<!tpu.dma_semaphore, #tpu.memory_space<semaphore_mem>>) src(%dma_wait3A_538 : memref<40000x128xf32, #tpu.memory_space<hbm>>) dst(%arg12 : memref<128x128xf32, #tpu.memory_space<vmem>>)
      %run_scoped3A_539 = arith.constant 5 : i32
      "tpu.region"() ({
        %run_scoped3A_743 = tpu.sem_alloc : memref<!tpu.dma_semaphore, #tpu.memory_space<semaphore_mem>>
        %dma_start3A_744 = arith.constant 0 : i32
        %dma_start3A_745 = tpu.memref_slice %arg10[%run_scoped3A_539, %dma_start3A_744] : memref<20x128xi32, #tpu.memory_space<vmem>> -> memref<1x128xi32, #tpu.memory_space<vmem>>
        %dma_start3A_746 = tpu.memref_squeeze %dma_start3A_745 : memref<1x128xi32, #tpu.memory_space<vmem>> -> memref<128xi32, #tpu.memory_space<vmem>>
        %dma_start3A_747 = arith.constant 0 : i32
        %dma_start3A_748 = arith.constant 0 : i32
        %dma_start3A_749 = tpu.memref_slice %arg6[%dma_start3A_747, %dma_start3A_748] : memref<10008x128xf32, #tpu.memory_space<vmem_shared>> -> memref<10008x128xf32, #tpu.memory_space<vmem_shared>>
        tpu.enqueue_indirect_dma source(%arg12 : memref<128x128xf32, #tpu.memory_space<vmem>>) target(%dma_start3A_749 : memref<10008x128xf32, #tpu.memory_space<vmem_shared>>) offsets(%dma_start3A_746 : memref<128xi32, #tpu.memory_space<vmem>>) semaphore(%run_scoped3A_743 : memref<!tpu.dma_semaphore, #tpu.memory_space<semaphore_mem>>) {add = true}
        %dma_wait3A_750 = arith.constant 0 : i32
        %dma_wait3A_751 = tpu.memref_slice %arg10[%run_scoped3A_539, %dma_wait3A_750] : memref<20x128xi32, #tpu.memory_space<vmem>> -> memref<1x128xi32, #tpu.memory_space<vmem>>
        %dma_wait3A_752 = tpu.memref_squeeze %dma_wait3A_751 : memref<1x128xi32, #tpu.memory_space<vmem>> -> memref<128xi32, #tpu.memory_space<vmem>>
        %dma_wait3A_753 = arith.constant 0 : i32
        %dma_wait3A_754 = arith.constant 0 : i32
        %dma_wait3A_755 = tpu.memref_slice %arg6[%dma_wait3A_753, %dma_wait3A_754] : memref<10008x128xf32, #tpu.memory_space<vmem_shared>> -> memref<10008x128xf32, #tpu.memory_space<vmem_shared>>
        tpu.wait_indirect_dma semaphore(%run_scoped3A_743 : memref<!tpu.dma_semaphore, #tpu.memory_space<semaphore_mem>>) src(%arg12 : memref<128x128xf32, #tpu.memory_space<vmem>>) dst(%dma_wait3A_755 : memref<10008x128xf32, #tpu.memory_space<vmem_shared>>)
        tpu.yield
      }) : () -> ()
      %dma_start3A_540 = arith.constant 7 : i32
      %dma_start3A_541 = arith.constant 0 : i32
      %dma_start3A_542 = tpu.memref_slice %arg9[%dma_start3A_540, %dma_start3A_541] : memref<20x128xi32, #tpu.memory_space<vmem>> -> memref<1x128xi32, #tpu.memory_space<vmem>>
      %dma_start3A_543 = tpu.memref_squeeze %dma_start3A_542 : memref<1x128xi32, #tpu.memory_space<vmem>> -> memref<128xi32, #tpu.memory_space<vmem>>
      %dma_start3A_544 = arith.constant 0 : i32
      %dma_start3A_545 = arith.constant 0 : i32
      %dma_start3A_546 = tpu.memref_slice %arg2[%dma_start3A_544, %dma_start3A_545] : memref<40000x128xf32, #tpu.memory_space<hbm>> -> memref<40000x128xf32, #tpu.memory_space<hbm>>
      tpu.enqueue_indirect_dma source(%dma_start3A_546 : memref<40000x128xf32, #tpu.memory_space<hbm>>) target(%arg12 : memref<128x128xf32, #tpu.memory_space<vmem>>) offsets(%dma_start3A_543 : memref<128xi32, #tpu.memory_space<vmem>>) semaphore(%arg14 : memref<!tpu.dma_semaphore, #tpu.memory_space<semaphore_mem>>)
      %dma_wait3A_547 = arith.constant 6 : i32
      %dma_wait3A_548 = arith.constant 0 : i32
      %dma_wait3A_549 = tpu.memref_slice %arg9[%dma_wait3A_547, %dma_wait3A_548] : memref<20x128xi32, #tpu.memory_space<vmem>> -> memref<1x128xi32, #tpu.memory_space<vmem>>
      %dma_wait3A_550 = tpu.memref_squeeze %dma_wait3A_549 : memref<1x128xi32, #tpu.memory_space<vmem>> -> memref<128xi32, #tpu.memory_space<vmem>>
      %dma_wait3A_551 = arith.constant 0 : i32
      %dma_wait3A_552 = arith.constant 0 : i32
      %dma_wait3A_553 = tpu.memref_slice %arg2[%dma_wait3A_551, %dma_wait3A_552] : memref<40000x128xf32, #tpu.memory_space<hbm>> -> memref<40000x128xf32, #tpu.memory_space<hbm>>
      tpu.wait_indirect_dma semaphore(%arg13 : memref<!tpu.dma_semaphore, #tpu.memory_space<semaphore_mem>>) src(%dma_wait3A_553 : memref<40000x128xf32, #tpu.memory_space<hbm>>) dst(%arg11 : memref<128x128xf32, #tpu.memory_space<vmem>>)
      %run_scoped3A_554 = arith.constant 6 : i32
      "tpu.region"() ({
        %run_scoped3A_743 = tpu.sem_alloc : memref<!tpu.dma_semaphore, #tpu.memory_space<semaphore_mem>>
        %dma_start3A_744 = arith.constant 0 : i32
        %dma_start3A_745 = tpu.memref_slice %arg10[%run_scoped3A_554, %dma_start3A_744] : memref<20x128xi32, #tpu.memory_space<vmem>> -> memref<1x128xi32, #tpu.memory_space<vmem>>
        %dma_start3A_746 = tpu.memref_squeeze %dma_start3A_745 : memref<1x128xi32, #tpu.memory_space<vmem>> -> memref<128xi32, #tpu.memory_space<vmem>>
        %dma_start3A_747 = arith.constant 0 : i32
        %dma_start3A_748 = arith.constant 0 : i32
        %dma_start3A_749 = tpu.memref_slice %arg6[%dma_start3A_747, %dma_start3A_748] : memref<10008x128xf32, #tpu.memory_space<vmem_shared>> -> memref<10008x128xf32, #tpu.memory_space<vmem_shared>>
        tpu.enqueue_indirect_dma source(%arg11 : memref<128x128xf32, #tpu.memory_space<vmem>>) target(%dma_start3A_749 : memref<10008x128xf32, #tpu.memory_space<vmem_shared>>) offsets(%dma_start3A_746 : memref<128xi32, #tpu.memory_space<vmem>>) semaphore(%run_scoped3A_743 : memref<!tpu.dma_semaphore, #tpu.memory_space<semaphore_mem>>) {add = true}
        %dma_wait3A_750 = arith.constant 0 : i32
        %dma_wait3A_751 = tpu.memref_slice %arg10[%run_scoped3A_554, %dma_wait3A_750] : memref<20x128xi32, #tpu.memory_space<vmem>> -> memref<1x128xi32, #tpu.memory_space<vmem>>
        %dma_wait3A_752 = tpu.memref_squeeze %dma_wait3A_751 : memref<1x128xi32, #tpu.memory_space<vmem>> -> memref<128xi32, #tpu.memory_space<vmem>>
        %dma_wait3A_753 = arith.constant 0 : i32
        %dma_wait3A_754 = arith.constant 0 : i32
        %dma_wait3A_755 = tpu.memref_slice %arg6[%dma_wait3A_753, %dma_wait3A_754] : memref<10008x128xf32, #tpu.memory_space<vmem_shared>> -> memref<10008x128xf32, #tpu.memory_space<vmem_shared>>
        tpu.wait_indirect_dma semaphore(%run_scoped3A_743 : memref<!tpu.dma_semaphore, #tpu.memory_space<semaphore_mem>>) src(%arg11 : memref<128x128xf32, #tpu.memory_space<vmem>>) dst(%dma_wait3A_755 : memref<10008x128xf32, #tpu.memory_space<vmem_shared>>)
        tpu.yield
      }) : () -> ()
      %dma_start3A_555 = arith.constant 8 : i32
      %dma_start3A_556 = arith.constant 0 : i32
      %dma_start3A_557 = tpu.memref_slice %arg9[%dma_start3A_555, %dma_start3A_556] : memref<20x128xi32, #tpu.memory_space<vmem>> -> memref<1x128xi32, #tpu.memory_space<vmem>>
      %dma_start3A_558 = tpu.memref_squeeze %dma_start3A_557 : memref<1x128xi32, #tpu.memory_space<vmem>> -> memref<128xi32, #tpu.memory_space<vmem>>
      %dma_start3A_559 = arith.constant 0 : i32
      %dma_start3A_560 = arith.constant 0 : i32
      %dma_start3A_561 = tpu.memref_slice %arg2[%dma_start3A_559, %dma_start3A_560] : memref<40000x128xf32, #tpu.memory_space<hbm>> -> memref<40000x128xf32, #tpu.memory_space<hbm>>
      tpu.enqueue_indirect_dma source(%dma_start3A_561 : memref<40000x128xf32, #tpu.memory_space<hbm>>) target(%arg11 : memref<128x128xf32, #tpu.memory_space<vmem>>) offsets(%dma_start3A_558 : memref<128xi32, #tpu.memory_space<vmem>>) semaphore(%arg13 : memref<!tpu.dma_semaphore, #tpu.memory_space<semaphore_mem>>)
      %dma_wait3A_562 = arith.constant 7 : i32
      %dma_wait3A_563 = arith.constant 0 : i32
      %dma_wait3A_564 = tpu.memref_slice %arg9[%dma_wait3A_562, %dma_wait3A_563] : memref<20x128xi32, #tpu.memory_space<vmem>> -> memref<1x128xi32, #tpu.memory_space<vmem>>
      %dma_wait3A_565 = tpu.memref_squeeze %dma_wait3A_564 : memref<1x128xi32, #tpu.memory_space<vmem>> -> memref<128xi32, #tpu.memory_space<vmem>>
      %dma_wait3A_566 = arith.constant 0 : i32
      %dma_wait3A_567 = arith.constant 0 : i32
      %dma_wait3A_568 = tpu.memref_slice %arg2[%dma_wait3A_566, %dma_wait3A_567] : memref<40000x128xf32, #tpu.memory_space<hbm>> -> memref<40000x128xf32, #tpu.memory_space<hbm>>
      tpu.wait_indirect_dma semaphore(%arg14 : memref<!tpu.dma_semaphore, #tpu.memory_space<semaphore_mem>>) src(%dma_wait3A_568 : memref<40000x128xf32, #tpu.memory_space<hbm>>) dst(%arg12 : memref<128x128xf32, #tpu.memory_space<vmem>>)
      %run_scoped3A_569 = arith.constant 7 : i32
      "tpu.region"() ({
        %run_scoped3A_743 = tpu.sem_alloc : memref<!tpu.dma_semaphore, #tpu.memory_space<semaphore_mem>>
        %dma_start3A_744 = arith.constant 0 : i32
        %dma_start3A_745 = tpu.memref_slice %arg10[%run_scoped3A_569, %dma_start3A_744] : memref<20x128xi32, #tpu.memory_space<vmem>> -> memref<1x128xi32, #tpu.memory_space<vmem>>
        %dma_start3A_746 = tpu.memref_squeeze %dma_start3A_745 : memref<1x128xi32, #tpu.memory_space<vmem>> -> memref<128xi32, #tpu.memory_space<vmem>>
        %dma_start3A_747 = arith.constant 0 : i32
        %dma_start3A_748 = arith.constant 0 : i32
        %dma_start3A_749 = tpu.memref_slice %arg6[%dma_start3A_747, %dma_start3A_748] : memref<10008x128xf32, #tpu.memory_space<vmem_shared>> -> memref<10008x128xf32, #tpu.memory_space<vmem_shared>>
        tpu.enqueue_indirect_dma source(%arg12 : memref<128x128xf32, #tpu.memory_space<vmem>>) target(%dma_start3A_749 : memref<10008x128xf32, #tpu.memory_space<vmem_shared>>) offsets(%dma_start3A_746 : memref<128xi32, #tpu.memory_space<vmem>>) semaphore(%run_scoped3A_743 : memref<!tpu.dma_semaphore, #tpu.memory_space<semaphore_mem>>) {add = true}
        %dma_wait3A_750 = arith.constant 0 : i32
        %dma_wait3A_751 = tpu.memref_slice %arg10[%run_scoped3A_569, %dma_wait3A_750] : memref<20x128xi32, #tpu.memory_space<vmem>> -> memref<1x128xi32, #tpu.memory_space<vmem>>
        %dma_wait3A_752 = tpu.memref_squeeze %dma_wait3A_751 : memref<1x128xi32, #tpu.memory_space<vmem>> -> memref<128xi32, #tpu.memory_space<vmem>>
        %dma_wait3A_753 = arith.constant 0 : i32
        %dma_wait3A_754 = arith.constant 0 : i32
        %dma_wait3A_755 = tpu.memref_slice %arg6[%dma_wait3A_753, %dma_wait3A_754] : memref<10008x128xf32, #tpu.memory_space<vmem_shared>> -> memref<10008x128xf32, #tpu.memory_space<vmem_shared>>
        tpu.wait_indirect_dma semaphore(%run_scoped3A_743 : memref<!tpu.dma_semaphore, #tpu.memory_space<semaphore_mem>>) src(%arg12 : memref<128x128xf32, #tpu.memory_space<vmem>>) dst(%dma_wait3A_755 : memref<10008x128xf32, #tpu.memory_space<vmem_shared>>)
        tpu.yield
      }) : () -> ()
      %dma_start3A_570 = arith.constant 9 : i32
      %dma_start3A_571 = arith.constant 0 : i32
      %dma_start3A_572 = tpu.memref_slice %arg9[%dma_start3A_570, %dma_start3A_571] : memref<20x128xi32, #tpu.memory_space<vmem>> -> memref<1x128xi32, #tpu.memory_space<vmem>>
      %dma_start3A_573 = tpu.memref_squeeze %dma_start3A_572 : memref<1x128xi32, #tpu.memory_space<vmem>> -> memref<128xi32, #tpu.memory_space<vmem>>
      %dma_start3A_574 = arith.constant 0 : i32
      %dma_start3A_575 = arith.constant 0 : i32
      %dma_start3A_576 = tpu.memref_slice %arg2[%dma_start3A_574, %dma_start3A_575] : memref<40000x128xf32, #tpu.memory_space<hbm>> -> memref<40000x128xf32, #tpu.memory_space<hbm>>
      tpu.enqueue_indirect_dma source(%dma_start3A_576 : memref<40000x128xf32, #tpu.memory_space<hbm>>) target(%arg12 : memref<128x128xf32, #tpu.memory_space<vmem>>) offsets(%dma_start3A_573 : memref<128xi32, #tpu.memory_space<vmem>>) semaphore(%arg14 : memref<!tpu.dma_semaphore, #tpu.memory_space<semaphore_mem>>)
      %dma_wait3A_577 = arith.constant 8 : i32
      %dma_wait3A_578 = arith.constant 0 : i32
      %dma_wait3A_579 = tpu.memref_slice %arg9[%dma_wait3A_577, %dma_wait3A_578] : memref<20x128xi32, #tpu.memory_space<vmem>> -> memref<1x128xi32, #tpu.memory_space<vmem>>
      %dma_wait3A_580 = tpu.memref_squeeze %dma_wait3A_579 : memref<1x128xi32, #tpu.memory_space<vmem>> -> memref<128xi32, #tpu.memory_space<vmem>>
      %dma_wait3A_581 = arith.constant 0 : i32
      %dma_wait3A_582 = arith.constant 0 : i32
      %dma_wait3A_583 = tpu.memref_slice %arg2[%dma_wait3A_581, %dma_wait3A_582] : memref<40000x128xf32, #tpu.memory_space<hbm>> -> memref<40000x128xf32, #tpu.memory_space<hbm>>
      tpu.wait_indirect_dma semaphore(%arg13 : memref<!tpu.dma_semaphore, #tpu.memory_space<semaphore_mem>>) src(%dma_wait3A_583 : memref<40000x128xf32, #tpu.memory_space<hbm>>) dst(%arg11 : memref<128x128xf32, #tpu.memory_space<vmem>>)
      %run_scoped3A_584 = arith.constant 8 : i32
      "tpu.region"() ({
        %run_scoped3A_743 = tpu.sem_alloc : memref<!tpu.dma_semaphore, #tpu.memory_space<semaphore_mem>>
        %dma_start3A_744 = arith.constant 0 : i32
        %dma_start3A_745 = tpu.memref_slice %arg10[%run_scoped3A_584, %dma_start3A_744] : memref<20x128xi32, #tpu.memory_space<vmem>> -> memref<1x128xi32, #tpu.memory_space<vmem>>
        %dma_start3A_746 = tpu.memref_squeeze %dma_start3A_745 : memref<1x128xi32, #tpu.memory_space<vmem>> -> memref<128xi32, #tpu.memory_space<vmem>>
        %dma_start3A_747 = arith.constant 0 : i32
        %dma_start3A_748 = arith.constant 0 : i32
        %dma_start3A_749 = tpu.memref_slice %arg6[%dma_start3A_747, %dma_start3A_748] : memref<10008x128xf32, #tpu.memory_space<vmem_shared>> -> memref<10008x128xf32, #tpu.memory_space<vmem_shared>>
        tpu.enqueue_indirect_dma source(%arg11 : memref<128x128xf32, #tpu.memory_space<vmem>>) target(%dma_start3A_749 : memref<10008x128xf32, #tpu.memory_space<vmem_shared>>) offsets(%dma_start3A_746 : memref<128xi32, #tpu.memory_space<vmem>>) semaphore(%run_scoped3A_743 : memref<!tpu.dma_semaphore, #tpu.memory_space<semaphore_mem>>) {add = true}
        %dma_wait3A_750 = arith.constant 0 : i32
        %dma_wait3A_751 = tpu.memref_slice %arg10[%run_scoped3A_584, %dma_wait3A_750] : memref<20x128xi32, #tpu.memory_space<vmem>> -> memref<1x128xi32, #tpu.memory_space<vmem>>
        %dma_wait3A_752 = tpu.memref_squeeze %dma_wait3A_751 : memref<1x128xi32, #tpu.memory_space<vmem>> -> memref<128xi32, #tpu.memory_space<vmem>>
        %dma_wait3A_753 = arith.constant 0 : i32
        %dma_wait3A_754 = arith.constant 0 : i32
        %dma_wait3A_755 = tpu.memref_slice %arg6[%dma_wait3A_753, %dma_wait3A_754] : memref<10008x128xf32, #tpu.memory_space<vmem_shared>> -> memref<10008x128xf32, #tpu.memory_space<vmem_shared>>
        tpu.wait_indirect_dma semaphore(%run_scoped3A_743 : memref<!tpu.dma_semaphore, #tpu.memory_space<semaphore_mem>>) src(%arg11 : memref<128x128xf32, #tpu.memory_space<vmem>>) dst(%dma_wait3A_755 : memref<10008x128xf32, #tpu.memory_space<vmem_shared>>)
        tpu.yield
      }) : () -> ()
      %dma_start3A_585 = arith.constant 10 : i32
      %dma_start3A_586 = arith.constant 0 : i32
      %dma_start3A_587 = tpu.memref_slice %arg9[%dma_start3A_585, %dma_start3A_586] : memref<20x128xi32, #tpu.memory_space<vmem>> -> memref<1x128xi32, #tpu.memory_space<vmem>>
      %dma_start3A_588 = tpu.memref_squeeze %dma_start3A_587 : memref<1x128xi32, #tpu.memory_space<vmem>> -> memref<128xi32, #tpu.memory_space<vmem>>
      %dma_start3A_589 = arith.constant 0 : i32
      %dma_start3A_590 = arith.constant 0 : i32
      %dma_start3A_591 = tpu.memref_slice %arg2[%dma_start3A_589, %dma_start3A_590] : memref<40000x128xf32, #tpu.memory_space<hbm>> -> memref<40000x128xf32, #tpu.memory_space<hbm>>
      tpu.enqueue_indirect_dma source(%dma_start3A_591 : memref<40000x128xf32, #tpu.memory_space<hbm>>) target(%arg11 : memref<128x128xf32, #tpu.memory_space<vmem>>) offsets(%dma_start3A_588 : memref<128xi32, #tpu.memory_space<vmem>>) semaphore(%arg13 : memref<!tpu.dma_semaphore, #tpu.memory_space<semaphore_mem>>)
      %dma_wait3A_592 = arith.constant 9 : i32
      %dma_wait3A_593 = arith.constant 0 : i32
      %dma_wait3A_594 = tpu.memref_slice %arg9[%dma_wait3A_592, %dma_wait3A_593] : memref<20x128xi32, #tpu.memory_space<vmem>> -> memref<1x128xi32, #tpu.memory_space<vmem>>
      %dma_wait3A_595 = tpu.memref_squeeze %dma_wait3A_594 : memref<1x128xi32, #tpu.memory_space<vmem>> -> memref<128xi32, #tpu.memory_space<vmem>>
      %dma_wait3A_596 = arith.constant 0 : i32
      %dma_wait3A_597 = arith.constant 0 : i32
      %dma_wait3A_598 = tpu.memref_slice %arg2[%dma_wait3A_596, %dma_wait3A_597] : memref<40000x128xf32, #tpu.memory_space<hbm>> -> memref<40000x128xf32, #tpu.memory_space<hbm>>
      tpu.wait_indirect_dma semaphore(%arg14 : memref<!tpu.dma_semaphore, #tpu.memory_space<semaphore_mem>>) src(%dma_wait3A_598 : memref<40000x128xf32, #tpu.memory_space<hbm>>) dst(%arg12 : memref<128x128xf32, #tpu.memory_space<vmem>>)
      %run_scoped3A_599 = arith.constant 9 : i32
      "tpu.region"() ({
        %run_scoped3A_743 = tpu.sem_alloc : memref<!tpu.dma_semaphore, #tpu.memory_space<semaphore_mem>>
        %dma_start3A_744 = arith.constant 0 : i32
        %dma_start3A_745 = tpu.memref_slice %arg10[%run_scoped3A_599, %dma_start3A_744] : memref<20x128xi32, #tpu.memory_space<vmem>> -> memref<1x128xi32, #tpu.memory_space<vmem>>
        %dma_start3A_746 = tpu.memref_squeeze %dma_start3A_745 : memref<1x128xi32, #tpu.memory_space<vmem>> -> memref<128xi32, #tpu.memory_space<vmem>>
        %dma_start3A_747 = arith.constant 0 : i32
        %dma_start3A_748 = arith.constant 0 : i32
        %dma_start3A_749 = tpu.memref_slice %arg6[%dma_start3A_747, %dma_start3A_748] : memref<10008x128xf32, #tpu.memory_space<vmem_shared>> -> memref<10008x128xf32, #tpu.memory_space<vmem_shared>>
        tpu.enqueue_indirect_dma source(%arg12 : memref<128x128xf32, #tpu.memory_space<vmem>>) target(%dma_start3A_749 : memref<10008x128xf32, #tpu.memory_space<vmem_shared>>) offsets(%dma_start3A_746 : memref<128xi32, #tpu.memory_space<vmem>>) semaphore(%run_scoped3A_743 : memref<!tpu.dma_semaphore, #tpu.memory_space<semaphore_mem>>) {add = true}
        %dma_wait3A_750 = arith.constant 0 : i32
        %dma_wait3A_751 = tpu.memref_slice %arg10[%run_scoped3A_599, %dma_wait3A_750] : memref<20x128xi32, #tpu.memory_space<vmem>> -> memref<1x128xi32, #tpu.memory_space<vmem>>
        %dma_wait3A_752 = tpu.memref_squeeze %dma_wait3A_751 : memref<1x128xi32, #tpu.memory_space<vmem>> -> memref<128xi32, #tpu.memory_space<vmem>>
        %dma_wait3A_753 = arith.constant 0 : i32
        %dma_wait3A_754 = arith.constant 0 : i32
        %dma_wait3A_755 = tpu.memref_slice %arg6[%dma_wait3A_753, %dma_wait3A_754] : memref<10008x128xf32, #tpu.memory_space<vmem_shared>> -> memref<10008x128xf32, #tpu.memory_space<vmem_shared>>
        tpu.wait_indirect_dma semaphore(%run_scoped3A_743 : memref<!tpu.dma_semaphore, #tpu.memory_space<semaphore_mem>>) src(%arg12 : memref<128x128xf32, #tpu.memory_space<vmem>>) dst(%dma_wait3A_755 : memref<10008x128xf32, #tpu.memory_space<vmem_shared>>)
        tpu.yield
      }) : () -> ()
      %dma_start3A_600 = arith.constant 11 : i32
      %dma_start3A_601 = arith.constant 0 : i32
      %dma_start3A_602 = tpu.memref_slice %arg9[%dma_start3A_600, %dma_start3A_601] : memref<20x128xi32, #tpu.memory_space<vmem>> -> memref<1x128xi32, #tpu.memory_space<vmem>>
      %dma_start3A_603 = tpu.memref_squeeze %dma_start3A_602 : memref<1x128xi32, #tpu.memory_space<vmem>> -> memref<128xi32, #tpu.memory_space<vmem>>
      %dma_start3A_604 = arith.constant 0 : i32
      %dma_start3A_605 = arith.constant 0 : i32
      %dma_start3A_606 = tpu.memref_slice %arg2[%dma_start3A_604, %dma_start3A_605] : memref<40000x128xf32, #tpu.memory_space<hbm>> -> memref<40000x128xf32, #tpu.memory_space<hbm>>
      tpu.enqueue_indirect_dma source(%dma_start3A_606 : memref<40000x128xf32, #tpu.memory_space<hbm>>) target(%arg12 : memref<128x128xf32, #tpu.memory_space<vmem>>) offsets(%dma_start3A_603 : memref<128xi32, #tpu.memory_space<vmem>>) semaphore(%arg14 : memref<!tpu.dma_semaphore, #tpu.memory_space<semaphore_mem>>)
      %dma_wait3A_607 = arith.constant 10 : i32
      %dma_wait3A_608 = arith.constant 0 : i32
      %dma_wait3A_609 = tpu.memref_slice %arg9[%dma_wait3A_607, %dma_wait3A_608] : memref<20x128xi32, #tpu.memory_space<vmem>> -> memref<1x128xi32, #tpu.memory_space<vmem>>
      %dma_wait3A_610 = tpu.memref_squeeze %dma_wait3A_609 : memref<1x128xi32, #tpu.memory_space<vmem>> -> memref<128xi32, #tpu.memory_space<vmem>>
      %dma_wait3A_611 = arith.constant 0 : i32
      %dma_wait3A_612 = arith.constant 0 : i32
      %dma_wait3A_613 = tpu.memref_slice %arg2[%dma_wait3A_611, %dma_wait3A_612] : memref<40000x128xf32, #tpu.memory_space<hbm>> -> memref<40000x128xf32, #tpu.memory_space<hbm>>
      tpu.wait_indirect_dma semaphore(%arg13 : memref<!tpu.dma_semaphore, #tpu.memory_space<semaphore_mem>>) src(%dma_wait3A_613 : memref<40000x128xf32, #tpu.memory_space<hbm>>) dst(%arg11 : memref<128x128xf32, #tpu.memory_space<vmem>>)
      %run_scoped3A_614 = arith.constant 10 : i32
      "tpu.region"() ({
        %run_scoped3A_743 = tpu.sem_alloc : memref<!tpu.dma_semaphore, #tpu.memory_space<semaphore_mem>>
        %dma_start3A_744 = arith.constant 0 : i32
        %dma_start3A_745 = tpu.memref_slice %arg10[%run_scoped3A_614, %dma_start3A_744] : memref<20x128xi32, #tpu.memory_space<vmem>> -> memref<1x128xi32, #tpu.memory_space<vmem>>
        %dma_start3A_746 = tpu.memref_squeeze %dma_start3A_745 : memref<1x128xi32, #tpu.memory_space<vmem>> -> memref<128xi32, #tpu.memory_space<vmem>>
        %dma_start3A_747 = arith.constant 0 : i32
        %dma_start3A_748 = arith.constant 0 : i32
        %dma_start3A_749 = tpu.memref_slice %arg6[%dma_start3A_747, %dma_start3A_748] : memref<10008x128xf32, #tpu.memory_space<vmem_shared>> -> memref<10008x128xf32, #tpu.memory_space<vmem_shared>>
        tpu.enqueue_indirect_dma source(%arg11 : memref<128x128xf32, #tpu.memory_space<vmem>>) target(%dma_start3A_749 : memref<10008x128xf32, #tpu.memory_space<vmem_shared>>) offsets(%dma_start3A_746 : memref<128xi32, #tpu.memory_space<vmem>>) semaphore(%run_scoped3A_743 : memref<!tpu.dma_semaphore, #tpu.memory_space<semaphore_mem>>) {add = true}
        %dma_wait3A_750 = arith.constant 0 : i32
        %dma_wait3A_751 = tpu.memref_slice %arg10[%run_scoped3A_614, %dma_wait3A_750] : memref<20x128xi32, #tpu.memory_space<vmem>> -> memref<1x128xi32, #tpu.memory_space<vmem>>
        %dma_wait3A_752 = tpu.memref_squeeze %dma_wait3A_751 : memref<1x128xi32, #tpu.memory_space<vmem>> -> memref<128xi32, #tpu.memory_space<vmem>>
        %dma_wait3A_753 = arith.constant 0 : i32
        %dma_wait3A_754 = arith.constant 0 : i32
        %dma_wait3A_755 = tpu.memref_slice %arg6[%dma_wait3A_753, %dma_wait3A_754] : memref<10008x128xf32, #tpu.memory_space<vmem_shared>> -> memref<10008x128xf32, #tpu.memory_space<vmem_shared>>
        tpu.wait_indirect_dma semaphore(%run_scoped3A_743 : memref<!tpu.dma_semaphore, #tpu.memory_space<semaphore_mem>>) src(%arg11 : memref<128x128xf32, #tpu.memory_space<vmem>>) dst(%dma_wait3A_755 : memref<10008x128xf32, #tpu.memory_space<vmem_shared>>)
        tpu.yield
      }) : () -> ()
      %dma_start3A_615 = arith.constant 12 : i32
      %dma_start3A_616 = arith.constant 0 : i32
      %dma_start3A_617 = tpu.memref_slice %arg9[%dma_start3A_615, %dma_start3A_616] : memref<20x128xi32, #tpu.memory_space<vmem>> -> memref<1x128xi32, #tpu.memory_space<vmem>>
      %dma_start3A_618 = tpu.memref_squeeze %dma_start3A_617 : memref<1x128xi32, #tpu.memory_space<vmem>> -> memref<128xi32, #tpu.memory_space<vmem>>
      %dma_start3A_619 = arith.constant 0 : i32
      %dma_start3A_620 = arith.constant 0 : i32
      %dma_start3A_621 = tpu.memref_slice %arg2[%dma_start3A_619, %dma_start3A_620] : memref<40000x128xf32, #tpu.memory_space<hbm>> -> memref<40000x128xf32, #tpu.memory_space<hbm>>
      tpu.enqueue_indirect_dma source(%dma_start3A_621 : memref<40000x128xf32, #tpu.memory_space<hbm>>) target(%arg11 : memref<128x128xf32, #tpu.memory_space<vmem>>) offsets(%dma_start3A_618 : memref<128xi32, #tpu.memory_space<vmem>>) semaphore(%arg13 : memref<!tpu.dma_semaphore, #tpu.memory_space<semaphore_mem>>)
      %dma_wait3A_622 = arith.constant 11 : i32
      %dma_wait3A_623 = arith.constant 0 : i32
      %dma_wait3A_624 = tpu.memref_slice %arg9[%dma_wait3A_622, %dma_wait3A_623] : memref<20x128xi32, #tpu.memory_space<vmem>> -> memref<1x128xi32, #tpu.memory_space<vmem>>
      %dma_wait3A_625 = tpu.memref_squeeze %dma_wait3A_624 : memref<1x128xi32, #tpu.memory_space<vmem>> -> memref<128xi32, #tpu.memory_space<vmem>>
      %dma_wait3A_626 = arith.constant 0 : i32
      %dma_wait3A_627 = arith.constant 0 : i32
      %dma_wait3A_628 = tpu.memref_slice %arg2[%dma_wait3A_626, %dma_wait3A_627] : memref<40000x128xf32, #tpu.memory_space<hbm>> -> memref<40000x128xf32, #tpu.memory_space<hbm>>
      tpu.wait_indirect_dma semaphore(%arg14 : memref<!tpu.dma_semaphore, #tpu.memory_space<semaphore_mem>>) src(%dma_wait3A_628 : memref<40000x128xf32, #tpu.memory_space<hbm>>) dst(%arg12 : memref<128x128xf32, #tpu.memory_space<vmem>>)
      %run_scoped3A_629 = arith.constant 11 : i32
      "tpu.region"() ({
        %run_scoped3A_743 = tpu.sem_alloc : memref<!tpu.dma_semaphore, #tpu.memory_space<semaphore_mem>>
        %dma_start3A_744 = arith.constant 0 : i32
        %dma_start3A_745 = tpu.memref_slice %arg10[%run_scoped3A_629, %dma_start3A_744] : memref<20x128xi32, #tpu.memory_space<vmem>> -> memref<1x128xi32, #tpu.memory_space<vmem>>
        %dma_start3A_746 = tpu.memref_squeeze %dma_start3A_745 : memref<1x128xi32, #tpu.memory_space<vmem>> -> memref<128xi32, #tpu.memory_space<vmem>>
        %dma_start3A_747 = arith.constant 0 : i32
        %dma_start3A_748 = arith.constant 0 : i32
        %dma_start3A_749 = tpu.memref_slice %arg6[%dma_start3A_747, %dma_start3A_748] : memref<10008x128xf32, #tpu.memory_space<vmem_shared>> -> memref<10008x128xf32, #tpu.memory_space<vmem_shared>>
        tpu.enqueue_indirect_dma source(%arg12 : memref<128x128xf32, #tpu.memory_space<vmem>>) target(%dma_start3A_749 : memref<10008x128xf32, #tpu.memory_space<vmem_shared>>) offsets(%dma_start3A_746 : memref<128xi32, #tpu.memory_space<vmem>>) semaphore(%run_scoped3A_743 : memref<!tpu.dma_semaphore, #tpu.memory_space<semaphore_mem>>) {add = true}
        %dma_wait3A_750 = arith.constant 0 : i32
        %dma_wait3A_751 = tpu.memref_slice %arg10[%run_scoped3A_629, %dma_wait3A_750] : memref<20x128xi32, #tpu.memory_space<vmem>> -> memref<1x128xi32, #tpu.memory_space<vmem>>
        %dma_wait3A_752 = tpu.memref_squeeze %dma_wait3A_751 : memref<1x128xi32, #tpu.memory_space<vmem>> -> memref<128xi32, #tpu.memory_space<vmem>>
        %dma_wait3A_753 = arith.constant 0 : i32
        %dma_wait3A_754 = arith.constant 0 : i32
        %dma_wait3A_755 = tpu.memref_slice %arg6[%dma_wait3A_753, %dma_wait3A_754] : memref<10008x128xf32, #tpu.memory_space<vmem_shared>> -> memref<10008x128xf32, #tpu.memory_space<vmem_shared>>
        tpu.wait_indirect_dma semaphore(%run_scoped3A_743 : memref<!tpu.dma_semaphore, #tpu.memory_space<semaphore_mem>>) src(%arg12 : memref<128x128xf32, #tpu.memory_space<vmem>>) dst(%dma_wait3A_755 : memref<10008x128xf32, #tpu.memory_space<vmem_shared>>)
        tpu.yield
      }) : () -> ()
      %dma_start3A_630 = arith.constant 13 : i32
      %dma_start3A_631 = arith.constant 0 : i32
      %dma_start3A_632 = tpu.memref_slice %arg9[%dma_start3A_630, %dma_start3A_631] : memref<20x128xi32, #tpu.memory_space<vmem>> -> memref<1x128xi32, #tpu.memory_space<vmem>>
      %dma_start3A_633 = tpu.memref_squeeze %dma_start3A_632 : memref<1x128xi32, #tpu.memory_space<vmem>> -> memref<128xi32, #tpu.memory_space<vmem>>
      %dma_start3A_634 = arith.constant 0 : i32
      %dma_start3A_635 = arith.constant 0 : i32
      %dma_start3A_636 = tpu.memref_slice %arg2[%dma_start3A_634, %dma_start3A_635] : memref<40000x128xf32, #tpu.memory_space<hbm>> -> memref<40000x128xf32, #tpu.memory_space<hbm>>
      tpu.enqueue_indirect_dma source(%dma_start3A_636 : memref<40000x128xf32, #tpu.memory_space<hbm>>) target(%arg12 : memref<128x128xf32, #tpu.memory_space<vmem>>) offsets(%dma_start3A_633 : memref<128xi32, #tpu.memory_space<vmem>>) semaphore(%arg14 : memref<!tpu.dma_semaphore, #tpu.memory_space<semaphore_mem>>)
      %dma_wait3A_637 = arith.constant 12 : i32
      %dma_wait3A_638 = arith.constant 0 : i32
      %dma_wait3A_639 = tpu.memref_slice %arg9[%dma_wait3A_637, %dma_wait3A_638] : memref<20x128xi32, #tpu.memory_space<vmem>> -> memref<1x128xi32, #tpu.memory_space<vmem>>
      %dma_wait3A_640 = tpu.memref_squeeze %dma_wait3A_639 : memref<1x128xi32, #tpu.memory_space<vmem>> -> memref<128xi32, #tpu.memory_space<vmem>>
      %dma_wait3A_641 = arith.constant 0 : i32
      %dma_wait3A_642 = arith.constant 0 : i32
      %dma_wait3A_643 = tpu.memref_slice %arg2[%dma_wait3A_641, %dma_wait3A_642] : memref<40000x128xf32, #tpu.memory_space<hbm>> -> memref<40000x128xf32, #tpu.memory_space<hbm>>
      tpu.wait_indirect_dma semaphore(%arg13 : memref<!tpu.dma_semaphore, #tpu.memory_space<semaphore_mem>>) src(%dma_wait3A_643 : memref<40000x128xf32, #tpu.memory_space<hbm>>) dst(%arg11 : memref<128x128xf32, #tpu.memory_space<vmem>>)
      %run_scoped3A_644 = arith.constant 12 : i32
      "tpu.region"() ({
        %run_scoped3A_743 = tpu.sem_alloc : memref<!tpu.dma_semaphore, #tpu.memory_space<semaphore_mem>>
        %dma_start3A_744 = arith.constant 0 : i32
        %dma_start3A_745 = tpu.memref_slice %arg10[%run_scoped3A_644, %dma_start3A_744] : memref<20x128xi32, #tpu.memory_space<vmem>> -> memref<1x128xi32, #tpu.memory_space<vmem>>
        %dma_start3A_746 = tpu.memref_squeeze %dma_start3A_745 : memref<1x128xi32, #tpu.memory_space<vmem>> -> memref<128xi32, #tpu.memory_space<vmem>>
        %dma_start3A_747 = arith.constant 0 : i32
        %dma_start3A_748 = arith.constant 0 : i32
        %dma_start3A_749 = tpu.memref_slice %arg6[%dma_start3A_747, %dma_start3A_748] : memref<10008x128xf32, #tpu.memory_space<vmem_shared>> -> memref<10008x128xf32, #tpu.memory_space<vmem_shared>>
        tpu.enqueue_indirect_dma source(%arg11 : memref<128x128xf32, #tpu.memory_space<vmem>>) target(%dma_start3A_749 : memref<10008x128xf32, #tpu.memory_space<vmem_shared>>) offsets(%dma_start3A_746 : memref<128xi32, #tpu.memory_space<vmem>>) semaphore(%run_scoped3A_743 : memref<!tpu.dma_semaphore, #tpu.memory_space<semaphore_mem>>) {add = true}
        %dma_wait3A_750 = arith.constant 0 : i32
        %dma_wait3A_751 = tpu.memref_slice %arg10[%run_scoped3A_644, %dma_wait3A_750] : memref<20x128xi32, #tpu.memory_space<vmem>> -> memref<1x128xi32, #tpu.memory_space<vmem>>
        %dma_wait3A_752 = tpu.memref_squeeze %dma_wait3A_751 : memref<1x128xi32, #tpu.memory_space<vmem>> -> memref<128xi32, #tpu.memory_space<vmem>>
        %dma_wait3A_753 = arith.constant 0 : i32
        %dma_wait3A_754 = arith.constant 0 : i32
        %dma_wait3A_755 = tpu.memref_slice %arg6[%dma_wait3A_753, %dma_wait3A_754] : memref<10008x128xf32, #tpu.memory_space<vmem_shared>> -> memref<10008x128xf32, #tpu.memory_space<vmem_shared>>
        tpu.wait_indirect_dma semaphore(%run_scoped3A_743 : memref<!tpu.dma_semaphore, #tpu.memory_space<semaphore_mem>>) src(%arg11 : memref<128x128xf32, #tpu.memory_space<vmem>>) dst(%dma_wait3A_755 : memref<10008x128xf32, #tpu.memory_space<vmem_shared>>)
        tpu.yield
      }) : () -> ()
      %dma_start3A_645 = arith.constant 14 : i32
      %dma_start3A_646 = arith.constant 0 : i32
      %dma_start3A_647 = tpu.memref_slice %arg9[%dma_start3A_645, %dma_start3A_646] : memref<20x128xi32, #tpu.memory_space<vmem>> -> memref<1x128xi32, #tpu.memory_space<vmem>>
      %dma_start3A_648 = tpu.memref_squeeze %dma_start3A_647 : memref<1x128xi32, #tpu.memory_space<vmem>> -> memref<128xi32, #tpu.memory_space<vmem>>
      %dma_start3A_649 = arith.constant 0 : i32
      %dma_start3A_650 = arith.constant 0 : i32
      %dma_start3A_651 = tpu.memref_slice %arg2[%dma_start3A_649, %dma_start3A_650] : memref<40000x128xf32, #tpu.memory_space<hbm>> -> memref<40000x128xf32, #tpu.memory_space<hbm>>
      tpu.enqueue_indirect_dma source(%dma_start3A_651 : memref<40000x128xf32, #tpu.memory_space<hbm>>) target(%arg11 : memref<128x128xf32, #tpu.memory_space<vmem>>) offsets(%dma_start3A_648 : memref<128xi32, #tpu.memory_space<vmem>>) semaphore(%arg13 : memref<!tpu.dma_semaphore, #tpu.memory_space<semaphore_mem>>)
      %dma_wait3A_652 = arith.constant 13 : i32
      %dma_wait3A_653 = arith.constant 0 : i32
      %dma_wait3A_654 = tpu.memref_slice %arg9[%dma_wait3A_652, %dma_wait3A_653] : memref<20x128xi32, #tpu.memory_space<vmem>> -> memref<1x128xi32, #tpu.memory_space<vmem>>
      %dma_wait3A_655 = tpu.memref_squeeze %dma_wait3A_654 : memref<1x128xi32, #tpu.memory_space<vmem>> -> memref<128xi32, #tpu.memory_space<vmem>>
      %dma_wait3A_656 = arith.constant 0 : i32
      %dma_wait3A_657 = arith.constant 0 : i32
      %dma_wait3A_658 = tpu.memref_slice %arg2[%dma_wait3A_656, %dma_wait3A_657] : memref<40000x128xf32, #tpu.memory_space<hbm>> -> memref<40000x128xf32, #tpu.memory_space<hbm>>
      tpu.wait_indirect_dma semaphore(%arg14 : memref<!tpu.dma_semaphore, #tpu.memory_space<semaphore_mem>>) src(%dma_wait3A_658 : memref<40000x128xf32, #tpu.memory_space<hbm>>) dst(%arg12 : memref<128x128xf32, #tpu.memory_space<vmem>>)
      %run_scoped3A_659 = arith.constant 13 : i32
      "tpu.region"() ({
        %run_scoped3A_743 = tpu.sem_alloc : memref<!tpu.dma_semaphore, #tpu.memory_space<semaphore_mem>>
        %dma_start3A_744 = arith.constant 0 : i32
        %dma_start3A_745 = tpu.memref_slice %arg10[%run_scoped3A_659, %dma_start3A_744] : memref<20x128xi32, #tpu.memory_space<vmem>> -> memref<1x128xi32, #tpu.memory_space<vmem>>
        %dma_start3A_746 = tpu.memref_squeeze %dma_start3A_745 : memref<1x128xi32, #tpu.memory_space<vmem>> -> memref<128xi32, #tpu.memory_space<vmem>>
        %dma_start3A_747 = arith.constant 0 : i32
        %dma_start3A_748 = arith.constant 0 : i32
        %dma_start3A_749 = tpu.memref_slice %arg6[%dma_start3A_747, %dma_start3A_748] : memref<10008x128xf32, #tpu.memory_space<vmem_shared>> -> memref<10008x128xf32, #tpu.memory_space<vmem_shared>>
        tpu.enqueue_indirect_dma source(%arg12 : memref<128x128xf32, #tpu.memory_space<vmem>>) target(%dma_start3A_749 : memref<10008x128xf32, #tpu.memory_space<vmem_shared>>) offsets(%dma_start3A_746 : memref<128xi32, #tpu.memory_space<vmem>>) semaphore(%run_scoped3A_743 : memref<!tpu.dma_semaphore, #tpu.memory_space<semaphore_mem>>) {add = true}
        %dma_wait3A_750 = arith.constant 0 : i32
        %dma_wait3A_751 = tpu.memref_slice %arg10[%run_scoped3A_659, %dma_wait3A_750] : memref<20x128xi32, #tpu.memory_space<vmem>> -> memref<1x128xi32, #tpu.memory_space<vmem>>
        %dma_wait3A_752 = tpu.memref_squeeze %dma_wait3A_751 : memref<1x128xi32, #tpu.memory_space<vmem>> -> memref<128xi32, #tpu.memory_space<vmem>>
        %dma_wait3A_753 = arith.constant 0 : i32
        %dma_wait3A_754 = arith.constant 0 : i32
        %dma_wait3A_755 = tpu.memref_slice %arg6[%dma_wait3A_753, %dma_wait3A_754] : memref<10008x128xf32, #tpu.memory_space<vmem_shared>> -> memref<10008x128xf32, #tpu.memory_space<vmem_shared>>
        tpu.wait_indirect_dma semaphore(%run_scoped3A_743 : memref<!tpu.dma_semaphore, #tpu.memory_space<semaphore_mem>>) src(%arg12 : memref<128x128xf32, #tpu.memory_space<vmem>>) dst(%dma_wait3A_755 : memref<10008x128xf32, #tpu.memory_space<vmem_shared>>)
        tpu.yield
      }) : () -> ()
      %dma_start3A_660 = arith.constant 15 : i32
      %dma_start3A_661 = arith.constant 0 : i32
      %dma_start3A_662 = tpu.memref_slice %arg9[%dma_start3A_660, %dma_start3A_661] : memref<20x128xi32, #tpu.memory_space<vmem>> -> memref<1x128xi32, #tpu.memory_space<vmem>>
      %dma_start3A_663 = tpu.memref_squeeze %dma_start3A_662 : memref<1x128xi32, #tpu.memory_space<vmem>> -> memref<128xi32, #tpu.memory_space<vmem>>
      %dma_start3A_664 = arith.constant 0 : i32
      %dma_start3A_665 = arith.constant 0 : i32
      %dma_start3A_666 = tpu.memref_slice %arg2[%dma_start3A_664, %dma_start3A_665] : memref<40000x128xf32, #tpu.memory_space<hbm>> -> memref<40000x128xf32, #tpu.memory_space<hbm>>
      tpu.enqueue_indirect_dma source(%dma_start3A_666 : memref<40000x128xf32, #tpu.memory_space<hbm>>) target(%arg12 : memref<128x128xf32, #tpu.memory_space<vmem>>) offsets(%dma_start3A_663 : memref<128xi32, #tpu.memory_space<vmem>>) semaphore(%arg14 : memref<!tpu.dma_semaphore, #tpu.memory_space<semaphore_mem>>)
      %dma_wait3A_667 = arith.constant 14 : i32
      %dma_wait3A_668 = arith.constant 0 : i32
      %dma_wait3A_669 = tpu.memref_slice %arg9[%dma_wait3A_667, %dma_wait3A_668] : memref<20x128xi32, #tpu.memory_space<vmem>> -> memref<1x128xi32, #tpu.memory_space<vmem>>
      %dma_wait3A_670 = tpu.memref_squeeze %dma_wait3A_669 : memref<1x128xi32, #tpu.memory_space<vmem>> -> memref<128xi32, #tpu.memory_space<vmem>>
      %dma_wait3A_671 = arith.constant 0 : i32
      %dma_wait3A_672 = arith.constant 0 : i32
      %dma_wait3A_673 = tpu.memref_slice %arg2[%dma_wait3A_671, %dma_wait3A_672] : memref<40000x128xf32, #tpu.memory_space<hbm>> -> memref<40000x128xf32, #tpu.memory_space<hbm>>
      tpu.wait_indirect_dma semaphore(%arg13 : memref<!tpu.dma_semaphore, #tpu.memory_space<semaphore_mem>>) src(%dma_wait3A_673 : memref<40000x128xf32, #tpu.memory_space<hbm>>) dst(%arg11 : memref<128x128xf32, #tpu.memory_space<vmem>>)
      %run_scoped3A_674 = arith.constant 14 : i32
      "tpu.region"() ({
        %run_scoped3A_743 = tpu.sem_alloc : memref<!tpu.dma_semaphore, #tpu.memory_space<semaphore_mem>>
        %dma_start3A_744 = arith.constant 0 : i32
        %dma_start3A_745 = tpu.memref_slice %arg10[%run_scoped3A_674, %dma_start3A_744] : memref<20x128xi32, #tpu.memory_space<vmem>> -> memref<1x128xi32, #tpu.memory_space<vmem>>
        %dma_start3A_746 = tpu.memref_squeeze %dma_start3A_745 : memref<1x128xi32, #tpu.memory_space<vmem>> -> memref<128xi32, #tpu.memory_space<vmem>>
        %dma_start3A_747 = arith.constant 0 : i32
        %dma_start3A_748 = arith.constant 0 : i32
        %dma_start3A_749 = tpu.memref_slice %arg6[%dma_start3A_747, %dma_start3A_748] : memref<10008x128xf32, #tpu.memory_space<vmem_shared>> -> memref<10008x128xf32, #tpu.memory_space<vmem_shared>>
        tpu.enqueue_indirect_dma source(%arg11 : memref<128x128xf32, #tpu.memory_space<vmem>>) target(%dma_start3A_749 : memref<10008x128xf32, #tpu.memory_space<vmem_shared>>) offsets(%dma_start3A_746 : memref<128xi32, #tpu.memory_space<vmem>>) semaphore(%run_scoped3A_743 : memref<!tpu.dma_semaphore, #tpu.memory_space<semaphore_mem>>) {add = true}
        %dma_wait3A_750 = arith.constant 0 : i32
        %dma_wait3A_751 = tpu.memref_slice %arg10[%run_scoped3A_674, %dma_wait3A_750] : memref<20x128xi32, #tpu.memory_space<vmem>> -> memref<1x128xi32, #tpu.memory_space<vmem>>
        %dma_wait3A_752 = tpu.memref_squeeze %dma_wait3A_751 : memref<1x128xi32, #tpu.memory_space<vmem>> -> memref<128xi32, #tpu.memory_space<vmem>>
        %dma_wait3A_753 = arith.constant 0 : i32
        %dma_wait3A_754 = arith.constant 0 : i32
        %dma_wait3A_755 = tpu.memref_slice %arg6[%dma_wait3A_753, %dma_wait3A_754] : memref<10008x128xf32, #tpu.memory_space<vmem_shared>> -> memref<10008x128xf32, #tpu.memory_space<vmem_shared>>
        tpu.wait_indirect_dma semaphore(%run_scoped3A_743 : memref<!tpu.dma_semaphore, #tpu.memory_space<semaphore_mem>>) src(%arg11 : memref<128x128xf32, #tpu.memory_space<vmem>>) dst(%dma_wait3A_755 : memref<10008x128xf32, #tpu.memory_space<vmem_shared>>)
        tpu.yield
      }) : () -> ()
      %dma_start3A_675 = arith.constant 16 : i32
      %dma_start3A_676 = arith.constant 0 : i32
      %dma_start3A_677 = tpu.memref_slice %arg9[%dma_start3A_675, %dma_start3A_676] : memref<20x128xi32, #tpu.memory_space<vmem>> -> memref<1x128xi32, #tpu.memory_space<vmem>>
      %dma_start3A_678 = tpu.memref_squeeze %dma_start3A_677 : memref<1x128xi32, #tpu.memory_space<vmem>> -> memref<128xi32, #tpu.memory_space<vmem>>
      %dma_start3A_679 = arith.constant 0 : i32
      %dma_start3A_680 = arith.constant 0 : i32
      %dma_start3A_681 = tpu.memref_slice %arg2[%dma_start3A_679, %dma_start3A_680] : memref<40000x128xf32, #tpu.memory_space<hbm>> -> memref<40000x128xf32, #tpu.memory_space<hbm>>
      tpu.enqueue_indirect_dma source(%dma_start3A_681 : memref<40000x128xf32, #tpu.memory_space<hbm>>) target(%arg11 : memref<128x128xf32, #tpu.memory_space<vmem>>) offsets(%dma_start3A_678 : memref<128xi32, #tpu.memory_space<vmem>>) semaphore(%arg13 : memref<!tpu.dma_semaphore, #tpu.memory_space<semaphore_mem>>)
      %dma_wait3A_682 = arith.constant 15 : i32
      %dma_wait3A_683 = arith.constant 0 : i32
      %dma_wait3A_684 = tpu.memref_slice %arg9[%dma_wait3A_682, %dma_wait3A_683] : memref<20x128xi32, #tpu.memory_space<vmem>> -> memref<1x128xi32, #tpu.memory_space<vmem>>
      %dma_wait3A_685 = tpu.memref_squeeze %dma_wait3A_684 : memref<1x128xi32, #tpu.memory_space<vmem>> -> memref<128xi32, #tpu.memory_space<vmem>>
      %dma_wait3A_686 = arith.constant 0 : i32
      %dma_wait3A_687 = arith.constant 0 : i32
      %dma_wait3A_688 = tpu.memref_slice %arg2[%dma_wait3A_686, %dma_wait3A_687] : memref<40000x128xf32, #tpu.memory_space<hbm>> -> memref<40000x128xf32, #tpu.memory_space<hbm>>
      tpu.wait_indirect_dma semaphore(%arg14 : memref<!tpu.dma_semaphore, #tpu.memory_space<semaphore_mem>>) src(%dma_wait3A_688 : memref<40000x128xf32, #tpu.memory_space<hbm>>) dst(%arg12 : memref<128x128xf32, #tpu.memory_space<vmem>>)
      %run_scoped3A_689 = arith.constant 15 : i32
      "tpu.region"() ({
        %run_scoped3A_743 = tpu.sem_alloc : memref<!tpu.dma_semaphore, #tpu.memory_space<semaphore_mem>>
        %dma_start3A_744 = arith.constant 0 : i32
        %dma_start3A_745 = tpu.memref_slice %arg10[%run_scoped3A_689, %dma_start3A_744] : memref<20x128xi32, #tpu.memory_space<vmem>> -> memref<1x128xi32, #tpu.memory_space<vmem>>
        %dma_start3A_746 = tpu.memref_squeeze %dma_start3A_745 : memref<1x128xi32, #tpu.memory_space<vmem>> -> memref<128xi32, #tpu.memory_space<vmem>>
        %dma_start3A_747 = arith.constant 0 : i32
        %dma_start3A_748 = arith.constant 0 : i32
        %dma_start3A_749 = tpu.memref_slice %arg6[%dma_start3A_747, %dma_start3A_748] : memref<10008x128xf32, #tpu.memory_space<vmem_shared>> -> memref<10008x128xf32, #tpu.memory_space<vmem_shared>>
        tpu.enqueue_indirect_dma source(%arg12 : memref<128x128xf32, #tpu.memory_space<vmem>>) target(%dma_start3A_749 : memref<10008x128xf32, #tpu.memory_space<vmem_shared>>) offsets(%dma_start3A_746 : memref<128xi32, #tpu.memory_space<vmem>>) semaphore(%run_scoped3A_743 : memref<!tpu.dma_semaphore, #tpu.memory_space<semaphore_mem>>) {add = true}
        %dma_wait3A_750 = arith.constant 0 : i32
        %dma_wait3A_751 = tpu.memref_slice %arg10[%run_scoped3A_689, %dma_wait3A_750] : memref<20x128xi32, #tpu.memory_space<vmem>> -> memref<1x128xi32, #tpu.memory_space<vmem>>
        %dma_wait3A_752 = tpu.memref_squeeze %dma_wait3A_751 : memref<1x128xi32, #tpu.memory_space<vmem>> -> memref<128xi32, #tpu.memory_space<vmem>>
        %dma_wait3A_753 = arith.constant 0 : i32
        %dma_wait3A_754 = arith.constant 0 : i32
        %dma_wait3A_755 = tpu.memref_slice %arg6[%dma_wait3A_753, %dma_wait3A_754] : memref<10008x128xf32, #tpu.memory_space<vmem_shared>> -> memref<10008x128xf32, #tpu.memory_space<vmem_shared>>
        tpu.wait_indirect_dma semaphore(%run_scoped3A_743 : memref<!tpu.dma_semaphore, #tpu.memory_space<semaphore_mem>>) src(%arg12 : memref<128x128xf32, #tpu.memory_space<vmem>>) dst(%dma_wait3A_755 : memref<10008x128xf32, #tpu.memory_space<vmem_shared>>)
        tpu.yield
      }) : () -> ()
      %dma_start3A_690 = arith.constant 17 : i32
      %dma_start3A_691 = arith.constant 0 : i32
      %dma_start3A_692 = tpu.memref_slice %arg9[%dma_start3A_690, %dma_start3A_691] : memref<20x128xi32, #tpu.memory_space<vmem>> -> memref<1x128xi32, #tpu.memory_space<vmem>>
      %dma_start3A_693 = tpu.memref_squeeze %dma_start3A_692 : memref<1x128xi32, #tpu.memory_space<vmem>> -> memref<128xi32, #tpu.memory_space<vmem>>
      %dma_start3A_694 = arith.constant 0 : i32
      %dma_start3A_695 = arith.constant 0 : i32
      %dma_start3A_696 = tpu.memref_slice %arg2[%dma_start3A_694, %dma_start3A_695] : memref<40000x128xf32, #tpu.memory_space<hbm>> -> memref<40000x128xf32, #tpu.memory_space<hbm>>
      tpu.enqueue_indirect_dma source(%dma_start3A_696 : memref<40000x128xf32, #tpu.memory_space<hbm>>) target(%arg12 : memref<128x128xf32, #tpu.memory_space<vmem>>) offsets(%dma_start3A_693 : memref<128xi32, #tpu.memory_space<vmem>>) semaphore(%arg14 : memref<!tpu.dma_semaphore, #tpu.memory_space<semaphore_mem>>)
      %dma_wait3A_697 = arith.constant 16 : i32
      %dma_wait3A_698 = arith.constant 0 : i32
      %dma_wait3A_699 = tpu.memref_slice %arg9[%dma_wait3A_697, %dma_wait3A_698] : memref<20x128xi32, #tpu.memory_space<vmem>> -> memref<1x128xi32, #tpu.memory_space<vmem>>
      %dma_wait3A_700 = tpu.memref_squeeze %dma_wait3A_699 : memref<1x128xi32, #tpu.memory_space<vmem>> -> memref<128xi32, #tpu.memory_space<vmem>>
      %dma_wait3A_701 = arith.constant 0 : i32
      %dma_wait3A_702 = arith.constant 0 : i32
      %dma_wait3A_703 = tpu.memref_slice %arg2[%dma_wait3A_701, %dma_wait3A_702] : memref<40000x128xf32, #tpu.memory_space<hbm>> -> memref<40000x128xf32, #tpu.memory_space<hbm>>
      tpu.wait_indirect_dma semaphore(%arg13 : memref<!tpu.dma_semaphore, #tpu.memory_space<semaphore_mem>>) src(%dma_wait3A_703 : memref<40000x128xf32, #tpu.memory_space<hbm>>) dst(%arg11 : memref<128x128xf32, #tpu.memory_space<vmem>>)
      %run_scoped3A_704 = arith.constant 16 : i32
      "tpu.region"() ({
        %run_scoped3A_743 = tpu.sem_alloc : memref<!tpu.dma_semaphore, #tpu.memory_space<semaphore_mem>>
        %dma_start3A_744 = arith.constant 0 : i32
        %dma_start3A_745 = tpu.memref_slice %arg10[%run_scoped3A_704, %dma_start3A_744] : memref<20x128xi32, #tpu.memory_space<vmem>> -> memref<1x128xi32, #tpu.memory_space<vmem>>
        %dma_start3A_746 = tpu.memref_squeeze %dma_start3A_745 : memref<1x128xi32, #tpu.memory_space<vmem>> -> memref<128xi32, #tpu.memory_space<vmem>>
        %dma_start3A_747 = arith.constant 0 : i32
        %dma_start3A_748 = arith.constant 0 : i32
        %dma_start3A_749 = tpu.memref_slice %arg6[%dma_start3A_747, %dma_start3A_748] : memref<10008x128xf32, #tpu.memory_space<vmem_shared>> -> memref<10008x128xf32, #tpu.memory_space<vmem_shared>>
        tpu.enqueue_indirect_dma source(%arg11 : memref<128x128xf32, #tpu.memory_space<vmem>>) target(%dma_start3A_749 : memref<10008x128xf32, #tpu.memory_space<vmem_shared>>) offsets(%dma_start3A_746 : memref<128xi32, #tpu.memory_space<vmem>>) semaphore(%run_scoped3A_743 : memref<!tpu.dma_semaphore, #tpu.memory_space<semaphore_mem>>) {add = true}
        %dma_wait3A_750 = arith.constant 0 : i32
        %dma_wait3A_751 = tpu.memref_slice %arg10[%run_scoped3A_704, %dma_wait3A_750] : memref<20x128xi32, #tpu.memory_space<vmem>> -> memref<1x128xi32, #tpu.memory_space<vmem>>
        %dma_wait3A_752 = tpu.memref_squeeze %dma_wait3A_751 : memref<1x128xi32, #tpu.memory_space<vmem>> -> memref<128xi32, #tpu.memory_space<vmem>>
        %dma_wait3A_753 = arith.constant 0 : i32
        %dma_wait3A_754 = arith.constant 0 : i32
        %dma_wait3A_755 = tpu.memref_slice %arg6[%dma_wait3A_753, %dma_wait3A_754] : memref<10008x128xf32, #tpu.memory_space<vmem_shared>> -> memref<10008x128xf32, #tpu.memory_space<vmem_shared>>
        tpu.wait_indirect_dma semaphore(%run_scoped3A_743 : memref<!tpu.dma_semaphore, #tpu.memory_space<semaphore_mem>>) src(%arg11 : memref<128x128xf32, #tpu.memory_space<vmem>>) dst(%dma_wait3A_755 : memref<10008x128xf32, #tpu.memory_space<vmem_shared>>)
        tpu.yield
      }) : () -> ()
      %dma_start3A_705 = arith.constant 18 : i32
      %dma_start3A_706 = arith.constant 0 : i32
      %dma_start3A_707 = tpu.memref_slice %arg9[%dma_start3A_705, %dma_start3A_706] : memref<20x128xi32, #tpu.memory_space<vmem>> -> memref<1x128xi32, #tpu.memory_space<vmem>>
      %dma_start3A_708 = tpu.memref_squeeze %dma_start3A_707 : memref<1x128xi32, #tpu.memory_space<vmem>> -> memref<128xi32, #tpu.memory_space<vmem>>
      %dma_start3A_709 = arith.constant 0 : i32
      %dma_start3A_710 = arith.constant 0 : i32
      %dma_start3A_711 = tpu.memref_slice %arg2[%dma_start3A_709, %dma_start3A_710] : memref<40000x128xf32, #tpu.memory_space<hbm>> -> memref<40000x128xf32, #tpu.memory_space<hbm>>
      tpu.enqueue_indirect_dma source(%dma_start3A_711 : memref<40000x128xf32, #tpu.memory_space<hbm>>) target(%arg11 : memref<128x128xf32, #tpu.memory_space<vmem>>) offsets(%dma_start3A_708 : memref<128xi32, #tpu.memory_space<vmem>>) semaphore(%arg13 : memref<!tpu.dma_semaphore, #tpu.memory_space<semaphore_mem>>)
      %dma_wait3A_712 = arith.constant 17 : i32
      %dma_wait3A_713 = arith.constant 0 : i32
      %dma_wait3A_714 = tpu.memref_slice %arg9[%dma_wait3A_712, %dma_wait3A_713] : memref<20x128xi32, #tpu.memory_space<vmem>> -> memref<1x128xi32, #tpu.memory_space<vmem>>
      %dma_wait3A_715 = tpu.memref_squeeze %dma_wait3A_714 : memref<1x128xi32, #tpu.memory_space<vmem>> -> memref<128xi32, #tpu.memory_space<vmem>>
      %dma_wait3A_716 = arith.constant 0 : i32
      %dma_wait3A_717 = arith.constant 0 : i32
      %dma_wait3A_718 = tpu.memref_slice %arg2[%dma_wait3A_716, %dma_wait3A_717] : memref<40000x128xf32, #tpu.memory_space<hbm>> -> memref<40000x128xf32, #tpu.memory_space<hbm>>
      tpu.wait_indirect_dma semaphore(%arg14 : memref<!tpu.dma_semaphore, #tpu.memory_space<semaphore_mem>>) src(%dma_wait3A_718 : memref<40000x128xf32, #tpu.memory_space<hbm>>) dst(%arg12 : memref<128x128xf32, #tpu.memory_space<vmem>>)
      %run_scoped3A_719 = arith.constant 17 : i32
      "tpu.region"() ({
        %run_scoped3A_743 = tpu.sem_alloc : memref<!tpu.dma_semaphore, #tpu.memory_space<semaphore_mem>>
        %dma_start3A_744 = arith.constant 0 : i32
        %dma_start3A_745 = tpu.memref_slice %arg10[%run_scoped3A_719, %dma_start3A_744] : memref<20x128xi32, #tpu.memory_space<vmem>> -> memref<1x128xi32, #tpu.memory_space<vmem>>
        %dma_start3A_746 = tpu.memref_squeeze %dma_start3A_745 : memref<1x128xi32, #tpu.memory_space<vmem>> -> memref<128xi32, #tpu.memory_space<vmem>>
        %dma_start3A_747 = arith.constant 0 : i32
        %dma_start3A_748 = arith.constant 0 : i32
        %dma_start3A_749 = tpu.memref_slice %arg6[%dma_start3A_747, %dma_start3A_748] : memref<10008x128xf32, #tpu.memory_space<vmem_shared>> -> memref<10008x128xf32, #tpu.memory_space<vmem_shared>>
        tpu.enqueue_indirect_dma source(%arg12 : memref<128x128xf32, #tpu.memory_space<vmem>>) target(%dma_start3A_749 : memref<10008x128xf32, #tpu.memory_space<vmem_shared>>) offsets(%dma_start3A_746 : memref<128xi32, #tpu.memory_space<vmem>>) semaphore(%run_scoped3A_743 : memref<!tpu.dma_semaphore, #tpu.memory_space<semaphore_mem>>) {add = true}
        %dma_wait3A_750 = arith.constant 0 : i32
        %dma_wait3A_751 = tpu.memref_slice %arg10[%run_scoped3A_719, %dma_wait3A_750] : memref<20x128xi32, #tpu.memory_space<vmem>> -> memref<1x128xi32, #tpu.memory_space<vmem>>
        %dma_wait3A_752 = tpu.memref_squeeze %dma_wait3A_751 : memref<1x128xi32, #tpu.memory_space<vmem>> -> memref<128xi32, #tpu.memory_space<vmem>>
        %dma_wait3A_753 = arith.constant 0 : i32
        %dma_wait3A_754 = arith.constant 0 : i32
        %dma_wait3A_755 = tpu.memref_slice %arg6[%dma_wait3A_753, %dma_wait3A_754] : memref<10008x128xf32, #tpu.memory_space<vmem_shared>> -> memref<10008x128xf32, #tpu.memory_space<vmem_shared>>
        tpu.wait_indirect_dma semaphore(%run_scoped3A_743 : memref<!tpu.dma_semaphore, #tpu.memory_space<semaphore_mem>>) src(%arg12 : memref<128x128xf32, #tpu.memory_space<vmem>>) dst(%dma_wait3A_755 : memref<10008x128xf32, #tpu.memory_space<vmem_shared>>)
        tpu.yield
      }) : () -> ()
      %dma_start3A_720 = arith.constant 19 : i32
      %dma_start3A_721 = arith.constant 0 : i32
      %dma_start3A_722 = tpu.memref_slice %arg9[%dma_start3A_720, %dma_start3A_721] : memref<20x128xi32, #tpu.memory_space<vmem>> -> memref<1x128xi32, #tpu.memory_space<vmem>>
      %dma_start3A_723 = tpu.memref_squeeze %dma_start3A_722 : memref<1x128xi32, #tpu.memory_space<vmem>> -> memref<128xi32, #tpu.memory_space<vmem>>
      %dma_start3A_724 = arith.constant 0 : i32
      %dma_start3A_725 = arith.constant 0 : i32
      %dma_start3A_726 = tpu.memref_slice %arg2[%dma_start3A_724, %dma_start3A_725] : memref<40000x128xf32, #tpu.memory_space<hbm>> -> memref<40000x128xf32, #tpu.memory_space<hbm>>
      tpu.enqueue_indirect_dma source(%dma_start3A_726 : memref<40000x128xf32, #tpu.memory_space<hbm>>) target(%arg12 : memref<128x128xf32, #tpu.memory_space<vmem>>) offsets(%dma_start3A_723 : memref<128xi32, #tpu.memory_space<vmem>>) semaphore(%arg14 : memref<!tpu.dma_semaphore, #tpu.memory_space<semaphore_mem>>)
      %dma_wait3A_727 = arith.constant 18 : i32
      %dma_wait3A_728 = arith.constant 0 : i32
      %dma_wait3A_729 = tpu.memref_slice %arg9[%dma_wait3A_727, %dma_wait3A_728] : memref<20x128xi32, #tpu.memory_space<vmem>> -> memref<1x128xi32, #tpu.memory_space<vmem>>
      %dma_wait3A_730 = tpu.memref_squeeze %dma_wait3A_729 : memref<1x128xi32, #tpu.memory_space<vmem>> -> memref<128xi32, #tpu.memory_space<vmem>>
      %dma_wait3A_731 = arith.constant 0 : i32
      %dma_wait3A_732 = arith.constant 0 : i32
      %dma_wait3A_733 = tpu.memref_slice %arg2[%dma_wait3A_731, %dma_wait3A_732] : memref<40000x128xf32, #tpu.memory_space<hbm>> -> memref<40000x128xf32, #tpu.memory_space<hbm>>
      tpu.wait_indirect_dma semaphore(%arg13 : memref<!tpu.dma_semaphore, #tpu.memory_space<semaphore_mem>>) src(%dma_wait3A_733 : memref<40000x128xf32, #tpu.memory_space<hbm>>) dst(%arg11 : memref<128x128xf32, #tpu.memory_space<vmem>>)
      %run_scoped3A_734 = arith.constant 18 : i32
      "tpu.region"() ({
        %run_scoped3A_743 = tpu.sem_alloc : memref<!tpu.dma_semaphore, #tpu.memory_space<semaphore_mem>>
        %dma_start3A_744 = arith.constant 0 : i32
        %dma_start3A_745 = tpu.memref_slice %arg10[%run_scoped3A_734, %dma_start3A_744] : memref<20x128xi32, #tpu.memory_space<vmem>> -> memref<1x128xi32, #tpu.memory_space<vmem>>
        %dma_start3A_746 = tpu.memref_squeeze %dma_start3A_745 : memref<1x128xi32, #tpu.memory_space<vmem>> -> memref<128xi32, #tpu.memory_space<vmem>>
        %dma_start3A_747 = arith.constant 0 : i32
        %dma_start3A_748 = arith.constant 0 : i32
        %dma_start3A_749 = tpu.memref_slice %arg6[%dma_start3A_747, %dma_start3A_748] : memref<10008x128xf32, #tpu.memory_space<vmem_shared>> -> memref<10008x128xf32, #tpu.memory_space<vmem_shared>>
        tpu.enqueue_indirect_dma source(%arg11 : memref<128x128xf32, #tpu.memory_space<vmem>>) target(%dma_start3A_749 : memref<10008x128xf32, #tpu.memory_space<vmem_shared>>) offsets(%dma_start3A_746 : memref<128xi32, #tpu.memory_space<vmem>>) semaphore(%run_scoped3A_743 : memref<!tpu.dma_semaphore, #tpu.memory_space<semaphore_mem>>) {add = true}
        %dma_wait3A_750 = arith.constant 0 : i32
        %dma_wait3A_751 = tpu.memref_slice %arg10[%run_scoped3A_734, %dma_wait3A_750] : memref<20x128xi32, #tpu.memory_space<vmem>> -> memref<1x128xi32, #tpu.memory_space<vmem>>
        %dma_wait3A_752 = tpu.memref_squeeze %dma_wait3A_751 : memref<1x128xi32, #tpu.memory_space<vmem>> -> memref<128xi32, #tpu.memory_space<vmem>>
        %dma_wait3A_753 = arith.constant 0 : i32
        %dma_wait3A_754 = arith.constant 0 : i32
        %dma_wait3A_755 = tpu.memref_slice %arg6[%dma_wait3A_753, %dma_wait3A_754] : memref<10008x128xf32, #tpu.memory_space<vmem_shared>> -> memref<10008x128xf32, #tpu.memory_space<vmem_shared>>
        tpu.wait_indirect_dma semaphore(%run_scoped3A_743 : memref<!tpu.dma_semaphore, #tpu.memory_space<semaphore_mem>>) src(%arg11 : memref<128x128xf32, #tpu.memory_space<vmem>>) dst(%dma_wait3A_755 : memref<10008x128xf32, #tpu.memory_space<vmem_shared>>)
        tpu.yield
      }) : () -> ()
      %dma_wait3A_735 = arith.constant 19 : i32
      %dma_wait3A_736 = arith.constant 0 : i32
      %dma_wait3A_737 = tpu.memref_slice %arg9[%dma_wait3A_735, %dma_wait3A_736] : memref<20x128xi32, #tpu.memory_space<vmem>> -> memref<1x128xi32, #tpu.memory_space<vmem>>
      %dma_wait3A_738 = tpu.memref_squeeze %dma_wait3A_737 : memref<1x128xi32, #tpu.memory_space<vmem>> -> memref<128xi32, #tpu.memory_space<vmem>>
      %dma_wait3A_739 = arith.constant 0 : i32
      %dma_wait3A_740 = arith.constant 0 : i32
      %dma_wait3A_741 = tpu.memref_slice %arg2[%dma_wait3A_739, %dma_wait3A_740] : memref<40000x128xf32, #tpu.memory_space<hbm>> -> memref<40000x128xf32, #tpu.memory_space<hbm>>
      tpu.wait_indirect_dma semaphore(%arg14 : memref<!tpu.dma_semaphore, #tpu.memory_space<semaphore_mem>>) src(%dma_wait3A_741 : memref<40000x128xf32, #tpu.memory_space<hbm>>) dst(%arg12 : memref<128x128xf32, #tpu.memory_space<vmem>>)
      %run_scoped3A_742 = arith.constant 19 : i32
      "tpu.region"() ({
        %run_scoped3A_743 = tpu.sem_alloc : memref<!tpu.dma_semaphore, #tpu.memory_space<semaphore_mem>>
        %dma_start3A_744 = arith.constant 0 : i32
        %dma_start3A_745 = tpu.memref_slice %arg10[%run_scoped3A_742, %dma_start3A_744] : memref<20x128xi32, #tpu.memory_space<vmem>> -> memref<1x128xi32, #tpu.memory_space<vmem>>
        %dma_start3A_746 = tpu.memref_squeeze %dma_start3A_745 : memref<1x128xi32, #tpu.memory_space<vmem>> -> memref<128xi32, #tpu.memory_space<vmem>>
        %dma_start3A_747 = arith.constant 0 : i32
        %dma_start3A_748 = arith.constant 0 : i32
        %dma_start3A_749 = tpu.memref_slice %arg6[%dma_start3A_747, %dma_start3A_748] : memref<10008x128xf32, #tpu.memory_space<vmem_shared>> -> memref<10008x128xf32, #tpu.memory_space<vmem_shared>>
        tpu.enqueue_indirect_dma source(%arg12 : memref<128x128xf32, #tpu.memory_space<vmem>>) target(%dma_start3A_749 : memref<10008x128xf32, #tpu.memory_space<vmem_shared>>) offsets(%dma_start3A_746 : memref<128xi32, #tpu.memory_space<vmem>>) semaphore(%run_scoped3A_743 : memref<!tpu.dma_semaphore, #tpu.memory_space<semaphore_mem>>) {add = true}
        %dma_wait3A_750 = arith.constant 0 : i32
        %dma_wait3A_751 = tpu.memref_slice %arg10[%run_scoped3A_742, %dma_wait3A_750] : memref<20x128xi32, #tpu.memory_space<vmem>> -> memref<1x128xi32, #tpu.memory_space<vmem>>
        %dma_wait3A_752 = tpu.memref_squeeze %dma_wait3A_751 : memref<1x128xi32, #tpu.memory_space<vmem>> -> memref<128xi32, #tpu.memory_space<vmem>>
        %dma_wait3A_753 = arith.constant 0 : i32
        %dma_wait3A_754 = arith.constant 0 : i32
        %dma_wait3A_755 = tpu.memref_slice %arg6[%dma_wait3A_753, %dma_wait3A_754] : memref<10008x128xf32, #tpu.memory_space<vmem_shared>> -> memref<10008x128xf32, #tpu.memory_space<vmem_shared>>
        tpu.wait_indirect_dma semaphore(%run_scoped3A_743 : memref<!tpu.dma_semaphore, #tpu.memory_space<semaphore_mem>>) src(%arg12 : memref<128x128xf32, #tpu.memory_space<vmem>>) dst(%dma_wait3A_755 : memref<10008x128xf32, #tpu.memory_space<vmem_shared>>)
        tpu.yield
      }) : () -> ()
    }
    %scan3A_47 = arith.constant 2 : i32
    %dma_wait3A = arith.constant 4 : i32
    %dma_wait3A_48 = arith.constant 0 : i32
    %dma_wait3A_49 = arith.constant 0 : i32
    %dma_wait3A_50 = tpu.memref_slice %arg3[%arg0, %arg1, %dma_wait3A, %dma_wait3A_48, %dma_wait3A_49] : memref<2x16x5x20x128xi32, #tpu.memory_space<hbm>> -> memref<1x1x1x20x128xi32, #tpu.memory_space<hbm>>
    %dma_wait3A_51 = tpu.memref_squeeze %dma_wait3A_50 : memref<1x1x1x20x128xi32, #tpu.memory_space<hbm>> -> memref<20x128xi32, #tpu.memory_space<hbm>>
    %dma_wait3A_52 = arith.constant 0 : i32
    %dma_wait3A_53 = arith.constant 0 : i32
    %dma_wait3A_54 = tpu.memref_slice %arg3[%arg0, %arg1, %dma_wait3A, %dma_wait3A_52, %dma_wait3A_53] : memref<2x16x5x20x128xi32, #tpu.memory_space<hbm>> -> memref<1x1x1x20x128xi32, #tpu.memory_space<hbm>>
    %dma_wait3A_55 = tpu.memref_squeeze %dma_wait3A_54 : memref<1x1x1x20x128xi32, #tpu.memory_space<hbm>> -> memref<20x128xi32, #tpu.memory_space<hbm>>
    tpu.wait_dma2 semaphore(%arg15 : memref<!tpu.dma_semaphore, #tpu.memory_space<semaphore_mem>>) src(%dma_wait3A_55 : memref<20x128xi32, #tpu.memory_space<hbm>>) dst(%arg7 : memref<20x128xi32, #tpu.memory_space<vmem>>)
    %dma_wait3A_56 = arith.constant 4 : i32
    %dma_wait3A_57 = arith.constant 0 : i32
    %dma_wait3A_58 = arith.constant 0 : i32
    %dma_wait3A_59 = tpu.memref_slice %arg4[%arg1, %dma_wait3A_56, %dma_wait3A_57, %dma_wait3A_58] : memref<16x5x20x128xi32, #tpu.memory_space<hbm>> -> memref<1x1x20x128xi32, #tpu.memory_space<hbm>>
    %dma_wait3A_60 = tpu.memref_squeeze %dma_wait3A_59 : memref<1x1x20x128xi32, #tpu.memory_space<hbm>> -> memref<20x128xi32, #tpu.memory_space<hbm>>
    %dma_wait3A_61 = arith.constant 0 : i32
    %dma_wait3A_62 = arith.constant 0 : i32
    %dma_wait3A_63 = tpu.memref_slice %arg4[%arg1, %dma_wait3A_56, %dma_wait3A_61, %dma_wait3A_62] : memref<16x5x20x128xi32, #tpu.memory_space<hbm>> -> memref<1x1x20x128xi32, #tpu.memory_space<hbm>>
    %dma_wait3A_64 = tpu.memref_squeeze %dma_wait3A_63 : memref<1x1x20x128xi32, #tpu.memory_space<hbm>> -> memref<20x128xi32, #tpu.memory_space<hbm>>
    tpu.wait_dma2 semaphore(%arg15 : memref<!tpu.dma_semaphore, #tpu.memory_space<semaphore_mem>>) src(%dma_wait3A_64 : memref<20x128xi32, #tpu.memory_space<hbm>>) dst(%arg8 : memref<20x128xi32, #tpu.memory_space<vmem>>)
    %barrier3A_65 = arith.constant 0 : index
    tpu.barrier barrier_id(%barrier3A_65)
    %mul3A_66 = arith.constant 625 : i32
    %mul3A_67 = arith.muli %arg1, %mul3A_66 : i32
    %mul3A_68 = arith.constant 16 : i32
    %mul3A_69 = arith.muli %arg0, %mul3A_68 : i32
    %add3A_70 = arith.addi %mul3A_69, %arg1 : i32
    "tpu.region"() ({
      %run_scoped3A = tpu.sem_alloc : memref<!tpu.dma_semaphore, #tpu.memory_space<semaphore_mem>>
      %dma_start3A_71 = arith.constant 0 : i32
      %dma_start3A_72 = arith.constant 0 : i32
      %dma_start3A_73 = tpu.memref_slice %arg5[%add3A_70, %dma_start3A_71, %dma_start3A_72] : memref<32x625x128xf32, #tpu.memory_space<hbm>> -> memref<1x625x128xf32, #tpu.memory_space<hbm>>
      %dma_start3A_74 = tpu.memref_squeeze %dma_start3A_73 : memref<1x625x128xf32, #tpu.memory_space<hbm>> -> memref<625x128xf32, #tpu.memory_space<hbm>>
      %dma_start3A_75 = arith.constant 0 : i32
      %dma_start3A_76 = tpu.memref_slice %arg6[%mul3A_67, %dma_start3A_75] : memref<10008x128xf32, #tpu.memory_space<vmem_shared>> -> memref<625x128xf32, #tpu.memory_space<vmem_shared>>
      tpu.enqueue_dma source(%dma_start3A_76 : memref<625x128xf32, #tpu.memory_space<vmem_shared>>) target(%dma_start3A_74 : memref<625x128xf32, #tpu.memory_space<hbm>>) target_semaphore(%run_scoped3A : memref<!tpu.dma_semaphore, #tpu.memory_space<semaphore_mem>>)
      %dma_wait3A_77 = arith.constant 0 : i32
      %dma_wait3A_78 = arith.constant 0 : i32
      %dma_wait3A_79 = tpu.memref_slice %arg5[%add3A_70, %dma_wait3A_77, %dma_wait3A_78] : memref<32x625x128xf32, #tpu.memory_space<hbm>> -> memref<1x625x128xf32, #tpu.memory_space<hbm>>
      %dma_wait3A_80 = tpu.memref_squeeze %dma_wait3A_79 : memref<1x625x128xf32, #tpu.memory_space<hbm>> -> memref<625x128xf32, #tpu.memory_space<hbm>>
      %dma_wait3A_81 = arith.constant 0 : i32
      %dma_wait3A_82 = tpu.memref_slice %arg6[%mul3A_67, %dma_wait3A_81] : memref<10008x128xf32, #tpu.memory_space<vmem_shared>> -> memref<625x128xf32, #tpu.memory_space<vmem_shared>>
      tpu.wait_dma2 semaphore(%run_scoped3A : memref<!tpu.dma_semaphore, #tpu.memory_space<semaphore_mem>>) src(%dma_wait3A_82 : memref<625x128xf32, #tpu.memory_space<vmem_shared>>) dst(%dma_wait3A_80 : memref<625x128xf32, #tpu.memory_space<hbm>>)
      tpu.yield
    }) : () -> ()
    return
  }
}

#map = affine_map<(d0, d1) -> (0, 0)>
#map1 = affine_map<(d0, d1) -> (0, 0, 0, 0, 0)>
#map2 = affine_map<(d0, d1) -> (0, 0, 0, 0)>
#map3 = affine_map<(d0, d1) -> (0, 0, 0)>
module attributes {stable_mosaic.version = 14 : i64} {
  func.func @seg(%arg0: i32, %arg1: i32, %arg2: memref<20000x128xf32, #tpu.memory_space<hbm>>, %arg3: memref<2x16x5x20x128xi32, #tpu.memory_space<hbm>>, %arg4: memref<16x5x20x128xi32, #tpu.memory_space<hbm>>, %arg5: memref<32x625x128xf32, #tpu.memory_space<hbm>>, %arg6: memref<10008x128xf32, #tpu.memory_space<vmem_shared>>, %arg7: memref<20x128xi32, #tpu.memory_space<vmem>>, %arg8: memref<20x128xi32, #tpu.memory_space<vmem>>, %arg9: memref<20x128xi32, #tpu.memory_space<vmem>>, %arg10: memref<20x128xi32, #tpu.memory_space<vmem>>, %arg11: memref<128x128xf32, #tpu.memory_space<vmem>>, %arg12: memref<128x128xf32, #tpu.memory_space<vmem>>, %arg13: memref<!tpu.dma_semaphore, #tpu.memory_space<semaphore_mem>>, %arg14: memref<!tpu.dma_semaphore, #tpu.memory_space<semaphore_mem>>, %arg15: memref<!tpu.dma_semaphore, #tpu.memory_space<semaphore_mem>>, %arg16: memref<!tpu.dma_semaphore, #tpu.memory_space<semaphore_mem>>) attributes {dimension_semantics = [#tpu.dimension_semantics<core_parallel>, #tpu.dimension_semantics<subcore_parallel>], iteration_bounds = array<i64: 2, 16>, scalar_prefetch = 0 : i64, scratch_operands = 11 : i64, tpu.core_type = #tpu.core_type<sc_vector_subcore>, window_params = [{transform_indices = #map}, {transform_indices = #map1}, {transform_indices = #map2}, {transform_indices = #map3}]} {
    %dma_start3A = arith.constant 0 : i32
    %dma_start3A_0 = arith.constant 0 : i32
    %dma_start3A_1 = arith.constant 0 : i32
    %dma_start3A_2 = tpu.memref_slice %arg3[%arg0, %arg1, %dma_start3A, %dma_start3A_0, %dma_start3A_1] : memref<2x16x5x20x128xi32, #tpu.memory_space<hbm>> -> memref<1x1x1x20x128xi32, #tpu.memory_space<hbm>>
    %dma_start3A_3 = tpu.memref_squeeze %dma_start3A_2 : memref<1x1x1x20x128xi32, #tpu.memory_space<hbm>> -> memref<20x128xi32, #tpu.memory_space<hbm>>
    %dma_start3A_4 = arith.constant 0 : i32
    %dma_start3A_5 = arith.constant 0 : i32
    %dma_start3A_6 = tpu.memref_slice %arg3[%arg0, %arg1, %dma_start3A, %dma_start3A_4, %dma_start3A_5] : memref<2x16x5x20x128xi32, #tpu.memory_space<hbm>> -> memref<1x1x1x20x128xi32, #tpu.memory_space<hbm>>
    %dma_start3A_7 = tpu.memref_squeeze %dma_start3A_6 : memref<1x1x1x20x128xi32, #tpu.memory_space<hbm>> -> memref<20x128xi32, #tpu.memory_space<hbm>>
    tpu.enqueue_dma source(%dma_start3A_7 : memref<20x128xi32, #tpu.memory_space<hbm>>) target(%arg7 : memref<20x128xi32, #tpu.memory_space<vmem>>) target_semaphore(%arg15 : memref<!tpu.dma_semaphore, #tpu.memory_space<semaphore_mem>>)
    %dma_start3A_8 = arith.constant 0 : i32
    %dma_start3A_9 = arith.constant 0 : i32
    %dma_start3A_10 = arith.constant 0 : i32
    %dma_start3A_11 = tpu.memref_slice %arg4[%arg1, %dma_start3A_8, %dma_start3A_9, %dma_start3A_10] : memref<16x5x20x128xi32, #tpu.memory_space<hbm>> -> memref<1x1x20x128xi32, #tpu.memory_space<hbm>>
    %dma_start3A_12 = tpu.memref_squeeze %dma_start3A_11 : memref<1x1x20x128xi32, #tpu.memory_space<hbm>> -> memref<20x128xi32, #tpu.memory_space<hbm>>
    %dma_start3A_13 = arith.constant 0 : i32
    %dma_start3A_14 = arith.constant 0 : i32
    %dma_start3A_15 = tpu.memref_slice %arg4[%arg1, %dma_start3A_8, %dma_start3A_13, %dma_start3A_14] : memref<16x5x20x128xi32, #tpu.memory_space<hbm>> -> memref<1x1x20x128xi32, #tpu.memory_space<hbm>>
    %dma_start3A_16 = tpu.memref_squeeze %dma_start3A_15 : memref<1x1x20x128xi32, #tpu.memory_space<hbm>> -> memref<20x128xi32, #tpu.memory_space<hbm>>
    tpu.enqueue_dma source(%dma_start3A_16 : memref<20x128xi32, #tpu.memory_space<hbm>>) target(%arg8 : memref<20x128xi32, #tpu.memory_space<vmem>>) target_semaphore(%arg15 : memref<!tpu.dma_semaphore, #tpu.memory_space<semaphore_mem>>)
    %scan3A = arith.constant 0 : i32
    %scan3A_17 = arith.constant 0 : i32
    %scan3A_18 = arith.constant 125 : i32
    %scan3A_19 = arith.addi %scan3A_17, %scan3A_18 : i32
    %scan3A_20 = arith.constant 1 : i32
    scf.for %scan3A_71 = %scan3A_17 to %scan3A_19 step %scan3A_20  : i32 {
      %scan3A_72 = arith.constant 0 : i32
      %scan3A_73 = arith.constant 8 : i32
      %scan3A_74 = arith.addi %scan3A_72, %scan3A_73 : i32
      %scan3A_75 = arith.constant 1 : i32
      scf.for %scan3A_77 = %scan3A_72 to %scan3A_74 step %scan3A_75  : i32 {
        %broadcast_in_dim3A = arith.constant 0.000000e+00 : f32
        %broadcast_in_dim3A_78 = vector.broadcast %broadcast_in_dim3A : f32 to vector<16xf32>
        %mul3A_79 = arith.constant 16 : i32
        %mul3A_80 = arith.muli %scan3A_77, %mul3A_79 : i32
        %swap3A = arith.index_cast %scan3A_71 : i32 to index
        %swap3A_81 = arith.index_cast %mul3A_80 : i32 to index
        %swap3A_82 = tpu.vector_load %arg11[%swap3A, %swap3A_81] {strides = array<i32>} : memref<128x128xf32, #tpu.memory_space<vmem>>, vector<1x16xf32>,
        %swap3A_83 = vector.shape_cast %swap3A_82 : vector<1x16xf32> to vector<16xf32>
        %swap3A_84 = vector.shape_cast %broadcast_in_dim3A_78 : vector<16xf32> to vector<1x16xf32>
        tpu.vector_store %arg11[%swap3A, %swap3A_81], %swap3A_84 {strides = array<i32>} : memref<128x128xf32, #tpu.memory_space<vmem>>, vector<1x16xf32>,
      }
      %scan3A_76 = arith.constant 8 : i32
    }
    %scan3A_21 = arith.constant 125 : i32
    %mul3A = arith.constant 625 : i32
    %mul3A_22 = arith.muli %arg1, %mul3A : i32
    %add3A = arith.constant 0 : i32
    %add3A_23 = arith.addi %mul3A_22, %add3A : i32
    "tpu.region"() ({
      %run_scoped3A = tpu.sem_alloc : memref<!tpu.dma_semaphore, #tpu.memory_space<semaphore_mem>>
      %dma_start3A_71 = arith.constant 0 : i32
      %dma_start3A_72 = arith.constant 0 : i32
      %dma_start3A_73 = tpu.memref_slice %arg11[%dma_start3A_71, %dma_start3A_72] : memref<128x128xf32, #tpu.memory_space<vmem>> -> memref<125x128xf32, #tpu.memory_space<vmem>>
      %dma_start3A_74 = arith.constant 0 : i32
      %dma_start3A_75 = tpu.memref_slice %arg6[%add3A_23, %dma_start3A_74] : memref<10008x128xf32, #tpu.memory_space<vmem_shared>> -> memref<125x128xf32, #tpu.memory_space<vmem_shared>>
      %dma_start3A_76 = arith.constant 0 : i32
      %dma_start3A_77 = tpu.memref_slice %arg6[%add3A_23, %dma_start3A_76] : memref<10008x128xf32, #tpu.memory_space<vmem_shared>> -> memref<125x128xf32, #tpu.memory_space<vmem_shared>>
      %dma_start3A_78 = arith.constant 0 : i32
      %dma_start3A_79 = arith.constant 0 : i32
      %dma_start3A_80 = tpu.memref_slice %arg11[%dma_start3A_78, %dma_start3A_79] : memref<128x128xf32, #tpu.memory_space<vmem>> -> memref<125x128xf32, #tpu.memory_space<vmem>>
      tpu.enqueue_dma source(%dma_start3A_80 : memref<125x128xf32, #tpu.memory_space<vmem>>) target(%dma_start3A_77 : memref<125x128xf32, #tpu.memory_space<vmem_shared>>) target_semaphore(%run_scoped3A : memref<!tpu.dma_semaphore, #tpu.memory_space<semaphore_mem>>)
      %dma_wait3A_81 = arith.constant 0 : i32
      %dma_wait3A_82 = arith.constant 0 : i32
      %dma_wait3A_83 = tpu.memref_slice %arg11[%dma_wait3A_81, %dma_wait3A_82] : memref<128x128xf32, #tpu.memory_space<vmem>> -> memref<125x128xf32, #tpu.memory_space<vmem>>
      %dma_wait3A_84 = arith.constant 0 : i32
      %dma_wait3A_85 = tpu.memref_slice %arg6[%add3A_23, %dma_wait3A_84] : memref<10008x128xf32, #tpu.memory_space<vmem_shared>> -> memref<125x128xf32, #tpu.memory_space<vmem_shared>>
      %dma_wait3A_86 = arith.constant 0 : i32
      %dma_wait3A_87 = tpu.memref_slice %arg6[%add3A_23, %dma_wait3A_86] : memref<10008x128xf32, #tpu.memory_space<vmem_shared>> -> memref<125x128xf32, #tpu.memory_space<vmem_shared>>
      %dma_wait3A_88 = arith.constant 0 : i32
      %dma_wait3A_89 = arith.constant 0 : i32
      %dma_wait3A_90 = tpu.memref_slice %arg11[%dma_wait3A_88, %dma_wait3A_89] : memref<128x128xf32, #tpu.memory_space<vmem>> -> memref<125x128xf32, #tpu.memory_space<vmem>>
      tpu.wait_dma2 semaphore(%run_scoped3A : memref<!tpu.dma_semaphore, #tpu.memory_space<semaphore_mem>>) src(%dma_wait3A_90 : memref<125x128xf32, #tpu.memory_space<vmem>>) dst(%dma_wait3A_87 : memref<125x128xf32, #tpu.memory_space<vmem_shared>>)
      tpu.yield
    }) : () -> ()
    %mul3A_24 = arith.constant 625 : i32
    %mul3A_25 = arith.muli %arg1, %mul3A_24 : i32
    %add3A_26 = arith.constant 125 : i32
    %add3A_27 = arith.addi %mul3A_25, %add3A_26 : i32
    "tpu.region"() ({
      %run_scoped3A = tpu.sem_alloc : memref<!tpu.dma_semaphore, #tpu.memory_space<semaphore_mem>>
      %dma_start3A_71 = arith.constant 0 : i32
      %dma_start3A_72 = arith.constant 0 : i32
      %dma_start3A_73 = tpu.memref_slice %arg11[%dma_start3A_71, %dma_start3A_72] : memref<128x128xf32, #tpu.memory_space<vmem>> -> memref<125x128xf32, #tpu.memory_space<vmem>>
      %dma_start3A_74 = arith.constant 0 : i32
      %dma_start3A_75 = tpu.memref_slice %arg6[%add3A_27, %dma_start3A_74] : memref<10008x128xf32, #tpu.memory_space<vmem_shared>> -> memref<125x128xf32, #tpu.memory_space<vmem_shared>>
      %dma_start3A_76 = arith.constant 0 : i32
      %dma_start3A_77 = tpu.memref_slice %arg6[%add3A_27, %dma_start3A_76] : memref<10008x128xf32, #tpu.memory_space<vmem_shared>> -> memref<125x128xf32, #tpu.memory_space<vmem_shared>>
      %dma_start3A_78 = arith.constant 0 : i32
      %dma_start3A_79 = arith.constant 0 : i32
      %dma_start3A_80 = tpu.memref_slice %arg11[%dma_start3A_78, %dma_start3A_79] : memref<128x128xf32, #tpu.memory_space<vmem>> -> memref<125x128xf32, #tpu.memory_space<vmem>>
      tpu.enqueue_dma source(%dma_start3A_80 : memref<125x128xf32, #tpu.memory_space<vmem>>) target(%dma_start3A_77 : memref<125x128xf32, #tpu.memory_space<vmem_shared>>) target_semaphore(%run_scoped3A : memref<!tpu.dma_semaphore, #tpu.memory_space<semaphore_mem>>)
      %dma_wait3A_81 = arith.constant 0 : i32
      %dma_wait3A_82 = arith.constant 0 : i32
      %dma_wait3A_83 = tpu.memref_slice %arg11[%dma_wait3A_81, %dma_wait3A_82] : memref<128x128xf32, #tpu.memory_space<vmem>> -> memref<125x128xf32, #tpu.memory_space<vmem>>
      %dma_wait3A_84 = arith.constant 0 : i32
      %dma_wait3A_85 = tpu.memref_slice %arg6[%add3A_27, %dma_wait3A_84] : memref<10008x128xf32, #tpu.memory_space<vmem_shared>> -> memref<125x128xf32, #tpu.memory_space<vmem_shared>>
      %dma_wait3A_86 = arith.constant 0 : i32
      %dma_wait3A_87 = tpu.memref_slice %arg6[%add3A_27, %dma_wait3A_86] : memref<10008x128xf32, #tpu.memory_space<vmem_shared>> -> memref<125x128xf32, #tpu.memory_space<vmem_shared>>
      %dma_wait3A_88 = arith.constant 0 : i32
      %dma_wait3A_89 = arith.constant 0 : i32
      %dma_wait3A_90 = tpu.memref_slice %arg11[%dma_wait3A_88, %dma_wait3A_89] : memref<128x128xf32, #tpu.memory_space<vmem>> -> memref<125x128xf32, #tpu.memory_space<vmem>>
      tpu.wait_dma2 semaphore(%run_scoped3A : memref<!tpu.dma_semaphore, #tpu.memory_space<semaphore_mem>>) src(%dma_wait3A_90 : memref<125x128xf32, #tpu.memory_space<vmem>>) dst(%dma_wait3A_87 : memref<125x128xf32, #tpu.memory_space<vmem_shared>>)
      tpu.yield
    }) : () -> ()
    %mul3A_28 = arith.constant 625 : i32
    %mul3A_29 = arith.muli %arg1, %mul3A_28 : i32
    %add3A_30 = arith.constant 250 : i32
    %add3A_31 = arith.addi %mul3A_29, %add3A_30 : i32
    "tpu.region"() ({
      %run_scoped3A = tpu.sem_alloc : memref<!tpu.dma_semaphore, #tpu.memory_space<semaphore_mem>>
      %dma_start3A_71 = arith.constant 0 : i32
      %dma_start3A_72 = arith.constant 0 : i32
      %dma_start3A_73 = tpu.memref_slice %arg11[%dma_start3A_71, %dma_start3A_72] : memref<128x128xf32, #tpu.memory_space<vmem>> -> memref<125x128xf32, #tpu.memory_space<vmem>>
      %dma_start3A_74 = arith.constant 0 : i32
      %dma_start3A_75 = tpu.memref_slice %arg6[%add3A_31, %dma_start3A_74] : memref<10008x128xf32, #tpu.memory_space<vmem_shared>> -> memref<125x128xf32, #tpu.memory_space<vmem_shared>>
      %dma_start3A_76 = arith.constant 0 : i32
      %dma_start3A_77 = tpu.memref_slice %arg6[%add3A_31, %dma_start3A_76] : memref<10008x128xf32, #tpu.memory_space<vmem_shared>> -> memref<125x128xf32, #tpu.memory_space<vmem_shared>>
      %dma_start3A_78 = arith.constant 0 : i32
      %dma_start3A_79 = arith.constant 0 : i32
      %dma_start3A_80 = tpu.memref_slice %arg11[%dma_start3A_78, %dma_start3A_79] : memref<128x128xf32, #tpu.memory_space<vmem>> -> memref<125x128xf32, #tpu.memory_space<vmem>>
      tpu.enqueue_dma source(%dma_start3A_80 : memref<125x128xf32, #tpu.memory_space<vmem>>) target(%dma_start3A_77 : memref<125x128xf32, #tpu.memory_space<vmem_shared>>) target_semaphore(%run_scoped3A : memref<!tpu.dma_semaphore, #tpu.memory_space<semaphore_mem>>)
      %dma_wait3A_81 = arith.constant 0 : i32
      %dma_wait3A_82 = arith.constant 0 : i32
      %dma_wait3A_83 = tpu.memref_slice %arg11[%dma_wait3A_81, %dma_wait3A_82] : memref<128x128xf32, #tpu.memory_space<vmem>> -> memref<125x128xf32, #tpu.memory_space<vmem>>
      %dma_wait3A_84 = arith.constant 0 : i32
      %dma_wait3A_85 = tpu.memref_slice %arg6[%add3A_31, %dma_wait3A_84] : memref<10008x128xf32, #tpu.memory_space<vmem_shared>> -> memref<125x128xf32, #tpu.memory_space<vmem_shared>>
      %dma_wait3A_86 = arith.constant 0 : i32
      %dma_wait3A_87 = tpu.memref_slice %arg6[%add3A_31, %dma_wait3A_86] : memref<10008x128xf32, #tpu.memory_space<vmem_shared>> -> memref<125x128xf32, #tpu.memory_space<vmem_shared>>
      %dma_wait3A_88 = arith.constant 0 : i32
      %dma_wait3A_89 = arith.constant 0 : i32
      %dma_wait3A_90 = tpu.memref_slice %arg11[%dma_wait3A_88, %dma_wait3A_89] : memref<128x128xf32, #tpu.memory_space<vmem>> -> memref<125x128xf32, #tpu.memory_space<vmem>>
      tpu.wait_dma2 semaphore(%run_scoped3A : memref<!tpu.dma_semaphore, #tpu.memory_space<semaphore_mem>>) src(%dma_wait3A_90 : memref<125x128xf32, #tpu.memory_space<vmem>>) dst(%dma_wait3A_87 : memref<125x128xf32, #tpu.memory_space<vmem_shared>>)
      tpu.yield
    }) : () -> ()
    %mul3A_32 = arith.constant 625 : i32
    %mul3A_33 = arith.muli %arg1, %mul3A_32 : i32
    %add3A_34 = arith.constant 375 : i32
    %add3A_35 = arith.addi %mul3A_33, %add3A_34 : i32
    "tpu.region"() ({
      %run_scoped3A = tpu.sem_alloc : memref<!tpu.dma_semaphore, #tpu.memory_space<semaphore_mem>>
      %dma_start3A_71 = arith.constant 0 : i32
      %dma_start3A_72 = arith.constant 0 : i32
      %dma_start3A_73 = tpu.memref_slice %arg11[%dma_start3A_71, %dma_start3A_72] : memref<128x128xf32, #tpu.memory_space<vmem>> -> memref<125x128xf32, #tpu.memory_space<vmem>>
      %dma_start3A_74 = arith.constant 0 : i32
      %dma_start3A_75 = tpu.memref_slice %arg6[%add3A_35, %dma_start3A_74] : memref<10008x128xf32, #tpu.memory_space<vmem_shared>> -> memref<125x128xf32, #tpu.memory_space<vmem_shared>>
      %dma_start3A_76 = arith.constant 0 : i32
      %dma_start3A_77 = tpu.memref_slice %arg6[%add3A_35, %dma_start3A_76] : memref<10008x128xf32, #tpu.memory_space<vmem_shared>> -> memref<125x128xf32, #tpu.memory_space<vmem_shared>>
      %dma_start3A_78 = arith.constant 0 : i32
      %dma_start3A_79 = arith.constant 0 : i32
      %dma_start3A_80 = tpu.memref_slice %arg11[%dma_start3A_78, %dma_start3A_79] : memref<128x128xf32, #tpu.memory_space<vmem>> -> memref<125x128xf32, #tpu.memory_space<vmem>>
      tpu.enqueue_dma source(%dma_start3A_80 : memref<125x128xf32, #tpu.memory_space<vmem>>) target(%dma_start3A_77 : memref<125x128xf32, #tpu.memory_space<vmem_shared>>) target_semaphore(%run_scoped3A : memref<!tpu.dma_semaphore, #tpu.memory_space<semaphore_mem>>)
      %dma_wait3A_81 = arith.constant 0 : i32
      %dma_wait3A_82 = arith.constant 0 : i32
      %dma_wait3A_83 = tpu.memref_slice %arg11[%dma_wait3A_81, %dma_wait3A_82] : memref<128x128xf32, #tpu.memory_space<vmem>> -> memref<125x128xf32, #tpu.memory_space<vmem>>
      %dma_wait3A_84 = arith.constant 0 : i32
      %dma_wait3A_85 = tpu.memref_slice %arg6[%add3A_35, %dma_wait3A_84] : memref<10008x128xf32, #tpu.memory_space<vmem_shared>> -> memref<125x128xf32, #tpu.memory_space<vmem_shared>>
      %dma_wait3A_86 = arith.constant 0 : i32
      %dma_wait3A_87 = tpu.memref_slice %arg6[%add3A_35, %dma_wait3A_86] : memref<10008x128xf32, #tpu.memory_space<vmem_shared>> -> memref<125x128xf32, #tpu.memory_space<vmem_shared>>
      %dma_wait3A_88 = arith.constant 0 : i32
      %dma_wait3A_89 = arith.constant 0 : i32
      %dma_wait3A_90 = tpu.memref_slice %arg11[%dma_wait3A_88, %dma_wait3A_89] : memref<128x128xf32, #tpu.memory_space<vmem>> -> memref<125x128xf32, #tpu.memory_space<vmem>>
      tpu.wait_dma2 semaphore(%run_scoped3A : memref<!tpu.dma_semaphore, #tpu.memory_space<semaphore_mem>>) src(%dma_wait3A_90 : memref<125x128xf32, #tpu.memory_space<vmem>>) dst(%dma_wait3A_87 : memref<125x128xf32, #tpu.memory_space<vmem_shared>>)
      tpu.yield
    }) : () -> ()
    %mul3A_36 = arith.constant 625 : i32
    %mul3A_37 = arith.muli %arg1, %mul3A_36 : i32
    %add3A_38 = arith.constant 500 : i32
    %add3A_39 = arith.addi %mul3A_37, %add3A_38 : i32
    "tpu.region"() ({
      %run_scoped3A = tpu.sem_alloc : memref<!tpu.dma_semaphore, #tpu.memory_space<semaphore_mem>>
      %dma_start3A_71 = arith.constant 0 : i32
      %dma_start3A_72 = arith.constant 0 : i32
      %dma_start3A_73 = tpu.memref_slice %arg11[%dma_start3A_71, %dma_start3A_72] : memref<128x128xf32, #tpu.memory_space<vmem>> -> memref<125x128xf32, #tpu.memory_space<vmem>>
      %dma_start3A_74 = arith.constant 0 : i32
      %dma_start3A_75 = tpu.memref_slice %arg6[%add3A_39, %dma_start3A_74] : memref<10008x128xf32, #tpu.memory_space<vmem_shared>> -> memref<125x128xf32, #tpu.memory_space<vmem_shared>>
      %dma_start3A_76 = arith.constant 0 : i32
      %dma_start3A_77 = tpu.memref_slice %arg6[%add3A_39, %dma_start3A_76] : memref<10008x128xf32, #tpu.memory_space<vmem_shared>> -> memref<125x128xf32, #tpu.memory_space<vmem_shared>>
      %dma_start3A_78 = arith.constant 0 : i32
      %dma_start3A_79 = arith.constant 0 : i32
      %dma_start3A_80 = tpu.memref_slice %arg11[%dma_start3A_78, %dma_start3A_79] : memref<128x128xf32, #tpu.memory_space<vmem>> -> memref<125x128xf32, #tpu.memory_space<vmem>>
      tpu.enqueue_dma source(%dma_start3A_80 : memref<125x128xf32, #tpu.memory_space<vmem>>) target(%dma_start3A_77 : memref<125x128xf32, #tpu.memory_space<vmem_shared>>) target_semaphore(%run_scoped3A : memref<!tpu.dma_semaphore, #tpu.memory_space<semaphore_mem>>)
      %dma_wait3A_81 = arith.constant 0 : i32
      %dma_wait3A_82 = arith.constant 0 : i32
      %dma_wait3A_83 = tpu.memref_slice %arg11[%dma_wait3A_81, %dma_wait3A_82] : memref<128x128xf32, #tpu.memory_space<vmem>> -> memref<125x128xf32, #tpu.memory_space<vmem>>
      %dma_wait3A_84 = arith.constant 0 : i32
      %dma_wait3A_85 = tpu.memref_slice %arg6[%add3A_39, %dma_wait3A_84] : memref<10008x128xf32, #tpu.memory_space<vmem_shared>> -> memref<125x128xf32, #tpu.memory_space<vmem_shared>>
      %dma_wait3A_86 = arith.constant 0 : i32
      %dma_wait3A_87 = tpu.memref_slice %arg6[%add3A_39, %dma_wait3A_86] : memref<10008x128xf32, #tpu.memory_space<vmem_shared>> -> memref<125x128xf32, #tpu.memory_space<vmem_shared>>
      %dma_wait3A_88 = arith.constant 0 : i32
      %dma_wait3A_89 = arith.constant 0 : i32
      %dma_wait3A_90 = tpu.memref_slice %arg11[%dma_wait3A_88, %dma_wait3A_89] : memref<128x128xf32, #tpu.memory_space<vmem>> -> memref<125x128xf32, #tpu.memory_space<vmem>>
      tpu.wait_dma2 semaphore(%run_scoped3A : memref<!tpu.dma_semaphore, #tpu.memory_space<semaphore_mem>>) src(%dma_wait3A_90 : memref<125x128xf32, #tpu.memory_space<vmem>>) dst(%dma_wait3A_87 : memref<125x128xf32, #tpu.memory_space<vmem_shared>>)
      tpu.yield
    }) : () -> ()
    %eq3A = arith.constant 0 : i32
    %eq3A_40 = arith.cmpi eq, %arg1, %eq3A : i32
    %convert_element_type3A = arith.extui %eq3A_40 : i1 to i32
    %cond3A = arith.constant 0 : i32
    %cond3A_41 = arith.cmpi ne, %convert_element_type3A, %cond3A : i32
    scf.if %cond3A_41 {
      "tpu.region"() ({
        %run_scoped3A = tpu.sem_alloc : memref<!tpu.dma_semaphore, #tpu.memory_space<semaphore_mem>>
        %dma_start3A_71 = arith.constant 0 : i32
        %dma_start3A_72 = arith.constant 0 : i32
        %dma_start3A_73 = tpu.memref_slice %arg11[%dma_start3A_71, %dma_start3A_72] : memref<128x128xf32, #tpu.memory_space<vmem>> -> memref<8x128xf32, #tpu.memory_space<vmem>>
        %dma_start3A_74 = arith.constant 10000 : i32
        %dma_start3A_75 = arith.constant 0 : i32
        %dma_start3A_76 = tpu.memref_slice %arg6[%dma_start3A_74, %dma_start3A_75] : memref<10008x128xf32, #tpu.memory_space<vmem_shared>> -> memref<8x128xf32, #tpu.memory_space<vmem_shared>>
        %dma_start3A_77 = arith.constant 10000 : i32
        %dma_start3A_78 = arith.constant 0 : i32
        %dma_start3A_79 = tpu.memref_slice %arg6[%dma_start3A_77, %dma_start3A_78] : memref<10008x128xf32, #tpu.memory_space<vmem_shared>> -> memref<8x128xf32, #tpu.memory_space<vmem_shared>>
        %dma_start3A_80 = arith.constant 0 : i32
        %dma_start3A_81 = arith.constant 0 : i32
        %dma_start3A_82 = tpu.memref_slice %arg11[%dma_start3A_80, %dma_start3A_81] : memref<128x128xf32, #tpu.memory_space<vmem>> -> memref<8x128xf32, #tpu.memory_space<vmem>>
        tpu.enqueue_dma source(%dma_start3A_82 : memref<8x128xf32, #tpu.memory_space<vmem>>) target(%dma_start3A_79 : memref<8x128xf32, #tpu.memory_space<vmem_shared>>) target_semaphore(%run_scoped3A : memref<!tpu.dma_semaphore, #tpu.memory_space<semaphore_mem>>)
        %dma_wait3A_83 = arith.constant 0 : i32
        %dma_wait3A_84 = arith.constant 0 : i32
        %dma_wait3A_85 = tpu.memref_slice %arg11[%dma_wait3A_83, %dma_wait3A_84] : memref<128x128xf32, #tpu.memory_space<vmem>> -> memref<8x128xf32, #tpu.memory_space<vmem>>
        %dma_wait3A_86 = arith.constant 10000 : i32
        %dma_wait3A_87 = arith.constant 0 : i32
        %dma_wait3A_88 = tpu.memref_slice %arg6[%dma_wait3A_86, %dma_wait3A_87] : memref<10008x128xf32, #tpu.memory_space<vmem_shared>> -> memref<8x128xf32, #tpu.memory_space<vmem_shared>>
        %dma_wait3A_89 = arith.constant 10000 : i32
        %dma_wait3A_90 = arith.constant 0 : i32
        %dma_wait3A_91 = tpu.memref_slice %arg6[%dma_wait3A_89, %dma_wait3A_90] : memref<10008x128xf32, #tpu.memory_space<vmem_shared>> -> memref<8x128xf32, #tpu.memory_space<vmem_shared>>
        %dma_wait3A_92 = arith.constant 0 : i32
        %dma_wait3A_93 = arith.constant 0 : i32
        %dma_wait3A_94 = tpu.memref_slice %arg11[%dma_wait3A_92, %dma_wait3A_93] : memref<128x128xf32, #tpu.memory_space<vmem>> -> memref<8x128xf32, #tpu.memory_space<vmem>>
        tpu.wait_dma2 semaphore(%run_scoped3A : memref<!tpu.dma_semaphore, #tpu.memory_space<semaphore_mem>>) src(%dma_wait3A_94 : memref<8x128xf32, #tpu.memory_space<vmem>>) dst(%dma_wait3A_91 : memref<8x128xf32, #tpu.memory_space<vmem_shared>>)
        tpu.yield
      }) : () -> ()
    } else {
    }
    %barrier3A = arith.constant 0 : index
    tpu.barrier barrier_id(%barrier3A)
    %scan3A_42 = arith.constant 0 : i32
    %scan3A_43 = arith.constant 0 : i32
    %scan3A_44 = arith.constant 2 : i32
    %scan3A_45 = arith.addi %scan3A_43, %scan3A_44 : i32
    %scan3A_46 = arith.constant 1 : i32
    scf.for %scan3A_71 = %scan3A_43 to %scan3A_45 step %scan3A_46  : i32 {
      %mul3A_72 = arith.constant 2 : i32
      %mul3A_73 = arith.muli %scan3A_71, %mul3A_72 : i32
      %add3A_74 = arith.constant 1 : i32
      %add3A_75 = arith.addi %mul3A_73, %add3A_74 : i32
      %dma_start3A_76 = arith.constant 0 : i32
      %dma_start3A_77 = arith.constant 0 : i32
      %dma_start3A_78 = tpu.memref_slice %arg3[%arg0, %arg1, %add3A_75, %dma_start3A_76, %dma_start3A_77] : memref<2x16x5x20x128xi32, #tpu.memory_space<hbm>> -> memref<1x1x1x20x128xi32, #tpu.memory_space<hbm>>
      %dma_start3A_79 = tpu.memref_squeeze %dma_start3A_78 : memref<1x1x1x20x128xi32, #tpu.memory_space<hbm>> -> memref<20x128xi32, #tpu.memory_space<hbm>>
      %dma_start3A_80 = arith.constant 0 : i32
      %dma_start3A_81 = arith.constant 0 : i32
      %dma_start3A_82 = tpu.memref_slice %arg3[%arg0, %arg1, %add3A_75, %dma_start3A_80, %dma_start3A_81] : memref<2x16x5x20x128xi32, #tpu.memory_space<hbm>> -> memref<1x1x1x20x128xi32, #tpu.memory_space<hbm>>
      %dma_start3A_83 = tpu.memref_squeeze %dma_start3A_82 : memref<1x1x1x20x128xi32, #tpu.memory_space<hbm>> -> memref<20x128xi32, #tpu.memory_space<hbm>>
      tpu.enqueue_dma source(%dma_start3A_83 : memref<20x128xi32, #tpu.memory_space<hbm>>) target(%arg9 : memref<20x128xi32, #tpu.memory_space<vmem>>) target_semaphore(%arg16 : memref<!tpu.dma_semaphore, #tpu.memory_space<semaphore_mem>>)
      %dma_start3A_84 = arith.constant 0 : i32
      %dma_start3A_85 = arith.constant 0 : i32
      %dma_start3A_86 = tpu.memref_slice %arg4[%arg1, %add3A_75, %dma_start3A_84, %dma_start3A_85] : memref<16x5x20x128xi32, #tpu.memory_space<hbm>> -> memref<1x1x20x128xi32, #tpu.memory_space<hbm>>
      %dma_start3A_87 = tpu.memref_squeeze %dma_start3A_86 : memref<1x1x20x128xi32, #tpu.memory_space<hbm>> -> memref<20x128xi32, #tpu.memory_space<hbm>>
      %dma_start3A_88 = arith.constant 0 : i32
      %dma_start3A_89 = arith.constant 0 : i32
      %dma_start3A_90 = tpu.memref_slice %arg4[%arg1, %add3A_75, %dma_start3A_88, %dma_start3A_89] : memref<16x5x20x128xi32, #tpu.memory_space<hbm>> -> memref<1x1x20x128xi32, #tpu.memory_space<hbm>>
      %dma_start3A_91 = tpu.memref_squeeze %dma_start3A_90 : memref<1x1x20x128xi32, #tpu.memory_space<hbm>> -> memref<20x128xi32, #tpu.memory_space<hbm>>
      tpu.enqueue_dma source(%dma_start3A_91 : memref<20x128xi32, #tpu.memory_space<hbm>>) target(%arg10 : memref<20x128xi32, #tpu.memory_space<vmem>>) target_semaphore(%arg16 : memref<!tpu.dma_semaphore, #tpu.memory_space<semaphore_mem>>)
      %dma_wait3A_92 = arith.constant 0 : i32
      %dma_wait3A_93 = arith.constant 0 : i32
      %dma_wait3A_94 = tpu.memref_slice %arg3[%arg0, %arg1, %mul3A_73, %dma_wait3A_92, %dma_wait3A_93] : memref<2x16x5x20x128xi32, #tpu.memory_space<hbm>> -> memref<1x1x1x20x128xi32, #tpu.memory_space<hbm>>
      %dma_wait3A_95 = tpu.memref_squeeze %dma_wait3A_94 : memref<1x1x1x20x128xi32, #tpu.memory_space<hbm>> -> memref<20x128xi32, #tpu.memory_space<hbm>>
      %dma_wait3A_96 = arith.constant 0 : i32
      %dma_wait3A_97 = arith.constant 0 : i32
      %dma_wait3A_98 = tpu.memref_slice %arg3[%arg0, %arg1, %mul3A_73, %dma_wait3A_96, %dma_wait3A_97] : memref<2x16x5x20x128xi32, #tpu.memory_space<hbm>> -> memref<1x1x1x20x128xi32, #tpu.memory_space<hbm>>
      %dma_wait3A_99 = tpu.memref_squeeze %dma_wait3A_98 : memref<1x1x1x20x128xi32, #tpu.memory_space<hbm>> -> memref<20x128xi32, #tpu.memory_space<hbm>>
      tpu.wait_dma2 semaphore(%arg15 : memref<!tpu.dma_semaphore, #tpu.memory_space<semaphore_mem>>) src(%dma_wait3A_99 : memref<20x128xi32, #tpu.memory_space<hbm>>) dst(%arg7 : memref<20x128xi32, #tpu.memory_space<vmem>>)
      %dma_wait3A_100 = arith.constant 0 : i32
      %dma_wait3A_101 = arith.constant 0 : i32
      %dma_wait3A_102 = tpu.memref_slice %arg4[%arg1, %mul3A_73, %dma_wait3A_100, %dma_wait3A_101] : memref<16x5x20x128xi32, #tpu.memory_space<hbm>> -> memref<1x1x20x128xi32, #tpu.memory_space<hbm>>
      %dma_wait3A_103 = tpu.memref_squeeze %dma_wait3A_102 : memref<1x1x20x128xi32, #tpu.memory_space<hbm>> -> memref<20x128xi32, #tpu.memory_space<hbm>>
      %dma_wait3A_104 = arith.constant 0 : i32
      %dma_wait3A_105 = arith.constant 0 : i32
      %dma_wait3A_106 = tpu.memref_slice %arg4[%arg1, %mul3A_73, %dma_wait3A_104, %dma_wait3A_105] : memref<16x5x20x128xi32, #tpu.memory_space<hbm>> -> memref<1x1x20x128xi32, #tpu.memory_space<hbm>>
      %dma_wait3A_107 = tpu.memref_squeeze %dma_wait3A_106 : memref<1x1x20x128xi32, #tpu.memory_space<hbm>> -> memref<20x128xi32, #tpu.memory_space<hbm>>
      tpu.wait_dma2 semaphore(%arg15 : memref<!tpu.dma_semaphore, #tpu.memory_space<semaphore_mem>>) src(%dma_wait3A_107 : memref<20x128xi32, #tpu.memory_space<hbm>>) dst(%arg8 : memref<20x128xi32, #tpu.memory_space<vmem>>)
      %dma_start3A_108 = arith.constant 0 : i32
      %dma_start3A_109 = arith.constant 0 : i32
      %dma_start3A_110 = tpu.memref_slice %arg7[%dma_start3A_108, %dma_start3A_109] : memref<20x128xi32, #tpu.memory_space<vmem>> -> memref<1x128xi32, #tpu.memory_space<vmem>>
      %dma_start3A_111 = tpu.memref_squeeze %dma_start3A_110 : memref<1x128xi32, #tpu.memory_space<vmem>> -> memref<128xi32, #tpu.memory_space<vmem>>
      %dma_start3A_112 = arith.constant 0 : i32
      %dma_start3A_113 = arith.constant 0 : i32
      %dma_start3A_114 = tpu.memref_slice %arg2[%dma_start3A_112, %dma_start3A_113] : memref<20000x128xf32, #tpu.memory_space<hbm>> -> memref<20000x128xf32, #tpu.memory_space<hbm>>
      tpu.enqueue_indirect_dma source(%dma_start3A_114 : memref<20000x128xf32, #tpu.memory_space<hbm>>) target(%arg11 : memref<128x128xf32, #tpu.memory_space<vmem>>) offsets(%dma_start3A_111 : memref<128xi32, #tpu.memory_space<vmem>>) semaphore(%arg13 : memref<!tpu.dma_semaphore, #tpu.memory_space<semaphore_mem>>)
      %dma_start3A_115 = arith.constant 1 : i32
      %dma_start3A_116 = arith.constant 0 : i32
      %dma_start3A_117 = tpu.memref_slice %arg7[%dma_start3A_115, %dma_start3A_116] : memref<20x128xi32, #tpu.memory_space<vmem>> -> memref<1x128xi32, #tpu.memory_space<vmem>>
      %dma_start3A_118 = tpu.memref_squeeze %dma_start3A_117 : memref<1x128xi32, #tpu.memory_space<vmem>> -> memref<128xi32, #tpu.memory_space<vmem>>
      %dma_start3A_119 = arith.constant 0 : i32
      %dma_start3A_120 = arith.constant 0 : i32
      %dma_start3A_121 = tpu.memref_slice %arg2[%dma_start3A_119, %dma_start3A_120] : memref<20000x128xf32, #tpu.memory_space<hbm>> -> memref<20000x128xf32, #tpu.memory_space<hbm>>
      tpu.enqueue_indirect_dma source(%dma_start3A_121 : memref<20000x128xf32, #tpu.memory_space<hbm>>) target(%arg12 : memref<128x128xf32, #tpu.memory_space<vmem>>) offsets(%dma_start3A_118 : memref<128xi32, #tpu.memory_space<vmem>>) semaphore(%arg14 : memref<!tpu.dma_semaphore, #tpu.memory_space<semaphore_mem>>)
      %dma_wait3A_122 = arith.constant 0 : i32
      %dma_wait3A_123 = arith.constant 0 : i32
      %dma_wait3A_124 = tpu.memref_slice %arg7[%dma_wait3A_122, %dma_wait3A_123] : memref<20x128xi32, #tpu.memory_space<vmem>> -> memref<1x128xi32, #tpu.memory_space<vmem>>
      %dma_wait3A_125 = tpu.memref_squeeze %dma_wait3A_124 : memref<1x128xi32, #tpu.memory_space<vmem>> -> memref<128xi32, #tpu.memory_space<vmem>>
      %dma_wait3A_126 = arith.constant 0 : i32
      %dma_wait3A_127 = arith.constant 0 : i32
      %dma_wait3A_128 = tpu.memref_slice %arg2[%dma_wait3A_126, %dma_wait3A_127] : memref<20000x128xf32, #tpu.memory_space<hbm>> -> memref<20000x128xf32, #tpu.memory_space<hbm>>
      tpu.wait_indirect_dma semaphore(%arg13 : memref<!tpu.dma_semaphore, #tpu.memory_space<semaphore_mem>>) src(%dma_wait3A_128 : memref<20000x128xf32, #tpu.memory_space<hbm>>) dst(%arg11 : memref<128x128xf32, #tpu.memory_space<vmem>>)
      %run_scoped3A = arith.constant 0 : i32
      "tpu.region"() ({
        %run_scoped3A_743 = tpu.sem_alloc : memref<!tpu.dma_semaphore, #tpu.memory_space<semaphore_mem>>
        %dma_start3A_744 = arith.constant 0 : i32
        %dma_start3A_745 = tpu.memref_slice %arg8[%run_scoped3A, %dma_start3A_744] : memref<20x128xi32, #tpu.memory_space<vmem>> -> memref<1x128xi32, #tpu.memory_space<vmem>>
        %dma_start3A_746 = tpu.memref_squeeze %dma_start3A_745 : memref<1x128xi32, #tpu.memory_space<vmem>> -> memref<128xi32, #tpu.memory_space<vmem>>
        %dma_start3A_747 = arith.constant 0 : i32
        %dma_start3A_748 = arith.constant 0 : i32
        %dma_start3A_749 = tpu.memref_slice %arg6[%dma_start3A_747, %dma_start3A_748] : memref<10008x128xf32, #tpu.memory_space<vmem_shared>> -> memref<10008x128xf32, #tpu.memory_space<vmem_shared>>
        tpu.enqueue_indirect_dma source(%arg11 : memref<128x128xf32, #tpu.memory_space<vmem>>) target(%dma_start3A_749 : memref<10008x128xf32, #tpu.memory_space<vmem_shared>>) offsets(%dma_start3A_746 : memref<128xi32, #tpu.memory_space<vmem>>) semaphore(%run_scoped3A_743 : memref<!tpu.dma_semaphore, #tpu.memory_space<semaphore_mem>>) {add = true}
        %dma_wait3A_750 = arith.constant 0 : i32
        %dma_wait3A_751 = tpu.memref_slice %arg8[%run_scoped3A, %dma_wait3A_750] : memref<20x128xi32, #tpu.memory_space<vmem>> -> memref<1x128xi32, #tpu.memory_space<vmem>>
        %dma_wait3A_752 = tpu.memref_squeeze %dma_wait3A_751 : memref<1x128xi32, #tpu.memory_space<vmem>> -> memref<128xi32, #tpu.memory_space<vmem>>
        %dma_wait3A_753 = arith.constant 0 : i32
        %dma_wait3A_754 = arith.constant 0 : i32
        %dma_wait3A_755 = tpu.memref_slice %arg6[%dma_wait3A_753, %dma_wait3A_754] : memref<10008x128xf32, #tpu.memory_space<vmem_shared>> -> memref<10008x128xf32, #tpu.memory_space<vmem_shared>>
        tpu.wait_indirect_dma semaphore(%run_scoped3A_743 : memref<!tpu.dma_semaphore, #tpu.memory_space<semaphore_mem>>) src(%arg11 : memref<128x128xf32, #tpu.memory_space<vmem>>) dst(%dma_wait3A_755 : memref<10008x128xf32, #tpu.memory_space<vmem_shared>>)
        tpu.yield
      }) : () -> ()
      %dma_start3A_129 = arith.constant 2 : i32
      %dma_start3A_130 = arith.constant 0 : i32
      %dma_start3A_131 = tpu.memref_slice %arg7[%dma_start3A_129, %dma_start3A_130] : memref<20x128xi32, #tpu.memory_space<vmem>> -> memref<1x128xi32, #tpu.memory_space<vmem>>
      %dma_start3A_132 = tpu.memref_squeeze %dma_start3A_131 : memref<1x128xi32, #tpu.memory_space<vmem>> -> memref<128xi32, #tpu.memory_space<vmem>>
      %dma_start3A_133 = arith.constant 0 : i32
      %dma_start3A_134 = arith.constant 0 : i32
      %dma_start3A_135 = tpu.memref_slice %arg2[%dma_start3A_133, %dma_start3A_134] : memref<20000x128xf32, #tpu.memory_space<hbm>> -> memref<20000x128xf32, #tpu.memory_space<hbm>>
      tpu.enqueue_indirect_dma source(%dma_start3A_135 : memref<20000x128xf32, #tpu.memory_space<hbm>>) target(%arg11 : memref<128x128xf32, #tpu.memory_space<vmem>>) offsets(%dma_start3A_132 : memref<128xi32, #tpu.memory_space<vmem>>) semaphore(%arg13 : memref<!tpu.dma_semaphore, #tpu.memory_space<semaphore_mem>>)
      %dma_wait3A_136 = arith.constant 1 : i32
      %dma_wait3A_137 = arith.constant 0 : i32
      %dma_wait3A_138 = tpu.memref_slice %arg7[%dma_wait3A_136, %dma_wait3A_137] : memref<20x128xi32, #tpu.memory_space<vmem>> -> memref<1x128xi32, #tpu.memory_space<vmem>>
      %dma_wait3A_139 = tpu.memref_squeeze %dma_wait3A_138 : memref<1x128xi32, #tpu.memory_space<vmem>> -> memref<128xi32, #tpu.memory_space<vmem>>
      %dma_wait3A_140 = arith.constant 0 : i32
      %dma_wait3A_141 = arith.constant 0 : i32
      %dma_wait3A_142 = tpu.memref_slice %arg2[%dma_wait3A_140, %dma_wait3A_141] : memref<20000x128xf32, #tpu.memory_space<hbm>> -> memref<20000x128xf32, #tpu.memory_space<hbm>>
      tpu.wait_indirect_dma semaphore(%arg14 : memref<!tpu.dma_semaphore, #tpu.memory_space<semaphore_mem>>) src(%dma_wait3A_142 : memref<20000x128xf32, #tpu.memory_space<hbm>>) dst(%arg12 : memref<128x128xf32, #tpu.memory_space<vmem>>)
      %run_scoped3A_143 = arith.constant 1 : i32
      "tpu.region"() ({
        %run_scoped3A_743 = tpu.sem_alloc : memref<!tpu.dma_semaphore, #tpu.memory_space<semaphore_mem>>
        %dma_start3A_744 = arith.constant 0 : i32
        %dma_start3A_745 = tpu.memref_slice %arg8[%run_scoped3A_143, %dma_start3A_744] : memref<20x128xi32, #tpu.memory_space<vmem>> -> memref<1x128xi32, #tpu.memory_space<vmem>>
        %dma_start3A_746 = tpu.memref_squeeze %dma_start3A_745 : memref<1x128xi32, #tpu.memory_space<vmem>> -> memref<128xi32, #tpu.memory_space<vmem>>
        %dma_start3A_747 = arith.constant 0 : i32
        %dma_start3A_748 = arith.constant 0 : i32
        %dma_start3A_749 = tpu.memref_slice %arg6[%dma_start3A_747, %dma_start3A_748] : memref<10008x128xf32, #tpu.memory_space<vmem_shared>> -> memref<10008x128xf32, #tpu.memory_space<vmem_shared>>
        tpu.enqueue_indirect_dma source(%arg12 : memref<128x128xf32, #tpu.memory_space<vmem>>) target(%dma_start3A_749 : memref<10008x128xf32, #tpu.memory_space<vmem_shared>>) offsets(%dma_start3A_746 : memref<128xi32, #tpu.memory_space<vmem>>) semaphore(%run_scoped3A_743 : memref<!tpu.dma_semaphore, #tpu.memory_space<semaphore_mem>>) {add = true}
        %dma_wait3A_750 = arith.constant 0 : i32
        %dma_wait3A_751 = tpu.memref_slice %arg8[%run_scoped3A_143, %dma_wait3A_750] : memref<20x128xi32, #tpu.memory_space<vmem>> -> memref<1x128xi32, #tpu.memory_space<vmem>>
        %dma_wait3A_752 = tpu.memref_squeeze %dma_wait3A_751 : memref<1x128xi32, #tpu.memory_space<vmem>> -> memref<128xi32, #tpu.memory_space<vmem>>
        %dma_wait3A_753 = arith.constant 0 : i32
        %dma_wait3A_754 = arith.constant 0 : i32
        %dma_wait3A_755 = tpu.memref_slice %arg6[%dma_wait3A_753, %dma_wait3A_754] : memref<10008x128xf32, #tpu.memory_space<vmem_shared>> -> memref<10008x128xf32, #tpu.memory_space<vmem_shared>>
        tpu.wait_indirect_dma semaphore(%run_scoped3A_743 : memref<!tpu.dma_semaphore, #tpu.memory_space<semaphore_mem>>) src(%arg12 : memref<128x128xf32, #tpu.memory_space<vmem>>) dst(%dma_wait3A_755 : memref<10008x128xf32, #tpu.memory_space<vmem_shared>>)
        tpu.yield
      }) : () -> ()
      %dma_start3A_144 = arith.constant 3 : i32
      %dma_start3A_145 = arith.constant 0 : i32
      %dma_start3A_146 = tpu.memref_slice %arg7[%dma_start3A_144, %dma_start3A_145] : memref<20x128xi32, #tpu.memory_space<vmem>> -> memref<1x128xi32, #tpu.memory_space<vmem>>
      %dma_start3A_147 = tpu.memref_squeeze %dma_start3A_146 : memref<1x128xi32, #tpu.memory_space<vmem>> -> memref<128xi32, #tpu.memory_space<vmem>>
      %dma_start3A_148 = arith.constant 0 : i32
      %dma_start3A_149 = arith.constant 0 : i32
      %dma_start3A_150 = tpu.memref_slice %arg2[%dma_start3A_148, %dma_start3A_149] : memref<20000x128xf32, #tpu.memory_space<hbm>> -> memref<20000x128xf32, #tpu.memory_space<hbm>>
      tpu.enqueue_indirect_dma source(%dma_start3A_150 : memref<20000x128xf32, #tpu.memory_space<hbm>>) target(%arg12 : memref<128x128xf32, #tpu.memory_space<vmem>>) offsets(%dma_start3A_147 : memref<128xi32, #tpu.memory_space<vmem>>) semaphore(%arg14 : memref<!tpu.dma_semaphore, #tpu.memory_space<semaphore_mem>>)
      %dma_wait3A_151 = arith.constant 2 : i32
      %dma_wait3A_152 = arith.constant 0 : i32
      %dma_wait3A_153 = tpu.memref_slice %arg7[%dma_wait3A_151, %dma_wait3A_152] : memref<20x128xi32, #tpu.memory_space<vmem>> -> memref<1x128xi32, #tpu.memory_space<vmem>>
      %dma_wait3A_154 = tpu.memref_squeeze %dma_wait3A_153 : memref<1x128xi32, #tpu.memory_space<vmem>> -> memref<128xi32, #tpu.memory_space<vmem>>
      %dma_wait3A_155 = arith.constant 0 : i32
      %dma_wait3A_156 = arith.constant 0 : i32
      %dma_wait3A_157 = tpu.memref_slice %arg2[%dma_wait3A_155, %dma_wait3A_156] : memref<20000x128xf32, #tpu.memory_space<hbm>> -> memref<20000x128xf32, #tpu.memory_space<hbm>>
      tpu.wait_indirect_dma semaphore(%arg13 : memref<!tpu.dma_semaphore, #tpu.memory_space<semaphore_mem>>) src(%dma_wait3A_157 : memref<20000x128xf32, #tpu.memory_space<hbm>>) dst(%arg11 : memref<128x128xf32, #tpu.memory_space<vmem>>)
      %run_scoped3A_158 = arith.constant 2 : i32
      "tpu.region"() ({
        %run_scoped3A_743 = tpu.sem_alloc : memref<!tpu.dma_semaphore, #tpu.memory_space<semaphore_mem>>
        %dma_start3A_744 = arith.constant 0 : i32
        %dma_start3A_745 = tpu.memref_slice %arg8[%run_scoped3A_158, %dma_start3A_744] : memref<20x128xi32, #tpu.memory_space<vmem>> -> memref<1x128xi32, #tpu.memory_space<vmem>>
        %dma_start3A_746 = tpu.memref_squeeze %dma_start3A_745 : memref<1x128xi32, #tpu.memory_space<vmem>> -> memref<128xi32, #tpu.memory_space<vmem>>
        %dma_start3A_747 = arith.constant 0 : i32
        %dma_start3A_748 = arith.constant 0 : i32
        %dma_start3A_749 = tpu.memref_slice %arg6[%dma_start3A_747, %dma_start3A_748] : memref<10008x128xf32, #tpu.memory_space<vmem_shared>> -> memref<10008x128xf32, #tpu.memory_space<vmem_shared>>
        tpu.enqueue_indirect_dma source(%arg11 : memref<128x128xf32, #tpu.memory_space<vmem>>) target(%dma_start3A_749 : memref<10008x128xf32, #tpu.memory_space<vmem_shared>>) offsets(%dma_start3A_746 : memref<128xi32, #tpu.memory_space<vmem>>) semaphore(%run_scoped3A_743 : memref<!tpu.dma_semaphore, #tpu.memory_space<semaphore_mem>>) {add = true}
        %dma_wait3A_750 = arith.constant 0 : i32
        %dma_wait3A_751 = tpu.memref_slice %arg8[%run_scoped3A_158, %dma_wait3A_750] : memref<20x128xi32, #tpu.memory_space<vmem>> -> memref<1x128xi32, #tpu.memory_space<vmem>>
        %dma_wait3A_752 = tpu.memref_squeeze %dma_wait3A_751 : memref<1x128xi32, #tpu.memory_space<vmem>> -> memref<128xi32, #tpu.memory_space<vmem>>
        %dma_wait3A_753 = arith.constant 0 : i32
        %dma_wait3A_754 = arith.constant 0 : i32
        %dma_wait3A_755 = tpu.memref_slice %arg6[%dma_wait3A_753, %dma_wait3A_754] : memref<10008x128xf32, #tpu.memory_space<vmem_shared>> -> memref<10008x128xf32, #tpu.memory_space<vmem_shared>>
        tpu.wait_indirect_dma semaphore(%run_scoped3A_743 : memref<!tpu.dma_semaphore, #tpu.memory_space<semaphore_mem>>) src(%arg11 : memref<128x128xf32, #tpu.memory_space<vmem>>) dst(%dma_wait3A_755 : memref<10008x128xf32, #tpu.memory_space<vmem_shared>>)
        tpu.yield
      }) : () -> ()
      %dma_start3A_159 = arith.constant 4 : i32
      %dma_start3A_160 = arith.constant 0 : i32
      %dma_start3A_161 = tpu.memref_slice %arg7[%dma_start3A_159, %dma_start3A_160] : memref<20x128xi32, #tpu.memory_space<vmem>> -> memref<1x128xi32, #tpu.memory_space<vmem>>
      %dma_start3A_162 = tpu.memref_squeeze %dma_start3A_161 : memref<1x128xi32, #tpu.memory_space<vmem>> -> memref<128xi32, #tpu.memory_space<vmem>>
      %dma_start3A_163 = arith.constant 0 : i32
      %dma_start3A_164 = arith.constant 0 : i32
      %dma_start3A_165 = tpu.memref_slice %arg2[%dma_start3A_163, %dma_start3A_164] : memref<20000x128xf32, #tpu.memory_space<hbm>> -> memref<20000x128xf32, #tpu.memory_space<hbm>>
      tpu.enqueue_indirect_dma source(%dma_start3A_165 : memref<20000x128xf32, #tpu.memory_space<hbm>>) target(%arg11 : memref<128x128xf32, #tpu.memory_space<vmem>>) offsets(%dma_start3A_162 : memref<128xi32, #tpu.memory_space<vmem>>) semaphore(%arg13 : memref<!tpu.dma_semaphore, #tpu.memory_space<semaphore_mem>>)
      %dma_wait3A_166 = arith.constant 3 : i32
      %dma_wait3A_167 = arith.constant 0 : i32
      %dma_wait3A_168 = tpu.memref_slice %arg7[%dma_wait3A_166, %dma_wait3A_167] : memref<20x128xi32, #tpu.memory_space<vmem>> -> memref<1x128xi32, #tpu.memory_space<vmem>>
      %dma_wait3A_169 = tpu.memref_squeeze %dma_wait3A_168 : memref<1x128xi32, #tpu.memory_space<vmem>> -> memref<128xi32, #tpu.memory_space<vmem>>
      %dma_wait3A_170 = arith.constant 0 : i32
      %dma_wait3A_171 = arith.constant 0 : i32
      %dma_wait3A_172 = tpu.memref_slice %arg2[%dma_wait3A_170, %dma_wait3A_171] : memref<20000x128xf32, #tpu.memory_space<hbm>> -> memref<20000x128xf32, #tpu.memory_space<hbm>>
      tpu.wait_indirect_dma semaphore(%arg14 : memref<!tpu.dma_semaphore, #tpu.memory_space<semaphore_mem>>) src(%dma_wait3A_172 : memref<20000x128xf32, #tpu.memory_space<hbm>>) dst(%arg12 : memref<128x128xf32, #tpu.memory_space<vmem>>)
      %run_scoped3A_173 = arith.constant 3 : i32
      "tpu.region"() ({
        %run_scoped3A_743 = tpu.sem_alloc : memref<!tpu.dma_semaphore, #tpu.memory_space<semaphore_mem>>
        %dma_start3A_744 = arith.constant 0 : i32
        %dma_start3A_745 = tpu.memref_slice %arg8[%run_scoped3A_173, %dma_start3A_744] : memref<20x128xi32, #tpu.memory_space<vmem>> -> memref<1x128xi32, #tpu.memory_space<vmem>>
        %dma_start3A_746 = tpu.memref_squeeze %dma_start3A_745 : memref<1x128xi32, #tpu.memory_space<vmem>> -> memref<128xi32, #tpu.memory_space<vmem>>
        %dma_start3A_747 = arith.constant 0 : i32
        %dma_start3A_748 = arith.constant 0 : i32
        %dma_start3A_749 = tpu.memref_slice %arg6[%dma_start3A_747, %dma_start3A_748] : memref<10008x128xf32, #tpu.memory_space<vmem_shared>> -> memref<10008x128xf32, #tpu.memory_space<vmem_shared>>
        tpu.enqueue_indirect_dma source(%arg12 : memref<128x128xf32, #tpu.memory_space<vmem>>) target(%dma_start3A_749 : memref<10008x128xf32, #tpu.memory_space<vmem_shared>>) offsets(%dma_start3A_746 : memref<128xi32, #tpu.memory_space<vmem>>) semaphore(%run_scoped3A_743 : memref<!tpu.dma_semaphore, #tpu.memory_space<semaphore_mem>>) {add = true}
        %dma_wait3A_750 = arith.constant 0 : i32
        %dma_wait3A_751 = tpu.memref_slice %arg8[%run_scoped3A_173, %dma_wait3A_750] : memref<20x128xi32, #tpu.memory_space<vmem>> -> memref<1x128xi32, #tpu.memory_space<vmem>>
        %dma_wait3A_752 = tpu.memref_squeeze %dma_wait3A_751 : memref<1x128xi32, #tpu.memory_space<vmem>> -> memref<128xi32, #tpu.memory_space<vmem>>
        %dma_wait3A_753 = arith.constant 0 : i32
        %dma_wait3A_754 = arith.constant 0 : i32
        %dma_wait3A_755 = tpu.memref_slice %arg6[%dma_wait3A_753, %dma_wait3A_754] : memref<10008x128xf32, #tpu.memory_space<vmem_shared>> -> memref<10008x128xf32, #tpu.memory_space<vmem_shared>>
        tpu.wait_indirect_dma semaphore(%run_scoped3A_743 : memref<!tpu.dma_semaphore, #tpu.memory_space<semaphore_mem>>) src(%arg12 : memref<128x128xf32, #tpu.memory_space<vmem>>) dst(%dma_wait3A_755 : memref<10008x128xf32, #tpu.memory_space<vmem_shared>>)
        tpu.yield
      }) : () -> ()
      %dma_start3A_174 = arith.constant 5 : i32
      %dma_start3A_175 = arith.constant 0 : i32
      %dma_start3A_176 = tpu.memref_slice %arg7[%dma_start3A_174, %dma_start3A_175] : memref<20x128xi32, #tpu.memory_space<vmem>> -> memref<1x128xi32, #tpu.memory_space<vmem>>
      %dma_start3A_177 = tpu.memref_squeeze %dma_start3A_176 : memref<1x128xi32, #tpu.memory_space<vmem>> -> memref<128xi32, #tpu.memory_space<vmem>>
      %dma_start3A_178 = arith.constant 0 : i32
      %dma_start3A_179 = arith.constant 0 : i32
      %dma_start3A_180 = tpu.memref_slice %arg2[%dma_start3A_178, %dma_start3A_179] : memref<20000x128xf32, #tpu.memory_space<hbm>> -> memref<20000x128xf32, #tpu.memory_space<hbm>>
      tpu.enqueue_indirect_dma source(%dma_start3A_180 : memref<20000x128xf32, #tpu.memory_space<hbm>>) target(%arg12 : memref<128x128xf32, #tpu.memory_space<vmem>>) offsets(%dma_start3A_177 : memref<128xi32, #tpu.memory_space<vmem>>) semaphore(%arg14 : memref<!tpu.dma_semaphore, #tpu.memory_space<semaphore_mem>>)
      %dma_wait3A_181 = arith.constant 4 : i32
      %dma_wait3A_182 = arith.constant 0 : i32
      %dma_wait3A_183 = tpu.memref_slice %arg7[%dma_wait3A_181, %dma_wait3A_182] : memref<20x128xi32, #tpu.memory_space<vmem>> -> memref<1x128xi32, #tpu.memory_space<vmem>>
      %dma_wait3A_184 = tpu.memref_squeeze %dma_wait3A_183 : memref<1x128xi32, #tpu.memory_space<vmem>> -> memref<128xi32, #tpu.memory_space<vmem>>
      %dma_wait3A_185 = arith.constant 0 : i32
      %dma_wait3A_186 = arith.constant 0 : i32
      %dma_wait3A_187 = tpu.memref_slice %arg2[%dma_wait3A_185, %dma_wait3A_186] : memref<20000x128xf32, #tpu.memory_space<hbm>> -> memref<20000x128xf32, #tpu.memory_space<hbm>>
      tpu.wait_indirect_dma semaphore(%arg13 : memref<!tpu.dma_semaphore, #tpu.memory_space<semaphore_mem>>) src(%dma_wait3A_187 : memref<20000x128xf32, #tpu.memory_space<hbm>>) dst(%arg11 : memref<128x128xf32, #tpu.memory_space<vmem>>)
      %run_scoped3A_188 = arith.constant 4 : i32
      "tpu.region"() ({
        %run_scoped3A_743 = tpu.sem_alloc : memref<!tpu.dma_semaphore, #tpu.memory_space<semaphore_mem>>
        %dma_start3A_744 = arith.constant 0 : i32
        %dma_start3A_745 = tpu.memref_slice %arg8[%run_scoped3A_188, %dma_start3A_744] : memref<20x128xi32, #tpu.memory_space<vmem>> -> memref<1x128xi32, #tpu.memory_space<vmem>>
        %dma_start3A_746 = tpu.memref_squeeze %dma_start3A_745 : memref<1x128xi32, #tpu.memory_space<vmem>> -> memref<128xi32, #tpu.memory_space<vmem>>
        %dma_start3A_747 = arith.constant 0 : i32
        %dma_start3A_748 = arith.constant 0 : i32
        %dma_start3A_749 = tpu.memref_slice %arg6[%dma_start3A_747, %dma_start3A_748] : memref<10008x128xf32, #tpu.memory_space<vmem_shared>> -> memref<10008x128xf32, #tpu.memory_space<vmem_shared>>
        tpu.enqueue_indirect_dma source(%arg11 : memref<128x128xf32, #tpu.memory_space<vmem>>) target(%dma_start3A_749 : memref<10008x128xf32, #tpu.memory_space<vmem_shared>>) offsets(%dma_start3A_746 : memref<128xi32, #tpu.memory_space<vmem>>) semaphore(%run_scoped3A_743 : memref<!tpu.dma_semaphore, #tpu.memory_space<semaphore_mem>>) {add = true}
        %dma_wait3A_750 = arith.constant 0 : i32
        %dma_wait3A_751 = tpu.memref_slice %arg8[%run_scoped3A_188, %dma_wait3A_750] : memref<20x128xi32, #tpu.memory_space<vmem>> -> memref<1x128xi32, #tpu.memory_space<vmem>>
        %dma_wait3A_752 = tpu.memref_squeeze %dma_wait3A_751 : memref<1x128xi32, #tpu.memory_space<vmem>> -> memref<128xi32, #tpu.memory_space<vmem>>
        %dma_wait3A_753 = arith.constant 0 : i32
        %dma_wait3A_754 = arith.constant 0 : i32
        %dma_wait3A_755 = tpu.memref_slice %arg6[%dma_wait3A_753, %dma_wait3A_754] : memref<10008x128xf32, #tpu.memory_space<vmem_shared>> -> memref<10008x128xf32, #tpu.memory_space<vmem_shared>>
        tpu.wait_indirect_dma semaphore(%run_scoped3A_743 : memref<!tpu.dma_semaphore, #tpu.memory_space<semaphore_mem>>) src(%arg11 : memref<128x128xf32, #tpu.memory_space<vmem>>) dst(%dma_wait3A_755 : memref<10008x128xf32, #tpu.memory_space<vmem_shared>>)
        tpu.yield
      }) : () -> ()
      %dma_start3A_189 = arith.constant 6 : i32
      %dma_start3A_190 = arith.constant 0 : i32
      %dma_start3A_191 = tpu.memref_slice %arg7[%dma_start3A_189, %dma_start3A_190] : memref<20x128xi32, #tpu.memory_space<vmem>> -> memref<1x128xi32, #tpu.memory_space<vmem>>
      %dma_start3A_192 = tpu.memref_squeeze %dma_start3A_191 : memref<1x128xi32, #tpu.memory_space<vmem>> -> memref<128xi32, #tpu.memory_space<vmem>>
      %dma_start3A_193 = arith.constant 0 : i32
      %dma_start3A_194 = arith.constant 0 : i32
      %dma_start3A_195 = tpu.memref_slice %arg2[%dma_start3A_193, %dma_start3A_194] : memref<20000x128xf32, #tpu.memory_space<hbm>> -> memref<20000x128xf32, #tpu.memory_space<hbm>>
      tpu.enqueue_indirect_dma source(%dma_start3A_195 : memref<20000x128xf32, #tpu.memory_space<hbm>>) target(%arg11 : memref<128x128xf32, #tpu.memory_space<vmem>>) offsets(%dma_start3A_192 : memref<128xi32, #tpu.memory_space<vmem>>) semaphore(%arg13 : memref<!tpu.dma_semaphore, #tpu.memory_space<semaphore_mem>>)
      %dma_wait3A_196 = arith.constant 5 : i32
      %dma_wait3A_197 = arith.constant 0 : i32
      %dma_wait3A_198 = tpu.memref_slice %arg7[%dma_wait3A_196, %dma_wait3A_197] : memref<20x128xi32, #tpu.memory_space<vmem>> -> memref<1x128xi32, #tpu.memory_space<vmem>>
      %dma_wait3A_199 = tpu.memref_squeeze %dma_wait3A_198 : memref<1x128xi32, #tpu.memory_space<vmem>> -> memref<128xi32, #tpu.memory_space<vmem>>
      %dma_wait3A_200 = arith.constant 0 : i32
      %dma_wait3A_201 = arith.constant 0 : i32
      %dma_wait3A_202 = tpu.memref_slice %arg2[%dma_wait3A_200, %dma_wait3A_201] : memref<20000x128xf32, #tpu.memory_space<hbm>> -> memref<20000x128xf32, #tpu.memory_space<hbm>>
      tpu.wait_indirect_dma semaphore(%arg14 : memref<!tpu.dma_semaphore, #tpu.memory_space<semaphore_mem>>) src(%dma_wait3A_202 : memref<20000x128xf32, #tpu.memory_space<hbm>>) dst(%arg12 : memref<128x128xf32, #tpu.memory_space<vmem>>)
      %run_scoped3A_203 = arith.constant 5 : i32
      "tpu.region"() ({
        %run_scoped3A_743 = tpu.sem_alloc : memref<!tpu.dma_semaphore, #tpu.memory_space<semaphore_mem>>
        %dma_start3A_744 = arith.constant 0 : i32
        %dma_start3A_745 = tpu.memref_slice %arg8[%run_scoped3A_203, %dma_start3A_744] : memref<20x128xi32, #tpu.memory_space<vmem>> -> memref<1x128xi32, #tpu.memory_space<vmem>>
        %dma_start3A_746 = tpu.memref_squeeze %dma_start3A_745 : memref<1x128xi32, #tpu.memory_space<vmem>> -> memref<128xi32, #tpu.memory_space<vmem>>
        %dma_start3A_747 = arith.constant 0 : i32
        %dma_start3A_748 = arith.constant 0 : i32
        %dma_start3A_749 = tpu.memref_slice %arg6[%dma_start3A_747, %dma_start3A_748] : memref<10008x128xf32, #tpu.memory_space<vmem_shared>> -> memref<10008x128xf32, #tpu.memory_space<vmem_shared>>
        tpu.enqueue_indirect_dma source(%arg12 : memref<128x128xf32, #tpu.memory_space<vmem>>) target(%dma_start3A_749 : memref<10008x128xf32, #tpu.memory_space<vmem_shared>>) offsets(%dma_start3A_746 : memref<128xi32, #tpu.memory_space<vmem>>) semaphore(%run_scoped3A_743 : memref<!tpu.dma_semaphore, #tpu.memory_space<semaphore_mem>>) {add = true}
        %dma_wait3A_750 = arith.constant 0 : i32
        %dma_wait3A_751 = tpu.memref_slice %arg8[%run_scoped3A_203, %dma_wait3A_750] : memref<20x128xi32, #tpu.memory_space<vmem>> -> memref<1x128xi32, #tpu.memory_space<vmem>>
        %dma_wait3A_752 = tpu.memref_squeeze %dma_wait3A_751 : memref<1x128xi32, #tpu.memory_space<vmem>> -> memref<128xi32, #tpu.memory_space<vmem>>
        %dma_wait3A_753 = arith.constant 0 : i32
        %dma_wait3A_754 = arith.constant 0 : i32
        %dma_wait3A_755 = tpu.memref_slice %arg6[%dma_wait3A_753, %dma_wait3A_754] : memref<10008x128xf32, #tpu.memory_space<vmem_shared>> -> memref<10008x128xf32, #tpu.memory_space<vmem_shared>>
        tpu.wait_indirect_dma semaphore(%run_scoped3A_743 : memref<!tpu.dma_semaphore, #tpu.memory_space<semaphore_mem>>) src(%arg12 : memref<128x128xf32, #tpu.memory_space<vmem>>) dst(%dma_wait3A_755 : memref<10008x128xf32, #tpu.memory_space<vmem_shared>>)
        tpu.yield
      }) : () -> ()
      %dma_start3A_204 = arith.constant 7 : i32
      %dma_start3A_205 = arith.constant 0 : i32
      %dma_start3A_206 = tpu.memref_slice %arg7[%dma_start3A_204, %dma_start3A_205] : memref<20x128xi32, #tpu.memory_space<vmem>> -> memref<1x128xi32, #tpu.memory_space<vmem>>
      %dma_start3A_207 = tpu.memref_squeeze %dma_start3A_206 : memref<1x128xi32, #tpu.memory_space<vmem>> -> memref<128xi32, #tpu.memory_space<vmem>>
      %dma_start3A_208 = arith.constant 0 : i32
      %dma_start3A_209 = arith.constant 0 : i32
      %dma_start3A_210 = tpu.memref_slice %arg2[%dma_start3A_208, %dma_start3A_209] : memref<20000x128xf32, #tpu.memory_space<hbm>> -> memref<20000x128xf32, #tpu.memory_space<hbm>>
      tpu.enqueue_indirect_dma source(%dma_start3A_210 : memref<20000x128xf32, #tpu.memory_space<hbm>>) target(%arg12 : memref<128x128xf32, #tpu.memory_space<vmem>>) offsets(%dma_start3A_207 : memref<128xi32, #tpu.memory_space<vmem>>) semaphore(%arg14 : memref<!tpu.dma_semaphore, #tpu.memory_space<semaphore_mem>>)
      %dma_wait3A_211 = arith.constant 6 : i32
      %dma_wait3A_212 = arith.constant 0 : i32
      %dma_wait3A_213 = tpu.memref_slice %arg7[%dma_wait3A_211, %dma_wait3A_212] : memref<20x128xi32, #tpu.memory_space<vmem>> -> memref<1x128xi32, #tpu.memory_space<vmem>>
      %dma_wait3A_214 = tpu.memref_squeeze %dma_wait3A_213 : memref<1x128xi32, #tpu.memory_space<vmem>> -> memref<128xi32, #tpu.memory_space<vmem>>
      %dma_wait3A_215 = arith.constant 0 : i32
      %dma_wait3A_216 = arith.constant 0 : i32
      %dma_wait3A_217 = tpu.memref_slice %arg2[%dma_wait3A_215, %dma_wait3A_216] : memref<20000x128xf32, #tpu.memory_space<hbm>> -> memref<20000x128xf32, #tpu.memory_space<hbm>>
      tpu.wait_indirect_dma semaphore(%arg13 : memref<!tpu.dma_semaphore, #tpu.memory_space<semaphore_mem>>) src(%dma_wait3A_217 : memref<20000x128xf32, #tpu.memory_space<hbm>>) dst(%arg11 : memref<128x128xf32, #tpu.memory_space<vmem>>)
      %run_scoped3A_218 = arith.constant 6 : i32
      "tpu.region"() ({
        %run_scoped3A_743 = tpu.sem_alloc : memref<!tpu.dma_semaphore, #tpu.memory_space<semaphore_mem>>
        %dma_start3A_744 = arith.constant 0 : i32
        %dma_start3A_745 = tpu.memref_slice %arg8[%run_scoped3A_218, %dma_start3A_744] : memref<20x128xi32, #tpu.memory_space<vmem>> -> memref<1x128xi32, #tpu.memory_space<vmem>>
        %dma_start3A_746 = tpu.memref_squeeze %dma_start3A_745 : memref<1x128xi32, #tpu.memory_space<vmem>> -> memref<128xi32, #tpu.memory_space<vmem>>
        %dma_start3A_747 = arith.constant 0 : i32
        %dma_start3A_748 = arith.constant 0 : i32
        %dma_start3A_749 = tpu.memref_slice %arg6[%dma_start3A_747, %dma_start3A_748] : memref<10008x128xf32, #tpu.memory_space<vmem_shared>> -> memref<10008x128xf32, #tpu.memory_space<vmem_shared>>
        tpu.enqueue_indirect_dma source(%arg11 : memref<128x128xf32, #tpu.memory_space<vmem>>) target(%dma_start3A_749 : memref<10008x128xf32, #tpu.memory_space<vmem_shared>>) offsets(%dma_start3A_746 : memref<128xi32, #tpu.memory_space<vmem>>) semaphore(%run_scoped3A_743 : memref<!tpu.dma_semaphore, #tpu.memory_space<semaphore_mem>>) {add = true}
        %dma_wait3A_750 = arith.constant 0 : i32
        %dma_wait3A_751 = tpu.memref_slice %arg8[%run_scoped3A_218, %dma_wait3A_750] : memref<20x128xi32, #tpu.memory_space<vmem>> -> memref<1x128xi32, #tpu.memory_space<vmem>>
        %dma_wait3A_752 = tpu.memref_squeeze %dma_wait3A_751 : memref<1x128xi32, #tpu.memory_space<vmem>> -> memref<128xi32, #tpu.memory_space<vmem>>
        %dma_wait3A_753 = arith.constant 0 : i32
        %dma_wait3A_754 = arith.constant 0 : i32
        %dma_wait3A_755 = tpu.memref_slice %arg6[%dma_wait3A_753, %dma_wait3A_754] : memref<10008x128xf32, #tpu.memory_space<vmem_shared>> -> memref<10008x128xf32, #tpu.memory_space<vmem_shared>>
        tpu.wait_indirect_dma semaphore(%run_scoped3A_743 : memref<!tpu.dma_semaphore, #tpu.memory_space<semaphore_mem>>) src(%arg11 : memref<128x128xf32, #tpu.memory_space<vmem>>) dst(%dma_wait3A_755 : memref<10008x128xf32, #tpu.memory_space<vmem_shared>>)
        tpu.yield
      }) : () -> ()
      %dma_start3A_219 = arith.constant 8 : i32
      %dma_start3A_220 = arith.constant 0 : i32
      %dma_start3A_221 = tpu.memref_slice %arg7[%dma_start3A_219, %dma_start3A_220] : memref<20x128xi32, #tpu.memory_space<vmem>> -> memref<1x128xi32, #tpu.memory_space<vmem>>
      %dma_start3A_222 = tpu.memref_squeeze %dma_start3A_221 : memref<1x128xi32, #tpu.memory_space<vmem>> -> memref<128xi32, #tpu.memory_space<vmem>>
      %dma_start3A_223 = arith.constant 0 : i32
      %dma_start3A_224 = arith.constant 0 : i32
      %dma_start3A_225 = tpu.memref_slice %arg2[%dma_start3A_223, %dma_start3A_224] : memref<20000x128xf32, #tpu.memory_space<hbm>> -> memref<20000x128xf32, #tpu.memory_space<hbm>>
      tpu.enqueue_indirect_dma source(%dma_start3A_225 : memref<20000x128xf32, #tpu.memory_space<hbm>>) target(%arg11 : memref<128x128xf32, #tpu.memory_space<vmem>>) offsets(%dma_start3A_222 : memref<128xi32, #tpu.memory_space<vmem>>) semaphore(%arg13 : memref<!tpu.dma_semaphore, #tpu.memory_space<semaphore_mem>>)
      %dma_wait3A_226 = arith.constant 7 : i32
      %dma_wait3A_227 = arith.constant 0 : i32
      %dma_wait3A_228 = tpu.memref_slice %arg7[%dma_wait3A_226, %dma_wait3A_227] : memref<20x128xi32, #tpu.memory_space<vmem>> -> memref<1x128xi32, #tpu.memory_space<vmem>>
      %dma_wait3A_229 = tpu.memref_squeeze %dma_wait3A_228 : memref<1x128xi32, #tpu.memory_space<vmem>> -> memref<128xi32, #tpu.memory_space<vmem>>
      %dma_wait3A_230 = arith.constant 0 : i32
      %dma_wait3A_231 = arith.constant 0 : i32
      %dma_wait3A_232 = tpu.memref_slice %arg2[%dma_wait3A_230, %dma_wait3A_231] : memref<20000x128xf32, #tpu.memory_space<hbm>> -> memref<20000x128xf32, #tpu.memory_space<hbm>>
      tpu.wait_indirect_dma semaphore(%arg14 : memref<!tpu.dma_semaphore, #tpu.memory_space<semaphore_mem>>) src(%dma_wait3A_232 : memref<20000x128xf32, #tpu.memory_space<hbm>>) dst(%arg12 : memref<128x128xf32, #tpu.memory_space<vmem>>)
      %run_scoped3A_233 = arith.constant 7 : i32
      "tpu.region"() ({
        %run_scoped3A_743 = tpu.sem_alloc : memref<!tpu.dma_semaphore, #tpu.memory_space<semaphore_mem>>
        %dma_start3A_744 = arith.constant 0 : i32
        %dma_start3A_745 = tpu.memref_slice %arg8[%run_scoped3A_233, %dma_start3A_744] : memref<20x128xi32, #tpu.memory_space<vmem>> -> memref<1x128xi32, #tpu.memory_space<vmem>>
        %dma_start3A_746 = tpu.memref_squeeze %dma_start3A_745 : memref<1x128xi32, #tpu.memory_space<vmem>> -> memref<128xi32, #tpu.memory_space<vmem>>
        %dma_start3A_747 = arith.constant 0 : i32
        %dma_start3A_748 = arith.constant 0 : i32
        %dma_start3A_749 = tpu.memref_slice %arg6[%dma_start3A_747, %dma_start3A_748] : memref<10008x128xf32, #tpu.memory_space<vmem_shared>> -> memref<10008x128xf32, #tpu.memory_space<vmem_shared>>
        tpu.enqueue_indirect_dma source(%arg12 : memref<128x128xf32, #tpu.memory_space<vmem>>) target(%dma_start3A_749 : memref<10008x128xf32, #tpu.memory_space<vmem_shared>>) offsets(%dma_start3A_746 : memref<128xi32, #tpu.memory_space<vmem>>) semaphore(%run_scoped3A_743 : memref<!tpu.dma_semaphore, #tpu.memory_space<semaphore_mem>>) {add = true}
        %dma_wait3A_750 = arith.constant 0 : i32
        %dma_wait3A_751 = tpu.memref_slice %arg8[%run_scoped3A_233, %dma_wait3A_750] : memref<20x128xi32, #tpu.memory_space<vmem>> -> memref<1x128xi32, #tpu.memory_space<vmem>>
        %dma_wait3A_752 = tpu.memref_squeeze %dma_wait3A_751 : memref<1x128xi32, #tpu.memory_space<vmem>> -> memref<128xi32, #tpu.memory_space<vmem>>
        %dma_wait3A_753 = arith.constant 0 : i32
        %dma_wait3A_754 = arith.constant 0 : i32
        %dma_wait3A_755 = tpu.memref_slice %arg6[%dma_wait3A_753, %dma_wait3A_754] : memref<10008x128xf32, #tpu.memory_space<vmem_shared>> -> memref<10008x128xf32, #tpu.memory_space<vmem_shared>>
        tpu.wait_indirect_dma semaphore(%run_scoped3A_743 : memref<!tpu.dma_semaphore, #tpu.memory_space<semaphore_mem>>) src(%arg12 : memref<128x128xf32, #tpu.memory_space<vmem>>) dst(%dma_wait3A_755 : memref<10008x128xf32, #tpu.memory_space<vmem_shared>>)
        tpu.yield
      }) : () -> ()
      %dma_start3A_234 = arith.constant 9 : i32
      %dma_start3A_235 = arith.constant 0 : i32
      %dma_start3A_236 = tpu.memref_slice %arg7[%dma_start3A_234, %dma_start3A_235] : memref<20x128xi32, #tpu.memory_space<vmem>> -> memref<1x128xi32, #tpu.memory_space<vmem>>
      %dma_start3A_237 = tpu.memref_squeeze %dma_start3A_236 : memref<1x128xi32, #tpu.memory_space<vmem>> -> memref<128xi32, #tpu.memory_space<vmem>>
      %dma_start3A_238 = arith.constant 0 : i32
      %dma_start3A_239 = arith.constant 0 : i32
      %dma_start3A_240 = tpu.memref_slice %arg2[%dma_start3A_238, %dma_start3A_239] : memref<20000x128xf32, #tpu.memory_space<hbm>> -> memref<20000x128xf32, #tpu.memory_space<hbm>>
      tpu.enqueue_indirect_dma source(%dma_start3A_240 : memref<20000x128xf32, #tpu.memory_space<hbm>>) target(%arg12 : memref<128x128xf32, #tpu.memory_space<vmem>>) offsets(%dma_start3A_237 : memref<128xi32, #tpu.memory_space<vmem>>) semaphore(%arg14 : memref<!tpu.dma_semaphore, #tpu.memory_space<semaphore_mem>>)
      %dma_wait3A_241 = arith.constant 8 : i32
      %dma_wait3A_242 = arith.constant 0 : i32
      %dma_wait3A_243 = tpu.memref_slice %arg7[%dma_wait3A_241, %dma_wait3A_242] : memref<20x128xi32, #tpu.memory_space<vmem>> -> memref<1x128xi32, #tpu.memory_space<vmem>>
      %dma_wait3A_244 = tpu.memref_squeeze %dma_wait3A_243 : memref<1x128xi32, #tpu.memory_space<vmem>> -> memref<128xi32, #tpu.memory_space<vmem>>
      %dma_wait3A_245 = arith.constant 0 : i32
      %dma_wait3A_246 = arith.constant 0 : i32
      %dma_wait3A_247 = tpu.memref_slice %arg2[%dma_wait3A_245, %dma_wait3A_246] : memref<20000x128xf32, #tpu.memory_space<hbm>> -> memref<20000x128xf32, #tpu.memory_space<hbm>>
      tpu.wait_indirect_dma semaphore(%arg13 : memref<!tpu.dma_semaphore, #tpu.memory_space<semaphore_mem>>) src(%dma_wait3A_247 : memref<20000x128xf32, #tpu.memory_space<hbm>>) dst(%arg11 : memref<128x128xf32, #tpu.memory_space<vmem>>)
      %run_scoped3A_248 = arith.constant 8 : i32
      "tpu.region"() ({
        %run_scoped3A_743 = tpu.sem_alloc : memref<!tpu.dma_semaphore, #tpu.memory_space<semaphore_mem>>
        %dma_start3A_744 = arith.constant 0 : i32
        %dma_start3A_745 = tpu.memref_slice %arg8[%run_scoped3A_248, %dma_start3A_744] : memref<20x128xi32, #tpu.memory_space<vmem>> -> memref<1x128xi32, #tpu.memory_space<vmem>>
        %dma_start3A_746 = tpu.memref_squeeze %dma_start3A_745 : memref<1x128xi32, #tpu.memory_space<vmem>> -> memref<128xi32, #tpu.memory_space<vmem>>
        %dma_start3A_747 = arith.constant 0 : i32
        %dma_start3A_748 = arith.constant 0 : i32
        %dma_start3A_749 = tpu.memref_slice %arg6[%dma_start3A_747, %dma_start3A_748] : memref<10008x128xf32, #tpu.memory_space<vmem_shared>> -> memref<10008x128xf32, #tpu.memory_space<vmem_shared>>
        tpu.enqueue_indirect_dma source(%arg11 : memref<128x128xf32, #tpu.memory_space<vmem>>) target(%dma_start3A_749 : memref<10008x128xf32, #tpu.memory_space<vmem_shared>>) offsets(%dma_start3A_746 : memref<128xi32, #tpu.memory_space<vmem>>) semaphore(%run_scoped3A_743 : memref<!tpu.dma_semaphore, #tpu.memory_space<semaphore_mem>>) {add = true}
        %dma_wait3A_750 = arith.constant 0 : i32
        %dma_wait3A_751 = tpu.memref_slice %arg8[%run_scoped3A_248, %dma_wait3A_750] : memref<20x128xi32, #tpu.memory_space<vmem>> -> memref<1x128xi32, #tpu.memory_space<vmem>>
        %dma_wait3A_752 = tpu.memref_squeeze %dma_wait3A_751 : memref<1x128xi32, #tpu.memory_space<vmem>> -> memref<128xi32, #tpu.memory_space<vmem>>
        %dma_wait3A_753 = arith.constant 0 : i32
        %dma_wait3A_754 = arith.constant 0 : i32
        %dma_wait3A_755 = tpu.memref_slice %arg6[%dma_wait3A_753, %dma_wait3A_754] : memref<10008x128xf32, #tpu.memory_space<vmem_shared>> -> memref<10008x128xf32, #tpu.memory_space<vmem_shared>>
        tpu.wait_indirect_dma semaphore(%run_scoped3A_743 : memref<!tpu.dma_semaphore, #tpu.memory_space<semaphore_mem>>) src(%arg11 : memref<128x128xf32, #tpu.memory_space<vmem>>) dst(%dma_wait3A_755 : memref<10008x128xf32, #tpu.memory_space<vmem_shared>>)
        tpu.yield
      }) : () -> ()
      %dma_start3A_249 = arith.constant 10 : i32
      %dma_start3A_250 = arith.constant 0 : i32
      %dma_start3A_251 = tpu.memref_slice %arg7[%dma_start3A_249, %dma_start3A_250] : memref<20x128xi32, #tpu.memory_space<vmem>> -> memref<1x128xi32, #tpu.memory_space<vmem>>
      %dma_start3A_252 = tpu.memref_squeeze %dma_start3A_251 : memref<1x128xi32, #tpu.memory_space<vmem>> -> memref<128xi32, #tpu.memory_space<vmem>>
      %dma_start3A_253 = arith.constant 0 : i32
      %dma_start3A_254 = arith.constant 0 : i32
      %dma_start3A_255 = tpu.memref_slice %arg2[%dma_start3A_253, %dma_start3A_254] : memref<20000x128xf32, #tpu.memory_space<hbm>> -> memref<20000x128xf32, #tpu.memory_space<hbm>>
      tpu.enqueue_indirect_dma source(%dma_start3A_255 : memref<20000x128xf32, #tpu.memory_space<hbm>>) target(%arg11 : memref<128x128xf32, #tpu.memory_space<vmem>>) offsets(%dma_start3A_252 : memref<128xi32, #tpu.memory_space<vmem>>) semaphore(%arg13 : memref<!tpu.dma_semaphore, #tpu.memory_space<semaphore_mem>>)
      %dma_wait3A_256 = arith.constant 9 : i32
      %dma_wait3A_257 = arith.constant 0 : i32
      %dma_wait3A_258 = tpu.memref_slice %arg7[%dma_wait3A_256, %dma_wait3A_257] : memref<20x128xi32, #tpu.memory_space<vmem>> -> memref<1x128xi32, #tpu.memory_space<vmem>>
      %dma_wait3A_259 = tpu.memref_squeeze %dma_wait3A_258 : memref<1x128xi32, #tpu.memory_space<vmem>> -> memref<128xi32, #tpu.memory_space<vmem>>
      %dma_wait3A_260 = arith.constant 0 : i32
      %dma_wait3A_261 = arith.constant 0 : i32
      %dma_wait3A_262 = tpu.memref_slice %arg2[%dma_wait3A_260, %dma_wait3A_261] : memref<20000x128xf32, #tpu.memory_space<hbm>> -> memref<20000x128xf32, #tpu.memory_space<hbm>>
      tpu.wait_indirect_dma semaphore(%arg14 : memref<!tpu.dma_semaphore, #tpu.memory_space<semaphore_mem>>) src(%dma_wait3A_262 : memref<20000x128xf32, #tpu.memory_space<hbm>>) dst(%arg12 : memref<128x128xf32, #tpu.memory_space<vmem>>)
      %run_scoped3A_263 = arith.constant 9 : i32
      "tpu.region"() ({
        %run_scoped3A_743 = tpu.sem_alloc : memref<!tpu.dma_semaphore, #tpu.memory_space<semaphore_mem>>
        %dma_start3A_744 = arith.constant 0 : i32
        %dma_start3A_745 = tpu.memref_slice %arg8[%run_scoped3A_263, %dma_start3A_744] : memref<20x128xi32, #tpu.memory_space<vmem>> -> memref<1x128xi32, #tpu.memory_space<vmem>>
        %dma_start3A_746 = tpu.memref_squeeze %dma_start3A_745 : memref<1x128xi32, #tpu.memory_space<vmem>> -> memref<128xi32, #tpu.memory_space<vmem>>
        %dma_start3A_747 = arith.constant 0 : i32
        %dma_start3A_748 = arith.constant 0 : i32
        %dma_start3A_749 = tpu.memref_slice %arg6[%dma_start3A_747, %dma_start3A_748] : memref<10008x128xf32, #tpu.memory_space<vmem_shared>> -> memref<10008x128xf32, #tpu.memory_space<vmem_shared>>
        tpu.enqueue_indirect_dma source(%arg12 : memref<128x128xf32, #tpu.memory_space<vmem>>) target(%dma_start3A_749 : memref<10008x128xf32, #tpu.memory_space<vmem_shared>>) offsets(%dma_start3A_746 : memref<128xi32, #tpu.memory_space<vmem>>) semaphore(%run_scoped3A_743 : memref<!tpu.dma_semaphore, #tpu.memory_space<semaphore_mem>>) {add = true}
        %dma_wait3A_750 = arith.constant 0 : i32
        %dma_wait3A_751 = tpu.memref_slice %arg8[%run_scoped3A_263, %dma_wait3A_750] : memref<20x128xi32, #tpu.memory_space<vmem>> -> memref<1x128xi32, #tpu.memory_space<vmem>>
        %dma_wait3A_752 = tpu.memref_squeeze %dma_wait3A_751 : memref<1x128xi32, #tpu.memory_space<vmem>> -> memref<128xi32, #tpu.memory_space<vmem>>
        %dma_wait3A_753 = arith.constant 0 : i32
        %dma_wait3A_754 = arith.constant 0 : i32
        %dma_wait3A_755 = tpu.memref_slice %arg6[%dma_wait3A_753, %dma_wait3A_754] : memref<10008x128xf32, #tpu.memory_space<vmem_shared>> -> memref<10008x128xf32, #tpu.memory_space<vmem_shared>>
        tpu.wait_indirect_dma semaphore(%run_scoped3A_743 : memref<!tpu.dma_semaphore, #tpu.memory_space<semaphore_mem>>) src(%arg12 : memref<128x128xf32, #tpu.memory_space<vmem>>) dst(%dma_wait3A_755 : memref<10008x128xf32, #tpu.memory_space<vmem_shared>>)
        tpu.yield
      }) : () -> ()
      %dma_start3A_264 = arith.constant 11 : i32
      %dma_start3A_265 = arith.constant 0 : i32
      %dma_start3A_266 = tpu.memref_slice %arg7[%dma_start3A_264, %dma_start3A_265] : memref<20x128xi32, #tpu.memory_space<vmem>> -> memref<1x128xi32, #tpu.memory_space<vmem>>
      %dma_start3A_267 = tpu.memref_squeeze %dma_start3A_266 : memref<1x128xi32, #tpu.memory_space<vmem>> -> memref<128xi32, #tpu.memory_space<vmem>>
      %dma_start3A_268 = arith.constant 0 : i32
      %dma_start3A_269 = arith.constant 0 : i32
      %dma_start3A_270 = tpu.memref_slice %arg2[%dma_start3A_268, %dma_start3A_269] : memref<20000x128xf32, #tpu.memory_space<hbm>> -> memref<20000x128xf32, #tpu.memory_space<hbm>>
      tpu.enqueue_indirect_dma source(%dma_start3A_270 : memref<20000x128xf32, #tpu.memory_space<hbm>>) target(%arg12 : memref<128x128xf32, #tpu.memory_space<vmem>>) offsets(%dma_start3A_267 : memref<128xi32, #tpu.memory_space<vmem>>) semaphore(%arg14 : memref<!tpu.dma_semaphore, #tpu.memory_space<semaphore_mem>>)
      %dma_wait3A_271 = arith.constant 10 : i32
      %dma_wait3A_272 = arith.constant 0 : i32
      %dma_wait3A_273 = tpu.memref_slice %arg7[%dma_wait3A_271, %dma_wait3A_272] : memref<20x128xi32, #tpu.memory_space<vmem>> -> memref<1x128xi32, #tpu.memory_space<vmem>>
      %dma_wait3A_274 = tpu.memref_squeeze %dma_wait3A_273 : memref<1x128xi32, #tpu.memory_space<vmem>> -> memref<128xi32, #tpu.memory_space<vmem>>
      %dma_wait3A_275 = arith.constant 0 : i32
      %dma_wait3A_276 = arith.constant 0 : i32
      %dma_wait3A_277 = tpu.memref_slice %arg2[%dma_wait3A_275, %dma_wait3A_276] : memref<20000x128xf32, #tpu.memory_space<hbm>> -> memref<20000x128xf32, #tpu.memory_space<hbm>>
      tpu.wait_indirect_dma semaphore(%arg13 : memref<!tpu.dma_semaphore, #tpu.memory_space<semaphore_mem>>) src(%dma_wait3A_277 : memref<20000x128xf32, #tpu.memory_space<hbm>>) dst(%arg11 : memref<128x128xf32, #tpu.memory_space<vmem>>)
      %run_scoped3A_278 = arith.constant 10 : i32
      "tpu.region"() ({
        %run_scoped3A_743 = tpu.sem_alloc : memref<!tpu.dma_semaphore, #tpu.memory_space<semaphore_mem>>
        %dma_start3A_744 = arith.constant 0 : i32
        %dma_start3A_745 = tpu.memref_slice %arg8[%run_scoped3A_278, %dma_start3A_744] : memref<20x128xi32, #tpu.memory_space<vmem>> -> memref<1x128xi32, #tpu.memory_space<vmem>>
        %dma_start3A_746 = tpu.memref_squeeze %dma_start3A_745 : memref<1x128xi32, #tpu.memory_space<vmem>> -> memref<128xi32, #tpu.memory_space<vmem>>
        %dma_start3A_747 = arith.constant 0 : i32
        %dma_start3A_748 = arith.constant 0 : i32
        %dma_start3A_749 = tpu.memref_slice %arg6[%dma_start3A_747, %dma_start3A_748] : memref<10008x128xf32, #tpu.memory_space<vmem_shared>> -> memref<10008x128xf32, #tpu.memory_space<vmem_shared>>
        tpu.enqueue_indirect_dma source(%arg11 : memref<128x128xf32, #tpu.memory_space<vmem>>) target(%dma_start3A_749 : memref<10008x128xf32, #tpu.memory_space<vmem_shared>>) offsets(%dma_start3A_746 : memref<128xi32, #tpu.memory_space<vmem>>) semaphore(%run_scoped3A_743 : memref<!tpu.dma_semaphore, #tpu.memory_space<semaphore_mem>>) {add = true}
        %dma_wait3A_750 = arith.constant 0 : i32
        %dma_wait3A_751 = tpu.memref_slice %arg8[%run_scoped3A_278, %dma_wait3A_750] : memref<20x128xi32, #tpu.memory_space<vmem>> -> memref<1x128xi32, #tpu.memory_space<vmem>>
        %dma_wait3A_752 = tpu.memref_squeeze %dma_wait3A_751 : memref<1x128xi32, #tpu.memory_space<vmem>> -> memref<128xi32, #tpu.memory_space<vmem>>
        %dma_wait3A_753 = arith.constant 0 : i32
        %dma_wait3A_754 = arith.constant 0 : i32
        %dma_wait3A_755 = tpu.memref_slice %arg6[%dma_wait3A_753, %dma_wait3A_754] : memref<10008x128xf32, #tpu.memory_space<vmem_shared>> -> memref<10008x128xf32, #tpu.memory_space<vmem_shared>>
        tpu.wait_indirect_dma semaphore(%run_scoped3A_743 : memref<!tpu.dma_semaphore, #tpu.memory_space<semaphore_mem>>) src(%arg11 : memref<128x128xf32, #tpu.memory_space<vmem>>) dst(%dma_wait3A_755 : memref<10008x128xf32, #tpu.memory_space<vmem_shared>>)
        tpu.yield
      }) : () -> ()
      %dma_start3A_279 = arith.constant 12 : i32
      %dma_start3A_280 = arith.constant 0 : i32
      %dma_start3A_281 = tpu.memref_slice %arg7[%dma_start3A_279, %dma_start3A_280] : memref<20x128xi32, #tpu.memory_space<vmem>> -> memref<1x128xi32, #tpu.memory_space<vmem>>
      %dma_start3A_282 = tpu.memref_squeeze %dma_start3A_281 : memref<1x128xi32, #tpu.memory_space<vmem>> -> memref<128xi32, #tpu.memory_space<vmem>>
      %dma_start3A_283 = arith.constant 0 : i32
      %dma_start3A_284 = arith.constant 0 : i32
      %dma_start3A_285 = tpu.memref_slice %arg2[%dma_start3A_283, %dma_start3A_284] : memref<20000x128xf32, #tpu.memory_space<hbm>> -> memref<20000x128xf32, #tpu.memory_space<hbm>>
      tpu.enqueue_indirect_dma source(%dma_start3A_285 : memref<20000x128xf32, #tpu.memory_space<hbm>>) target(%arg11 : memref<128x128xf32, #tpu.memory_space<vmem>>) offsets(%dma_start3A_282 : memref<128xi32, #tpu.memory_space<vmem>>) semaphore(%arg13 : memref<!tpu.dma_semaphore, #tpu.memory_space<semaphore_mem>>)
      %dma_wait3A_286 = arith.constant 11 : i32
      %dma_wait3A_287 = arith.constant 0 : i32
      %dma_wait3A_288 = tpu.memref_slice %arg7[%dma_wait3A_286, %dma_wait3A_287] : memref<20x128xi32, #tpu.memory_space<vmem>> -> memref<1x128xi32, #tpu.memory_space<vmem>>
      %dma_wait3A_289 = tpu.memref_squeeze %dma_wait3A_288 : memref<1x128xi32, #tpu.memory_space<vmem>> -> memref<128xi32, #tpu.memory_space<vmem>>
      %dma_wait3A_290 = arith.constant 0 : i32
      %dma_wait3A_291 = arith.constant 0 : i32
      %dma_wait3A_292 = tpu.memref_slice %arg2[%dma_wait3A_290, %dma_wait3A_291] : memref<20000x128xf32, #tpu.memory_space<hbm>> -> memref<20000x128xf32, #tpu.memory_space<hbm>>
      tpu.wait_indirect_dma semaphore(%arg14 : memref<!tpu.dma_semaphore, #tpu.memory_space<semaphore_mem>>) src(%dma_wait3A_292 : memref<20000x128xf32, #tpu.memory_space<hbm>>) dst(%arg12 : memref<128x128xf32, #tpu.memory_space<vmem>>)
      %run_scoped3A_293 = arith.constant 11 : i32
      "tpu.region"() ({
        %run_scoped3A_743 = tpu.sem_alloc : memref<!tpu.dma_semaphore, #tpu.memory_space<semaphore_mem>>
        %dma_start3A_744 = arith.constant 0 : i32
        %dma_start3A_745 = tpu.memref_slice %arg8[%run_scoped3A_293, %dma_start3A_744] : memref<20x128xi32, #tpu.memory_space<vmem>> -> memref<1x128xi32, #tpu.memory_space<vmem>>
        %dma_start3A_746 = tpu.memref_squeeze %dma_start3A_745 : memref<1x128xi32, #tpu.memory_space<vmem>> -> memref<128xi32, #tpu.memory_space<vmem>>
        %dma_start3A_747 = arith.constant 0 : i32
        %dma_start3A_748 = arith.constant 0 : i32
        %dma_start3A_749 = tpu.memref_slice %arg6[%dma_start3A_747, %dma_start3A_748] : memref<10008x128xf32, #tpu.memory_space<vmem_shared>> -> memref<10008x128xf32, #tpu.memory_space<vmem_shared>>
        tpu.enqueue_indirect_dma source(%arg12 : memref<128x128xf32, #tpu.memory_space<vmem>>) target(%dma_start3A_749 : memref<10008x128xf32, #tpu.memory_space<vmem_shared>>) offsets(%dma_start3A_746 : memref<128xi32, #tpu.memory_space<vmem>>) semaphore(%run_scoped3A_743 : memref<!tpu.dma_semaphore, #tpu.memory_space<semaphore_mem>>) {add = true}
        %dma_wait3A_750 = arith.constant 0 : i32
        %dma_wait3A_751 = tpu.memref_slice %arg8[%run_scoped3A_293, %dma_wait3A_750] : memref<20x128xi32, #tpu.memory_space<vmem>> -> memref<1x128xi32, #tpu.memory_space<vmem>>
        %dma_wait3A_752 = tpu.memref_squeeze %dma_wait3A_751 : memref<1x128xi32, #tpu.memory_space<vmem>> -> memref<128xi32, #tpu.memory_space<vmem>>
        %dma_wait3A_753 = arith.constant 0 : i32
        %dma_wait3A_754 = arith.constant 0 : i32
        %dma_wait3A_755 = tpu.memref_slice %arg6[%dma_wait3A_753, %dma_wait3A_754] : memref<10008x128xf32, #tpu.memory_space<vmem_shared>> -> memref<10008x128xf32, #tpu.memory_space<vmem_shared>>
        tpu.wait_indirect_dma semaphore(%run_scoped3A_743 : memref<!tpu.dma_semaphore, #tpu.memory_space<semaphore_mem>>) src(%arg12 : memref<128x128xf32, #tpu.memory_space<vmem>>) dst(%dma_wait3A_755 : memref<10008x128xf32, #tpu.memory_space<vmem_shared>>)
        tpu.yield
      }) : () -> ()
      %dma_start3A_294 = arith.constant 13 : i32
      %dma_start3A_295 = arith.constant 0 : i32
      %dma_start3A_296 = tpu.memref_slice %arg7[%dma_start3A_294, %dma_start3A_295] : memref<20x128xi32, #tpu.memory_space<vmem>> -> memref<1x128xi32, #tpu.memory_space<vmem>>
      %dma_start3A_297 = tpu.memref_squeeze %dma_start3A_296 : memref<1x128xi32, #tpu.memory_space<vmem>> -> memref<128xi32, #tpu.memory_space<vmem>>
      %dma_start3A_298 = arith.constant 0 : i32
      %dma_start3A_299 = arith.constant 0 : i32
      %dma_start3A_300 = tpu.memref_slice %arg2[%dma_start3A_298, %dma_start3A_299] : memref<20000x128xf32, #tpu.memory_space<hbm>> -> memref<20000x128xf32, #tpu.memory_space<hbm>>
      tpu.enqueue_indirect_dma source(%dma_start3A_300 : memref<20000x128xf32, #tpu.memory_space<hbm>>) target(%arg12 : memref<128x128xf32, #tpu.memory_space<vmem>>) offsets(%dma_start3A_297 : memref<128xi32, #tpu.memory_space<vmem>>) semaphore(%arg14 : memref<!tpu.dma_semaphore, #tpu.memory_space<semaphore_mem>>)
      %dma_wait3A_301 = arith.constant 12 : i32
      %dma_wait3A_302 = arith.constant 0 : i32
      %dma_wait3A_303 = tpu.memref_slice %arg7[%dma_wait3A_301, %dma_wait3A_302] : memref<20x128xi32, #tpu.memory_space<vmem>> -> memref<1x128xi32, #tpu.memory_space<vmem>>
      %dma_wait3A_304 = tpu.memref_squeeze %dma_wait3A_303 : memref<1x128xi32, #tpu.memory_space<vmem>> -> memref<128xi32, #tpu.memory_space<vmem>>
      %dma_wait3A_305 = arith.constant 0 : i32
      %dma_wait3A_306 = arith.constant 0 : i32
      %dma_wait3A_307 = tpu.memref_slice %arg2[%dma_wait3A_305, %dma_wait3A_306] : memref<20000x128xf32, #tpu.memory_space<hbm>> -> memref<20000x128xf32, #tpu.memory_space<hbm>>
      tpu.wait_indirect_dma semaphore(%arg13 : memref<!tpu.dma_semaphore, #tpu.memory_space<semaphore_mem>>) src(%dma_wait3A_307 : memref<20000x128xf32, #tpu.memory_space<hbm>>) dst(%arg11 : memref<128x128xf32, #tpu.memory_space<vmem>>)
      %run_scoped3A_308 = arith.constant 12 : i32
      "tpu.region"() ({
        %run_scoped3A_743 = tpu.sem_alloc : memref<!tpu.dma_semaphore, #tpu.memory_space<semaphore_mem>>
        %dma_start3A_744 = arith.constant 0 : i32
        %dma_start3A_745 = tpu.memref_slice %arg8[%run_scoped3A_308, %dma_start3A_744] : memref<20x128xi32, #tpu.memory_space<vmem>> -> memref<1x128xi32, #tpu.memory_space<vmem>>
        %dma_start3A_746 = tpu.memref_squeeze %dma_start3A_745 : memref<1x128xi32, #tpu.memory_space<vmem>> -> memref<128xi32, #tpu.memory_space<vmem>>
        %dma_start3A_747 = arith.constant 0 : i32
        %dma_start3A_748 = arith.constant 0 : i32
        %dma_start3A_749 = tpu.memref_slice %arg6[%dma_start3A_747, %dma_start3A_748] : memref<10008x128xf32, #tpu.memory_space<vmem_shared>> -> memref<10008x128xf32, #tpu.memory_space<vmem_shared>>
        tpu.enqueue_indirect_dma source(%arg11 : memref<128x128xf32, #tpu.memory_space<vmem>>) target(%dma_start3A_749 : memref<10008x128xf32, #tpu.memory_space<vmem_shared>>) offsets(%dma_start3A_746 : memref<128xi32, #tpu.memory_space<vmem>>) semaphore(%run_scoped3A_743 : memref<!tpu.dma_semaphore, #tpu.memory_space<semaphore_mem>>) {add = true}
        %dma_wait3A_750 = arith.constant 0 : i32
        %dma_wait3A_751 = tpu.memref_slice %arg8[%run_scoped3A_308, %dma_wait3A_750] : memref<20x128xi32, #tpu.memory_space<vmem>> -> memref<1x128xi32, #tpu.memory_space<vmem>>
        %dma_wait3A_752 = tpu.memref_squeeze %dma_wait3A_751 : memref<1x128xi32, #tpu.memory_space<vmem>> -> memref<128xi32, #tpu.memory_space<vmem>>
        %dma_wait3A_753 = arith.constant 0 : i32
        %dma_wait3A_754 = arith.constant 0 : i32
        %dma_wait3A_755 = tpu.memref_slice %arg6[%dma_wait3A_753, %dma_wait3A_754] : memref<10008x128xf32, #tpu.memory_space<vmem_shared>> -> memref<10008x128xf32, #tpu.memory_space<vmem_shared>>
        tpu.wait_indirect_dma semaphore(%run_scoped3A_743 : memref<!tpu.dma_semaphore, #tpu.memory_space<semaphore_mem>>) src(%arg11 : memref<128x128xf32, #tpu.memory_space<vmem>>) dst(%dma_wait3A_755 : memref<10008x128xf32, #tpu.memory_space<vmem_shared>>)
        tpu.yield
      }) : () -> ()
      %dma_start3A_309 = arith.constant 14 : i32
      %dma_start3A_310 = arith.constant 0 : i32
      %dma_start3A_311 = tpu.memref_slice %arg7[%dma_start3A_309, %dma_start3A_310] : memref<20x128xi32, #tpu.memory_space<vmem>> -> memref<1x128xi32, #tpu.memory_space<vmem>>
      %dma_start3A_312 = tpu.memref_squeeze %dma_start3A_311 : memref<1x128xi32, #tpu.memory_space<vmem>> -> memref<128xi32, #tpu.memory_space<vmem>>
      %dma_start3A_313 = arith.constant 0 : i32
      %dma_start3A_314 = arith.constant 0 : i32
      %dma_start3A_315 = tpu.memref_slice %arg2[%dma_start3A_313, %dma_start3A_314] : memref<20000x128xf32, #tpu.memory_space<hbm>> -> memref<20000x128xf32, #tpu.memory_space<hbm>>
      tpu.enqueue_indirect_dma source(%dma_start3A_315 : memref<20000x128xf32, #tpu.memory_space<hbm>>) target(%arg11 : memref<128x128xf32, #tpu.memory_space<vmem>>) offsets(%dma_start3A_312 : memref<128xi32, #tpu.memory_space<vmem>>) semaphore(%arg13 : memref<!tpu.dma_semaphore, #tpu.memory_space<semaphore_mem>>)
      %dma_wait3A_316 = arith.constant 13 : i32
      %dma_wait3A_317 = arith.constant 0 : i32
      %dma_wait3A_318 = tpu.memref_slice %arg7[%dma_wait3A_316, %dma_wait3A_317] : memref<20x128xi32, #tpu.memory_space<vmem>> -> memref<1x128xi32, #tpu.memory_space<vmem>>
      %dma_wait3A_319 = tpu.memref_squeeze %dma_wait3A_318 : memref<1x128xi32, #tpu.memory_space<vmem>> -> memref<128xi32, #tpu.memory_space<vmem>>
      %dma_wait3A_320 = arith.constant 0 : i32
      %dma_wait3A_321 = arith.constant 0 : i32
      %dma_wait3A_322 = tpu.memref_slice %arg2[%dma_wait3A_320, %dma_wait3A_321] : memref<20000x128xf32, #tpu.memory_space<hbm>> -> memref<20000x128xf32, #tpu.memory_space<hbm>>
      tpu.wait_indirect_dma semaphore(%arg14 : memref<!tpu.dma_semaphore, #tpu.memory_space<semaphore_mem>>) src(%dma_wait3A_322 : memref<20000x128xf32, #tpu.memory_space<hbm>>) dst(%arg12 : memref<128x128xf32, #tpu.memory_space<vmem>>)
      %run_scoped3A_323 = arith.constant 13 : i32
      "tpu.region"() ({
        %run_scoped3A_743 = tpu.sem_alloc : memref<!tpu.dma_semaphore, #tpu.memory_space<semaphore_mem>>
        %dma_start3A_744 = arith.constant 0 : i32
        %dma_start3A_745 = tpu.memref_slice %arg8[%run_scoped3A_323, %dma_start3A_744] : memref<20x128xi32, #tpu.memory_space<vmem>> -> memref<1x128xi32, #tpu.memory_space<vmem>>
        %dma_start3A_746 = tpu.memref_squeeze %dma_start3A_745 : memref<1x128xi32, #tpu.memory_space<vmem>> -> memref<128xi32, #tpu.memory_space<vmem>>
        %dma_start3A_747 = arith.constant 0 : i32
        %dma_start3A_748 = arith.constant 0 : i32
        %dma_start3A_749 = tpu.memref_slice %arg6[%dma_start3A_747, %dma_start3A_748] : memref<10008x128xf32, #tpu.memory_space<vmem_shared>> -> memref<10008x128xf32, #tpu.memory_space<vmem_shared>>
        tpu.enqueue_indirect_dma source(%arg12 : memref<128x128xf32, #tpu.memory_space<vmem>>) target(%dma_start3A_749 : memref<10008x128xf32, #tpu.memory_space<vmem_shared>>) offsets(%dma_start3A_746 : memref<128xi32, #tpu.memory_space<vmem>>) semaphore(%run_scoped3A_743 : memref<!tpu.dma_semaphore, #tpu.memory_space<semaphore_mem>>) {add = true}
        %dma_wait3A_750 = arith.constant 0 : i32
        %dma_wait3A_751 = tpu.memref_slice %arg8[%run_scoped3A_323, %dma_wait3A_750] : memref<20x128xi32, #tpu.memory_space<vmem>> -> memref<1x128xi32, #tpu.memory_space<vmem>>
        %dma_wait3A_752 = tpu.memref_squeeze %dma_wait3A_751 : memref<1x128xi32, #tpu.memory_space<vmem>> -> memref<128xi32, #tpu.memory_space<vmem>>
        %dma_wait3A_753 = arith.constant 0 : i32
        %dma_wait3A_754 = arith.constant 0 : i32
        %dma_wait3A_755 = tpu.memref_slice %arg6[%dma_wait3A_753, %dma_wait3A_754] : memref<10008x128xf32, #tpu.memory_space<vmem_shared>> -> memref<10008x128xf32, #tpu.memory_space<vmem_shared>>
        tpu.wait_indirect_dma semaphore(%run_scoped3A_743 : memref<!tpu.dma_semaphore, #tpu.memory_space<semaphore_mem>>) src(%arg12 : memref<128x128xf32, #tpu.memory_space<vmem>>) dst(%dma_wait3A_755 : memref<10008x128xf32, #tpu.memory_space<vmem_shared>>)
        tpu.yield
      }) : () -> ()
      %dma_start3A_324 = arith.constant 15 : i32
      %dma_start3A_325 = arith.constant 0 : i32
      %dma_start3A_326 = tpu.memref_slice %arg7[%dma_start3A_324, %dma_start3A_325] : memref<20x128xi32, #tpu.memory_space<vmem>> -> memref<1x128xi32, #tpu.memory_space<vmem>>
      %dma_start3A_327 = tpu.memref_squeeze %dma_start3A_326 : memref<1x128xi32, #tpu.memory_space<vmem>> -> memref<128xi32, #tpu.memory_space<vmem>>
      %dma_start3A_328 = arith.constant 0 : i32
      %dma_start3A_329 = arith.constant 0 : i32
      %dma_start3A_330 = tpu.memref_slice %arg2[%dma_start3A_328, %dma_start3A_329] : memref<20000x128xf32, #tpu.memory_space<hbm>> -> memref<20000x128xf32, #tpu.memory_space<hbm>>
      tpu.enqueue_indirect_dma source(%dma_start3A_330 : memref<20000x128xf32, #tpu.memory_space<hbm>>) target(%arg12 : memref<128x128xf32, #tpu.memory_space<vmem>>) offsets(%dma_start3A_327 : memref<128xi32, #tpu.memory_space<vmem>>) semaphore(%arg14 : memref<!tpu.dma_semaphore, #tpu.memory_space<semaphore_mem>>)
      %dma_wait3A_331 = arith.constant 14 : i32
      %dma_wait3A_332 = arith.constant 0 : i32
      %dma_wait3A_333 = tpu.memref_slice %arg7[%dma_wait3A_331, %dma_wait3A_332] : memref<20x128xi32, #tpu.memory_space<vmem>> -> memref<1x128xi32, #tpu.memory_space<vmem>>
      %dma_wait3A_334 = tpu.memref_squeeze %dma_wait3A_333 : memref<1x128xi32, #tpu.memory_space<vmem>> -> memref<128xi32, #tpu.memory_space<vmem>>
      %dma_wait3A_335 = arith.constant 0 : i32
      %dma_wait3A_336 = arith.constant 0 : i32
      %dma_wait3A_337 = tpu.memref_slice %arg2[%dma_wait3A_335, %dma_wait3A_336] : memref<20000x128xf32, #tpu.memory_space<hbm>> -> memref<20000x128xf32, #tpu.memory_space<hbm>>
      tpu.wait_indirect_dma semaphore(%arg13 : memref<!tpu.dma_semaphore, #tpu.memory_space<semaphore_mem>>) src(%dma_wait3A_337 : memref<20000x128xf32, #tpu.memory_space<hbm>>) dst(%arg11 : memref<128x128xf32, #tpu.memory_space<vmem>>)
      %run_scoped3A_338 = arith.constant 14 : i32
      "tpu.region"() ({
        %run_scoped3A_743 = tpu.sem_alloc : memref<!tpu.dma_semaphore, #tpu.memory_space<semaphore_mem>>
        %dma_start3A_744 = arith.constant 0 : i32
        %dma_start3A_745 = tpu.memref_slice %arg8[%run_scoped3A_338, %dma_start3A_744] : memref<20x128xi32, #tpu.memory_space<vmem>> -> memref<1x128xi32, #tpu.memory_space<vmem>>
        %dma_start3A_746 = tpu.memref_squeeze %dma_start3A_745 : memref<1x128xi32, #tpu.memory_space<vmem>> -> memref<128xi32, #tpu.memory_space<vmem>>
        %dma_start3A_747 = arith.constant 0 : i32
        %dma_start3A_748 = arith.constant 0 : i32
        %dma_start3A_749 = tpu.memref_slice %arg6[%dma_start3A_747, %dma_start3A_748] : memref<10008x128xf32, #tpu.memory_space<vmem_shared>> -> memref<10008x128xf32, #tpu.memory_space<vmem_shared>>
        tpu.enqueue_indirect_dma source(%arg11 : memref<128x128xf32, #tpu.memory_space<vmem>>) target(%dma_start3A_749 : memref<10008x128xf32, #tpu.memory_space<vmem_shared>>) offsets(%dma_start3A_746 : memref<128xi32, #tpu.memory_space<vmem>>) semaphore(%run_scoped3A_743 : memref<!tpu.dma_semaphore, #tpu.memory_space<semaphore_mem>>) {add = true}
        %dma_wait3A_750 = arith.constant 0 : i32
        %dma_wait3A_751 = tpu.memref_slice %arg8[%run_scoped3A_338, %dma_wait3A_750] : memref<20x128xi32, #tpu.memory_space<vmem>> -> memref<1x128xi32, #tpu.memory_space<vmem>>
        %dma_wait3A_752 = tpu.memref_squeeze %dma_wait3A_751 : memref<1x128xi32, #tpu.memory_space<vmem>> -> memref<128xi32, #tpu.memory_space<vmem>>
        %dma_wait3A_753 = arith.constant 0 : i32
        %dma_wait3A_754 = arith.constant 0 : i32
        %dma_wait3A_755 = tpu.memref_slice %arg6[%dma_wait3A_753, %dma_wait3A_754] : memref<10008x128xf32, #tpu.memory_space<vmem_shared>> -> memref<10008x128xf32, #tpu.memory_space<vmem_shared>>
        tpu.wait_indirect_dma semaphore(%run_scoped3A_743 : memref<!tpu.dma_semaphore, #tpu.memory_space<semaphore_mem>>) src(%arg11 : memref<128x128xf32, #tpu.memory_space<vmem>>) dst(%dma_wait3A_755 : memref<10008x128xf32, #tpu.memory_space<vmem_shared>>)
        tpu.yield
      }) : () -> ()
      %dma_start3A_339 = arith.constant 16 : i32
      %dma_start3A_340 = arith.constant 0 : i32
      %dma_start3A_341 = tpu.memref_slice %arg7[%dma_start3A_339, %dma_start3A_340] : memref<20x128xi32, #tpu.memory_space<vmem>> -> memref<1x128xi32, #tpu.memory_space<vmem>>
      %dma_start3A_342 = tpu.memref_squeeze %dma_start3A_341 : memref<1x128xi32, #tpu.memory_space<vmem>> -> memref<128xi32, #tpu.memory_space<vmem>>
      %dma_start3A_343 = arith.constant 0 : i32
      %dma_start3A_344 = arith.constant 0 : i32
      %dma_start3A_345 = tpu.memref_slice %arg2[%dma_start3A_343, %dma_start3A_344] : memref<20000x128xf32, #tpu.memory_space<hbm>> -> memref<20000x128xf32, #tpu.memory_space<hbm>>
      tpu.enqueue_indirect_dma source(%dma_start3A_345 : memref<20000x128xf32, #tpu.memory_space<hbm>>) target(%arg11 : memref<128x128xf32, #tpu.memory_space<vmem>>) offsets(%dma_start3A_342 : memref<128xi32, #tpu.memory_space<vmem>>) semaphore(%arg13 : memref<!tpu.dma_semaphore, #tpu.memory_space<semaphore_mem>>)
      %dma_wait3A_346 = arith.constant 15 : i32
      %dma_wait3A_347 = arith.constant 0 : i32
      %dma_wait3A_348 = tpu.memref_slice %arg7[%dma_wait3A_346, %dma_wait3A_347] : memref<20x128xi32, #tpu.memory_space<vmem>> -> memref<1x128xi32, #tpu.memory_space<vmem>>
      %dma_wait3A_349 = tpu.memref_squeeze %dma_wait3A_348 : memref<1x128xi32, #tpu.memory_space<vmem>> -> memref<128xi32, #tpu.memory_space<vmem>>
      %dma_wait3A_350 = arith.constant 0 : i32
      %dma_wait3A_351 = arith.constant 0 : i32
      %dma_wait3A_352 = tpu.memref_slice %arg2[%dma_wait3A_350, %dma_wait3A_351] : memref<20000x128xf32, #tpu.memory_space<hbm>> -> memref<20000x128xf32, #tpu.memory_space<hbm>>
      tpu.wait_indirect_dma semaphore(%arg14 : memref<!tpu.dma_semaphore, #tpu.memory_space<semaphore_mem>>) src(%dma_wait3A_352 : memref<20000x128xf32, #tpu.memory_space<hbm>>) dst(%arg12 : memref<128x128xf32, #tpu.memory_space<vmem>>)
      %run_scoped3A_353 = arith.constant 15 : i32
      "tpu.region"() ({
        %run_scoped3A_743 = tpu.sem_alloc : memref<!tpu.dma_semaphore, #tpu.memory_space<semaphore_mem>>
        %dma_start3A_744 = arith.constant 0 : i32
        %dma_start3A_745 = tpu.memref_slice %arg8[%run_scoped3A_353, %dma_start3A_744] : memref<20x128xi32, #tpu.memory_space<vmem>> -> memref<1x128xi32, #tpu.memory_space<vmem>>
        %dma_start3A_746 = tpu.memref_squeeze %dma_start3A_745 : memref<1x128xi32, #tpu.memory_space<vmem>> -> memref<128xi32, #tpu.memory_space<vmem>>
        %dma_start3A_747 = arith.constant 0 : i32
        %dma_start3A_748 = arith.constant 0 : i32
        %dma_start3A_749 = tpu.memref_slice %arg6[%dma_start3A_747, %dma_start3A_748] : memref<10008x128xf32, #tpu.memory_space<vmem_shared>> -> memref<10008x128xf32, #tpu.memory_space<vmem_shared>>
        tpu.enqueue_indirect_dma source(%arg12 : memref<128x128xf32, #tpu.memory_space<vmem>>) target(%dma_start3A_749 : memref<10008x128xf32, #tpu.memory_space<vmem_shared>>) offsets(%dma_start3A_746 : memref<128xi32, #tpu.memory_space<vmem>>) semaphore(%run_scoped3A_743 : memref<!tpu.dma_semaphore, #tpu.memory_space<semaphore_mem>>) {add = true}
        %dma_wait3A_750 = arith.constant 0 : i32
        %dma_wait3A_751 = tpu.memref_slice %arg8[%run_scoped3A_353, %dma_wait3A_750] : memref<20x128xi32, #tpu.memory_space<vmem>> -> memref<1x128xi32, #tpu.memory_space<vmem>>
        %dma_wait3A_752 = tpu.memref_squeeze %dma_wait3A_751 : memref<1x128xi32, #tpu.memory_space<vmem>> -> memref<128xi32, #tpu.memory_space<vmem>>
        %dma_wait3A_753 = arith.constant 0 : i32
        %dma_wait3A_754 = arith.constant 0 : i32
        %dma_wait3A_755 = tpu.memref_slice %arg6[%dma_wait3A_753, %dma_wait3A_754] : memref<10008x128xf32, #tpu.memory_space<vmem_shared>> -> memref<10008x128xf32, #tpu.memory_space<vmem_shared>>
        tpu.wait_indirect_dma semaphore(%run_scoped3A_743 : memref<!tpu.dma_semaphore, #tpu.memory_space<semaphore_mem>>) src(%arg12 : memref<128x128xf32, #tpu.memory_space<vmem>>) dst(%dma_wait3A_755 : memref<10008x128xf32, #tpu.memory_space<vmem_shared>>)
        tpu.yield
      }) : () -> ()
      %dma_start3A_354 = arith.constant 17 : i32
      %dma_start3A_355 = arith.constant 0 : i32
      %dma_start3A_356 = tpu.memref_slice %arg7[%dma_start3A_354, %dma_start3A_355] : memref<20x128xi32, #tpu.memory_space<vmem>> -> memref<1x128xi32, #tpu.memory_space<vmem>>
      %dma_start3A_357 = tpu.memref_squeeze %dma_start3A_356 : memref<1x128xi32, #tpu.memory_space<vmem>> -> memref<128xi32, #tpu.memory_space<vmem>>
      %dma_start3A_358 = arith.constant 0 : i32
      %dma_start3A_359 = arith.constant 0 : i32
      %dma_start3A_360 = tpu.memref_slice %arg2[%dma_start3A_358, %dma_start3A_359] : memref<20000x128xf32, #tpu.memory_space<hbm>> -> memref<20000x128xf32, #tpu.memory_space<hbm>>
      tpu.enqueue_indirect_dma source(%dma_start3A_360 : memref<20000x128xf32, #tpu.memory_space<hbm>>) target(%arg12 : memref<128x128xf32, #tpu.memory_space<vmem>>) offsets(%dma_start3A_357 : memref<128xi32, #tpu.memory_space<vmem>>) semaphore(%arg14 : memref<!tpu.dma_semaphore, #tpu.memory_space<semaphore_mem>>)
      %dma_wait3A_361 = arith.constant 16 : i32
      %dma_wait3A_362 = arith.constant 0 : i32
      %dma_wait3A_363 = tpu.memref_slice %arg7[%dma_wait3A_361, %dma_wait3A_362] : memref<20x128xi32, #tpu.memory_space<vmem>> -> memref<1x128xi32, #tpu.memory_space<vmem>>
      %dma_wait3A_364 = tpu.memref_squeeze %dma_wait3A_363 : memref<1x128xi32, #tpu.memory_space<vmem>> -> memref<128xi32, #tpu.memory_space<vmem>>
      %dma_wait3A_365 = arith.constant 0 : i32
      %dma_wait3A_366 = arith.constant 0 : i32
      %dma_wait3A_367 = tpu.memref_slice %arg2[%dma_wait3A_365, %dma_wait3A_366] : memref<20000x128xf32, #tpu.memory_space<hbm>> -> memref<20000x128xf32, #tpu.memory_space<hbm>>
      tpu.wait_indirect_dma semaphore(%arg13 : memref<!tpu.dma_semaphore, #tpu.memory_space<semaphore_mem>>) src(%dma_wait3A_367 : memref<20000x128xf32, #tpu.memory_space<hbm>>) dst(%arg11 : memref<128x128xf32, #tpu.memory_space<vmem>>)
      %run_scoped3A_368 = arith.constant 16 : i32
      "tpu.region"() ({
        %run_scoped3A_743 = tpu.sem_alloc : memref<!tpu.dma_semaphore, #tpu.memory_space<semaphore_mem>>
        %dma_start3A_744 = arith.constant 0 : i32
        %dma_start3A_745 = tpu.memref_slice %arg8[%run_scoped3A_368, %dma_start3A_744] : memref<20x128xi32, #tpu.memory_space<vmem>> -> memref<1x128xi32, #tpu.memory_space<vmem>>
        %dma_start3A_746 = tpu.memref_squeeze %dma_start3A_745 : memref<1x128xi32, #tpu.memory_space<vmem>> -> memref<128xi32, #tpu.memory_space<vmem>>
        %dma_start3A_747 = arith.constant 0 : i32
        %dma_start3A_748 = arith.constant 0 : i32
        %dma_start3A_749 = tpu.memref_slice %arg6[%dma_start3A_747, %dma_start3A_748] : memref<10008x128xf32, #tpu.memory_space<vmem_shared>> -> memref<10008x128xf32, #tpu.memory_space<vmem_shared>>
        tpu.enqueue_indirect_dma source(%arg11 : memref<128x128xf32, #tpu.memory_space<vmem>>) target(%dma_start3A_749 : memref<10008x128xf32, #tpu.memory_space<vmem_shared>>) offsets(%dma_start3A_746 : memref<128xi32, #tpu.memory_space<vmem>>) semaphore(%run_scoped3A_743 : memref<!tpu.dma_semaphore, #tpu.memory_space<semaphore_mem>>) {add = true}
        %dma_wait3A_750 = arith.constant 0 : i32
        %dma_wait3A_751 = tpu.memref_slice %arg8[%run_scoped3A_368, %dma_wait3A_750] : memref<20x128xi32, #tpu.memory_space<vmem>> -> memref<1x128xi32, #tpu.memory_space<vmem>>
        %dma_wait3A_752 = tpu.memref_squeeze %dma_wait3A_751 : memref<1x128xi32, #tpu.memory_space<vmem>> -> memref<128xi32, #tpu.memory_space<vmem>>
        %dma_wait3A_753 = arith.constant 0 : i32
        %dma_wait3A_754 = arith.constant 0 : i32
        %dma_wait3A_755 = tpu.memref_slice %arg6[%dma_wait3A_753, %dma_wait3A_754] : memref<10008x128xf32, #tpu.memory_space<vmem_shared>> -> memref<10008x128xf32, #tpu.memory_space<vmem_shared>>
        tpu.wait_indirect_dma semaphore(%run_scoped3A_743 : memref<!tpu.dma_semaphore, #tpu.memory_space<semaphore_mem>>) src(%arg11 : memref<128x128xf32, #tpu.memory_space<vmem>>) dst(%dma_wait3A_755 : memref<10008x128xf32, #tpu.memory_space<vmem_shared>>)
        tpu.yield
      }) : () -> ()
      %dma_start3A_369 = arith.constant 18 : i32
      %dma_start3A_370 = arith.constant 0 : i32
      %dma_start3A_371 = tpu.memref_slice %arg7[%dma_start3A_369, %dma_start3A_370] : memref<20x128xi32, #tpu.memory_space<vmem>> -> memref<1x128xi32, #tpu.memory_space<vmem>>
      %dma_start3A_372 = tpu.memref_squeeze %dma_start3A_371 : memref<1x128xi32, #tpu.memory_space<vmem>> -> memref<128xi32, #tpu.memory_space<vmem>>
      %dma_start3A_373 = arith.constant 0 : i32
      %dma_start3A_374 = arith.constant 0 : i32
      %dma_start3A_375 = tpu.memref_slice %arg2[%dma_start3A_373, %dma_start3A_374] : memref<20000x128xf32, #tpu.memory_space<hbm>> -> memref<20000x128xf32, #tpu.memory_space<hbm>>
      tpu.enqueue_indirect_dma source(%dma_start3A_375 : memref<20000x128xf32, #tpu.memory_space<hbm>>) target(%arg11 : memref<128x128xf32, #tpu.memory_space<vmem>>) offsets(%dma_start3A_372 : memref<128xi32, #tpu.memory_space<vmem>>) semaphore(%arg13 : memref<!tpu.dma_semaphore, #tpu.memory_space<semaphore_mem>>)
      %dma_wait3A_376 = arith.constant 17 : i32
      %dma_wait3A_377 = arith.constant 0 : i32
      %dma_wait3A_378 = tpu.memref_slice %arg7[%dma_wait3A_376, %dma_wait3A_377] : memref<20x128xi32, #tpu.memory_space<vmem>> -> memref<1x128xi32, #tpu.memory_space<vmem>>
      %dma_wait3A_379 = tpu.memref_squeeze %dma_wait3A_378 : memref<1x128xi32, #tpu.memory_space<vmem>> -> memref<128xi32, #tpu.memory_space<vmem>>
      %dma_wait3A_380 = arith.constant 0 : i32
      %dma_wait3A_381 = arith.constant 0 : i32
      %dma_wait3A_382 = tpu.memref_slice %arg2[%dma_wait3A_380, %dma_wait3A_381] : memref<20000x128xf32, #tpu.memory_space<hbm>> -> memref<20000x128xf32, #tpu.memory_space<hbm>>
      tpu.wait_indirect_dma semaphore(%arg14 : memref<!tpu.dma_semaphore, #tpu.memory_space<semaphore_mem>>) src(%dma_wait3A_382 : memref<20000x128xf32, #tpu.memory_space<hbm>>) dst(%arg12 : memref<128x128xf32, #tpu.memory_space<vmem>>)
      %run_scoped3A_383 = arith.constant 17 : i32
      "tpu.region"() ({
        %run_scoped3A_743 = tpu.sem_alloc : memref<!tpu.dma_semaphore, #tpu.memory_space<semaphore_mem>>
        %dma_start3A_744 = arith.constant 0 : i32
        %dma_start3A_745 = tpu.memref_slice %arg8[%run_scoped3A_383, %dma_start3A_744] : memref<20x128xi32, #tpu.memory_space<vmem>> -> memref<1x128xi32, #tpu.memory_space<vmem>>
        %dma_start3A_746 = tpu.memref_squeeze %dma_start3A_745 : memref<1x128xi32, #tpu.memory_space<vmem>> -> memref<128xi32, #tpu.memory_space<vmem>>
        %dma_start3A_747 = arith.constant 0 : i32
        %dma_start3A_748 = arith.constant 0 : i32
        %dma_start3A_749 = tpu.memref_slice %arg6[%dma_start3A_747, %dma_start3A_748] : memref<10008x128xf32, #tpu.memory_space<vmem_shared>> -> memref<10008x128xf32, #tpu.memory_space<vmem_shared>>
        tpu.enqueue_indirect_dma source(%arg12 : memref<128x128xf32, #tpu.memory_space<vmem>>) target(%dma_start3A_749 : memref<10008x128xf32, #tpu.memory_space<vmem_shared>>) offsets(%dma_start3A_746 : memref<128xi32, #tpu.memory_space<vmem>>) semaphore(%run_scoped3A_743 : memref<!tpu.dma_semaphore, #tpu.memory_space<semaphore_mem>>) {add = true}
        %dma_wait3A_750 = arith.constant 0 : i32
        %dma_wait3A_751 = tpu.memref_slice %arg8[%run_scoped3A_383, %dma_wait3A_750] : memref<20x128xi32, #tpu.memory_space<vmem>> -> memref<1x128xi32, #tpu.memory_space<vmem>>
        %dma_wait3A_752 = tpu.memref_squeeze %dma_wait3A_751 : memref<1x128xi32, #tpu.memory_space<vmem>> -> memref<128xi32, #tpu.memory_space<vmem>>
        %dma_wait3A_753 = arith.constant 0 : i32
        %dma_wait3A_754 = arith.constant 0 : i32
        %dma_wait3A_755 = tpu.memref_slice %arg6[%dma_wait3A_753, %dma_wait3A_754] : memref<10008x128xf32, #tpu.memory_space<vmem_shared>> -> memref<10008x128xf32, #tpu.memory_space<vmem_shared>>
        tpu.wait_indirect_dma semaphore(%run_scoped3A_743 : memref<!tpu.dma_semaphore, #tpu.memory_space<semaphore_mem>>) src(%arg12 : memref<128x128xf32, #tpu.memory_space<vmem>>) dst(%dma_wait3A_755 : memref<10008x128xf32, #tpu.memory_space<vmem_shared>>)
        tpu.yield
      }) : () -> ()
      %dma_start3A_384 = arith.constant 19 : i32
      %dma_start3A_385 = arith.constant 0 : i32
      %dma_start3A_386 = tpu.memref_slice %arg7[%dma_start3A_384, %dma_start3A_385] : memref<20x128xi32, #tpu.memory_space<vmem>> -> memref<1x128xi32, #tpu.memory_space<vmem>>
      %dma_start3A_387 = tpu.memref_squeeze %dma_start3A_386 : memref<1x128xi32, #tpu.memory_space<vmem>> -> memref<128xi32, #tpu.memory_space<vmem>>
      %dma_start3A_388 = arith.constant 0 : i32
      %dma_start3A_389 = arith.constant 0 : i32
      %dma_start3A_390 = tpu.memref_slice %arg2[%dma_start3A_388, %dma_start3A_389] : memref<20000x128xf32, #tpu.memory_space<hbm>> -> memref<20000x128xf32, #tpu.memory_space<hbm>>
      tpu.enqueue_indirect_dma source(%dma_start3A_390 : memref<20000x128xf32, #tpu.memory_space<hbm>>) target(%arg12 : memref<128x128xf32, #tpu.memory_space<vmem>>) offsets(%dma_start3A_387 : memref<128xi32, #tpu.memory_space<vmem>>) semaphore(%arg14 : memref<!tpu.dma_semaphore, #tpu.memory_space<semaphore_mem>>)
      %dma_wait3A_391 = arith.constant 18 : i32
      %dma_wait3A_392 = arith.constant 0 : i32
      %dma_wait3A_393 = tpu.memref_slice %arg7[%dma_wait3A_391, %dma_wait3A_392] : memref<20x128xi32, #tpu.memory_space<vmem>> -> memref<1x128xi32, #tpu.memory_space<vmem>>
      %dma_wait3A_394 = tpu.memref_squeeze %dma_wait3A_393 : memref<1x128xi32, #tpu.memory_space<vmem>> -> memref<128xi32, #tpu.memory_space<vmem>>
      %dma_wait3A_395 = arith.constant 0 : i32
      %dma_wait3A_396 = arith.constant 0 : i32
      %dma_wait3A_397 = tpu.memref_slice %arg2[%dma_wait3A_395, %dma_wait3A_396] : memref<20000x128xf32, #tpu.memory_space<hbm>> -> memref<20000x128xf32, #tpu.memory_space<hbm>>
      tpu.wait_indirect_dma semaphore(%arg13 : memref<!tpu.dma_semaphore, #tpu.memory_space<semaphore_mem>>) src(%dma_wait3A_397 : memref<20000x128xf32, #tpu.memory_space<hbm>>) dst(%arg11 : memref<128x128xf32, #tpu.memory_space<vmem>>)
      %run_scoped3A_398 = arith.constant 18 : i32
      "tpu.region"() ({
        %run_scoped3A_743 = tpu.sem_alloc : memref<!tpu.dma_semaphore, #tpu.memory_space<semaphore_mem>>
        %dma_start3A_744 = arith.constant 0 : i32
        %dma_start3A_745 = tpu.memref_slice %arg8[%run_scoped3A_398, %dma_start3A_744] : memref<20x128xi32, #tpu.memory_space<vmem>> -> memref<1x128xi32, #tpu.memory_space<vmem>>
        %dma_start3A_746 = tpu.memref_squeeze %dma_start3A_745 : memref<1x128xi32, #tpu.memory_space<vmem>> -> memref<128xi32, #tpu.memory_space<vmem>>
        %dma_start3A_747 = arith.constant 0 : i32
        %dma_start3A_748 = arith.constant 0 : i32
        %dma_start3A_749 = tpu.memref_slice %arg6[%dma_start3A_747, %dma_start3A_748] : memref<10008x128xf32, #tpu.memory_space<vmem_shared>> -> memref<10008x128xf32, #tpu.memory_space<vmem_shared>>
        tpu.enqueue_indirect_dma source(%arg11 : memref<128x128xf32, #tpu.memory_space<vmem>>) target(%dma_start3A_749 : memref<10008x128xf32, #tpu.memory_space<vmem_shared>>) offsets(%dma_start3A_746 : memref<128xi32, #tpu.memory_space<vmem>>) semaphore(%run_scoped3A_743 : memref<!tpu.dma_semaphore, #tpu.memory_space<semaphore_mem>>) {add = true}
        %dma_wait3A_750 = arith.constant 0 : i32
        %dma_wait3A_751 = tpu.memref_slice %arg8[%run_scoped3A_398, %dma_wait3A_750] : memref<20x128xi32, #tpu.memory_space<vmem>> -> memref<1x128xi32, #tpu.memory_space<vmem>>
        %dma_wait3A_752 = tpu.memref_squeeze %dma_wait3A_751 : memref<1x128xi32, #tpu.memory_space<vmem>> -> memref<128xi32, #tpu.memory_space<vmem>>
        %dma_wait3A_753 = arith.constant 0 : i32
        %dma_wait3A_754 = arith.constant 0 : i32
        %dma_wait3A_755 = tpu.memref_slice %arg6[%dma_wait3A_753, %dma_wait3A_754] : memref<10008x128xf32, #tpu.memory_space<vmem_shared>> -> memref<10008x128xf32, #tpu.memory_space<vmem_shared>>
        tpu.wait_indirect_dma semaphore(%run_scoped3A_743 : memref<!tpu.dma_semaphore, #tpu.memory_space<semaphore_mem>>) src(%arg11 : memref<128x128xf32, #tpu.memory_space<vmem>>) dst(%dma_wait3A_755 : memref<10008x128xf32, #tpu.memory_space<vmem_shared>>)
        tpu.yield
      }) : () -> ()
      %dma_wait3A_399 = arith.constant 19 : i32
      %dma_wait3A_400 = arith.constant 0 : i32
      %dma_wait3A_401 = tpu.memref_slice %arg7[%dma_wait3A_399, %dma_wait3A_400] : memref<20x128xi32, #tpu.memory_space<vmem>> -> memref<1x128xi32, #tpu.memory_space<vmem>>
      %dma_wait3A_402 = tpu.memref_squeeze %dma_wait3A_401 : memref<1x128xi32, #tpu.memory_space<vmem>> -> memref<128xi32, #tpu.memory_space<vmem>>
      %dma_wait3A_403 = arith.constant 0 : i32
      %dma_wait3A_404 = arith.constant 0 : i32
      %dma_wait3A_405 = tpu.memref_slice %arg2[%dma_wait3A_403, %dma_wait3A_404] : memref<20000x128xf32, #tpu.memory_space<hbm>> -> memref<20000x128xf32, #tpu.memory_space<hbm>>
      tpu.wait_indirect_dma semaphore(%arg14 : memref<!tpu.dma_semaphore, #tpu.memory_space<semaphore_mem>>) src(%dma_wait3A_405 : memref<20000x128xf32, #tpu.memory_space<hbm>>) dst(%arg12 : memref<128x128xf32, #tpu.memory_space<vmem>>)
      %run_scoped3A_406 = arith.constant 19 : i32
      "tpu.region"() ({
        %run_scoped3A_743 = tpu.sem_alloc : memref<!tpu.dma_semaphore, #tpu.memory_space<semaphore_mem>>
        %dma_start3A_744 = arith.constant 0 : i32
        %dma_start3A_745 = tpu.memref_slice %arg8[%run_scoped3A_406, %dma_start3A_744] : memref<20x128xi32, #tpu.memory_space<vmem>> -> memref<1x128xi32, #tpu.memory_space<vmem>>
        %dma_start3A_746 = tpu.memref_squeeze %dma_start3A_745 : memref<1x128xi32, #tpu.memory_space<vmem>> -> memref<128xi32, #tpu.memory_space<vmem>>
        %dma_start3A_747 = arith.constant 0 : i32
        %dma_start3A_748 = arith.constant 0 : i32
        %dma_start3A_749 = tpu.memref_slice %arg6[%dma_start3A_747, %dma_start3A_748] : memref<10008x128xf32, #tpu.memory_space<vmem_shared>> -> memref<10008x128xf32, #tpu.memory_space<vmem_shared>>
        tpu.enqueue_indirect_dma source(%arg12 : memref<128x128xf32, #tpu.memory_space<vmem>>) target(%dma_start3A_749 : memref<10008x128xf32, #tpu.memory_space<vmem_shared>>) offsets(%dma_start3A_746 : memref<128xi32, #tpu.memory_space<vmem>>) semaphore(%run_scoped3A_743 : memref<!tpu.dma_semaphore, #tpu.memory_space<semaphore_mem>>) {add = true}
        %dma_wait3A_750 = arith.constant 0 : i32
        %dma_wait3A_751 = tpu.memref_slice %arg8[%run_scoped3A_406, %dma_wait3A_750] : memref<20x128xi32, #tpu.memory_space<vmem>> -> memref<1x128xi32, #tpu.memory_space<vmem>>
        %dma_wait3A_752 = tpu.memref_squeeze %dma_wait3A_751 : memref<1x128xi32, #tpu.memory_space<vmem>> -> memref<128xi32, #tpu.memory_space<vmem>>
        %dma_wait3A_753 = arith.constant 0 : i32
        %dma_wait3A_754 = arith.constant 0 : i32
        %dma_wait3A_755 = tpu.memref_slice %arg6[%dma_wait3A_753, %dma_wait3A_754] : memref<10008x128xf32, #tpu.memory_space<vmem_shared>> -> memref<10008x128xf32, #tpu.memory_space<vmem_shared>>
        tpu.wait_indirect_dma semaphore(%run_scoped3A_743 : memref<!tpu.dma_semaphore, #tpu.memory_space<semaphore_mem>>) src(%arg12 : memref<128x128xf32, #tpu.memory_space<vmem>>) dst(%dma_wait3A_755 : memref<10008x128xf32, #tpu.memory_space<vmem_shared>>)
        tpu.yield
      }) : () -> ()
      %add3A_407 = arith.constant 2 : i32
      %add3A_408 = arith.addi %mul3A_73, %add3A_407 : i32
      %dma_start3A_409 = arith.constant 0 : i32
      %dma_start3A_410 = arith.constant 0 : i32
      %dma_start3A_411 = tpu.memref_slice %arg3[%arg0, %arg1, %add3A_408, %dma_start3A_409, %dma_start3A_410] : memref<2x16x5x20x128xi32, #tpu.memory_space<hbm>> -> memref<1x1x1x20x128xi32, #tpu.memory_space<hbm>>
      %dma_start3A_412 = tpu.memref_squeeze %dma_start3A_411 : memref<1x1x1x20x128xi32, #tpu.memory_space<hbm>> -> memref<20x128xi32, #tpu.memory_space<hbm>>
      %dma_start3A_413 = arith.constant 0 : i32
      %dma_start3A_414 = arith.constant 0 : i32
      %dma_start3A_415 = tpu.memref_slice %arg3[%arg0, %arg1, %add3A_408, %dma_start3A_413, %dma_start3A_414] : memref<2x16x5x20x128xi32, #tpu.memory_space<hbm>> -> memref<1x1x1x20x128xi32, #tpu.memory_space<hbm>>
      %dma_start3A_416 = tpu.memref_squeeze %dma_start3A_415 : memref<1x1x1x20x128xi32, #tpu.memory_space<hbm>> -> memref<20x128xi32, #tpu.memory_space<hbm>>
      tpu.enqueue_dma source(%dma_start3A_416 : memref<20x128xi32, #tpu.memory_space<hbm>>) target(%arg7 : memref<20x128xi32, #tpu.memory_space<vmem>>) target_semaphore(%arg15 : memref<!tpu.dma_semaphore, #tpu.memory_space<semaphore_mem>>)
      %dma_start3A_417 = arith.constant 0 : i32
      %dma_start3A_418 = arith.constant 0 : i32
      %dma_start3A_419 = tpu.memref_slice %arg4[%arg1, %add3A_408, %dma_start3A_417, %dma_start3A_418] : memref<16x5x20x128xi32, #tpu.memory_space<hbm>> -> memref<1x1x20x128xi32, #tpu.memory_space<hbm>>
      %dma_start3A_420 = tpu.memref_squeeze %dma_start3A_419 : memref<1x1x20x128xi32, #tpu.memory_space<hbm>> -> memref<20x128xi32, #tpu.memory_space<hbm>>
      %dma_start3A_421 = arith.constant 0 : i32
      %dma_start3A_422 = arith.constant 0 : i32
      %dma_start3A_423 = tpu.memref_slice %arg4[%arg1, %add3A_408, %dma_start3A_421, %dma_start3A_422] : memref<16x5x20x128xi32, #tpu.memory_space<hbm>> -> memref<1x1x20x128xi32, #tpu.memory_space<hbm>>
      %dma_start3A_424 = tpu.memref_squeeze %dma_start3A_423 : memref<1x1x20x128xi32, #tpu.memory_space<hbm>> -> memref<20x128xi32, #tpu.memory_space<hbm>>
      tpu.enqueue_dma source(%dma_start3A_424 : memref<20x128xi32, #tpu.memory_space<hbm>>) target(%arg8 : memref<20x128xi32, #tpu.memory_space<vmem>>) target_semaphore(%arg15 : memref<!tpu.dma_semaphore, #tpu.memory_space<semaphore_mem>>)
      %add3A_425 = arith.constant 1 : i32
      %add3A_426 = arith.addi %mul3A_73, %add3A_425 : i32
      %dma_wait3A_427 = arith.constant 0 : i32
      %dma_wait3A_428 = arith.constant 0 : i32
      %dma_wait3A_429 = tpu.memref_slice %arg3[%arg0, %arg1, %add3A_426, %dma_wait3A_427, %dma_wait3A_428] : memref<2x16x5x20x128xi32, #tpu.memory_space<hbm>> -> memref<1x1x1x20x128xi32, #tpu.memory_space<hbm>>
      %dma_wait3A_430 = tpu.memref_squeeze %dma_wait3A_429 : memref<1x1x1x20x128xi32, #tpu.memory_space<hbm>> -> memref<20x128xi32, #tpu.memory_space<hbm>>
      %dma_wait3A_431 = arith.constant 0 : i32
      %dma_wait3A_432 = arith.constant 0 : i32
      %dma_wait3A_433 = tpu.memref_slice %arg3[%arg0, %arg1, %add3A_426, %dma_wait3A_431, %dma_wait3A_432] : memref<2x16x5x20x128xi32, #tpu.memory_space<hbm>> -> memref<1x1x1x20x128xi32, #tpu.memory_space<hbm>>
      %dma_wait3A_434 = tpu.memref_squeeze %dma_wait3A_433 : memref<1x1x1x20x128xi32, #tpu.memory_space<hbm>> -> memref<20x128xi32, #tpu.memory_space<hbm>>
      tpu.wait_dma2 semaphore(%arg16 : memref<!tpu.dma_semaphore, #tpu.memory_space<semaphore_mem>>) src(%dma_wait3A_434 : memref<20x128xi32, #tpu.memory_space<hbm>>) dst(%arg9 : memref<20x128xi32, #tpu.memory_space<vmem>>)
      %dma_wait3A_435 = arith.constant 0 : i32
      %dma_wait3A_436 = arith.constant 0 : i32
      %dma_wait3A_437 = tpu.memref_slice %arg4[%arg1, %add3A_426, %dma_wait3A_435, %dma_wait3A_436] : memref<16x5x20x128xi32, #tpu.memory_space<hbm>> -> memref<1x1x20x128xi32, #tpu.memory_space<hbm>>
      %dma_wait3A_438 = tpu.memref_squeeze %dma_wait3A_437 : memref<1x1x20x128xi32, #tpu.memory_space<hbm>> -> memref<20x128xi32, #tpu.memory_space<hbm>>
      %dma_wait3A_439 = arith.constant 0 : i32
      %dma_wait3A_440 = arith.constant 0 : i32
      %dma_wait3A_441 = tpu.memref_slice %arg4[%arg1, %add3A_426, %dma_wait3A_439, %dma_wait3A_440] : memref<16x5x20x128xi32, #tpu.memory_space<hbm>> -> memref<1x1x20x128xi32, #tpu.memory_space<hbm>>
      %dma_wait3A_442 = tpu.memref_squeeze %dma_wait3A_441 : memref<1x1x20x128xi32, #tpu.memory_space<hbm>> -> memref<20x128xi32, #tpu.memory_space<hbm>>
      tpu.wait_dma2 semaphore(%arg16 : memref<!tpu.dma_semaphore, #tpu.memory_space<semaphore_mem>>) src(%dma_wait3A_442 : memref<20x128xi32, #tpu.memory_space<hbm>>) dst(%arg10 : memref<20x128xi32, #tpu.memory_space<vmem>>)
      %dma_start3A_443 = arith.constant 0 : i32
      %dma_start3A_444 = arith.constant 0 : i32
      %dma_start3A_445 = tpu.memref_slice %arg9[%dma_start3A_443, %dma_start3A_444] : memref<20x128xi32, #tpu.memory_space<vmem>> -> memref<1x128xi32, #tpu.memory_space<vmem>>
      %dma_start3A_446 = tpu.memref_squeeze %dma_start3A_445 : memref<1x128xi32, #tpu.memory_space<vmem>> -> memref<128xi32, #tpu.memory_space<vmem>>
      %dma_start3A_447 = arith.constant 0 : i32
      %dma_start3A_448 = arith.constant 0 : i32
      %dma_start3A_449 = tpu.memref_slice %arg2[%dma_start3A_447, %dma_start3A_448] : memref<20000x128xf32, #tpu.memory_space<hbm>> -> memref<20000x128xf32, #tpu.memory_space<hbm>>
      tpu.enqueue_indirect_dma source(%dma_start3A_449 : memref<20000x128xf32, #tpu.memory_space<hbm>>) target(%arg11 : memref<128x128xf32, #tpu.memory_space<vmem>>) offsets(%dma_start3A_446 : memref<128xi32, #tpu.memory_space<vmem>>) semaphore(%arg13 : memref<!tpu.dma_semaphore, #tpu.memory_space<semaphore_mem>>)
      %dma_start3A_450 = arith.constant 1 : i32
      %dma_start3A_451 = arith.constant 0 : i32
      %dma_start3A_452 = tpu.memref_slice %arg9[%dma_start3A_450, %dma_start3A_451] : memref<20x128xi32, #tpu.memory_space<vmem>> -> memref<1x128xi32, #tpu.memory_space<vmem>>
      %dma_start3A_453 = tpu.memref_squeeze %dma_start3A_452 : memref<1x128xi32, #tpu.memory_space<vmem>> -> memref<128xi32, #tpu.memory_space<vmem>>
      %dma_start3A_454 = arith.constant 0 : i32
      %dma_start3A_455 = arith.constant 0 : i32
      %dma_start3A_456 = tpu.memref_slice %arg2[%dma_start3A_454, %dma_start3A_455] : memref<20000x128xf32, #tpu.memory_space<hbm>> -> memref<20000x128xf32, #tpu.memory_space<hbm>>
      tpu.enqueue_indirect_dma source(%dma_start3A_456 : memref<20000x128xf32, #tpu.memory_space<hbm>>) target(%arg12 : memref<128x128xf32, #tpu.memory_space<vmem>>) offsets(%dma_start3A_453 : memref<128xi32, #tpu.memory_space<vmem>>) semaphore(%arg14 : memref<!tpu.dma_semaphore, #tpu.memory_space<semaphore_mem>>)
      %dma_wait3A_457 = arith.constant 0 : i32
      %dma_wait3A_458 = arith.constant 0 : i32
      %dma_wait3A_459 = tpu.memref_slice %arg9[%dma_wait3A_457, %dma_wait3A_458] : memref<20x128xi32, #tpu.memory_space<vmem>> -> memref<1x128xi32, #tpu.memory_space<vmem>>
      %dma_wait3A_460 = tpu.memref_squeeze %dma_wait3A_459 : memref<1x128xi32, #tpu.memory_space<vmem>> -> memref<128xi32, #tpu.memory_space<vmem>>
      %dma_wait3A_461 = arith.constant 0 : i32
      %dma_wait3A_462 = arith.constant 0 : i32
      %dma_wait3A_463 = tpu.memref_slice %arg2[%dma_wait3A_461, %dma_wait3A_462] : memref<20000x128xf32, #tpu.memory_space<hbm>> -> memref<20000x128xf32, #tpu.memory_space<hbm>>
      tpu.wait_indirect_dma semaphore(%arg13 : memref<!tpu.dma_semaphore, #tpu.memory_space<semaphore_mem>>) src(%dma_wait3A_463 : memref<20000x128xf32, #tpu.memory_space<hbm>>) dst(%arg11 : memref<128x128xf32, #tpu.memory_space<vmem>>)
      %run_scoped3A_464 = arith.constant 0 : i32
      "tpu.region"() ({
        %run_scoped3A_743 = tpu.sem_alloc : memref<!tpu.dma_semaphore, #tpu.memory_space<semaphore_mem>>
        %dma_start3A_744 = arith.constant 0 : i32
        %dma_start3A_745 = tpu.memref_slice %arg10[%run_scoped3A_464, %dma_start3A_744] : memref<20x128xi32, #tpu.memory_space<vmem>> -> memref<1x128xi32, #tpu.memory_space<vmem>>
        %dma_start3A_746 = tpu.memref_squeeze %dma_start3A_745 : memref<1x128xi32, #tpu.memory_space<vmem>> -> memref<128xi32, #tpu.memory_space<vmem>>
        %dma_start3A_747 = arith.constant 0 : i32
        %dma_start3A_748 = arith.constant 0 : i32
        %dma_start3A_749 = tpu.memref_slice %arg6[%dma_start3A_747, %dma_start3A_748] : memref<10008x128xf32, #tpu.memory_space<vmem_shared>> -> memref<10008x128xf32, #tpu.memory_space<vmem_shared>>
        tpu.enqueue_indirect_dma source(%arg11 : memref<128x128xf32, #tpu.memory_space<vmem>>) target(%dma_start3A_749 : memref<10008x128xf32, #tpu.memory_space<vmem_shared>>) offsets(%dma_start3A_746 : memref<128xi32, #tpu.memory_space<vmem>>) semaphore(%run_scoped3A_743 : memref<!tpu.dma_semaphore, #tpu.memory_space<semaphore_mem>>) {add = true}
        %dma_wait3A_750 = arith.constant 0 : i32
        %dma_wait3A_751 = tpu.memref_slice %arg10[%run_scoped3A_464, %dma_wait3A_750] : memref<20x128xi32, #tpu.memory_space<vmem>> -> memref<1x128xi32, #tpu.memory_space<vmem>>
        %dma_wait3A_752 = tpu.memref_squeeze %dma_wait3A_751 : memref<1x128xi32, #tpu.memory_space<vmem>> -> memref<128xi32, #tpu.memory_space<vmem>>
        %dma_wait3A_753 = arith.constant 0 : i32
        %dma_wait3A_754 = arith.constant 0 : i32
        %dma_wait3A_755 = tpu.memref_slice %arg6[%dma_wait3A_753, %dma_wait3A_754] : memref<10008x128xf32, #tpu.memory_space<vmem_shared>> -> memref<10008x128xf32, #tpu.memory_space<vmem_shared>>
        tpu.wait_indirect_dma semaphore(%run_scoped3A_743 : memref<!tpu.dma_semaphore, #tpu.memory_space<semaphore_mem>>) src(%arg11 : memref<128x128xf32, #tpu.memory_space<vmem>>) dst(%dma_wait3A_755 : memref<10008x128xf32, #tpu.memory_space<vmem_shared>>)
        tpu.yield
      }) : () -> ()
      %dma_start3A_465 = arith.constant 2 : i32
      %dma_start3A_466 = arith.constant 0 : i32
      %dma_start3A_467 = tpu.memref_slice %arg9[%dma_start3A_465, %dma_start3A_466] : memref<20x128xi32, #tpu.memory_space<vmem>> -> memref<1x128xi32, #tpu.memory_space<vmem>>
      %dma_start3A_468 = tpu.memref_squeeze %dma_start3A_467 : memref<1x128xi32, #tpu.memory_space<vmem>> -> memref<128xi32, #tpu.memory_space<vmem>>
      %dma_start3A_469 = arith.constant 0 : i32
      %dma_start3A_470 = arith.constant 0 : i32
      %dma_start3A_471 = tpu.memref_slice %arg2[%dma_start3A_469, %dma_start3A_470] : memref<20000x128xf32, #tpu.memory_space<hbm>> -> memref<20000x128xf32, #tpu.memory_space<hbm>>
      tpu.enqueue_indirect_dma source(%dma_start3A_471 : memref<20000x128xf32, #tpu.memory_space<hbm>>) target(%arg11 : memref<128x128xf32, #tpu.memory_space<vmem>>) offsets(%dma_start3A_468 : memref<128xi32, #tpu.memory_space<vmem>>) semaphore(%arg13 : memref<!tpu.dma_semaphore, #tpu.memory_space<semaphore_mem>>)
      %dma_wait3A_472 = arith.constant 1 : i32
      %dma_wait3A_473 = arith.constant 0 : i32
      %dma_wait3A_474 = tpu.memref_slice %arg9[%dma_wait3A_472, %dma_wait3A_473] : memref<20x128xi32, #tpu.memory_space<vmem>> -> memref<1x128xi32, #tpu.memory_space<vmem>>
      %dma_wait3A_475 = tpu.memref_squeeze %dma_wait3A_474 : memref<1x128xi32, #tpu.memory_space<vmem>> -> memref<128xi32, #tpu.memory_space<vmem>>
      %dma_wait3A_476 = arith.constant 0 : i32
      %dma_wait3A_477 = arith.constant 0 : i32
      %dma_wait3A_478 = tpu.memref_slice %arg2[%dma_wait3A_476, %dma_wait3A_477] : memref<20000x128xf32, #tpu.memory_space<hbm>> -> memref<20000x128xf32, #tpu.memory_space<hbm>>
      tpu.wait_indirect_dma semaphore(%arg14 : memref<!tpu.dma_semaphore, #tpu.memory_space<semaphore_mem>>) src(%dma_wait3A_478 : memref<20000x128xf32, #tpu.memory_space<hbm>>) dst(%arg12 : memref<128x128xf32, #tpu.memory_space<vmem>>)
      %run_scoped3A_479 = arith.constant 1 : i32
      "tpu.region"() ({
        %run_scoped3A_743 = tpu.sem_alloc : memref<!tpu.dma_semaphore, #tpu.memory_space<semaphore_mem>>
        %dma_start3A_744 = arith.constant 0 : i32
        %dma_start3A_745 = tpu.memref_slice %arg10[%run_scoped3A_479, %dma_start3A_744] : memref<20x128xi32, #tpu.memory_space<vmem>> -> memref<1x128xi32, #tpu.memory_space<vmem>>
        %dma_start3A_746 = tpu.memref_squeeze %dma_start3A_745 : memref<1x128xi32, #tpu.memory_space<vmem>> -> memref<128xi32, #tpu.memory_space<vmem>>
        %dma_start3A_747 = arith.constant 0 : i32
        %dma_start3A_748 = arith.constant 0 : i32
        %dma_start3A_749 = tpu.memref_slice %arg6[%dma_start3A_747, %dma_start3A_748] : memref<10008x128xf32, #tpu.memory_space<vmem_shared>> -> memref<10008x128xf32, #tpu.memory_space<vmem_shared>>
        tpu.enqueue_indirect_dma source(%arg12 : memref<128x128xf32, #tpu.memory_space<vmem>>) target(%dma_start3A_749 : memref<10008x128xf32, #tpu.memory_space<vmem_shared>>) offsets(%dma_start3A_746 : memref<128xi32, #tpu.memory_space<vmem>>) semaphore(%run_scoped3A_743 : memref<!tpu.dma_semaphore, #tpu.memory_space<semaphore_mem>>) {add = true}
        %dma_wait3A_750 = arith.constant 0 : i32
        %dma_wait3A_751 = tpu.memref_slice %arg10[%run_scoped3A_479, %dma_wait3A_750] : memref<20x128xi32, #tpu.memory_space<vmem>> -> memref<1x128xi32, #tpu.memory_space<vmem>>
        %dma_wait3A_752 = tpu.memref_squeeze %dma_wait3A_751 : memref<1x128xi32, #tpu.memory_space<vmem>> -> memref<128xi32, #tpu.memory_space<vmem>>
        %dma_wait3A_753 = arith.constant 0 : i32
        %dma_wait3A_754 = arith.constant 0 : i32
        %dma_wait3A_755 = tpu.memref_slice %arg6[%dma_wait3A_753, %dma_wait3A_754] : memref<10008x128xf32, #tpu.memory_space<vmem_shared>> -> memref<10008x128xf32, #tpu.memory_space<vmem_shared>>
        tpu.wait_indirect_dma semaphore(%run_scoped3A_743 : memref<!tpu.dma_semaphore, #tpu.memory_space<semaphore_mem>>) src(%arg12 : memref<128x128xf32, #tpu.memory_space<vmem>>) dst(%dma_wait3A_755 : memref<10008x128xf32, #tpu.memory_space<vmem_shared>>)
        tpu.yield
      }) : () -> ()
      %dma_start3A_480 = arith.constant 3 : i32
      %dma_start3A_481 = arith.constant 0 : i32
      %dma_start3A_482 = tpu.memref_slice %arg9[%dma_start3A_480, %dma_start3A_481] : memref<20x128xi32, #tpu.memory_space<vmem>> -> memref<1x128xi32, #tpu.memory_space<vmem>>
      %dma_start3A_483 = tpu.memref_squeeze %dma_start3A_482 : memref<1x128xi32, #tpu.memory_space<vmem>> -> memref<128xi32, #tpu.memory_space<vmem>>
      %dma_start3A_484 = arith.constant 0 : i32
      %dma_start3A_485 = arith.constant 0 : i32
      %dma_start3A_486 = tpu.memref_slice %arg2[%dma_start3A_484, %dma_start3A_485] : memref<20000x128xf32, #tpu.memory_space<hbm>> -> memref<20000x128xf32, #tpu.memory_space<hbm>>
      tpu.enqueue_indirect_dma source(%dma_start3A_486 : memref<20000x128xf32, #tpu.memory_space<hbm>>) target(%arg12 : memref<128x128xf32, #tpu.memory_space<vmem>>) offsets(%dma_start3A_483 : memref<128xi32, #tpu.memory_space<vmem>>) semaphore(%arg14 : memref<!tpu.dma_semaphore, #tpu.memory_space<semaphore_mem>>)
      %dma_wait3A_487 = arith.constant 2 : i32
      %dma_wait3A_488 = arith.constant 0 : i32
      %dma_wait3A_489 = tpu.memref_slice %arg9[%dma_wait3A_487, %dma_wait3A_488] : memref<20x128xi32, #tpu.memory_space<vmem>> -> memref<1x128xi32, #tpu.memory_space<vmem>>
      %dma_wait3A_490 = tpu.memref_squeeze %dma_wait3A_489 : memref<1x128xi32, #tpu.memory_space<vmem>> -> memref<128xi32, #tpu.memory_space<vmem>>
      %dma_wait3A_491 = arith.constant 0 : i32
      %dma_wait3A_492 = arith.constant 0 : i32
      %dma_wait3A_493 = tpu.memref_slice %arg2[%dma_wait3A_491, %dma_wait3A_492] : memref<20000x128xf32, #tpu.memory_space<hbm>> -> memref<20000x128xf32, #tpu.memory_space<hbm>>
      tpu.wait_indirect_dma semaphore(%arg13 : memref<!tpu.dma_semaphore, #tpu.memory_space<semaphore_mem>>) src(%dma_wait3A_493 : memref<20000x128xf32, #tpu.memory_space<hbm>>) dst(%arg11 : memref<128x128xf32, #tpu.memory_space<vmem>>)
      %run_scoped3A_494 = arith.constant 2 : i32
      "tpu.region"() ({
        %run_scoped3A_743 = tpu.sem_alloc : memref<!tpu.dma_semaphore, #tpu.memory_space<semaphore_mem>>
        %dma_start3A_744 = arith.constant 0 : i32
        %dma_start3A_745 = tpu.memref_slice %arg10[%run_scoped3A_494, %dma_start3A_744] : memref<20x128xi32, #tpu.memory_space<vmem>> -> memref<1x128xi32, #tpu.memory_space<vmem>>
        %dma_start3A_746 = tpu.memref_squeeze %dma_start3A_745 : memref<1x128xi32, #tpu.memory_space<vmem>> -> memref<128xi32, #tpu.memory_space<vmem>>
        %dma_start3A_747 = arith.constant 0 : i32
        %dma_start3A_748 = arith.constant 0 : i32
        %dma_start3A_749 = tpu.memref_slice %arg6[%dma_start3A_747, %dma_start3A_748] : memref<10008x128xf32, #tpu.memory_space<vmem_shared>> -> memref<10008x128xf32, #tpu.memory_space<vmem_shared>>
        tpu.enqueue_indirect_dma source(%arg11 : memref<128x128xf32, #tpu.memory_space<vmem>>) target(%dma_start3A_749 : memref<10008x128xf32, #tpu.memory_space<vmem_shared>>) offsets(%dma_start3A_746 : memref<128xi32, #tpu.memory_space<vmem>>) semaphore(%run_scoped3A_743 : memref<!tpu.dma_semaphore, #tpu.memory_space<semaphore_mem>>) {add = true}
        %dma_wait3A_750 = arith.constant 0 : i32
        %dma_wait3A_751 = tpu.memref_slice %arg10[%run_scoped3A_494, %dma_wait3A_750] : memref<20x128xi32, #tpu.memory_space<vmem>> -> memref<1x128xi32, #tpu.memory_space<vmem>>
        %dma_wait3A_752 = tpu.memref_squeeze %dma_wait3A_751 : memref<1x128xi32, #tpu.memory_space<vmem>> -> memref<128xi32, #tpu.memory_space<vmem>>
        %dma_wait3A_753 = arith.constant 0 : i32
        %dma_wait3A_754 = arith.constant 0 : i32
        %dma_wait3A_755 = tpu.memref_slice %arg6[%dma_wait3A_753, %dma_wait3A_754] : memref<10008x128xf32, #tpu.memory_space<vmem_shared>> -> memref<10008x128xf32, #tpu.memory_space<vmem_shared>>
        tpu.wait_indirect_dma semaphore(%run_scoped3A_743 : memref<!tpu.dma_semaphore, #tpu.memory_space<semaphore_mem>>) src(%arg11 : memref<128x128xf32, #tpu.memory_space<vmem>>) dst(%dma_wait3A_755 : memref<10008x128xf32, #tpu.memory_space<vmem_shared>>)
        tpu.yield
      }) : () -> ()
      %dma_start3A_495 = arith.constant 4 : i32
      %dma_start3A_496 = arith.constant 0 : i32
      %dma_start3A_497 = tpu.memref_slice %arg9[%dma_start3A_495, %dma_start3A_496] : memref<20x128xi32, #tpu.memory_space<vmem>> -> memref<1x128xi32, #tpu.memory_space<vmem>>
      %dma_start3A_498 = tpu.memref_squeeze %dma_start3A_497 : memref<1x128xi32, #tpu.memory_space<vmem>> -> memref<128xi32, #tpu.memory_space<vmem>>
      %dma_start3A_499 = arith.constant 0 : i32
      %dma_start3A_500 = arith.constant 0 : i32
      %dma_start3A_501 = tpu.memref_slice %arg2[%dma_start3A_499, %dma_start3A_500] : memref<20000x128xf32, #tpu.memory_space<hbm>> -> memref<20000x128xf32, #tpu.memory_space<hbm>>
      tpu.enqueue_indirect_dma source(%dma_start3A_501 : memref<20000x128xf32, #tpu.memory_space<hbm>>) target(%arg11 : memref<128x128xf32, #tpu.memory_space<vmem>>) offsets(%dma_start3A_498 : memref<128xi32, #tpu.memory_space<vmem>>) semaphore(%arg13 : memref<!tpu.dma_semaphore, #tpu.memory_space<semaphore_mem>>)
      %dma_wait3A_502 = arith.constant 3 : i32
      %dma_wait3A_503 = arith.constant 0 : i32
      %dma_wait3A_504 = tpu.memref_slice %arg9[%dma_wait3A_502, %dma_wait3A_503] : memref<20x128xi32, #tpu.memory_space<vmem>> -> memref<1x128xi32, #tpu.memory_space<vmem>>
      %dma_wait3A_505 = tpu.memref_squeeze %dma_wait3A_504 : memref<1x128xi32, #tpu.memory_space<vmem>> -> memref<128xi32, #tpu.memory_space<vmem>>
      %dma_wait3A_506 = arith.constant 0 : i32
      %dma_wait3A_507 = arith.constant 0 : i32
      %dma_wait3A_508 = tpu.memref_slice %arg2[%dma_wait3A_506, %dma_wait3A_507] : memref<20000x128xf32, #tpu.memory_space<hbm>> -> memref<20000x128xf32, #tpu.memory_space<hbm>>
      tpu.wait_indirect_dma semaphore(%arg14 : memref<!tpu.dma_semaphore, #tpu.memory_space<semaphore_mem>>) src(%dma_wait3A_508 : memref<20000x128xf32, #tpu.memory_space<hbm>>) dst(%arg12 : memref<128x128xf32, #tpu.memory_space<vmem>>)
      %run_scoped3A_509 = arith.constant 3 : i32
      "tpu.region"() ({
        %run_scoped3A_743 = tpu.sem_alloc : memref<!tpu.dma_semaphore, #tpu.memory_space<semaphore_mem>>
        %dma_start3A_744 = arith.constant 0 : i32
        %dma_start3A_745 = tpu.memref_slice %arg10[%run_scoped3A_509, %dma_start3A_744] : memref<20x128xi32, #tpu.memory_space<vmem>> -> memref<1x128xi32, #tpu.memory_space<vmem>>
        %dma_start3A_746 = tpu.memref_squeeze %dma_start3A_745 : memref<1x128xi32, #tpu.memory_space<vmem>> -> memref<128xi32, #tpu.memory_space<vmem>>
        %dma_start3A_747 = arith.constant 0 : i32
        %dma_start3A_748 = arith.constant 0 : i32
        %dma_start3A_749 = tpu.memref_slice %arg6[%dma_start3A_747, %dma_start3A_748] : memref<10008x128xf32, #tpu.memory_space<vmem_shared>> -> memref<10008x128xf32, #tpu.memory_space<vmem_shared>>
        tpu.enqueue_indirect_dma source(%arg12 : memref<128x128xf32, #tpu.memory_space<vmem>>) target(%dma_start3A_749 : memref<10008x128xf32, #tpu.memory_space<vmem_shared>>) offsets(%dma_start3A_746 : memref<128xi32, #tpu.memory_space<vmem>>) semaphore(%run_scoped3A_743 : memref<!tpu.dma_semaphore, #tpu.memory_space<semaphore_mem>>) {add = true}
        %dma_wait3A_750 = arith.constant 0 : i32
        %dma_wait3A_751 = tpu.memref_slice %arg10[%run_scoped3A_509, %dma_wait3A_750] : memref<20x128xi32, #tpu.memory_space<vmem>> -> memref<1x128xi32, #tpu.memory_space<vmem>>
        %dma_wait3A_752 = tpu.memref_squeeze %dma_wait3A_751 : memref<1x128xi32, #tpu.memory_space<vmem>> -> memref<128xi32, #tpu.memory_space<vmem>>
        %dma_wait3A_753 = arith.constant 0 : i32
        %dma_wait3A_754 = arith.constant 0 : i32
        %dma_wait3A_755 = tpu.memref_slice %arg6[%dma_wait3A_753, %dma_wait3A_754] : memref<10008x128xf32, #tpu.memory_space<vmem_shared>> -> memref<10008x128xf32, #tpu.memory_space<vmem_shared>>
        tpu.wait_indirect_dma semaphore(%run_scoped3A_743 : memref<!tpu.dma_semaphore, #tpu.memory_space<semaphore_mem>>) src(%arg12 : memref<128x128xf32, #tpu.memory_space<vmem>>) dst(%dma_wait3A_755 : memref<10008x128xf32, #tpu.memory_space<vmem_shared>>)
        tpu.yield
      }) : () -> ()
      %dma_start3A_510 = arith.constant 5 : i32
      %dma_start3A_511 = arith.constant 0 : i32
      %dma_start3A_512 = tpu.memref_slice %arg9[%dma_start3A_510, %dma_start3A_511] : memref<20x128xi32, #tpu.memory_space<vmem>> -> memref<1x128xi32, #tpu.memory_space<vmem>>
      %dma_start3A_513 = tpu.memref_squeeze %dma_start3A_512 : memref<1x128xi32, #tpu.memory_space<vmem>> -> memref<128xi32, #tpu.memory_space<vmem>>
      %dma_start3A_514 = arith.constant 0 : i32
      %dma_start3A_515 = arith.constant 0 : i32
      %dma_start3A_516 = tpu.memref_slice %arg2[%dma_start3A_514, %dma_start3A_515] : memref<20000x128xf32, #tpu.memory_space<hbm>> -> memref<20000x128xf32, #tpu.memory_space<hbm>>
      tpu.enqueue_indirect_dma source(%dma_start3A_516 : memref<20000x128xf32, #tpu.memory_space<hbm>>) target(%arg12 : memref<128x128xf32, #tpu.memory_space<vmem>>) offsets(%dma_start3A_513 : memref<128xi32, #tpu.memory_space<vmem>>) semaphore(%arg14 : memref<!tpu.dma_semaphore, #tpu.memory_space<semaphore_mem>>)
      %dma_wait3A_517 = arith.constant 4 : i32
      %dma_wait3A_518 = arith.constant 0 : i32
      %dma_wait3A_519 = tpu.memref_slice %arg9[%dma_wait3A_517, %dma_wait3A_518] : memref<20x128xi32, #tpu.memory_space<vmem>> -> memref<1x128xi32, #tpu.memory_space<vmem>>
      %dma_wait3A_520 = tpu.memref_squeeze %dma_wait3A_519 : memref<1x128xi32, #tpu.memory_space<vmem>> -> memref<128xi32, #tpu.memory_space<vmem>>
      %dma_wait3A_521 = arith.constant 0 : i32
      %dma_wait3A_522 = arith.constant 0 : i32
      %dma_wait3A_523 = tpu.memref_slice %arg2[%dma_wait3A_521, %dma_wait3A_522] : memref<20000x128xf32, #tpu.memory_space<hbm>> -> memref<20000x128xf32, #tpu.memory_space<hbm>>
      tpu.wait_indirect_dma semaphore(%arg13 : memref<!tpu.dma_semaphore, #tpu.memory_space<semaphore_mem>>) src(%dma_wait3A_523 : memref<20000x128xf32, #tpu.memory_space<hbm>>) dst(%arg11 : memref<128x128xf32, #tpu.memory_space<vmem>>)
      %run_scoped3A_524 = arith.constant 4 : i32
      "tpu.region"() ({
        %run_scoped3A_743 = tpu.sem_alloc : memref<!tpu.dma_semaphore, #tpu.memory_space<semaphore_mem>>
        %dma_start3A_744 = arith.constant 0 : i32
        %dma_start3A_745 = tpu.memref_slice %arg10[%run_scoped3A_524, %dma_start3A_744] : memref<20x128xi32, #tpu.memory_space<vmem>> -> memref<1x128xi32, #tpu.memory_space<vmem>>
        %dma_start3A_746 = tpu.memref_squeeze %dma_start3A_745 : memref<1x128xi32, #tpu.memory_space<vmem>> -> memref<128xi32, #tpu.memory_space<vmem>>
        %dma_start3A_747 = arith.constant 0 : i32
        %dma_start3A_748 = arith.constant 0 : i32
        %dma_start3A_749 = tpu.memref_slice %arg6[%dma_start3A_747, %dma_start3A_748] : memref<10008x128xf32, #tpu.memory_space<vmem_shared>> -> memref<10008x128xf32, #tpu.memory_space<vmem_shared>>
        tpu.enqueue_indirect_dma source(%arg11 : memref<128x128xf32, #tpu.memory_space<vmem>>) target(%dma_start3A_749 : memref<10008x128xf32, #tpu.memory_space<vmem_shared>>) offsets(%dma_start3A_746 : memref<128xi32, #tpu.memory_space<vmem>>) semaphore(%run_scoped3A_743 : memref<!tpu.dma_semaphore, #tpu.memory_space<semaphore_mem>>) {add = true}
        %dma_wait3A_750 = arith.constant 0 : i32
        %dma_wait3A_751 = tpu.memref_slice %arg10[%run_scoped3A_524, %dma_wait3A_750] : memref<20x128xi32, #tpu.memory_space<vmem>> -> memref<1x128xi32, #tpu.memory_space<vmem>>
        %dma_wait3A_752 = tpu.memref_squeeze %dma_wait3A_751 : memref<1x128xi32, #tpu.memory_space<vmem>> -> memref<128xi32, #tpu.memory_space<vmem>>
        %dma_wait3A_753 = arith.constant 0 : i32
        %dma_wait3A_754 = arith.constant 0 : i32
        %dma_wait3A_755 = tpu.memref_slice %arg6[%dma_wait3A_753, %dma_wait3A_754] : memref<10008x128xf32, #tpu.memory_space<vmem_shared>> -> memref<10008x128xf32, #tpu.memory_space<vmem_shared>>
        tpu.wait_indirect_dma semaphore(%run_scoped3A_743 : memref<!tpu.dma_semaphore, #tpu.memory_space<semaphore_mem>>) src(%arg11 : memref<128x128xf32, #tpu.memory_space<vmem>>) dst(%dma_wait3A_755 : memref<10008x128xf32, #tpu.memory_space<vmem_shared>>)
        tpu.yield
      }) : () -> ()
      %dma_start3A_525 = arith.constant 6 : i32
      %dma_start3A_526 = arith.constant 0 : i32
      %dma_start3A_527 = tpu.memref_slice %arg9[%dma_start3A_525, %dma_start3A_526] : memref<20x128xi32, #tpu.memory_space<vmem>> -> memref<1x128xi32, #tpu.memory_space<vmem>>
      %dma_start3A_528 = tpu.memref_squeeze %dma_start3A_527 : memref<1x128xi32, #tpu.memory_space<vmem>> -> memref<128xi32, #tpu.memory_space<vmem>>
      %dma_start3A_529 = arith.constant 0 : i32
      %dma_start3A_530 = arith.constant 0 : i32
      %dma_start3A_531 = tpu.memref_slice %arg2[%dma_start3A_529, %dma_start3A_530] : memref<20000x128xf32, #tpu.memory_space<hbm>> -> memref<20000x128xf32, #tpu.memory_space<hbm>>
      tpu.enqueue_indirect_dma source(%dma_start3A_531 : memref<20000x128xf32, #tpu.memory_space<hbm>>) target(%arg11 : memref<128x128xf32, #tpu.memory_space<vmem>>) offsets(%dma_start3A_528 : memref<128xi32, #tpu.memory_space<vmem>>) semaphore(%arg13 : memref<!tpu.dma_semaphore, #tpu.memory_space<semaphore_mem>>)
      %dma_wait3A_532 = arith.constant 5 : i32
      %dma_wait3A_533 = arith.constant 0 : i32
      %dma_wait3A_534 = tpu.memref_slice %arg9[%dma_wait3A_532, %dma_wait3A_533] : memref<20x128xi32, #tpu.memory_space<vmem>> -> memref<1x128xi32, #tpu.memory_space<vmem>>
      %dma_wait3A_535 = tpu.memref_squeeze %dma_wait3A_534 : memref<1x128xi32, #tpu.memory_space<vmem>> -> memref<128xi32, #tpu.memory_space<vmem>>
      %dma_wait3A_536 = arith.constant 0 : i32
      %dma_wait3A_537 = arith.constant 0 : i32
      %dma_wait3A_538 = tpu.memref_slice %arg2[%dma_wait3A_536, %dma_wait3A_537] : memref<20000x128xf32, #tpu.memory_space<hbm>> -> memref<20000x128xf32, #tpu.memory_space<hbm>>
      tpu.wait_indirect_dma semaphore(%arg14 : memref<!tpu.dma_semaphore, #tpu.memory_space<semaphore_mem>>) src(%dma_wait3A_538 : memref<20000x128xf32, #tpu.memory_space<hbm>>) dst(%arg12 : memref<128x128xf32, #tpu.memory_space<vmem>>)
      %run_scoped3A_539 = arith.constant 5 : i32
      "tpu.region"() ({
        %run_scoped3A_743 = tpu.sem_alloc : memref<!tpu.dma_semaphore, #tpu.memory_space<semaphore_mem>>
        %dma_start3A_744 = arith.constant 0 : i32
        %dma_start3A_745 = tpu.memref_slice %arg10[%run_scoped3A_539, %dma_start3A_744] : memref<20x128xi32, #tpu.memory_space<vmem>> -> memref<1x128xi32, #tpu.memory_space<vmem>>
        %dma_start3A_746 = tpu.memref_squeeze %dma_start3A_745 : memref<1x128xi32, #tpu.memory_space<vmem>> -> memref<128xi32, #tpu.memory_space<vmem>>
        %dma_start3A_747 = arith.constant 0 : i32
        %dma_start3A_748 = arith.constant 0 : i32
        %dma_start3A_749 = tpu.memref_slice %arg6[%dma_start3A_747, %dma_start3A_748] : memref<10008x128xf32, #tpu.memory_space<vmem_shared>> -> memref<10008x128xf32, #tpu.memory_space<vmem_shared>>
        tpu.enqueue_indirect_dma source(%arg12 : memref<128x128xf32, #tpu.memory_space<vmem>>) target(%dma_start3A_749 : memref<10008x128xf32, #tpu.memory_space<vmem_shared>>) offsets(%dma_start3A_746 : memref<128xi32, #tpu.memory_space<vmem>>) semaphore(%run_scoped3A_743 : memref<!tpu.dma_semaphore, #tpu.memory_space<semaphore_mem>>) {add = true}
        %dma_wait3A_750 = arith.constant 0 : i32
        %dma_wait3A_751 = tpu.memref_slice %arg10[%run_scoped3A_539, %dma_wait3A_750] : memref<20x128xi32, #tpu.memory_space<vmem>> -> memref<1x128xi32, #tpu.memory_space<vmem>>
        %dma_wait3A_752 = tpu.memref_squeeze %dma_wait3A_751 : memref<1x128xi32, #tpu.memory_space<vmem>> -> memref<128xi32, #tpu.memory_space<vmem>>
        %dma_wait3A_753 = arith.constant 0 : i32
        %dma_wait3A_754 = arith.constant 0 : i32
        %dma_wait3A_755 = tpu.memref_slice %arg6[%dma_wait3A_753, %dma_wait3A_754] : memref<10008x128xf32, #tpu.memory_space<vmem_shared>> -> memref<10008x128xf32, #tpu.memory_space<vmem_shared>>
        tpu.wait_indirect_dma semaphore(%run_scoped3A_743 : memref<!tpu.dma_semaphore, #tpu.memory_space<semaphore_mem>>) src(%arg12 : memref<128x128xf32, #tpu.memory_space<vmem>>) dst(%dma_wait3A_755 : memref<10008x128xf32, #tpu.memory_space<vmem_shared>>)
        tpu.yield
      }) : () -> ()
      %dma_start3A_540 = arith.constant 7 : i32
      %dma_start3A_541 = arith.constant 0 : i32
      %dma_start3A_542 = tpu.memref_slice %arg9[%dma_start3A_540, %dma_start3A_541] : memref<20x128xi32, #tpu.memory_space<vmem>> -> memref<1x128xi32, #tpu.memory_space<vmem>>
      %dma_start3A_543 = tpu.memref_squeeze %dma_start3A_542 : memref<1x128xi32, #tpu.memory_space<vmem>> -> memref<128xi32, #tpu.memory_space<vmem>>
      %dma_start3A_544 = arith.constant 0 : i32
      %dma_start3A_545 = arith.constant 0 : i32
      %dma_start3A_546 = tpu.memref_slice %arg2[%dma_start3A_544, %dma_start3A_545] : memref<20000x128xf32, #tpu.memory_space<hbm>> -> memref<20000x128xf32, #tpu.memory_space<hbm>>
      tpu.enqueue_indirect_dma source(%dma_start3A_546 : memref<20000x128xf32, #tpu.memory_space<hbm>>) target(%arg12 : memref<128x128xf32, #tpu.memory_space<vmem>>) offsets(%dma_start3A_543 : memref<128xi32, #tpu.memory_space<vmem>>) semaphore(%arg14 : memref<!tpu.dma_semaphore, #tpu.memory_space<semaphore_mem>>)
      %dma_wait3A_547 = arith.constant 6 : i32
      %dma_wait3A_548 = arith.constant 0 : i32
      %dma_wait3A_549 = tpu.memref_slice %arg9[%dma_wait3A_547, %dma_wait3A_548] : memref<20x128xi32, #tpu.memory_space<vmem>> -> memref<1x128xi32, #tpu.memory_space<vmem>>
      %dma_wait3A_550 = tpu.memref_squeeze %dma_wait3A_549 : memref<1x128xi32, #tpu.memory_space<vmem>> -> memref<128xi32, #tpu.memory_space<vmem>>
      %dma_wait3A_551 = arith.constant 0 : i32
      %dma_wait3A_552 = arith.constant 0 : i32
      %dma_wait3A_553 = tpu.memref_slice %arg2[%dma_wait3A_551, %dma_wait3A_552] : memref<20000x128xf32, #tpu.memory_space<hbm>> -> memref<20000x128xf32, #tpu.memory_space<hbm>>
      tpu.wait_indirect_dma semaphore(%arg13 : memref<!tpu.dma_semaphore, #tpu.memory_space<semaphore_mem>>) src(%dma_wait3A_553 : memref<20000x128xf32, #tpu.memory_space<hbm>>) dst(%arg11 : memref<128x128xf32, #tpu.memory_space<vmem>>)
      %run_scoped3A_554 = arith.constant 6 : i32
      "tpu.region"() ({
        %run_scoped3A_743 = tpu.sem_alloc : memref<!tpu.dma_semaphore, #tpu.memory_space<semaphore_mem>>
        %dma_start3A_744 = arith.constant 0 : i32
        %dma_start3A_745 = tpu.memref_slice %arg10[%run_scoped3A_554, %dma_start3A_744] : memref<20x128xi32, #tpu.memory_space<vmem>> -> memref<1x128xi32, #tpu.memory_space<vmem>>
        %dma_start3A_746 = tpu.memref_squeeze %dma_start3A_745 : memref<1x128xi32, #tpu.memory_space<vmem>> -> memref<128xi32, #tpu.memory_space<vmem>>
        %dma_start3A_747 = arith.constant 0 : i32
        %dma_start3A_748 = arith.constant 0 : i32
        %dma_start3A_749 = tpu.memref_slice %arg6[%dma_start3A_747, %dma_start3A_748] : memref<10008x128xf32, #tpu.memory_space<vmem_shared>> -> memref<10008x128xf32, #tpu.memory_space<vmem_shared>>
        tpu.enqueue_indirect_dma source(%arg11 : memref<128x128xf32, #tpu.memory_space<vmem>>) target(%dma_start3A_749 : memref<10008x128xf32, #tpu.memory_space<vmem_shared>>) offsets(%dma_start3A_746 : memref<128xi32, #tpu.memory_space<vmem>>) semaphore(%run_scoped3A_743 : memref<!tpu.dma_semaphore, #tpu.memory_space<semaphore_mem>>) {add = true}
        %dma_wait3A_750 = arith.constant 0 : i32
        %dma_wait3A_751 = tpu.memref_slice %arg10[%run_scoped3A_554, %dma_wait3A_750] : memref<20x128xi32, #tpu.memory_space<vmem>> -> memref<1x128xi32, #tpu.memory_space<vmem>>
        %dma_wait3A_752 = tpu.memref_squeeze %dma_wait3A_751 : memref<1x128xi32, #tpu.memory_space<vmem>> -> memref<128xi32, #tpu.memory_space<vmem>>
        %dma_wait3A_753 = arith.constant 0 : i32
        %dma_wait3A_754 = arith.constant 0 : i32
        %dma_wait3A_755 = tpu.memref_slice %arg6[%dma_wait3A_753, %dma_wait3A_754] : memref<10008x128xf32, #tpu.memory_space<vmem_shared>> -> memref<10008x128xf32, #tpu.memory_space<vmem_shared>>
        tpu.wait_indirect_dma semaphore(%run_scoped3A_743 : memref<!tpu.dma_semaphore, #tpu.memory_space<semaphore_mem>>) src(%arg11 : memref<128x128xf32, #tpu.memory_space<vmem>>) dst(%dma_wait3A_755 : memref<10008x128xf32, #tpu.memory_space<vmem_shared>>)
        tpu.yield
      }) : () -> ()
      %dma_start3A_555 = arith.constant 8 : i32
      %dma_start3A_556 = arith.constant 0 : i32
      %dma_start3A_557 = tpu.memref_slice %arg9[%dma_start3A_555, %dma_start3A_556] : memref<20x128xi32, #tpu.memory_space<vmem>> -> memref<1x128xi32, #tpu.memory_space<vmem>>
      %dma_start3A_558 = tpu.memref_squeeze %dma_start3A_557 : memref<1x128xi32, #tpu.memory_space<vmem>> -> memref<128xi32, #tpu.memory_space<vmem>>
      %dma_start3A_559 = arith.constant 0 : i32
      %dma_start3A_560 = arith.constant 0 : i32
      %dma_start3A_561 = tpu.memref_slice %arg2[%dma_start3A_559, %dma_start3A_560] : memref<20000x128xf32, #tpu.memory_space<hbm>> -> memref<20000x128xf32, #tpu.memory_space<hbm>>
      tpu.enqueue_indirect_dma source(%dma_start3A_561 : memref<20000x128xf32, #tpu.memory_space<hbm>>) target(%arg11 : memref<128x128xf32, #tpu.memory_space<vmem>>) offsets(%dma_start3A_558 : memref<128xi32, #tpu.memory_space<vmem>>) semaphore(%arg13 : memref<!tpu.dma_semaphore, #tpu.memory_space<semaphore_mem>>)
      %dma_wait3A_562 = arith.constant 7 : i32
      %dma_wait3A_563 = arith.constant 0 : i32
      %dma_wait3A_564 = tpu.memref_slice %arg9[%dma_wait3A_562, %dma_wait3A_563] : memref<20x128xi32, #tpu.memory_space<vmem>> -> memref<1x128xi32, #tpu.memory_space<vmem>>
      %dma_wait3A_565 = tpu.memref_squeeze %dma_wait3A_564 : memref<1x128xi32, #tpu.memory_space<vmem>> -> memref<128xi32, #tpu.memory_space<vmem>>
      %dma_wait3A_566 = arith.constant 0 : i32
      %dma_wait3A_567 = arith.constant 0 : i32
      %dma_wait3A_568 = tpu.memref_slice %arg2[%dma_wait3A_566, %dma_wait3A_567] : memref<20000x128xf32, #tpu.memory_space<hbm>> -> memref<20000x128xf32, #tpu.memory_space<hbm>>
      tpu.wait_indirect_dma semaphore(%arg14 : memref<!tpu.dma_semaphore, #tpu.memory_space<semaphore_mem>>) src(%dma_wait3A_568 : memref<20000x128xf32, #tpu.memory_space<hbm>>) dst(%arg12 : memref<128x128xf32, #tpu.memory_space<vmem>>)
      %run_scoped3A_569 = arith.constant 7 : i32
      "tpu.region"() ({
        %run_scoped3A_743 = tpu.sem_alloc : memref<!tpu.dma_semaphore, #tpu.memory_space<semaphore_mem>>
        %dma_start3A_744 = arith.constant 0 : i32
        %dma_start3A_745 = tpu.memref_slice %arg10[%run_scoped3A_569, %dma_start3A_744] : memref<20x128xi32, #tpu.memory_space<vmem>> -> memref<1x128xi32, #tpu.memory_space<vmem>>
        %dma_start3A_746 = tpu.memref_squeeze %dma_start3A_745 : memref<1x128xi32, #tpu.memory_space<vmem>> -> memref<128xi32, #tpu.memory_space<vmem>>
        %dma_start3A_747 = arith.constant 0 : i32
        %dma_start3A_748 = arith.constant 0 : i32
        %dma_start3A_749 = tpu.memref_slice %arg6[%dma_start3A_747, %dma_start3A_748] : memref<10008x128xf32, #tpu.memory_space<vmem_shared>> -> memref<10008x128xf32, #tpu.memory_space<vmem_shared>>
        tpu.enqueue_indirect_dma source(%arg12 : memref<128x128xf32, #tpu.memory_space<vmem>>) target(%dma_start3A_749 : memref<10008x128xf32, #tpu.memory_space<vmem_shared>>) offsets(%dma_start3A_746 : memref<128xi32, #tpu.memory_space<vmem>>) semaphore(%run_scoped3A_743 : memref<!tpu.dma_semaphore, #tpu.memory_space<semaphore_mem>>) {add = true}
        %dma_wait3A_750 = arith.constant 0 : i32
        %dma_wait3A_751 = tpu.memref_slice %arg10[%run_scoped3A_569, %dma_wait3A_750] : memref<20x128xi32, #tpu.memory_space<vmem>> -> memref<1x128xi32, #tpu.memory_space<vmem>>
        %dma_wait3A_752 = tpu.memref_squeeze %dma_wait3A_751 : memref<1x128xi32, #tpu.memory_space<vmem>> -> memref<128xi32, #tpu.memory_space<vmem>>
        %dma_wait3A_753 = arith.constant 0 : i32
        %dma_wait3A_754 = arith.constant 0 : i32
        %dma_wait3A_755 = tpu.memref_slice %arg6[%dma_wait3A_753, %dma_wait3A_754] : memref<10008x128xf32, #tpu.memory_space<vmem_shared>> -> memref<10008x128xf32, #tpu.memory_space<vmem_shared>>
        tpu.wait_indirect_dma semaphore(%run_scoped3A_743 : memref<!tpu.dma_semaphore, #tpu.memory_space<semaphore_mem>>) src(%arg12 : memref<128x128xf32, #tpu.memory_space<vmem>>) dst(%dma_wait3A_755 : memref<10008x128xf32, #tpu.memory_space<vmem_shared>>)
        tpu.yield
      }) : () -> ()
      %dma_start3A_570 = arith.constant 9 : i32
      %dma_start3A_571 = arith.constant 0 : i32
      %dma_start3A_572 = tpu.memref_slice %arg9[%dma_start3A_570, %dma_start3A_571] : memref<20x128xi32, #tpu.memory_space<vmem>> -> memref<1x128xi32, #tpu.memory_space<vmem>>
      %dma_start3A_573 = tpu.memref_squeeze %dma_start3A_572 : memref<1x128xi32, #tpu.memory_space<vmem>> -> memref<128xi32, #tpu.memory_space<vmem>>
      %dma_start3A_574 = arith.constant 0 : i32
      %dma_start3A_575 = arith.constant 0 : i32
      %dma_start3A_576 = tpu.memref_slice %arg2[%dma_start3A_574, %dma_start3A_575] : memref<20000x128xf32, #tpu.memory_space<hbm>> -> memref<20000x128xf32, #tpu.memory_space<hbm>>
      tpu.enqueue_indirect_dma source(%dma_start3A_576 : memref<20000x128xf32, #tpu.memory_space<hbm>>) target(%arg12 : memref<128x128xf32, #tpu.memory_space<vmem>>) offsets(%dma_start3A_573 : memref<128xi32, #tpu.memory_space<vmem>>) semaphore(%arg14 : memref<!tpu.dma_semaphore, #tpu.memory_space<semaphore_mem>>)
      %dma_wait3A_577 = arith.constant 8 : i32
      %dma_wait3A_578 = arith.constant 0 : i32
      %dma_wait3A_579 = tpu.memref_slice %arg9[%dma_wait3A_577, %dma_wait3A_578] : memref<20x128xi32, #tpu.memory_space<vmem>> -> memref<1x128xi32, #tpu.memory_space<vmem>>
      %dma_wait3A_580 = tpu.memref_squeeze %dma_wait3A_579 : memref<1x128xi32, #tpu.memory_space<vmem>> -> memref<128xi32, #tpu.memory_space<vmem>>
      %dma_wait3A_581 = arith.constant 0 : i32
      %dma_wait3A_582 = arith.constant 0 : i32
      %dma_wait3A_583 = tpu.memref_slice %arg2[%dma_wait3A_581, %dma_wait3A_582] : memref<20000x128xf32, #tpu.memory_space<hbm>> -> memref<20000x128xf32, #tpu.memory_space<hbm>>
      tpu.wait_indirect_dma semaphore(%arg13 : memref<!tpu.dma_semaphore, #tpu.memory_space<semaphore_mem>>) src(%dma_wait3A_583 : memref<20000x128xf32, #tpu.memory_space<hbm>>) dst(%arg11 : memref<128x128xf32, #tpu.memory_space<vmem>>)
      %run_scoped3A_584 = arith.constant 8 : i32
      "tpu.region"() ({
        %run_scoped3A_743 = tpu.sem_alloc : memref<!tpu.dma_semaphore, #tpu.memory_space<semaphore_mem>>
        %dma_start3A_744 = arith.constant 0 : i32
        %dma_start3A_745 = tpu.memref_slice %arg10[%run_scoped3A_584, %dma_start3A_744] : memref<20x128xi32, #tpu.memory_space<vmem>> -> memref<1x128xi32, #tpu.memory_space<vmem>>
        %dma_start3A_746 = tpu.memref_squeeze %dma_start3A_745 : memref<1x128xi32, #tpu.memory_space<vmem>> -> memref<128xi32, #tpu.memory_space<vmem>>
        %dma_start3A_747 = arith.constant 0 : i32
        %dma_start3A_748 = arith.constant 0 : i32
        %dma_start3A_749 = tpu.memref_slice %arg6[%dma_start3A_747, %dma_start3A_748] : memref<10008x128xf32, #tpu.memory_space<vmem_shared>> -> memref<10008x128xf32, #tpu.memory_space<vmem_shared>>
        tpu.enqueue_indirect_dma source(%arg11 : memref<128x128xf32, #tpu.memory_space<vmem>>) target(%dma_start3A_749 : memref<10008x128xf32, #tpu.memory_space<vmem_shared>>) offsets(%dma_start3A_746 : memref<128xi32, #tpu.memory_space<vmem>>) semaphore(%run_scoped3A_743 : memref<!tpu.dma_semaphore, #tpu.memory_space<semaphore_mem>>) {add = true}
        %dma_wait3A_750 = arith.constant 0 : i32
        %dma_wait3A_751 = tpu.memref_slice %arg10[%run_scoped3A_584, %dma_wait3A_750] : memref<20x128xi32, #tpu.memory_space<vmem>> -> memref<1x128xi32, #tpu.memory_space<vmem>>
        %dma_wait3A_752 = tpu.memref_squeeze %dma_wait3A_751 : memref<1x128xi32, #tpu.memory_space<vmem>> -> memref<128xi32, #tpu.memory_space<vmem>>
        %dma_wait3A_753 = arith.constant 0 : i32
        %dma_wait3A_754 = arith.constant 0 : i32
        %dma_wait3A_755 = tpu.memref_slice %arg6[%dma_wait3A_753, %dma_wait3A_754] : memref<10008x128xf32, #tpu.memory_space<vmem_shared>> -> memref<10008x128xf32, #tpu.memory_space<vmem_shared>>
        tpu.wait_indirect_dma semaphore(%run_scoped3A_743 : memref<!tpu.dma_semaphore, #tpu.memory_space<semaphore_mem>>) src(%arg11 : memref<128x128xf32, #tpu.memory_space<vmem>>) dst(%dma_wait3A_755 : memref<10008x128xf32, #tpu.memory_space<vmem_shared>>)
        tpu.yield
      }) : () -> ()
      %dma_start3A_585 = arith.constant 10 : i32
      %dma_start3A_586 = arith.constant 0 : i32
      %dma_start3A_587 = tpu.memref_slice %arg9[%dma_start3A_585, %dma_start3A_586] : memref<20x128xi32, #tpu.memory_space<vmem>> -> memref<1x128xi32, #tpu.memory_space<vmem>>
      %dma_start3A_588 = tpu.memref_squeeze %dma_start3A_587 : memref<1x128xi32, #tpu.memory_space<vmem>> -> memref<128xi32, #tpu.memory_space<vmem>>
      %dma_start3A_589 = arith.constant 0 : i32
      %dma_start3A_590 = arith.constant 0 : i32
      %dma_start3A_591 = tpu.memref_slice %arg2[%dma_start3A_589, %dma_start3A_590] : memref<20000x128xf32, #tpu.memory_space<hbm>> -> memref<20000x128xf32, #tpu.memory_space<hbm>>
      tpu.enqueue_indirect_dma source(%dma_start3A_591 : memref<20000x128xf32, #tpu.memory_space<hbm>>) target(%arg11 : memref<128x128xf32, #tpu.memory_space<vmem>>) offsets(%dma_start3A_588 : memref<128xi32, #tpu.memory_space<vmem>>) semaphore(%arg13 : memref<!tpu.dma_semaphore, #tpu.memory_space<semaphore_mem>>)
      %dma_wait3A_592 = arith.constant 9 : i32
      %dma_wait3A_593 = arith.constant 0 : i32
      %dma_wait3A_594 = tpu.memref_slice %arg9[%dma_wait3A_592, %dma_wait3A_593] : memref<20x128xi32, #tpu.memory_space<vmem>> -> memref<1x128xi32, #tpu.memory_space<vmem>>
      %dma_wait3A_595 = tpu.memref_squeeze %dma_wait3A_594 : memref<1x128xi32, #tpu.memory_space<vmem>> -> memref<128xi32, #tpu.memory_space<vmem>>
      %dma_wait3A_596 = arith.constant 0 : i32
      %dma_wait3A_597 = arith.constant 0 : i32
      %dma_wait3A_598 = tpu.memref_slice %arg2[%dma_wait3A_596, %dma_wait3A_597] : memref<20000x128xf32, #tpu.memory_space<hbm>> -> memref<20000x128xf32, #tpu.memory_space<hbm>>
      tpu.wait_indirect_dma semaphore(%arg14 : memref<!tpu.dma_semaphore, #tpu.memory_space<semaphore_mem>>) src(%dma_wait3A_598 : memref<20000x128xf32, #tpu.memory_space<hbm>>) dst(%arg12 : memref<128x128xf32, #tpu.memory_space<vmem>>)
      %run_scoped3A_599 = arith.constant 9 : i32
      "tpu.region"() ({
        %run_scoped3A_743 = tpu.sem_alloc : memref<!tpu.dma_semaphore, #tpu.memory_space<semaphore_mem>>
        %dma_start3A_744 = arith.constant 0 : i32
        %dma_start3A_745 = tpu.memref_slice %arg10[%run_scoped3A_599, %dma_start3A_744] : memref<20x128xi32, #tpu.memory_space<vmem>> -> memref<1x128xi32, #tpu.memory_space<vmem>>
        %dma_start3A_746 = tpu.memref_squeeze %dma_start3A_745 : memref<1x128xi32, #tpu.memory_space<vmem>> -> memref<128xi32, #tpu.memory_space<vmem>>
        %dma_start3A_747 = arith.constant 0 : i32
        %dma_start3A_748 = arith.constant 0 : i32
        %dma_start3A_749 = tpu.memref_slice %arg6[%dma_start3A_747, %dma_start3A_748] : memref<10008x128xf32, #tpu.memory_space<vmem_shared>> -> memref<10008x128xf32, #tpu.memory_space<vmem_shared>>
        tpu.enqueue_indirect_dma source(%arg12 : memref<128x128xf32, #tpu.memory_space<vmem>>) target(%dma_start3A_749 : memref<10008x128xf32, #tpu.memory_space<vmem_shared>>) offsets(%dma_start3A_746 : memref<128xi32, #tpu.memory_space<vmem>>) semaphore(%run_scoped3A_743 : memref<!tpu.dma_semaphore, #tpu.memory_space<semaphore_mem>>) {add = true}
        %dma_wait3A_750 = arith.constant 0 : i32
        %dma_wait3A_751 = tpu.memref_slice %arg10[%run_scoped3A_599, %dma_wait3A_750] : memref<20x128xi32, #tpu.memory_space<vmem>> -> memref<1x128xi32, #tpu.memory_space<vmem>>
        %dma_wait3A_752 = tpu.memref_squeeze %dma_wait3A_751 : memref<1x128xi32, #tpu.memory_space<vmem>> -> memref<128xi32, #tpu.memory_space<vmem>>
        %dma_wait3A_753 = arith.constant 0 : i32
        %dma_wait3A_754 = arith.constant 0 : i32
        %dma_wait3A_755 = tpu.memref_slice %arg6[%dma_wait3A_753, %dma_wait3A_754] : memref<10008x128xf32, #tpu.memory_space<vmem_shared>> -> memref<10008x128xf32, #tpu.memory_space<vmem_shared>>
        tpu.wait_indirect_dma semaphore(%run_scoped3A_743 : memref<!tpu.dma_semaphore, #tpu.memory_space<semaphore_mem>>) src(%arg12 : memref<128x128xf32, #tpu.memory_space<vmem>>) dst(%dma_wait3A_755 : memref<10008x128xf32, #tpu.memory_space<vmem_shared>>)
        tpu.yield
      }) : () -> ()
      %dma_start3A_600 = arith.constant 11 : i32
      %dma_start3A_601 = arith.constant 0 : i32
      %dma_start3A_602 = tpu.memref_slice %arg9[%dma_start3A_600, %dma_start3A_601] : memref<20x128xi32, #tpu.memory_space<vmem>> -> memref<1x128xi32, #tpu.memory_space<vmem>>
      %dma_start3A_603 = tpu.memref_squeeze %dma_start3A_602 : memref<1x128xi32, #tpu.memory_space<vmem>> -> memref<128xi32, #tpu.memory_space<vmem>>
      %dma_start3A_604 = arith.constant 0 : i32
      %dma_start3A_605 = arith.constant 0 : i32
      %dma_start3A_606 = tpu.memref_slice %arg2[%dma_start3A_604, %dma_start3A_605] : memref<20000x128xf32, #tpu.memory_space<hbm>> -> memref<20000x128xf32, #tpu.memory_space<hbm>>
      tpu.enqueue_indirect_dma source(%dma_start3A_606 : memref<20000x128xf32, #tpu.memory_space<hbm>>) target(%arg12 : memref<128x128xf32, #tpu.memory_space<vmem>>) offsets(%dma_start3A_603 : memref<128xi32, #tpu.memory_space<vmem>>) semaphore(%arg14 : memref<!tpu.dma_semaphore, #tpu.memory_space<semaphore_mem>>)
      %dma_wait3A_607 = arith.constant 10 : i32
      %dma_wait3A_608 = arith.constant 0 : i32
      %dma_wait3A_609 = tpu.memref_slice %arg9[%dma_wait3A_607, %dma_wait3A_608] : memref<20x128xi32, #tpu.memory_space<vmem>> -> memref<1x128xi32, #tpu.memory_space<vmem>>
      %dma_wait3A_610 = tpu.memref_squeeze %dma_wait3A_609 : memref<1x128xi32, #tpu.memory_space<vmem>> -> memref<128xi32, #tpu.memory_space<vmem>>
      %dma_wait3A_611 = arith.constant 0 : i32
      %dma_wait3A_612 = arith.constant 0 : i32
      %dma_wait3A_613 = tpu.memref_slice %arg2[%dma_wait3A_611, %dma_wait3A_612] : memref<20000x128xf32, #tpu.memory_space<hbm>> -> memref<20000x128xf32, #tpu.memory_space<hbm>>
      tpu.wait_indirect_dma semaphore(%arg13 : memref<!tpu.dma_semaphore, #tpu.memory_space<semaphore_mem>>) src(%dma_wait3A_613 : memref<20000x128xf32, #tpu.memory_space<hbm>>) dst(%arg11 : memref<128x128xf32, #tpu.memory_space<vmem>>)
      %run_scoped3A_614 = arith.constant 10 : i32
      "tpu.region"() ({
        %run_scoped3A_743 = tpu.sem_alloc : memref<!tpu.dma_semaphore, #tpu.memory_space<semaphore_mem>>
        %dma_start3A_744 = arith.constant 0 : i32
        %dma_start3A_745 = tpu.memref_slice %arg10[%run_scoped3A_614, %dma_start3A_744] : memref<20x128xi32, #tpu.memory_space<vmem>> -> memref<1x128xi32, #tpu.memory_space<vmem>>
        %dma_start3A_746 = tpu.memref_squeeze %dma_start3A_745 : memref<1x128xi32, #tpu.memory_space<vmem>> -> memref<128xi32, #tpu.memory_space<vmem>>
        %dma_start3A_747 = arith.constant 0 : i32
        %dma_start3A_748 = arith.constant 0 : i32
        %dma_start3A_749 = tpu.memref_slice %arg6[%dma_start3A_747, %dma_start3A_748] : memref<10008x128xf32, #tpu.memory_space<vmem_shared>> -> memref<10008x128xf32, #tpu.memory_space<vmem_shared>>
        tpu.enqueue_indirect_dma source(%arg11 : memref<128x128xf32, #tpu.memory_space<vmem>>) target(%dma_start3A_749 : memref<10008x128xf32, #tpu.memory_space<vmem_shared>>) offsets(%dma_start3A_746 : memref<128xi32, #tpu.memory_space<vmem>>) semaphore(%run_scoped3A_743 : memref<!tpu.dma_semaphore, #tpu.memory_space<semaphore_mem>>) {add = true}
        %dma_wait3A_750 = arith.constant 0 : i32
        %dma_wait3A_751 = tpu.memref_slice %arg10[%run_scoped3A_614, %dma_wait3A_750] : memref<20x128xi32, #tpu.memory_space<vmem>> -> memref<1x128xi32, #tpu.memory_space<vmem>>
        %dma_wait3A_752 = tpu.memref_squeeze %dma_wait3A_751 : memref<1x128xi32, #tpu.memory_space<vmem>> -> memref<128xi32, #tpu.memory_space<vmem>>
        %dma_wait3A_753 = arith.constant 0 : i32
        %dma_wait3A_754 = arith.constant 0 : i32
        %dma_wait3A_755 = tpu.memref_slice %arg6[%dma_wait3A_753, %dma_wait3A_754] : memref<10008x128xf32, #tpu.memory_space<vmem_shared>> -> memref<10008x128xf32, #tpu.memory_space<vmem_shared>>
        tpu.wait_indirect_dma semaphore(%run_scoped3A_743 : memref<!tpu.dma_semaphore, #tpu.memory_space<semaphore_mem>>) src(%arg11 : memref<128x128xf32, #tpu.memory_space<vmem>>) dst(%dma_wait3A_755 : memref<10008x128xf32, #tpu.memory_space<vmem_shared>>)
        tpu.yield
      }) : () -> ()
      %dma_start3A_615 = arith.constant 12 : i32
      %dma_start3A_616 = arith.constant 0 : i32
      %dma_start3A_617 = tpu.memref_slice %arg9[%dma_start3A_615, %dma_start3A_616] : memref<20x128xi32, #tpu.memory_space<vmem>> -> memref<1x128xi32, #tpu.memory_space<vmem>>
      %dma_start3A_618 = tpu.memref_squeeze %dma_start3A_617 : memref<1x128xi32, #tpu.memory_space<vmem>> -> memref<128xi32, #tpu.memory_space<vmem>>
      %dma_start3A_619 = arith.constant 0 : i32
      %dma_start3A_620 = arith.constant 0 : i32
      %dma_start3A_621 = tpu.memref_slice %arg2[%dma_start3A_619, %dma_start3A_620] : memref<20000x128xf32, #tpu.memory_space<hbm>> -> memref<20000x128xf32, #tpu.memory_space<hbm>>
      tpu.enqueue_indirect_dma source(%dma_start3A_621 : memref<20000x128xf32, #tpu.memory_space<hbm>>) target(%arg11 : memref<128x128xf32, #tpu.memory_space<vmem>>) offsets(%dma_start3A_618 : memref<128xi32, #tpu.memory_space<vmem>>) semaphore(%arg13 : memref<!tpu.dma_semaphore, #tpu.memory_space<semaphore_mem>>)
      %dma_wait3A_622 = arith.constant 11 : i32
      %dma_wait3A_623 = arith.constant 0 : i32
      %dma_wait3A_624 = tpu.memref_slice %arg9[%dma_wait3A_622, %dma_wait3A_623] : memref<20x128xi32, #tpu.memory_space<vmem>> -> memref<1x128xi32, #tpu.memory_space<vmem>>
      %dma_wait3A_625 = tpu.memref_squeeze %dma_wait3A_624 : memref<1x128xi32, #tpu.memory_space<vmem>> -> memref<128xi32, #tpu.memory_space<vmem>>
      %dma_wait3A_626 = arith.constant 0 : i32
      %dma_wait3A_627 = arith.constant 0 : i32
      %dma_wait3A_628 = tpu.memref_slice %arg2[%dma_wait3A_626, %dma_wait3A_627] : memref<20000x128xf32, #tpu.memory_space<hbm>> -> memref<20000x128xf32, #tpu.memory_space<hbm>>
      tpu.wait_indirect_dma semaphore(%arg14 : memref<!tpu.dma_semaphore, #tpu.memory_space<semaphore_mem>>) src(%dma_wait3A_628 : memref<20000x128xf32, #tpu.memory_space<hbm>>) dst(%arg12 : memref<128x128xf32, #tpu.memory_space<vmem>>)
      %run_scoped3A_629 = arith.constant 11 : i32
      "tpu.region"() ({
        %run_scoped3A_743 = tpu.sem_alloc : memref<!tpu.dma_semaphore, #tpu.memory_space<semaphore_mem>>
        %dma_start3A_744 = arith.constant 0 : i32
        %dma_start3A_745 = tpu.memref_slice %arg10[%run_scoped3A_629, %dma_start3A_744] : memref<20x128xi32, #tpu.memory_space<vmem>> -> memref<1x128xi32, #tpu.memory_space<vmem>>
        %dma_start3A_746 = tpu.memref_squeeze %dma_start3A_745 : memref<1x128xi32, #tpu.memory_space<vmem>> -> memref<128xi32, #tpu.memory_space<vmem>>
        %dma_start3A_747 = arith.constant 0 : i32
        %dma_start3A_748 = arith.constant 0 : i32
        %dma_start3A_749 = tpu.memref_slice %arg6[%dma_start3A_747, %dma_start3A_748] : memref<10008x128xf32, #tpu.memory_space<vmem_shared>> -> memref<10008x128xf32, #tpu.memory_space<vmem_shared>>
        tpu.enqueue_indirect_dma source(%arg12 : memref<128x128xf32, #tpu.memory_space<vmem>>) target(%dma_start3A_749 : memref<10008x128xf32, #tpu.memory_space<vmem_shared>>) offsets(%dma_start3A_746 : memref<128xi32, #tpu.memory_space<vmem>>) semaphore(%run_scoped3A_743 : memref<!tpu.dma_semaphore, #tpu.memory_space<semaphore_mem>>) {add = true}
        %dma_wait3A_750 = arith.constant 0 : i32
        %dma_wait3A_751 = tpu.memref_slice %arg10[%run_scoped3A_629, %dma_wait3A_750] : memref<20x128xi32, #tpu.memory_space<vmem>> -> memref<1x128xi32, #tpu.memory_space<vmem>>
        %dma_wait3A_752 = tpu.memref_squeeze %dma_wait3A_751 : memref<1x128xi32, #tpu.memory_space<vmem>> -> memref<128xi32, #tpu.memory_space<vmem>>
        %dma_wait3A_753 = arith.constant 0 : i32
        %dma_wait3A_754 = arith.constant 0 : i32
        %dma_wait3A_755 = tpu.memref_slice %arg6[%dma_wait3A_753, %dma_wait3A_754] : memref<10008x128xf32, #tpu.memory_space<vmem_shared>> -> memref<10008x128xf32, #tpu.memory_space<vmem_shared>>
        tpu.wait_indirect_dma semaphore(%run_scoped3A_743 : memref<!tpu.dma_semaphore, #tpu.memory_space<semaphore_mem>>) src(%arg12 : memref<128x128xf32, #tpu.memory_space<vmem>>) dst(%dma_wait3A_755 : memref<10008x128xf32, #tpu.memory_space<vmem_shared>>)
        tpu.yield
      }) : () -> ()
      %dma_start3A_630 = arith.constant 13 : i32
      %dma_start3A_631 = arith.constant 0 : i32
      %dma_start3A_632 = tpu.memref_slice %arg9[%dma_start3A_630, %dma_start3A_631] : memref<20x128xi32, #tpu.memory_space<vmem>> -> memref<1x128xi32, #tpu.memory_space<vmem>>
      %dma_start3A_633 = tpu.memref_squeeze %dma_start3A_632 : memref<1x128xi32, #tpu.memory_space<vmem>> -> memref<128xi32, #tpu.memory_space<vmem>>
      %dma_start3A_634 = arith.constant 0 : i32
      %dma_start3A_635 = arith.constant 0 : i32
      %dma_start3A_636 = tpu.memref_slice %arg2[%dma_start3A_634, %dma_start3A_635] : memref<20000x128xf32, #tpu.memory_space<hbm>> -> memref<20000x128xf32, #tpu.memory_space<hbm>>
      tpu.enqueue_indirect_dma source(%dma_start3A_636 : memref<20000x128xf32, #tpu.memory_space<hbm>>) target(%arg12 : memref<128x128xf32, #tpu.memory_space<vmem>>) offsets(%dma_start3A_633 : memref<128xi32, #tpu.memory_space<vmem>>) semaphore(%arg14 : memref<!tpu.dma_semaphore, #tpu.memory_space<semaphore_mem>>)
      %dma_wait3A_637 = arith.constant 12 : i32
      %dma_wait3A_638 = arith.constant 0 : i32
      %dma_wait3A_639 = tpu.memref_slice %arg9[%dma_wait3A_637, %dma_wait3A_638] : memref<20x128xi32, #tpu.memory_space<vmem>> -> memref<1x128xi32, #tpu.memory_space<vmem>>
      %dma_wait3A_640 = tpu.memref_squeeze %dma_wait3A_639 : memref<1x128xi32, #tpu.memory_space<vmem>> -> memref<128xi32, #tpu.memory_space<vmem>>
      %dma_wait3A_641 = arith.constant 0 : i32
      %dma_wait3A_642 = arith.constant 0 : i32
      %dma_wait3A_643 = tpu.memref_slice %arg2[%dma_wait3A_641, %dma_wait3A_642] : memref<20000x128xf32, #tpu.memory_space<hbm>> -> memref<20000x128xf32, #tpu.memory_space<hbm>>
      tpu.wait_indirect_dma semaphore(%arg13 : memref<!tpu.dma_semaphore, #tpu.memory_space<semaphore_mem>>) src(%dma_wait3A_643 : memref<20000x128xf32, #tpu.memory_space<hbm>>) dst(%arg11 : memref<128x128xf32, #tpu.memory_space<vmem>>)
      %run_scoped3A_644 = arith.constant 12 : i32
      "tpu.region"() ({
        %run_scoped3A_743 = tpu.sem_alloc : memref<!tpu.dma_semaphore, #tpu.memory_space<semaphore_mem>>
        %dma_start3A_744 = arith.constant 0 : i32
        %dma_start3A_745 = tpu.memref_slice %arg10[%run_scoped3A_644, %dma_start3A_744] : memref<20x128xi32, #tpu.memory_space<vmem>> -> memref<1x128xi32, #tpu.memory_space<vmem>>
        %dma_start3A_746 = tpu.memref_squeeze %dma_start3A_745 : memref<1x128xi32, #tpu.memory_space<vmem>> -> memref<128xi32, #tpu.memory_space<vmem>>
        %dma_start3A_747 = arith.constant 0 : i32
        %dma_start3A_748 = arith.constant 0 : i32
        %dma_start3A_749 = tpu.memref_slice %arg6[%dma_start3A_747, %dma_start3A_748] : memref<10008x128xf32, #tpu.memory_space<vmem_shared>> -> memref<10008x128xf32, #tpu.memory_space<vmem_shared>>
        tpu.enqueue_indirect_dma source(%arg11 : memref<128x128xf32, #tpu.memory_space<vmem>>) target(%dma_start3A_749 : memref<10008x128xf32, #tpu.memory_space<vmem_shared>>) offsets(%dma_start3A_746 : memref<128xi32, #tpu.memory_space<vmem>>) semaphore(%run_scoped3A_743 : memref<!tpu.dma_semaphore, #tpu.memory_space<semaphore_mem>>) {add = true}
        %dma_wait3A_750 = arith.constant 0 : i32
        %dma_wait3A_751 = tpu.memref_slice %arg10[%run_scoped3A_644, %dma_wait3A_750] : memref<20x128xi32, #tpu.memory_space<vmem>> -> memref<1x128xi32, #tpu.memory_space<vmem>>
        %dma_wait3A_752 = tpu.memref_squeeze %dma_wait3A_751 : memref<1x128xi32, #tpu.memory_space<vmem>> -> memref<128xi32, #tpu.memory_space<vmem>>
        %dma_wait3A_753 = arith.constant 0 : i32
        %dma_wait3A_754 = arith.constant 0 : i32
        %dma_wait3A_755 = tpu.memref_slice %arg6[%dma_wait3A_753, %dma_wait3A_754] : memref<10008x128xf32, #tpu.memory_space<vmem_shared>> -> memref<10008x128xf32, #tpu.memory_space<vmem_shared>>
        tpu.wait_indirect_dma semaphore(%run_scoped3A_743 : memref<!tpu.dma_semaphore, #tpu.memory_space<semaphore_mem>>) src(%arg11 : memref<128x128xf32, #tpu.memory_space<vmem>>) dst(%dma_wait3A_755 : memref<10008x128xf32, #tpu.memory_space<vmem_shared>>)
        tpu.yield
      }) : () -> ()
      %dma_start3A_645 = arith.constant 14 : i32
      %dma_start3A_646 = arith.constant 0 : i32
      %dma_start3A_647 = tpu.memref_slice %arg9[%dma_start3A_645, %dma_start3A_646] : memref<20x128xi32, #tpu.memory_space<vmem>> -> memref<1x128xi32, #tpu.memory_space<vmem>>
      %dma_start3A_648 = tpu.memref_squeeze %dma_start3A_647 : memref<1x128xi32, #tpu.memory_space<vmem>> -> memref<128xi32, #tpu.memory_space<vmem>>
      %dma_start3A_649 = arith.constant 0 : i32
      %dma_start3A_650 = arith.constant 0 : i32
      %dma_start3A_651 = tpu.memref_slice %arg2[%dma_start3A_649, %dma_start3A_650] : memref<20000x128xf32, #tpu.memory_space<hbm>> -> memref<20000x128xf32, #tpu.memory_space<hbm>>
      tpu.enqueue_indirect_dma source(%dma_start3A_651 : memref<20000x128xf32, #tpu.memory_space<hbm>>) target(%arg11 : memref<128x128xf32, #tpu.memory_space<vmem>>) offsets(%dma_start3A_648 : memref<128xi32, #tpu.memory_space<vmem>>) semaphore(%arg13 : memref<!tpu.dma_semaphore, #tpu.memory_space<semaphore_mem>>)
      %dma_wait3A_652 = arith.constant 13 : i32
      %dma_wait3A_653 = arith.constant 0 : i32
      %dma_wait3A_654 = tpu.memref_slice %arg9[%dma_wait3A_652, %dma_wait3A_653] : memref<20x128xi32, #tpu.memory_space<vmem>> -> memref<1x128xi32, #tpu.memory_space<vmem>>
      %dma_wait3A_655 = tpu.memref_squeeze %dma_wait3A_654 : memref<1x128xi32, #tpu.memory_space<vmem>> -> memref<128xi32, #tpu.memory_space<vmem>>
      %dma_wait3A_656 = arith.constant 0 : i32
      %dma_wait3A_657 = arith.constant 0 : i32
      %dma_wait3A_658 = tpu.memref_slice %arg2[%dma_wait3A_656, %dma_wait3A_657] : memref<20000x128xf32, #tpu.memory_space<hbm>> -> memref<20000x128xf32, #tpu.memory_space<hbm>>
      tpu.wait_indirect_dma semaphore(%arg14 : memref<!tpu.dma_semaphore, #tpu.memory_space<semaphore_mem>>) src(%dma_wait3A_658 : memref<20000x128xf32, #tpu.memory_space<hbm>>) dst(%arg12 : memref<128x128xf32, #tpu.memory_space<vmem>>)
      %run_scoped3A_659 = arith.constant 13 : i32
      "tpu.region"() ({
        %run_scoped3A_743 = tpu.sem_alloc : memref<!tpu.dma_semaphore, #tpu.memory_space<semaphore_mem>>
        %dma_start3A_744 = arith.constant 0 : i32
        %dma_start3A_745 = tpu.memref_slice %arg10[%run_scoped3A_659, %dma_start3A_744] : memref<20x128xi32, #tpu.memory_space<vmem>> -> memref<1x128xi32, #tpu.memory_space<vmem>>
        %dma_start3A_746 = tpu.memref_squeeze %dma_start3A_745 : memref<1x128xi32, #tpu.memory_space<vmem>> -> memref<128xi32, #tpu.memory_space<vmem>>
        %dma_start3A_747 = arith.constant 0 : i32
        %dma_start3A_748 = arith.constant 0 : i32
        %dma_start3A_749 = tpu.memref_slice %arg6[%dma_start3A_747, %dma_start3A_748] : memref<10008x128xf32, #tpu.memory_space<vmem_shared>> -> memref<10008x128xf32, #tpu.memory_space<vmem_shared>>
        tpu.enqueue_indirect_dma source(%arg12 : memref<128x128xf32, #tpu.memory_space<vmem>>) target(%dma_start3A_749 : memref<10008x128xf32, #tpu.memory_space<vmem_shared>>) offsets(%dma_start3A_746 : memref<128xi32, #tpu.memory_space<vmem>>) semaphore(%run_scoped3A_743 : memref<!tpu.dma_semaphore, #tpu.memory_space<semaphore_mem>>) {add = true}
        %dma_wait3A_750 = arith.constant 0 : i32
        %dma_wait3A_751 = tpu.memref_slice %arg10[%run_scoped3A_659, %dma_wait3A_750] : memref<20x128xi32, #tpu.memory_space<vmem>> -> memref<1x128xi32, #tpu.memory_space<vmem>>
        %dma_wait3A_752 = tpu.memref_squeeze %dma_wait3A_751 : memref<1x128xi32, #tpu.memory_space<vmem>> -> memref<128xi32, #tpu.memory_space<vmem>>
        %dma_wait3A_753 = arith.constant 0 : i32
        %dma_wait3A_754 = arith.constant 0 : i32
        %dma_wait3A_755 = tpu.memref_slice %arg6[%dma_wait3A_753, %dma_wait3A_754] : memref<10008x128xf32, #tpu.memory_space<vmem_shared>> -> memref<10008x128xf32, #tpu.memory_space<vmem_shared>>
        tpu.wait_indirect_dma semaphore(%run_scoped3A_743 : memref<!tpu.dma_semaphore, #tpu.memory_space<semaphore_mem>>) src(%arg12 : memref<128x128xf32, #tpu.memory_space<vmem>>) dst(%dma_wait3A_755 : memref<10008x128xf32, #tpu.memory_space<vmem_shared>>)
        tpu.yield
      }) : () -> ()
      %dma_start3A_660 = arith.constant 15 : i32
      %dma_start3A_661 = arith.constant 0 : i32
      %dma_start3A_662 = tpu.memref_slice %arg9[%dma_start3A_660, %dma_start3A_661] : memref<20x128xi32, #tpu.memory_space<vmem>> -> memref<1x128xi32, #tpu.memory_space<vmem>>
      %dma_start3A_663 = tpu.memref_squeeze %dma_start3A_662 : memref<1x128xi32, #tpu.memory_space<vmem>> -> memref<128xi32, #tpu.memory_space<vmem>>
      %dma_start3A_664 = arith.constant 0 : i32
      %dma_start3A_665 = arith.constant 0 : i32
      %dma_start3A_666 = tpu.memref_slice %arg2[%dma_start3A_664, %dma_start3A_665] : memref<20000x128xf32, #tpu.memory_space<hbm>> -> memref<20000x128xf32, #tpu.memory_space<hbm>>
      tpu.enqueue_indirect_dma source(%dma_start3A_666 : memref<20000x128xf32, #tpu.memory_space<hbm>>) target(%arg12 : memref<128x128xf32, #tpu.memory_space<vmem>>) offsets(%dma_start3A_663 : memref<128xi32, #tpu.memory_space<vmem>>) semaphore(%arg14 : memref<!tpu.dma_semaphore, #tpu.memory_space<semaphore_mem>>)
      %dma_wait3A_667 = arith.constant 14 : i32
      %dma_wait3A_668 = arith.constant 0 : i32
      %dma_wait3A_669 = tpu.memref_slice %arg9[%dma_wait3A_667, %dma_wait3A_668] : memref<20x128xi32, #tpu.memory_space<vmem>> -> memref<1x128xi32, #tpu.memory_space<vmem>>
      %dma_wait3A_670 = tpu.memref_squeeze %dma_wait3A_669 : memref<1x128xi32, #tpu.memory_space<vmem>> -> memref<128xi32, #tpu.memory_space<vmem>>
      %dma_wait3A_671 = arith.constant 0 : i32
      %dma_wait3A_672 = arith.constant 0 : i32
      %dma_wait3A_673 = tpu.memref_slice %arg2[%dma_wait3A_671, %dma_wait3A_672] : memref<20000x128xf32, #tpu.memory_space<hbm>> -> memref<20000x128xf32, #tpu.memory_space<hbm>>
      tpu.wait_indirect_dma semaphore(%arg13 : memref<!tpu.dma_semaphore, #tpu.memory_space<semaphore_mem>>) src(%dma_wait3A_673 : memref<20000x128xf32, #tpu.memory_space<hbm>>) dst(%arg11 : memref<128x128xf32, #tpu.memory_space<vmem>>)
      %run_scoped3A_674 = arith.constant 14 : i32
      "tpu.region"() ({
        %run_scoped3A_743 = tpu.sem_alloc : memref<!tpu.dma_semaphore, #tpu.memory_space<semaphore_mem>>
        %dma_start3A_744 = arith.constant 0 : i32
        %dma_start3A_745 = tpu.memref_slice %arg10[%run_scoped3A_674, %dma_start3A_744] : memref<20x128xi32, #tpu.memory_space<vmem>> -> memref<1x128xi32, #tpu.memory_space<vmem>>
        %dma_start3A_746 = tpu.memref_squeeze %dma_start3A_745 : memref<1x128xi32, #tpu.memory_space<vmem>> -> memref<128xi32, #tpu.memory_space<vmem>>
        %dma_start3A_747 = arith.constant 0 : i32
        %dma_start3A_748 = arith.constant 0 : i32
        %dma_start3A_749 = tpu.memref_slice %arg6[%dma_start3A_747, %dma_start3A_748] : memref<10008x128xf32, #tpu.memory_space<vmem_shared>> -> memref<10008x128xf32, #tpu.memory_space<vmem_shared>>
        tpu.enqueue_indirect_dma source(%arg11 : memref<128x128xf32, #tpu.memory_space<vmem>>) target(%dma_start3A_749 : memref<10008x128xf32, #tpu.memory_space<vmem_shared>>) offsets(%dma_start3A_746 : memref<128xi32, #tpu.memory_space<vmem>>) semaphore(%run_scoped3A_743 : memref<!tpu.dma_semaphore, #tpu.memory_space<semaphore_mem>>) {add = true}
        %dma_wait3A_750 = arith.constant 0 : i32
        %dma_wait3A_751 = tpu.memref_slice %arg10[%run_scoped3A_674, %dma_wait3A_750] : memref<20x128xi32, #tpu.memory_space<vmem>> -> memref<1x128xi32, #tpu.memory_space<vmem>>
        %dma_wait3A_752 = tpu.memref_squeeze %dma_wait3A_751 : memref<1x128xi32, #tpu.memory_space<vmem>> -> memref<128xi32, #tpu.memory_space<vmem>>
        %dma_wait3A_753 = arith.constant 0 : i32
        %dma_wait3A_754 = arith.constant 0 : i32
        %dma_wait3A_755 = tpu.memref_slice %arg6[%dma_wait3A_753, %dma_wait3A_754] : memref<10008x128xf32, #tpu.memory_space<vmem_shared>> -> memref<10008x128xf32, #tpu.memory_space<vmem_shared>>
        tpu.wait_indirect_dma semaphore(%run_scoped3A_743 : memref<!tpu.dma_semaphore, #tpu.memory_space<semaphore_mem>>) src(%arg11 : memref<128x128xf32, #tpu.memory_space<vmem>>) dst(%dma_wait3A_755 : memref<10008x128xf32, #tpu.memory_space<vmem_shared>>)
        tpu.yield
      }) : () -> ()
      %dma_start3A_675 = arith.constant 16 : i32
      %dma_start3A_676 = arith.constant 0 : i32
      %dma_start3A_677 = tpu.memref_slice %arg9[%dma_start3A_675, %dma_start3A_676] : memref<20x128xi32, #tpu.memory_space<vmem>> -> memref<1x128xi32, #tpu.memory_space<vmem>>
      %dma_start3A_678 = tpu.memref_squeeze %dma_start3A_677 : memref<1x128xi32, #tpu.memory_space<vmem>> -> memref<128xi32, #tpu.memory_space<vmem>>
      %dma_start3A_679 = arith.constant 0 : i32
      %dma_start3A_680 = arith.constant 0 : i32
      %dma_start3A_681 = tpu.memref_slice %arg2[%dma_start3A_679, %dma_start3A_680] : memref<20000x128xf32, #tpu.memory_space<hbm>> -> memref<20000x128xf32, #tpu.memory_space<hbm>>
      tpu.enqueue_indirect_dma source(%dma_start3A_681 : memref<20000x128xf32, #tpu.memory_space<hbm>>) target(%arg11 : memref<128x128xf32, #tpu.memory_space<vmem>>) offsets(%dma_start3A_678 : memref<128xi32, #tpu.memory_space<vmem>>) semaphore(%arg13 : memref<!tpu.dma_semaphore, #tpu.memory_space<semaphore_mem>>)
      %dma_wait3A_682 = arith.constant 15 : i32
      %dma_wait3A_683 = arith.constant 0 : i32
      %dma_wait3A_684 = tpu.memref_slice %arg9[%dma_wait3A_682, %dma_wait3A_683] : memref<20x128xi32, #tpu.memory_space<vmem>> -> memref<1x128xi32, #tpu.memory_space<vmem>>
      %dma_wait3A_685 = tpu.memref_squeeze %dma_wait3A_684 : memref<1x128xi32, #tpu.memory_space<vmem>> -> memref<128xi32, #tpu.memory_space<vmem>>
      %dma_wait3A_686 = arith.constant 0 : i32
      %dma_wait3A_687 = arith.constant 0 : i32
      %dma_wait3A_688 = tpu.memref_slice %arg2[%dma_wait3A_686, %dma_wait3A_687] : memref<20000x128xf32, #tpu.memory_space<hbm>> -> memref<20000x128xf32, #tpu.memory_space<hbm>>
      tpu.wait_indirect_dma semaphore(%arg14 : memref<!tpu.dma_semaphore, #tpu.memory_space<semaphore_mem>>) src(%dma_wait3A_688 : memref<20000x128xf32, #tpu.memory_space<hbm>>) dst(%arg12 : memref<128x128xf32, #tpu.memory_space<vmem>>)
      %run_scoped3A_689 = arith.constant 15 : i32
      "tpu.region"() ({
        %run_scoped3A_743 = tpu.sem_alloc : memref<!tpu.dma_semaphore, #tpu.memory_space<semaphore_mem>>
        %dma_start3A_744 = arith.constant 0 : i32
        %dma_start3A_745 = tpu.memref_slice %arg10[%run_scoped3A_689, %dma_start3A_744] : memref<20x128xi32, #tpu.memory_space<vmem>> -> memref<1x128xi32, #tpu.memory_space<vmem>>
        %dma_start3A_746 = tpu.memref_squeeze %dma_start3A_745 : memref<1x128xi32, #tpu.memory_space<vmem>> -> memref<128xi32, #tpu.memory_space<vmem>>
        %dma_start3A_747 = arith.constant 0 : i32
        %dma_start3A_748 = arith.constant 0 : i32
        %dma_start3A_749 = tpu.memref_slice %arg6[%dma_start3A_747, %dma_start3A_748] : memref<10008x128xf32, #tpu.memory_space<vmem_shared>> -> memref<10008x128xf32, #tpu.memory_space<vmem_shared>>
        tpu.enqueue_indirect_dma source(%arg12 : memref<128x128xf32, #tpu.memory_space<vmem>>) target(%dma_start3A_749 : memref<10008x128xf32, #tpu.memory_space<vmem_shared>>) offsets(%dma_start3A_746 : memref<128xi32, #tpu.memory_space<vmem>>) semaphore(%run_scoped3A_743 : memref<!tpu.dma_semaphore, #tpu.memory_space<semaphore_mem>>) {add = true}
        %dma_wait3A_750 = arith.constant 0 : i32
        %dma_wait3A_751 = tpu.memref_slice %arg10[%run_scoped3A_689, %dma_wait3A_750] : memref<20x128xi32, #tpu.memory_space<vmem>> -> memref<1x128xi32, #tpu.memory_space<vmem>>
        %dma_wait3A_752 = tpu.memref_squeeze %dma_wait3A_751 : memref<1x128xi32, #tpu.memory_space<vmem>> -> memref<128xi32, #tpu.memory_space<vmem>>
        %dma_wait3A_753 = arith.constant 0 : i32
        %dma_wait3A_754 = arith.constant 0 : i32
        %dma_wait3A_755 = tpu.memref_slice %arg6[%dma_wait3A_753, %dma_wait3A_754] : memref<10008x128xf32, #tpu.memory_space<vmem_shared>> -> memref<10008x128xf32, #tpu.memory_space<vmem_shared>>
        tpu.wait_indirect_dma semaphore(%run_scoped3A_743 : memref<!tpu.dma_semaphore, #tpu.memory_space<semaphore_mem>>) src(%arg12 : memref<128x128xf32, #tpu.memory_space<vmem>>) dst(%dma_wait3A_755 : memref<10008x128xf32, #tpu.memory_space<vmem_shared>>)
        tpu.yield
      }) : () -> ()
      %dma_start3A_690 = arith.constant 17 : i32
      %dma_start3A_691 = arith.constant 0 : i32
      %dma_start3A_692 = tpu.memref_slice %arg9[%dma_start3A_690, %dma_start3A_691] : memref<20x128xi32, #tpu.memory_space<vmem>> -> memref<1x128xi32, #tpu.memory_space<vmem>>
      %dma_start3A_693 = tpu.memref_squeeze %dma_start3A_692 : memref<1x128xi32, #tpu.memory_space<vmem>> -> memref<128xi32, #tpu.memory_space<vmem>>
      %dma_start3A_694 = arith.constant 0 : i32
      %dma_start3A_695 = arith.constant 0 : i32
      %dma_start3A_696 = tpu.memref_slice %arg2[%dma_start3A_694, %dma_start3A_695] : memref<20000x128xf32, #tpu.memory_space<hbm>> -> memref<20000x128xf32, #tpu.memory_space<hbm>>
      tpu.enqueue_indirect_dma source(%dma_start3A_696 : memref<20000x128xf32, #tpu.memory_space<hbm>>) target(%arg12 : memref<128x128xf32, #tpu.memory_space<vmem>>) offsets(%dma_start3A_693 : memref<128xi32, #tpu.memory_space<vmem>>) semaphore(%arg14 : memref<!tpu.dma_semaphore, #tpu.memory_space<semaphore_mem>>)
      %dma_wait3A_697 = arith.constant 16 : i32
      %dma_wait3A_698 = arith.constant 0 : i32
      %dma_wait3A_699 = tpu.memref_slice %arg9[%dma_wait3A_697, %dma_wait3A_698] : memref<20x128xi32, #tpu.memory_space<vmem>> -> memref<1x128xi32, #tpu.memory_space<vmem>>
      %dma_wait3A_700 = tpu.memref_squeeze %dma_wait3A_699 : memref<1x128xi32, #tpu.memory_space<vmem>> -> memref<128xi32, #tpu.memory_space<vmem>>
      %dma_wait3A_701 = arith.constant 0 : i32
      %dma_wait3A_702 = arith.constant 0 : i32
      %dma_wait3A_703 = tpu.memref_slice %arg2[%dma_wait3A_701, %dma_wait3A_702] : memref<20000x128xf32, #tpu.memory_space<hbm>> -> memref<20000x128xf32, #tpu.memory_space<hbm>>
      tpu.wait_indirect_dma semaphore(%arg13 : memref<!tpu.dma_semaphore, #tpu.memory_space<semaphore_mem>>) src(%dma_wait3A_703 : memref<20000x128xf32, #tpu.memory_space<hbm>>) dst(%arg11 : memref<128x128xf32, #tpu.memory_space<vmem>>)
      %run_scoped3A_704 = arith.constant 16 : i32
      "tpu.region"() ({
        %run_scoped3A_743 = tpu.sem_alloc : memref<!tpu.dma_semaphore, #tpu.memory_space<semaphore_mem>>
        %dma_start3A_744 = arith.constant 0 : i32
        %dma_start3A_745 = tpu.memref_slice %arg10[%run_scoped3A_704, %dma_start3A_744] : memref<20x128xi32, #tpu.memory_space<vmem>> -> memref<1x128xi32, #tpu.memory_space<vmem>>
        %dma_start3A_746 = tpu.memref_squeeze %dma_start3A_745 : memref<1x128xi32, #tpu.memory_space<vmem>> -> memref<128xi32, #tpu.memory_space<vmem>>
        %dma_start3A_747 = arith.constant 0 : i32
        %dma_start3A_748 = arith.constant 0 : i32
        %dma_start3A_749 = tpu.memref_slice %arg6[%dma_start3A_747, %dma_start3A_748] : memref<10008x128xf32, #tpu.memory_space<vmem_shared>> -> memref<10008x128xf32, #tpu.memory_space<vmem_shared>>
        tpu.enqueue_indirect_dma source(%arg11 : memref<128x128xf32, #tpu.memory_space<vmem>>) target(%dma_start3A_749 : memref<10008x128xf32, #tpu.memory_space<vmem_shared>>) offsets(%dma_start3A_746 : memref<128xi32, #tpu.memory_space<vmem>>) semaphore(%run_scoped3A_743 : memref<!tpu.dma_semaphore, #tpu.memory_space<semaphore_mem>>) {add = true}
        %dma_wait3A_750 = arith.constant 0 : i32
        %dma_wait3A_751 = tpu.memref_slice %arg10[%run_scoped3A_704, %dma_wait3A_750] : memref<20x128xi32, #tpu.memory_space<vmem>> -> memref<1x128xi32, #tpu.memory_space<vmem>>
        %dma_wait3A_752 = tpu.memref_squeeze %dma_wait3A_751 : memref<1x128xi32, #tpu.memory_space<vmem>> -> memref<128xi32, #tpu.memory_space<vmem>>
        %dma_wait3A_753 = arith.constant 0 : i32
        %dma_wait3A_754 = arith.constant 0 : i32
        %dma_wait3A_755 = tpu.memref_slice %arg6[%dma_wait3A_753, %dma_wait3A_754] : memref<10008x128xf32, #tpu.memory_space<vmem_shared>> -> memref<10008x128xf32, #tpu.memory_space<vmem_shared>>
        tpu.wait_indirect_dma semaphore(%run_scoped3A_743 : memref<!tpu.dma_semaphore, #tpu.memory_space<semaphore_mem>>) src(%arg11 : memref<128x128xf32, #tpu.memory_space<vmem>>) dst(%dma_wait3A_755 : memref<10008x128xf32, #tpu.memory_space<vmem_shared>>)
        tpu.yield
      }) : () -> ()
      %dma_start3A_705 = arith.constant 18 : i32
      %dma_start3A_706 = arith.constant 0 : i32
      %dma_start3A_707 = tpu.memref_slice %arg9[%dma_start3A_705, %dma_start3A_706] : memref<20x128xi32, #tpu.memory_space<vmem>> -> memref<1x128xi32, #tpu.memory_space<vmem>>
      %dma_start3A_708 = tpu.memref_squeeze %dma_start3A_707 : memref<1x128xi32, #tpu.memory_space<vmem>> -> memref<128xi32, #tpu.memory_space<vmem>>
      %dma_start3A_709 = arith.constant 0 : i32
      %dma_start3A_710 = arith.constant 0 : i32
      %dma_start3A_711 = tpu.memref_slice %arg2[%dma_start3A_709, %dma_start3A_710] : memref<20000x128xf32, #tpu.memory_space<hbm>> -> memref<20000x128xf32, #tpu.memory_space<hbm>>
      tpu.enqueue_indirect_dma source(%dma_start3A_711 : memref<20000x128xf32, #tpu.memory_space<hbm>>) target(%arg11 : memref<128x128xf32, #tpu.memory_space<vmem>>) offsets(%dma_start3A_708 : memref<128xi32, #tpu.memory_space<vmem>>) semaphore(%arg13 : memref<!tpu.dma_semaphore, #tpu.memory_space<semaphore_mem>>)
      %dma_wait3A_712 = arith.constant 17 : i32
      %dma_wait3A_713 = arith.constant 0 : i32
      %dma_wait3A_714 = tpu.memref_slice %arg9[%dma_wait3A_712, %dma_wait3A_713] : memref<20x128xi32, #tpu.memory_space<vmem>> -> memref<1x128xi32, #tpu.memory_space<vmem>>
      %dma_wait3A_715 = tpu.memref_squeeze %dma_wait3A_714 : memref<1x128xi32, #tpu.memory_space<vmem>> -> memref<128xi32, #tpu.memory_space<vmem>>
      %dma_wait3A_716 = arith.constant 0 : i32
      %dma_wait3A_717 = arith.constant 0 : i32
      %dma_wait3A_718 = tpu.memref_slice %arg2[%dma_wait3A_716, %dma_wait3A_717] : memref<20000x128xf32, #tpu.memory_space<hbm>> -> memref<20000x128xf32, #tpu.memory_space<hbm>>
      tpu.wait_indirect_dma semaphore(%arg14 : memref<!tpu.dma_semaphore, #tpu.memory_space<semaphore_mem>>) src(%dma_wait3A_718 : memref<20000x128xf32, #tpu.memory_space<hbm>>) dst(%arg12 : memref<128x128xf32, #tpu.memory_space<vmem>>)
      %run_scoped3A_719 = arith.constant 17 : i32
      "tpu.region"() ({
        %run_scoped3A_743 = tpu.sem_alloc : memref<!tpu.dma_semaphore, #tpu.memory_space<semaphore_mem>>
        %dma_start3A_744 = arith.constant 0 : i32
        %dma_start3A_745 = tpu.memref_slice %arg10[%run_scoped3A_719, %dma_start3A_744] : memref<20x128xi32, #tpu.memory_space<vmem>> -> memref<1x128xi32, #tpu.memory_space<vmem>>
        %dma_start3A_746 = tpu.memref_squeeze %dma_start3A_745 : memref<1x128xi32, #tpu.memory_space<vmem>> -> memref<128xi32, #tpu.memory_space<vmem>>
        %dma_start3A_747 = arith.constant 0 : i32
        %dma_start3A_748 = arith.constant 0 : i32
        %dma_start3A_749 = tpu.memref_slice %arg6[%dma_start3A_747, %dma_start3A_748] : memref<10008x128xf32, #tpu.memory_space<vmem_shared>> -> memref<10008x128xf32, #tpu.memory_space<vmem_shared>>
        tpu.enqueue_indirect_dma source(%arg12 : memref<128x128xf32, #tpu.memory_space<vmem>>) target(%dma_start3A_749 : memref<10008x128xf32, #tpu.memory_space<vmem_shared>>) offsets(%dma_start3A_746 : memref<128xi32, #tpu.memory_space<vmem>>) semaphore(%run_scoped3A_743 : memref<!tpu.dma_semaphore, #tpu.memory_space<semaphore_mem>>) {add = true}
        %dma_wait3A_750 = arith.constant 0 : i32
        %dma_wait3A_751 = tpu.memref_slice %arg10[%run_scoped3A_719, %dma_wait3A_750] : memref<20x128xi32, #tpu.memory_space<vmem>> -> memref<1x128xi32, #tpu.memory_space<vmem>>
        %dma_wait3A_752 = tpu.memref_squeeze %dma_wait3A_751 : memref<1x128xi32, #tpu.memory_space<vmem>> -> memref<128xi32, #tpu.memory_space<vmem>>
        %dma_wait3A_753 = arith.constant 0 : i32
        %dma_wait3A_754 = arith.constant 0 : i32
        %dma_wait3A_755 = tpu.memref_slice %arg6[%dma_wait3A_753, %dma_wait3A_754] : memref<10008x128xf32, #tpu.memory_space<vmem_shared>> -> memref<10008x128xf32, #tpu.memory_space<vmem_shared>>
        tpu.wait_indirect_dma semaphore(%run_scoped3A_743 : memref<!tpu.dma_semaphore, #tpu.memory_space<semaphore_mem>>) src(%arg12 : memref<128x128xf32, #tpu.memory_space<vmem>>) dst(%dma_wait3A_755 : memref<10008x128xf32, #tpu.memory_space<vmem_shared>>)
        tpu.yield
      }) : () -> ()
      %dma_start3A_720 = arith.constant 19 : i32
      %dma_start3A_721 = arith.constant 0 : i32
      %dma_start3A_722 = tpu.memref_slice %arg9[%dma_start3A_720, %dma_start3A_721] : memref<20x128xi32, #tpu.memory_space<vmem>> -> memref<1x128xi32, #tpu.memory_space<vmem>>
      %dma_start3A_723 = tpu.memref_squeeze %dma_start3A_722 : memref<1x128xi32, #tpu.memory_space<vmem>> -> memref<128xi32, #tpu.memory_space<vmem>>
      %dma_start3A_724 = arith.constant 0 : i32
      %dma_start3A_725 = arith.constant 0 : i32
      %dma_start3A_726 = tpu.memref_slice %arg2[%dma_start3A_724, %dma_start3A_725] : memref<20000x128xf32, #tpu.memory_space<hbm>> -> memref<20000x128xf32, #tpu.memory_space<hbm>>
      tpu.enqueue_indirect_dma source(%dma_start3A_726 : memref<20000x128xf32, #tpu.memory_space<hbm>>) target(%arg12 : memref<128x128xf32, #tpu.memory_space<vmem>>) offsets(%dma_start3A_723 : memref<128xi32, #tpu.memory_space<vmem>>) semaphore(%arg14 : memref<!tpu.dma_semaphore, #tpu.memory_space<semaphore_mem>>)
      %dma_wait3A_727 = arith.constant 18 : i32
      %dma_wait3A_728 = arith.constant 0 : i32
      %dma_wait3A_729 = tpu.memref_slice %arg9[%dma_wait3A_727, %dma_wait3A_728] : memref<20x128xi32, #tpu.memory_space<vmem>> -> memref<1x128xi32, #tpu.memory_space<vmem>>
      %dma_wait3A_730 = tpu.memref_squeeze %dma_wait3A_729 : memref<1x128xi32, #tpu.memory_space<vmem>> -> memref<128xi32, #tpu.memory_space<vmem>>
      %dma_wait3A_731 = arith.constant 0 : i32
      %dma_wait3A_732 = arith.constant 0 : i32
      %dma_wait3A_733 = tpu.memref_slice %arg2[%dma_wait3A_731, %dma_wait3A_732] : memref<20000x128xf32, #tpu.memory_space<hbm>> -> memref<20000x128xf32, #tpu.memory_space<hbm>>
      tpu.wait_indirect_dma semaphore(%arg13 : memref<!tpu.dma_semaphore, #tpu.memory_space<semaphore_mem>>) src(%dma_wait3A_733 : memref<20000x128xf32, #tpu.memory_space<hbm>>) dst(%arg11 : memref<128x128xf32, #tpu.memory_space<vmem>>)
      %run_scoped3A_734 = arith.constant 18 : i32
      "tpu.region"() ({
        %run_scoped3A_743 = tpu.sem_alloc : memref<!tpu.dma_semaphore, #tpu.memory_space<semaphore_mem>>
        %dma_start3A_744 = arith.constant 0 : i32
        %dma_start3A_745 = tpu.memref_slice %arg10[%run_scoped3A_734, %dma_start3A_744] : memref<20x128xi32, #tpu.memory_space<vmem>> -> memref<1x128xi32, #tpu.memory_space<vmem>>
        %dma_start3A_746 = tpu.memref_squeeze %dma_start3A_745 : memref<1x128xi32, #tpu.memory_space<vmem>> -> memref<128xi32, #tpu.memory_space<vmem>>
        %dma_start3A_747 = arith.constant 0 : i32
        %dma_start3A_748 = arith.constant 0 : i32
        %dma_start3A_749 = tpu.memref_slice %arg6[%dma_start3A_747, %dma_start3A_748] : memref<10008x128xf32, #tpu.memory_space<vmem_shared>> -> memref<10008x128xf32, #tpu.memory_space<vmem_shared>>
        tpu.enqueue_indirect_dma source(%arg11 : memref<128x128xf32, #tpu.memory_space<vmem>>) target(%dma_start3A_749 : memref<10008x128xf32, #tpu.memory_space<vmem_shared>>) offsets(%dma_start3A_746 : memref<128xi32, #tpu.memory_space<vmem>>) semaphore(%run_scoped3A_743 : memref<!tpu.dma_semaphore, #tpu.memory_space<semaphore_mem>>) {add = true}
        %dma_wait3A_750 = arith.constant 0 : i32
        %dma_wait3A_751 = tpu.memref_slice %arg10[%run_scoped3A_734, %dma_wait3A_750] : memref<20x128xi32, #tpu.memory_space<vmem>> -> memref<1x128xi32, #tpu.memory_space<vmem>>
        %dma_wait3A_752 = tpu.memref_squeeze %dma_wait3A_751 : memref<1x128xi32, #tpu.memory_space<vmem>> -> memref<128xi32, #tpu.memory_space<vmem>>
        %dma_wait3A_753 = arith.constant 0 : i32
        %dma_wait3A_754 = arith.constant 0 : i32
        %dma_wait3A_755 = tpu.memref_slice %arg6[%dma_wait3A_753, %dma_wait3A_754] : memref<10008x128xf32, #tpu.memory_space<vmem_shared>> -> memref<10008x128xf32, #tpu.memory_space<vmem_shared>>
        tpu.wait_indirect_dma semaphore(%run_scoped3A_743 : memref<!tpu.dma_semaphore, #tpu.memory_space<semaphore_mem>>) src(%arg11 : memref<128x128xf32, #tpu.memory_space<vmem>>) dst(%dma_wait3A_755 : memref<10008x128xf32, #tpu.memory_space<vmem_shared>>)
        tpu.yield
      }) : () -> ()
      %dma_wait3A_735 = arith.constant 19 : i32
      %dma_wait3A_736 = arith.constant 0 : i32
      %dma_wait3A_737 = tpu.memref_slice %arg9[%dma_wait3A_735, %dma_wait3A_736] : memref<20x128xi32, #tpu.memory_space<vmem>> -> memref<1x128xi32, #tpu.memory_space<vmem>>
      %dma_wait3A_738 = tpu.memref_squeeze %dma_wait3A_737 : memref<1x128xi32, #tpu.memory_space<vmem>> -> memref<128xi32, #tpu.memory_space<vmem>>
      %dma_wait3A_739 = arith.constant 0 : i32
      %dma_wait3A_740 = arith.constant 0 : i32
      %dma_wait3A_741 = tpu.memref_slice %arg2[%dma_wait3A_739, %dma_wait3A_740] : memref<20000x128xf32, #tpu.memory_space<hbm>> -> memref<20000x128xf32, #tpu.memory_space<hbm>>
      tpu.wait_indirect_dma semaphore(%arg14 : memref<!tpu.dma_semaphore, #tpu.memory_space<semaphore_mem>>) src(%dma_wait3A_741 : memref<20000x128xf32, #tpu.memory_space<hbm>>) dst(%arg12 : memref<128x128xf32, #tpu.memory_space<vmem>>)
      %run_scoped3A_742 = arith.constant 19 : i32
      "tpu.region"() ({
        %run_scoped3A_743 = tpu.sem_alloc : memref<!tpu.dma_semaphore, #tpu.memory_space<semaphore_mem>>
        %dma_start3A_744 = arith.constant 0 : i32
        %dma_start3A_745 = tpu.memref_slice %arg10[%run_scoped3A_742, %dma_start3A_744] : memref<20x128xi32, #tpu.memory_space<vmem>> -> memref<1x128xi32, #tpu.memory_space<vmem>>
        %dma_start3A_746 = tpu.memref_squeeze %dma_start3A_745 : memref<1x128xi32, #tpu.memory_space<vmem>> -> memref<128xi32, #tpu.memory_space<vmem>>
        %dma_start3A_747 = arith.constant 0 : i32
        %dma_start3A_748 = arith.constant 0 : i32
        %dma_start3A_749 = tpu.memref_slice %arg6[%dma_start3A_747, %dma_start3A_748] : memref<10008x128xf32, #tpu.memory_space<vmem_shared>> -> memref<10008x128xf32, #tpu.memory_space<vmem_shared>>
        tpu.enqueue_indirect_dma source(%arg12 : memref<128x128xf32, #tpu.memory_space<vmem>>) target(%dma_start3A_749 : memref<10008x128xf32, #tpu.memory_space<vmem_shared>>) offsets(%dma_start3A_746 : memref<128xi32, #tpu.memory_space<vmem>>) semaphore(%run_scoped3A_743 : memref<!tpu.dma_semaphore, #tpu.memory_space<semaphore_mem>>) {add = true}
        %dma_wait3A_750 = arith.constant 0 : i32
        %dma_wait3A_751 = tpu.memref_slice %arg10[%run_scoped3A_742, %dma_wait3A_750] : memref<20x128xi32, #tpu.memory_space<vmem>> -> memref<1x128xi32, #tpu.memory_space<vmem>>
        %dma_wait3A_752 = tpu.memref_squeeze %dma_wait3A_751 : memref<1x128xi32, #tpu.memory_space<vmem>> -> memref<128xi32, #tpu.memory_space<vmem>>
        %dma_wait3A_753 = arith.constant 0 : i32
        %dma_wait3A_754 = arith.constant 0 : i32
        %dma_wait3A_755 = tpu.memref_slice %arg6[%dma_wait3A_753, %dma_wait3A_754] : memref<10008x128xf32, #tpu.memory_space<vmem_shared>> -> memref<10008x128xf32, #tpu.memory_space<vmem_shared>>
        tpu.wait_indirect_dma semaphore(%run_scoped3A_743 : memref<!tpu.dma_semaphore, #tpu.memory_space<semaphore_mem>>) src(%arg12 : memref<128x128xf32, #tpu.memory_space<vmem>>) dst(%dma_wait3A_755 : memref<10008x128xf32, #tpu.memory_space<vmem_shared>>)
        tpu.yield
      }) : () -> ()
    }
    %scan3A_47 = arith.constant 2 : i32
    %dma_wait3A = arith.constant 4 : i32
    %dma_wait3A_48 = arith.constant 0 : i32
    %dma_wait3A_49 = arith.constant 0 : i32
    %dma_wait3A_50 = tpu.memref_slice %arg3[%arg0, %arg1, %dma_wait3A, %dma_wait3A_48, %dma_wait3A_49] : memref<2x16x5x20x128xi32, #tpu.memory_space<hbm>> -> memref<1x1x1x20x128xi32, #tpu.memory_space<hbm>>
    %dma_wait3A_51 = tpu.memref_squeeze %dma_wait3A_50 : memref<1x1x1x20x128xi32, #tpu.memory_space<hbm>> -> memref<20x128xi32, #tpu.memory_space<hbm>>
    %dma_wait3A_52 = arith.constant 0 : i32
    %dma_wait3A_53 = arith.constant 0 : i32
    %dma_wait3A_54 = tpu.memref_slice %arg3[%arg0, %arg1, %dma_wait3A, %dma_wait3A_52, %dma_wait3A_53] : memref<2x16x5x20x128xi32, #tpu.memory_space<hbm>> -> memref<1x1x1x20x128xi32, #tpu.memory_space<hbm>>
    %dma_wait3A_55 = tpu.memref_squeeze %dma_wait3A_54 : memref<1x1x1x20x128xi32, #tpu.memory_space<hbm>> -> memref<20x128xi32, #tpu.memory_space<hbm>>
    tpu.wait_dma2 semaphore(%arg15 : memref<!tpu.dma_semaphore, #tpu.memory_space<semaphore_mem>>) src(%dma_wait3A_55 : memref<20x128xi32, #tpu.memory_space<hbm>>) dst(%arg7 : memref<20x128xi32, #tpu.memory_space<vmem>>)
    %dma_wait3A_56 = arith.constant 4 : i32
    %dma_wait3A_57 = arith.constant 0 : i32
    %dma_wait3A_58 = arith.constant 0 : i32
    %dma_wait3A_59 = tpu.memref_slice %arg4[%arg1, %dma_wait3A_56, %dma_wait3A_57, %dma_wait3A_58] : memref<16x5x20x128xi32, #tpu.memory_space<hbm>> -> memref<1x1x20x128xi32, #tpu.memory_space<hbm>>
    %dma_wait3A_60 = tpu.memref_squeeze %dma_wait3A_59 : memref<1x1x20x128xi32, #tpu.memory_space<hbm>> -> memref<20x128xi32, #tpu.memory_space<hbm>>
    %dma_wait3A_61 = arith.constant 0 : i32
    %dma_wait3A_62 = arith.constant 0 : i32
    %dma_wait3A_63 = tpu.memref_slice %arg4[%arg1, %dma_wait3A_56, %dma_wait3A_61, %dma_wait3A_62] : memref<16x5x20x128xi32, #tpu.memory_space<hbm>> -> memref<1x1x20x128xi32, #tpu.memory_space<hbm>>
    %dma_wait3A_64 = tpu.memref_squeeze %dma_wait3A_63 : memref<1x1x20x128xi32, #tpu.memory_space<hbm>> -> memref<20x128xi32, #tpu.memory_space<hbm>>
    tpu.wait_dma2 semaphore(%arg15 : memref<!tpu.dma_semaphore, #tpu.memory_space<semaphore_mem>>) src(%dma_wait3A_64 : memref<20x128xi32, #tpu.memory_space<hbm>>) dst(%arg8 : memref<20x128xi32, #tpu.memory_space<vmem>>)
    %barrier3A_65 = arith.constant 0 : index
    tpu.barrier barrier_id(%barrier3A_65)
    %mul3A_66 = arith.constant 625 : i32
    %mul3A_67 = arith.muli %arg1, %mul3A_66 : i32
    %mul3A_68 = arith.constant 16 : i32
    %mul3A_69 = arith.muli %arg0, %mul3A_68 : i32
    %add3A_70 = arith.addi %mul3A_69, %arg1 : i32
    "tpu.region"() ({
      %run_scoped3A = tpu.sem_alloc : memref<!tpu.dma_semaphore, #tpu.memory_space<semaphore_mem>>
      %dma_start3A_71 = arith.constant 0 : i32
      %dma_start3A_72 = arith.constant 0 : i32
      %dma_start3A_73 = tpu.memref_slice %arg5[%add3A_70, %dma_start3A_71, %dma_start3A_72] : memref<32x625x128xf32, #tpu.memory_space<hbm>> -> memref<1x625x128xf32, #tpu.memory_space<hbm>>
      %dma_start3A_74 = tpu.memref_squeeze %dma_start3A_73 : memref<1x625x128xf32, #tpu.memory_space<hbm>> -> memref<625x128xf32, #tpu.memory_space<hbm>>
      %dma_start3A_75 = arith.constant 0 : i32
      %dma_start3A_76 = tpu.memref_slice %arg6[%mul3A_67, %dma_start3A_75] : memref<10008x128xf32, #tpu.memory_space<vmem_shared>> -> memref<625x128xf32, #tpu.memory_space<vmem_shared>>
      tpu.enqueue_dma source(%dma_start3A_76 : memref<625x128xf32, #tpu.memory_space<vmem_shared>>) target(%dma_start3A_74 : memref<625x128xf32, #tpu.memory_space<hbm>>) target_semaphore(%run_scoped3A : memref<!tpu.dma_semaphore, #tpu.memory_space<semaphore_mem>>)
      %dma_wait3A_77 = arith.constant 0 : i32
      %dma_wait3A_78 = arith.constant 0 : i32
      %dma_wait3A_79 = tpu.memref_slice %arg5[%add3A_70, %dma_wait3A_77, %dma_wait3A_78] : memref<32x625x128xf32, #tpu.memory_space<hbm>> -> memref<1x625x128xf32, #tpu.memory_space<hbm>>
      %dma_wait3A_80 = tpu.memref_squeeze %dma_wait3A_79 : memref<1x625x128xf32, #tpu.memory_space<hbm>> -> memref<625x128xf32, #tpu.memory_space<hbm>>
      %dma_wait3A_81 = arith.constant 0 : i32
      %dma_wait3A_82 = tpu.memref_slice %arg6[%mul3A_67, %dma_wait3A_81] : memref<10008x128xf32, #tpu.memory_space<vmem_shared>> -> memref<625x128xf32, #tpu.memory_space<vmem_shared>>
      tpu.wait_dma2 semaphore(%run_scoped3A : memref<!tpu.dma_semaphore, #tpu.memory_space<semaphore_mem>>) src(%dma_wait3A_82 : memref<625x128xf32, #tpu.memory_space<vmem_shared>>) dst(%dma_wait3A_80 : memref<625x128xf32, #tpu.memory_space<hbm>>)
      tpu.yield
    }) : () -> ()
    return
  }
}

module attributes {stable_mosaic.version = 14 : i64} {
  func.func @body(%arg0: i32, %arg1: i32, %arg2: memref<1000x256xf32, #tpu.memory_space<vmem>>, %arg3: memref<256x128xf32, #tpu.memory_space<vmem>>, %arg4: memref<1000x128xf32, #tpu.memory_space<vmem>>) attributes {dimension_semantics = [#tpu.dimension_semantics<arbitrary>, #tpu.dimension_semantics<arbitrary>], iteration_bounds = array<i64: 10, 2>, scalar_prefetch = 0 : i64, scratch_operands = 0 : i64, tpu.core_type = #tpu.core_type<tc>, window_params = [{transform_indices = @transform_0, window_bounds = array<i64: 1000, 256>}, {transform_indices = @transform_1, window_bounds = array<i64: 256, 128>}, {transform_indices = @transform_2, window_bounds = array<i64: 1000, 128>}]} {
    %get3A = arith.constant 0 : index
    %get3A_0 = arith.constant 0 : index
    %get3A_1 = vector.load %arg2[%get3A, %get3A_0] : memref<1000x256xf32, #tpu.memory_space<vmem>>, vector<1000x256xf32>
    %get3A_2 = arith.constant 0 : index
    %get3A_3 = arith.constant 0 : index
    %get3A_4 = vector.load %arg3[%get3A_2, %get3A_3] : memref<256x128xf32, #tpu.memory_space<vmem>>, vector<256x128xf32>
    %dot_general3A = arith.constant dense<0.000000e+00> : vector<1000x128xf32>
    %dot_general3A_5 = tpu.matmul %get3A_1, %get3A_4, %dot_general3A {dimension_numbers = #tpu.dot_dimension_numbers<[1], [0], [0], [1], [0, 0, 1, 1], [], []>, transpose_lhs_hint = false} : vector<1000x256xf32>, vector<256x128xf32>, vector<1000x128xf32> -> vector<1000x128xf32>
    %swap3A = arith.constant 0 : index
    %swap3A_6 = arith.constant 0 : index
    %swap3A_7 = vector.load %arg4[%swap3A, %swap3A_6] : memref<1000x128xf32, #tpu.memory_space<vmem>>, vector<1000x128xf32>
    tpu.vector_store %arg4[%swap3A, %swap3A_6], %dot_general3A_5 {strides = array<i32>} : memref<1000x128xf32, #tpu.memory_space<vmem>>, vector<1000x128xf32>,
    return
  }
  func.func @transform_0(%arg0: i32, %arg1: i32) -> (i32, i32) {
    %c0_i32 = arith.constant 0 : i32
    %c0_i32_0 = arith.constant 0 : i32
    return %arg0, %c0_i32 : i32, i32
  }
  func.func @transform_1(%arg0: i32, %arg1: i32) -> (i32, i32) {
    %c0_i32 = arith.constant 0 : i32
    %c0_i32_0 = arith.constant 0 : i32
    return %c0_i32, %arg1 : i32, i32
  }
  func.func @transform_2(%arg0: i32, %arg1: i32) -> (i32, i32) {
    %mul3A = arith.constant 10 : i32
    %mul3A_0 = arith.muli %arg1, %mul3A : i32
    %add3A = arith.addi %mul3A_0, %arg0 : i32
    %c0_i32 = arith.constant 0 : i32
    %c0_i32_1 = arith.constant 0 : i32
    return %add3A, %c0_i32 : i32, i32
  }
}

module attributes {stable_mosaic.version = 14 : i64} {
  func.func @body(%arg0: i32, %arg1: i32, %arg2: memref<1000x256xf32, #tpu.memory_space<vmem>>, %arg3: memref<256x128xf32, #tpu.memory_space<vmem>>, %arg4: memref<1000x128xf32, #tpu.memory_space<vmem>>) attributes {dimension_semantics = [#tpu.dimension_semantics<arbitrary>, #tpu.dimension_semantics<arbitrary>], iteration_bounds = array<i64: 20, 2>, scalar_prefetch = 0 : i64, scratch_operands = 0 : i64, tpu.core_type = #tpu.core_type<tc>, window_params = [{transform_indices = @transform_0, window_bounds = array<i64: 1000, 256>}, {transform_indices = @transform_1, window_bounds = array<i64: 256, 128>}, {transform_indices = @transform_2, window_bounds = array<i64: 1000, 128>}]} {
    %get3A = arith.constant 0 : index
    %get3A_0 = arith.constant 0 : index
    %get3A_1 = vector.load %arg2[%get3A, %get3A_0] : memref<1000x256xf32, #tpu.memory_space<vmem>>, vector<1000x256xf32>
    %get3A_2 = arith.constant 0 : index
    %get3A_3 = arith.constant 0 : index
    %get3A_4 = vector.load %arg3[%get3A_2, %get3A_3] : memref<256x128xf32, #tpu.memory_space<vmem>>, vector<256x128xf32>
    %dot_general3A = arith.constant dense<0.000000e+00> : vector<1000x128xf32>
    %dot_general3A_5 = tpu.matmul %get3A_1, %get3A_4, %dot_general3A {dimension_numbers = #tpu.dot_dimension_numbers<[1], [0], [0], [1], [0, 0, 1, 1], [], []>, transpose_lhs_hint = false} : vector<1000x256xf32>, vector<256x128xf32>, vector<1000x128xf32> -> vector<1000x128xf32>
    %swap3A = arith.constant 0 : index
    %swap3A_6 = arith.constant 0 : index
    %swap3A_7 = vector.load %arg4[%swap3A, %swap3A_6] : memref<1000x128xf32, #tpu.memory_space<vmem>>, vector<1000x128xf32>
    tpu.vector_store %arg4[%swap3A, %swap3A_6], %dot_general3A_5 {strides = array<i32>} : memref<1000x128xf32, #tpu.memory_space<vmem>>, vector<1000x128xf32>,
    return
  }
  func.func @transform_0(%arg0: i32, %arg1: i32) -> (i32, i32) {
    %c0_i32 = arith.constant 0 : i32
    %c0_i32_0 = arith.constant 0 : i32
    return %arg0, %c0_i32 : i32, i32
  }
  func.func @transform_1(%arg0: i32, %arg1: i32) -> (i32, i32) {
    %c0_i32 = arith.constant 0 : i32
    %c0_i32_0 = arith.constant 0 : i32
    return %c0_i32, %arg1 : i32, i32
  }
  func.func @transform_2(%arg0: i32, %arg1: i32) -> (i32, i32) {
    %mul3A = arith.constant 20 : i32
    %mul3A_0 = arith.muli %arg1, %mul3A : i32
    %add3A = arith.addi %mul3A_0, %arg0 : i32
    %c0_i32 = arith.constant 0 : i32
    %c0_i32_1 = arith.constant 0 : i32
    return %add3A, %c0_i32 : i32, i32
  }
}

module attributes {stable_mosaic.version = 14 : i64} {
  func.func @body(%arg0: i32, %arg1: memref<2x1000x128xf32, #tpu.memory_space<vmem>>, %arg2: memref<1000x256xf32, #tpu.memory_space<vmem>>, %arg3: memref<1x1xf32, #tpu.memory_space<vmem>>, %arg4: memref<512x256xf32, #tpu.memory_space<vmem>>, %arg5: memref<1000x256xf32, #tpu.memory_space<vmem>>) attributes {dimension_semantics = [#tpu.dimension_semantics<arbitrary>], iteration_bounds = array<i64: 10>, scalar_prefetch = 0 : i64, scratch_operands = 0 : i64, tpu.core_type = #tpu.core_type<tc>, window_params = [{transform_indices = @transform_0, window_bounds = array<i64: 2, 1000, 128>}, {transform_indices = @transform_1, window_bounds = array<i64: 1000, 256>}, {pipeline_mode = #tpu.pipeline_mode<synchronous>, transform_indices = @transform_2, window_bounds = array<i64: 1, 1>}, {pipeline_mode = #tpu.pipeline_mode<synchronous>, transform_indices = @transform_3, window_bounds = array<i64: 512, 256>}, {transform_indices = @transform_4, window_bounds = array<i64: 1000, 256>}]} {
    %get3A = arith.constant 0 : index
    %get3A_0 = arith.constant 0 : index
    %get3A_1 = vector.load %arg3[%get3A, %get3A_0] : memref<1x1xf32, #tpu.memory_space<vmem>>, vector<1x1xf32>
    %get3A_2 = vector.extract %get3A_1[0, 0] : f32 from vector<1x1xf32>
    %get3A_3 = arith.constant 0 : index
    %get3A_4 = arith.constant 0 : index
    %get3A_5 = vector.load %arg2[%get3A_3, %get3A_4] : memref<1000x256xf32, #tpu.memory_space<vmem>>, vector<1000x256xf32>
    %get3A_6 = arith.constant 0 : index
    %get3A_7 = arith.constant 0 : index
    %get3A_8 = arith.constant 0 : index
    %get3A_9 = vector.load %arg1[%get3A_6, %get3A_7, %get3A_8] : memref<2x1000x128xf32, #tpu.memory_space<vmem>>, vector<1x1000x128xf32>
    %get3A_10 = vector.shape_cast %get3A_9 : vector<1x1000x128xf32> to vector<1000x128xf32>
    %gt3A = arith.constant 0.000000e+00 : f32
    %gt3A_11 = vector.broadcast %gt3A : f32 to vector<1000x128xf32>
    %gt3A_12 = arith.cmpf ogt, %get3A_10, %gt3A_11 : vector<1000x128xf32>
    %exp3A = math.exp %get3A_10 : vector<1000x128xf32>
    %sub3A = arith.constant 1.000000e+00 : f32
    %sub3A_13 = vector.broadcast %sub3A : f32 to vector<1000x128xf32>
    %sub3A_14 = arith.subf %exp3A, %sub3A_13 : vector<1000x128xf32>
    %select_n3A = arith.select %gt3A_12, %get3A_10, %sub3A_14 : vector<1000x128xi1>, vector<1000x128xf32>
    %slice3A = vector.extract_strided_slice %get3A_5 {offsets = [0, 0], sizes = [1000, 128], strides = [1, 1]} : vector<1000x256xf32> to vector<1000x128xf32>
    %mul3A = vector.broadcast %get3A_2 : f32 to vector<1000x128xf32>
    %mul3A_15 = arith.mulf %mul3A, %slice3A : vector<1000x128xf32>
    %add3A = arith.addf %select_n3A, %mul3A_15 : vector<1000x128xf32>
    %get3A_16 = arith.constant 1 : index
    %get3A_17 = arith.constant 0 : index
    %get3A_18 = arith.constant 0 : index
    %get3A_19 = vector.load %arg1[%get3A_16, %get3A_17, %get3A_18] : memref<2x1000x128xf32, #tpu.memory_space<vmem>>, vector<1x1000x128xf32>
    %get3A_20 = vector.shape_cast %get3A_19 : vector<1x1000x128xf32> to vector<1000x128xf32>
    %gt3A_21 = arith.constant 0.000000e+00 : f32
    %gt3A_22 = vector.broadcast %gt3A_21 : f32 to vector<1000x128xf32>
    %gt3A_23 = arith.cmpf ogt, %get3A_20, %gt3A_22 : vector<1000x128xf32>
    %exp3A_24 = math.exp %get3A_20 : vector<1000x128xf32>
    %sub3A_25 = arith.constant 1.000000e+00 : f32
    %sub3A_26 = vector.broadcast %sub3A_25 : f32 to vector<1000x128xf32>
    %sub3A_27 = arith.subf %exp3A_24, %sub3A_26 : vector<1000x128xf32>
    %select_n3A_28 = arith.select %gt3A_23, %get3A_20, %sub3A_27 : vector<1000x128xi1>, vector<1000x128xf32>
    %slice3A_29 = vector.extract_strided_slice %get3A_5 {offsets = [0, 128], sizes = [1000, 128], strides = [1, 1]} : vector<1000x256xf32> to vector<1000x128xf32>
    %mul3A_30 = vector.broadcast %get3A_2 : f32 to vector<1000x128xf32>
    %mul3A_31 = arith.mulf %mul3A_30, %slice3A_29 : vector<1000x128xf32>
    %add3A_32 = arith.addf %select_n3A_28, %mul3A_31 : vector<1000x128xf32>
    %get3A_33 = arith.constant 0 : index
    %get3A_34 = arith.constant 0 : index
    %get3A_35 = vector.load %arg4[%get3A_33, %get3A_34] : memref<512x256xf32, #tpu.memory_space<vmem>>, vector<512x256xf32>
    %slice3A_36 = vector.extract_strided_slice %get3A_35 {offsets = [0, 0], sizes = [128, 256], strides = [1, 1]} : vector<512x256xf32> to vector<128x256xf32>
    %dot_general3A = arith.constant dense<0.000000e+00> : vector<1000x256xf32>
    %dot_general3A_37 = tpu.matmul %add3A, %slice3A_36, %dot_general3A {dimension_numbers = #tpu.dot_dimension_numbers<[1], [0], [0], [1], [0, 0, 1, 1], [], []>, transpose_lhs_hint = false} : vector<1000x128xf32>, vector<128x256xf32>, vector<1000x256xf32> -> vector<1000x256xf32>
    %slice3A_38 = vector.extract_strided_slice %get3A_35 {offsets = [128, 0], sizes = [128, 256], strides = [1, 1]} : vector<512x256xf32> to vector<128x256xf32>
    %dot_general3A_39 = arith.constant dense<0.000000e+00> : vector<1000x256xf32>
    %dot_general3A_40 = tpu.matmul %add3A_32, %slice3A_38, %dot_general3A_39 {dimension_numbers = #tpu.dot_dimension_numbers<[1], [0], [0], [1], [0, 0, 1, 1], [], []>, transpose_lhs_hint = false} : vector<1000x128xf32>, vector<128x256xf32>, vector<1000x256xf32> -> vector<1000x256xf32>
    %add3A_41 = arith.addf %dot_general3A_37, %dot_general3A_40 : vector<1000x256xf32>
    %swap3A = arith.constant 0 : index
    %swap3A_42 = arith.constant 0 : index
    %swap3A_43 = vector.load %arg5[%swap3A, %swap3A_42] : memref<1000x256xf32, #tpu.memory_space<vmem>>, vector<1000x256xf32>
    tpu.vector_store %arg5[%swap3A, %swap3A_42], %add3A_41 {strides = array<i32>} : memref<1000x256xf32, #tpu.memory_space<vmem>>, vector<1000x256xf32>,
    return
  }
  func.func @transform_0(%arg0: i32) -> (i32, i32, i32) {
    %c0_i32 = arith.constant 0 : i32
    %c0_i32_0 = arith.constant 0 : i32
    %c0_i32_1 = arith.constant 0 : i32
    return %c0_i32, %arg0, %c0_i32_0 : i32, i32, i32
  }
  func.func @transform_1(%arg0: i32) -> (i32, i32) {
    %c0_i32 = arith.constant 0 : i32
    %c0_i32_0 = arith.constant 0 : i32
    return %arg0, %c0_i32 : i32, i32
  }
  func.func @transform_2(%arg0: i32) -> (i32, i32) {
    %c0_i32 = arith.constant 0 : i32
    %c0_i32_0 = arith.constant 0 : i32
    %c0_i32_1 = arith.constant 0 : i32
    return %c0_i32, %c0_i32_0 : i32, i32
  }
  func.func @transform_3(%arg0: i32) -> (i32, i32) {
    %c0_i32 = arith.constant 0 : i32
    %c0_i32_0 = arith.constant 0 : i32
    %c0_i32_1 = arith.constant 0 : i32
    return %c0_i32, %c0_i32_0 : i32, i32
  }
  func.func @transform_4(%arg0: i32) -> (i32, i32) {
    %c0_i32 = arith.constant 0 : i32
    %c0_i32_0 = arith.constant 0 : i32
    return %arg0, %c0_i32 : i32, i32
  }
}

module attributes {stable_mosaic.version = 14 : i64} {
  func.func @body(%arg0: i32, %arg1: memref<1000x256xf32, #tpu.memory_space<vmem>>, %arg2: memref<2x1000x128xf32, #tpu.memory_space<vmem>>, %arg3: memref<1000x256xf32, #tpu.memory_space<vmem>>, %arg4: memref<1x1xf32, #tpu.memory_space<vmem>>, %arg5: memref<512x256xf32, #tpu.memory_space<vmem>>, %arg6: memref<1x256xf32, #tpu.memory_space<vmem>>, %arg7: memref<1000x256xf32, #tpu.memory_space<vmem>>, %arg8: memref<1x256xf32, #tpu.memory_space<vmem>>, %arg9: memref<1x256xf32, #tpu.memory_space<vmem>>) attributes {dimension_semantics = [#tpu.dimension_semantics<arbitrary>], iteration_bounds = array<i64: 10>, scalar_prefetch = 0 : i64, scratch_operands = 0 : i64, tpu.core_type = #tpu.core_type<tc>, window_params = [{transform_indices = @transform_0, window_bounds = array<i64: 1000, 256>}, {transform_indices = @transform_1, window_bounds = array<i64: 2, 1000, 128>}, {transform_indices = @transform_2, window_bounds = array<i64: 1000, 256>}, {pipeline_mode = #tpu.pipeline_mode<synchronous>, transform_indices = @transform_3, window_bounds = array<i64: 1, 1>}, {pipeline_mode = #tpu.pipeline_mode<synchronous>, transform_indices = @transform_4, window_bounds = array<i64: 512, 256>}, {pipeline_mode = #tpu.pipeline_mode<synchronous>, transform_indices = @transform_5, window_bounds = array<i64: 1, 256>}, {transform_indices = @transform_6, window_bounds = array<i64: 1000, 256>}, {pipeline_mode = #tpu.pipeline_mode<synchronous>, transform_indices = @transform_7, window_bounds = array<i64: 1, 256>}, {pipeline_mode = #tpu.pipeline_mode<synchronous>, transform_indices = @transform_8, window_bounds = array<i64: 1, 256>}]} {
    %get3A = arith.constant 0 : index
    %get3A_0 = arith.constant 0 : index
    %get3A_1 = vector.load %arg4[%get3A, %get3A_0] : memref<1x1xf32, #tpu.memory_space<vmem>>, vector<1x1xf32>
    %get3A_2 = vector.extract %get3A_1[0, 0] : f32 from vector<1x1xf32>
    %get3A_3 = arith.constant 0 : index
    %get3A_4 = arith.constant 0 : index
    %get3A_5 = vector.load %arg3[%get3A_3, %get3A_4] : memref<1000x256xf32, #tpu.memory_space<vmem>>, vector<1000x256xf32>
    %get3A_6 = arith.constant 0 : index
    %get3A_7 = arith.constant 0 : index
    %get3A_8 = arith.constant 0 : index
    %get3A_9 = vector.load %arg2[%get3A_6, %get3A_7, %get3A_8] : memref<2x1000x128xf32, #tpu.memory_space<vmem>>, vector<1x1000x128xf32>
    %get3A_10 = vector.shape_cast %get3A_9 : vector<1x1000x128xf32> to vector<1000x128xf32>
    %gt3A = arith.constant 0.000000e+00 : f32
    %gt3A_11 = vector.broadcast %gt3A : f32 to vector<1000x128xf32>
    %gt3A_12 = arith.cmpf ogt, %get3A_10, %gt3A_11 : vector<1000x128xf32>
    %exp3A = math.exp %get3A_10 : vector<1000x128xf32>
    %sub3A = arith.constant 1.000000e+00 : f32
    %sub3A_13 = vector.broadcast %sub3A : f32 to vector<1000x128xf32>
    %sub3A_14 = arith.subf %exp3A, %sub3A_13 : vector<1000x128xf32>
    %select_n3A = arith.select %gt3A_12, %get3A_10, %sub3A_14 : vector<1000x128xi1>, vector<1000x128xf32>
    %slice3A = vector.extract_strided_slice %get3A_5 {offsets = [0, 0], sizes = [1000, 128], strides = [1, 1]} : vector<1000x256xf32> to vector<1000x128xf32>
    %mul3A = vector.broadcast %get3A_2 : f32 to vector<1000x128xf32>
    %mul3A_15 = arith.mulf %mul3A, %slice3A : vector<1000x128xf32>
    %add3A = arith.addf %select_n3A, %mul3A_15 : vector<1000x128xf32>
    %get3A_16 = arith.constant 1 : index
    %get3A_17 = arith.constant 0 : index
    %get3A_18 = arith.constant 0 : index
    %get3A_19 = vector.load %arg2[%get3A_16, %get3A_17, %get3A_18] : memref<2x1000x128xf32, #tpu.memory_space<vmem>>, vector<1x1000x128xf32>
    %get3A_20 = vector.shape_cast %get3A_19 : vector<1x1000x128xf32> to vector<1000x128xf32>
    %gt3A_21 = arith.constant 0.000000e+00 : f32
    %gt3A_22 = vector.broadcast %gt3A_21 : f32 to vector<1000x128xf32>
    %gt3A_23 = arith.cmpf ogt, %get3A_20, %gt3A_22 : vector<1000x128xf32>
    %exp3A_24 = math.exp %get3A_20 : vector<1000x128xf32>
    %sub3A_25 = arith.constant 1.000000e+00 : f32
    %sub3A_26 = vector.broadcast %sub3A_25 : f32 to vector<1000x128xf32>
    %sub3A_27 = arith.subf %exp3A_24, %sub3A_26 : vector<1000x128xf32>
    %select_n3A_28 = arith.select %gt3A_23, %get3A_20, %sub3A_27 : vector<1000x128xi1>, vector<1000x128xf32>
    %slice3A_29 = vector.extract_strided_slice %get3A_5 {offsets = [0, 128], sizes = [1000, 128], strides = [1, 1]} : vector<1000x256xf32> to vector<1000x128xf32>
    %mul3A_30 = vector.broadcast %get3A_2 : f32 to vector<1000x128xf32>
    %mul3A_31 = arith.mulf %mul3A_30, %slice3A_29 : vector<1000x128xf32>
    %add3A_32 = arith.addf %select_n3A_28, %mul3A_31 : vector<1000x128xf32>
    %get3A_33 = arith.constant 0 : index
    %get3A_34 = arith.constant 0 : index
    %get3A_35 = vector.load %arg5[%get3A_33, %get3A_34] : memref<512x256xf32, #tpu.memory_space<vmem>>, vector<512x256xf32>
    %get3A_36 = arith.constant 0 : index
    %get3A_37 = arith.constant 0 : index
    %get3A_38 = vector.load %arg1[%get3A_36, %get3A_37] : memref<1000x256xf32, #tpu.memory_space<vmem>>, vector<1000x256xf32>
    %get3A_39 = arith.constant 0 : index
    %get3A_40 = arith.constant 0 : index
    %get3A_41 = vector.load %arg6[%get3A_39, %get3A_40] : memref<1x256xf32, #tpu.memory_space<vmem>>, vector<1x256xf32>
    %add3A_42 = vector.broadcast %get3A_41 : vector<1x256xf32> to vector<1000x256xf32>
    %add3A_43 = arith.addf %get3A_38, %add3A_42 : vector<1000x256xf32>
    %slice3A_44 = vector.extract_strided_slice %get3A_35 {offsets = [256, 0], sizes = [128, 256], strides = [1, 1]} : vector<512x256xf32> to vector<128x256xf32>
    %dot_general3A = arith.constant dense<0.000000e+00> : vector<1000x256xf32>
    %dot_general3A_45 = tpu.matmul %add3A, %slice3A_44, %dot_general3A {dimension_numbers = #tpu.dot_dimension_numbers<[1], [0], [0], [1], [0, 0, 1, 1], [], []>, transpose_lhs_hint = false} : vector<1000x128xf32>, vector<128x256xf32>, vector<1000x256xf32> -> vector<1000x256xf32>
    %add3A_46 = arith.addf %add3A_43, %dot_general3A_45 : vector<1000x256xf32>
    %slice3A_47 = vector.extract_strided_slice %get3A_35 {offsets = [384, 0], sizes = [128, 256], strides = [1, 1]} : vector<512x256xf32> to vector<128x256xf32>
    %dot_general3A_48 = arith.constant dense<0.000000e+00> : vector<1000x256xf32>
    %dot_general3A_49 = tpu.matmul %add3A_32, %slice3A_47, %dot_general3A_48 {dimension_numbers = #tpu.dot_dimension_numbers<[1], [0], [0], [1], [0, 0, 1, 1], [], []>, transpose_lhs_hint = false} : vector<1000x128xf32>, vector<128x256xf32>, vector<1000x256xf32> -> vector<1000x256xf32>
    %add3A_50 = arith.addf %add3A_46, %dot_general3A_49 : vector<1000x256xf32>
    %swap3A = arith.constant 0 : index
    %swap3A_51 = arith.constant 0 : index
    %swap3A_52 = vector.load %arg7[%swap3A, %swap3A_51] : memref<1000x256xf32, #tpu.memory_space<vmem>>, vector<1000x256xf32>
    tpu.vector_store %arg7[%swap3A, %swap3A_51], %add3A_50 {strides = array<i32>} : memref<1000x256xf32, #tpu.memory_space<vmem>>, vector<1000x256xf32>,
    %eq3A = arith.constant 0 : i32
    %eq3A_53 = arith.cmpi eq, %arg0, %eq3A : i32
    %convert_element_type3A = arith.extui %eq3A_53 : i1 to i32
    %cond3A = arith.constant 0 : i32
    %cond3A_54 = arith.cmpi ne, %convert_element_type3A, %cond3A : i32
    scf.if %cond3A_54 {
      %broadcast_in_dim3A_74 = arith.constant 0.000000e+00 : f32
      %broadcast_in_dim3A_75 = vector.broadcast %broadcast_in_dim3A_74 : f32 to vector<1x256xf32>
      %swap3A_76 = arith.constant 0 : index
      %swap3A_77 = arith.constant 0 : index
      %swap3A_78 = vector.load %arg8[%swap3A_76, %swap3A_77] : memref<1x256xf32, #tpu.memory_space<vmem>>, vector<1x256xf32>
      tpu.vector_store %arg8[%swap3A_76, %swap3A_77], %broadcast_in_dim3A_75 {strides = array<i32>} : memref<1x256xf32, #tpu.memory_space<vmem>>, vector<1x256xf32>,
      %broadcast_in_dim3A_79 = arith.constant 0.000000e+00 : f32
      %broadcast_in_dim3A_80 = vector.broadcast %broadcast_in_dim3A_79 : f32 to vector<1x256xf32>
      %swap3A_81 = arith.constant 0 : index
      %swap3A_82 = arith.constant 0 : index
      %swap3A_83 = vector.load %arg9[%swap3A_81, %swap3A_82] : memref<1x256xf32, #tpu.memory_space<vmem>>, vector<1x256xf32>
      tpu.vector_store %arg9[%swap3A_81, %swap3A_82], %broadcast_in_dim3A_80 {strides = array<i32>} : memref<1x256xf32, #tpu.memory_space<vmem>>, vector<1x256xf32>,
    } else {
    }
    %get3A_55 = arith.constant 0 : index
    %get3A_56 = arith.constant 0 : index
    %get3A_57 = vector.load %arg8[%get3A_55, %get3A_56] : memref<1x256xf32, #tpu.memory_space<vmem>>, vector<1x256xf32>
    %reduce_sum3A = arith.constant dense<0.000000e+00> : vector<256xf32>
    %reduce_sum3A_58 = vector.multi_reduction <add>, %add3A_50, %reduce_sum3A [0] : vector<1000x256xf32> to vector<256xf32>
    %broadcast_in_dim3A = vector.shape_cast %reduce_sum3A_58 : vector<256xf32> to vector<1x256xf32>
    %add3A_59 = arith.addf %get3A_57, %broadcast_in_dim3A : vector<1x256xf32>
    %swap3A_60 = arith.constant 0 : index
    %swap3A_61 = arith.constant 0 : index
    %swap3A_62 = vector.load %arg8[%swap3A_60, %swap3A_61] : memref<1x256xf32, #tpu.memory_space<vmem>>, vector<1x256xf32>
    tpu.vector_store %arg8[%swap3A_60, %swap3A_61], %add3A_59 {strides = array<i32>} : memref<1x256xf32, #tpu.memory_space<vmem>>, vector<1x256xf32>,
    %get3A_63 = arith.constant 0 : index
    %get3A_64 = arith.constant 0 : index
    %get3A_65 = vector.load %arg9[%get3A_63, %get3A_64] : memref<1x256xf32, #tpu.memory_space<vmem>>, vector<1x256xf32>
    %mul3A_66 = arith.mulf %add3A_50, %add3A_50 : vector<1000x256xf32>
    %reduce_sum3A_67 = arith.constant dense<0.000000e+00> : vector<256xf32>
    %reduce_sum3A_68 = vector.multi_reduction <add>, %mul3A_66, %reduce_sum3A_67 [0] : vector<1000x256xf32> to vector<256xf32>
    %broadcast_in_dim3A_69 = vector.shape_cast %reduce_sum3A_68 : vector<256xf32> to vector<1x256xf32>
    %add3A_70 = arith.addf %get3A_65, %broadcast_in_dim3A_69 : vector<1x256xf32>
    %swap3A_71 = arith.constant 0 : index
    %swap3A_72 = arith.constant 0 : index
    %swap3A_73 = vector.load %arg9[%swap3A_71, %swap3A_72] : memref<1x256xf32, #tpu.memory_space<vmem>>, vector<1x256xf32>
    tpu.vector_store %arg9[%swap3A_71, %swap3A_72], %add3A_70 {strides = array<i32>} : memref<1x256xf32, #tpu.memory_space<vmem>>, vector<1x256xf32>,
    return
  }
  func.func @transform_0(%arg0: i32) -> (i32, i32) {
    %c0_i32 = arith.constant 0 : i32
    %c0_i32_0 = arith.constant 0 : i32
    return %arg0, %c0_i32 : i32, i32
  }
  func.func @transform_1(%arg0: i32) -> (i32, i32, i32) {
    %c0_i32 = arith.constant 0 : i32
    %c0_i32_0 = arith.constant 0 : i32
    %c0_i32_1 = arith.constant 0 : i32
    return %c0_i32, %arg0, %c0_i32_0 : i32, i32, i32
  }
  func.func @transform_2(%arg0: i32) -> (i32, i32) {
    %c0_i32 = arith.constant 0 : i32
    %c0_i32_0 = arith.constant 0 : i32
    return %arg0, %c0_i32 : i32, i32
  }
  func.func @transform_3(%arg0: i32) -> (i32, i32) {
    %c0_i32 = arith.constant 0 : i32
    %c0_i32_0 = arith.constant 0 : i32
    %c0_i32_1 = arith.constant 0 : i32
    return %c0_i32, %c0_i32_0 : i32, i32
  }
  func.func @transform_4(%arg0: i32) -> (i32, i32) {
    %c0_i32 = arith.constant 0 : i32
    %c0_i32_0 = arith.constant 0 : i32
    %c0_i32_1 = arith.constant 0 : i32
    return %c0_i32, %c0_i32_0 : i32, i32
  }
  func.func @transform_5(%arg0: i32) -> (i32, i32) {
    %c0_i32 = arith.constant 0 : i32
    %c0_i32_0 = arith.constant 0 : i32
    %c0_i32_1 = arith.constant 0 : i32
    return %c0_i32, %c0_i32_0 : i32, i32
  }
  func.func @transform_6(%arg0: i32) -> (i32, i32) {
    %c0_i32 = arith.constant 0 : i32
    %c0_i32_0 = arith.constant 0 : i32
    return %arg0, %c0_i32 : i32, i32
  }
  func.func @transform_7(%arg0: i32) -> (i32, i32) {
    %c0_i32 = arith.constant 0 : i32
    %c0_i32_0 = arith.constant 0 : i32
    %c0_i32_1 = arith.constant 0 : i32
    return %c0_i32, %c0_i32_0 : i32, i32
  }
  func.func @transform_8(%arg0: i32) -> (i32, i32) {
    %c0_i32 = arith.constant 0 : i32
    %c0_i32_0 = arith.constant 0 : i32
    %c0_i32_1 = arith.constant 0 : i32
    return %c0_i32, %c0_i32_0 : i32, i32
  }
}

module attributes {stable_mosaic.version = 14 : i64} {
  func.func @body(%arg0: i32, %arg1: memref<1000x256xf32, #tpu.memory_space<vmem>>, %arg2: memref<1x256xf32, #tpu.memory_space<vmem>>, %arg3: memref<1x256xf32, #tpu.memory_space<vmem>>, %arg4: memref<1x256xf32, #tpu.memory_space<vmem>>, %arg5: memref<1x256xf32, #tpu.memory_space<vmem>>, %arg6: memref<256x256xf32, #tpu.memory_space<vmem>>, %arg7: memref<1x256xf32, #tpu.memory_space<vmem>>, %arg8: memref<1000x256xf32, #tpu.memory_space<vmem>>) attributes {dimension_semantics = [#tpu.dimension_semantics<arbitrary>], iteration_bounds = array<i64: 10>, scalar_prefetch = 0 : i64, scratch_operands = 0 : i64, tpu.core_type = #tpu.core_type<tc>, window_params = [{transform_indices = @transform_0, window_bounds = array<i64: 1000, 256>}, {pipeline_mode = #tpu.pipeline_mode<synchronous>, transform_indices = @transform_1, window_bounds = array<i64: 1, 256>}, {pipeline_mode = #tpu.pipeline_mode<synchronous>, transform_indices = @transform_2, window_bounds = array<i64: 1, 256>}, {pipeline_mode = #tpu.pipeline_mode<synchronous>, transform_indices = @transform_3, window_bounds = array<i64: 1, 256>}, {pipeline_mode = #tpu.pipeline_mode<synchronous>, transform_indices = @transform_4, window_bounds = array<i64: 1, 256>}, {pipeline_mode = #tpu.pipeline_mode<synchronous>, transform_indices = @transform_5, window_bounds = array<i64: 256, 256>}, {pipeline_mode = #tpu.pipeline_mode<synchronous>, transform_indices = @transform_6, window_bounds = array<i64: 1, 256>}, {transform_indices = @transform_7, window_bounds = array<i64: 1000, 256>}]} {
    %get3A = arith.constant 0 : index
    %get3A_0 = arith.constant 0 : index
    %get3A_1 = vector.load %arg2[%get3A, %get3A_0] : memref<1x256xf32, #tpu.memory_space<vmem>>, vector<1x256xf32>
    %mul3A = arith.constant 9.99999974E-5 : f32
    %mul3A_2 = vector.broadcast %mul3A : f32 to vector<1x256xf32>
    %mul3A_3 = arith.mulf %get3A_1, %mul3A_2 : vector<1x256xf32>
    %get3A_4 = arith.constant 0 : index
    %get3A_5 = arith.constant 0 : index
    %get3A_6 = vector.load %arg3[%get3A_4, %get3A_5] : memref<1x256xf32, #tpu.memory_space<vmem>>, vector<1x256xf32>
    %mul3A_7 = arith.constant 9.99999974E-5 : f32
    %mul3A_8 = vector.broadcast %mul3A_7 : f32 to vector<1x256xf32>
    %mul3A_9 = arith.mulf %get3A_6, %mul3A_8 : vector<1x256xf32>
    %mul3A_10 = arith.mulf %mul3A_3, %mul3A_3 : vector<1x256xf32>
    %sub3A = arith.subf %mul3A_9, %mul3A_10 : vector<1x256xf32>
    %get3A_11 = arith.constant 0 : index
    %get3A_12 = arith.constant 0 : index
    %get3A_13 = vector.load %arg4[%get3A_11, %get3A_12] : memref<1x256xf32, #tpu.memory_space<vmem>>, vector<1x256xf32>
    %add3A = arith.constant 9.99999974E-6 : f32
    %add3A_14 = vector.broadcast %add3A : f32 to vector<1x256xf32>
    %add3A_15 = arith.addf %sub3A, %add3A_14 : vector<1x256xf32>
    %rsqrt3A = math.rsqrt %add3A_15 : vector<1x256xf32>
    %mul3A_16 = arith.mulf %get3A_13, %rsqrt3A : vector<1x256xf32>
    %get3A_17 = arith.constant 0 : index
    %get3A_18 = arith.constant 0 : index
    %get3A_19 = vector.load %arg5[%get3A_17, %get3A_18] : memref<1x256xf32, #tpu.memory_space<vmem>>, vector<1x256xf32>
    %mul3A_20 = arith.mulf %mul3A_3, %mul3A_16 : vector<1x256xf32>
    %sub3A_21 = arith.subf %get3A_19, %mul3A_20 : vector<1x256xf32>
    %get3A_22 = arith.constant 0 : index
    %get3A_23 = arith.constant 0 : index
    %get3A_24 = vector.load %arg1[%get3A_22, %get3A_23] : memref<1000x256xf32, #tpu.memory_space<vmem>>, vector<1000x256xf32>
    %mul3A_25 = vector.broadcast %mul3A_16 : vector<1x256xf32> to vector<1000x256xf32>
    %mul3A_26 = arith.mulf %get3A_24, %mul3A_25 : vector<1000x256xf32>
    %add3A_27 = vector.broadcast %sub3A_21 : vector<1x256xf32> to vector<1000x256xf32>
    %add3A_28 = arith.addf %mul3A_26, %add3A_27 : vector<1000x256xf32>
    %max3A = arith.constant 0.000000e+00 : f32
    %max3A_29 = vector.broadcast %max3A : f32 to vector<1000x256xf32>
    %max3A_30 = arith.maximumf %add3A_28, %max3A_29 : vector<1000x256xf32>
    %get3A_31 = arith.constant 0 : index
    %get3A_32 = arith.constant 0 : index
    %get3A_33 = vector.load %arg6[%get3A_31, %get3A_32] : memref<256x256xf32, #tpu.memory_space<vmem>>, vector<256x256xf32>
    %dot_general3A = arith.constant dense<0.000000e+00> : vector<1000x256xf32>
    %dot_general3A_34 = tpu.matmul %max3A_30, %get3A_33, %dot_general3A {dimension_numbers = #tpu.dot_dimension_numbers<[1], [0], [0], [1], [0, 0, 1, 1], [], []>, transpose_lhs_hint = false} : vector<1000x256xf32>, vector<256x256xf32>, vector<1000x256xf32> -> vector<1000x256xf32>
    %get3A_35 = arith.constant 0 : index
    %get3A_36 = arith.constant 0 : index
    %get3A_37 = vector.load %arg7[%get3A_35, %get3A_36] : memref<1x256xf32, #tpu.memory_space<vmem>>, vector<1x256xf32>
    %add3A_38 = vector.broadcast %get3A_37 : vector<1x256xf32> to vector<1000x256xf32>
    %add3A_39 = arith.addf %dot_general3A_34, %add3A_38 : vector<1000x256xf32>
    %swap3A = arith.constant 0 : index
    %swap3A_40 = arith.constant 0 : index
    %swap3A_41 = vector.load %arg8[%swap3A, %swap3A_40] : memref<1000x256xf32, #tpu.memory_space<vmem>>, vector<1000x256xf32>
    tpu.vector_store %arg8[%swap3A, %swap3A_40], %add3A_39 {strides = array<i32>} : memref<1000x256xf32, #tpu.memory_space<vmem>>, vector<1000x256xf32>,
    return
  }
  func.func @transform_0(%arg0: i32) -> (i32, i32) {
    %c0_i32 = arith.constant 0 : i32
    %c0_i32_0 = arith.constant 0 : i32
    return %arg0, %c0_i32 : i32, i32
  }
  func.func @transform_1(%arg0: i32) -> (i32, i32) {
    %c0_i32 = arith.constant 0 : i32
    %c0_i32_0 = arith.constant 0 : i32
    %c0_i32_1 = arith.constant 0 : i32
    return %c0_i32, %c0_i32_0 : i32, i32
  }
  func.func @transform_2(%arg0: i32) -> (i32, i32) {
    %c0_i32 = arith.constant 0 : i32
    %c0_i32_0 = arith.constant 0 : i32
    %c0_i32_1 = arith.constant 0 : i32
    return %c0_i32, %c0_i32_0 : i32, i32
  }
  func.func @transform_3(%arg0: i32) -> (i32, i32) {
    %c0_i32 = arith.constant 0 : i32
    %c0_i32_0 = arith.constant 0 : i32
    %c0_i32_1 = arith.constant 0 : i32
    return %c0_i32, %c0_i32_0 : i32, i32
  }
  func.func @transform_4(%arg0: i32) -> (i32, i32) {
    %c0_i32 = arith.constant 0 : i32
    %c0_i32_0 = arith.constant 0 : i32
    %c0_i32_1 = arith.constant 0 : i32
    return %c0_i32, %c0_i32_0 : i32, i32
  }
  func.func @transform_5(%arg0: i32) -> (i32, i32) {
    %c0_i32 = arith.constant 0 : i32
    %c0_i32_0 = arith.constant 0 : i32
    %c0_i32_1 = arith.constant 0 : i32
    return %c0_i32, %c0_i32_0 : i32, i32
  }
  func.func @transform_6(%arg0: i32) -> (i32, i32) {
    %c0_i32 = arith.constant 0 : i32
    %c0_i32_0 = arith.constant 0 : i32
    %c0_i32_1 = arith.constant 0 : i32
    return %c0_i32, %c0_i32_0 : i32, i32
  }
  func.func @transform_7(%arg0: i32) -> (i32, i32) {
    %c0_i32 = arith.constant 0 : i32
    %c0_i32_0 = arith.constant 0 : i32
    return %arg0, %c0_i32 : i32, i32
  }
}

</mosaic_0001>

<sc_bundles>
// kernel: kernel.12.cloned.1.call-start
scs
__scs_entry_jumppad:
0x0: {  	(pc) =	sbr.rel $0x88, $3  }
0x1: {  	(tag) =	ssettag $0x0;
	lr =	simm.s32 $0x1  }
0x2: {  	[smem:$0x3F94] =	sst lr;
	_ =	strace $0xD0000000  }
0x3: {  	_ = 	snop  }
0x4: {  	_ = 	snop  }
0x5: {  	_ = 	snop  }
0x6: {  	_ = 	snop  }
0x7: {  	_ = 	snop  }
__scs_overlays_trampoline_lowered:
0x8: {  	[smem:$0x3FA3] =	sst s0  }
0x9: {  	[smem:$0x3FA4] =	sst s1  }
0xa: {  	[smem:$0x3FA5] =	sst s2  }
0xb: {  	[smem:$0x3FA6] =	sst s3  }
0xc: {  	[smem:$0x3FA7] =	sst s4  }
0xd: {  	[smem:$0x3FA8] =	sst s5  }
0xe: {  	[smem:$0x3FA9] =	sst s6  }
0xf: {  	[smem:$0x3FAA] =	sst s7  }
0x10: {  	[smem:$0x3FAB] =	sst s8  }
0x11: {  	[smem:$0x3FAC] =	sst s9;
	s0 =	simm.s32 @!p0 $0x0  }
0x12: {  	s1 =	sld [smem:$0x3F92];
	s0 =	simm.s32 @p0 $0x1  }
0x13: {  	[smem:$0x3FAD] =	sst s0;
	s0 =	simm.s32 @!p1 $0x0  }
0x14: {  	s2 =	sld [smem:$0x3F91];
	s0 =	simm.s32 @p1 $0x1  }
0x15: {  	[smem:$0x3FAE] =	sst s0;
	s0 =	simm.s32 @!p2 $0x0  }
0x16: {  	s3 =	sld [smem:$0x3FDB];
	s0 =	simm.s32 @p2 $0x1  }
0x17: {  	s4 =	simm.s32 $0x1BF5;
	[smem:$0x3FB0] =	sst s0  }
0x18: {  	s0 =	sld [smem:$0x3F93];
	_ =	swait.ge [sflag:s4], $0x0  }
0x19: {  	s7 =	sld [smem:$0x3F94]  }
0x1a: {  	s8 =	sadd.s32 $0xFFFFE003, lr  }
0x1b: {  	s9 =	sadd.s32 $0xFFFFFEF7, lr;
	s5 =	simm.s32 $0xFFFFFFFF;
	p2 =	slt.u32 s8, $0xFFFFF086  }
0x1c: {  	p1 =	slt.u32 s9, $0xF7A;
	s5 =	simm.s32 @!p2 $0x0  }
0x1d: {  	s5 =	simm.s32 @p1 $0x1;
	p0 =	seq.s32 s7, s2  }
0x1e: {  	s7 =	smul.u32 @!p0 $0xF7A, s2;
	p2 =	seq.s32 @!p0 s5, $0x0  }
0x1f: {  	s9 =	smul.u32 $0xF7A, s1;
	s8 =	simm.s32 @!p0 $0x1BF5;
	p2 =	por !p2, p0  }
0x20: {  	[sflag:s8] =	ssyncset.s32 @!p0 $0xFFFFF086;
	s6 =	sadd.s32 @!p0 s3, s7;
	s7 =	simm.s32 @!p0 $0x108  }
0x21: {  	s3 =	sadd.s32 s3, s9;
	s6 =	sadd.s32 @!p0 $0x88, s6;
	s7 =	simm.s32 @p2 $0x1082  }
0x22: {  	[simem:s7], [sflag:s8] =	dma.local @!p0 [hbm:s6], $0xF7A  }
0x23: {  	s9 =	sor.u32 $0xD0000000, s2;
	s6 =	simm.s32 $0x108;
	_ =	swait.ge @!p0 [sflag:s8], $0x0  }
0x24: {  	s3 =	sadd.s32 $0x88, s3;
	s6 =	simm.s32 @!p1 $0x1082;
	[sflag:s4] =	ssyncset.s32 $0xFFFFF086  }
0x25: {  	[simem:s6], [sflag:s4] =	dma.local [hbm:s3], $0xF7A  }
0x26: {  	[smem:$0x3F94] =	sst s1;
	(tag) =	ssettag s2;
	_ =	strace s9  }
0x27: {  	s1 =	sld [smem:$0x3FA4]  }
0x28: {  	s2 =	sld [smem:$0x3FA5]  }
0x29: {  	s4 =	sld [smem:$0x3FA7]  }
0x2a: {  	p0 =	seq.s32 s5, $0x0;
	s5 =	sld [smem:$0x3FA8]  }
0x2b: {  	s6 =	sld [smem:$0x3FA9]  }
0x2c: {  	s7 =	sld [smem:$0x3FAA]  }
0x2d: {  	s3 =	simm.s32 $0x108;
	s8 =	sld [smem:$0x3FAB]  }
0x2e: {  	s3 =	simm.s32 @!p0 $0x1082;
	s9 =	sld [smem:$0x3FAC]  }
0x2f: {  	lr =	sadd.s32 s0, s3;
	s0 =	sld [smem:$0x3FA3]  }
0x30: {  	s3 =	sld [smem:$0x3FA6]  }
0x31: {  	[smem:$0x3FAF] =	sst s10  }
0x32: {  	s10 =	sld [smem:$0x3FAD];
	_ =	sdelay $0x3  }
0x33: {  	p0 =	seq.s32 s10, $0x1;
	s10 =	sld [smem:$0x3FAF];
	_ =	sdelay $0x3  }
0x34: {  	[smem:$0x3FAF] =	sst s10  }
0x35: {  	s10 =	sld [smem:$0x3FAE];
	_ =	sdelay $0x3  }
0x36: {  	p1 =	seq.s32 s10, $0x1;
	s10 =	sld [smem:$0x3FAF];
	_ =	sdelay $0x3  }
0x37: {  	[smem:$0x3FAF] =	sst s10  }
0x38: {  	s10 =	sld [smem:$0x3FB0]  }
0x39: {  	_ = 	snop;
	(pc) =	sbr.ind lr, $3  }
0x3a: {  	_ = 	snop  }
0x3b: {  	_ = 	snop  }
0x3c: {  	p2 =	seq.s32 s10, $0x1;
	s10 =	sld [smem:$0x3FAF]  }
0x3d: {  	_ =	shalt  }
0x3e: {  	_ =	shalt  }
0x3f: {  	_ =	shalt  }
0x40: {  	_ =	shalt  }
0x41: {  	_ =	shalt  }
0x42: {  	_ =	shalt  }
0x43: {  	_ =	shalt  }
0x44: {  	_ =	shalt  }
0x45: {  	_ =	shalt  }
0x46: {  	_ =	shalt  }
0x47: {  	_ =	shalt  }
0x48: {  	_ =	shalt  }
0x49: {  	_ =	shalt  }
0x4a: {  	_ =	shalt  }
0x4b: {  	_ =	shalt  }
0x4c: {  	_ =	shalt  }
0x4d: {  	_ =	shalt  }
0x4e: {  	_ =	shalt  }
0x4f: {  	_ =	shalt  }
0x50: {  	_ =	shalt  }
0x51: {  	_ =	shalt  }
0x52: {  	_ =	shalt  }
0x53: {  	_ =	shalt  }
0x54: {  	_ =	shalt  }
0x55: {  	_ =	shalt  }
0x56: {  	_ =	shalt  }
0x57: {  	_ =	shalt  }
0x58: {  	_ =	shalt  }
0x59: {  	_ =	shalt  }
0x5a: {  	_ =	shalt  }
0x5b: {  	_ =	shalt  }
0x5c: {  	_ =	shalt  }
0x5d: {  	_ =	shalt  }
0x5e: {  	_ =	shalt  }
0x5f: {  	_ =	shalt  }
0x60: {  	_ =	shalt  }
0x61: {  	_ =	shalt  }
0x62: {  	_ =	shalt  }
0x63: {  	_ =	shalt  }
0x64: {  	_ =	shalt  }
0x65: {  	_ =	shalt  }
0x66: {  	_ =	shalt  }
0x67: {  	_ =	shalt  }
0x68: {  	_ =	shalt  }
0x69: {  	_ =	shalt  }
0x6a: {  	_ =	shalt  }
0x6b: {  	_ =	shalt  }
0x6c: {  	_ =	shalt  }
0x6d: {  	_ =	shalt  }
0x6e: {  	_ =	shalt  }
0x6f: {  	_ =	shalt  }
0x70: {  	_ =	shalt  }
0x71: {  	_ =	shalt  }
0x72: {  	_ =	shalt  }
0x73: {  	_ =	shalt  }
0x74: {  	_ =	shalt  }
0x75: {  	_ =	shalt  }
0x76: {  	_ =	shalt  }
0x77: {  	_ =	shalt  }
0x78: {  	_ =	shalt  }
0x79: {  	_ =	shalt  }
0x7a: {  	_ =	shalt  }
0x7b: {  	_ =	shalt  }
0x7c: {  	_ =	shalt  }
0x7d: {  	_ =	shalt  }
0x7e: {  	_ =	shalt  }
0x7f: {  	_ =	shalt  }
0x80: {  	_ =	shalt  }
0x81: {  	_ =	shalt  }
0x82: {  	_ =	shalt  }
0x83: {  	_ =	shalt  }
0x84: {  	_ =	shalt  }
0x85: {  	_ =	shalt  }
0x86: {  	_ =	shalt  }
0x87: {  	_ =	shalt  }
.Lfunc_end0:
.L_simem_size_0:
called_computation.1_lowered:
.L_overlay_start_0:
0x88: {  	s2 =	sld [smem:$0x3FD9]  }
0x89: {  	s3 =	sld [smem:$0x3FFE];
	_ =	sdelay $0x1  }
0x8a: {  	s1 =	srdreg.scid  }
0x8b: {  	s0 =	sand.u32 $0x1, s1  }
0x8c: {  	s17 =	sshll.u32 s0, $0xA;
	s2 =	sadd.s32 s3, s2  }
0x8d: {  	s2 =	sadd.s32 s2, s17  }
0x8e: {  	[smem:$0x3FBB] =	sst s2  }
0x8f: {  	_ = 	snop  }
0x90: {  	(tm) =	ssettm $0x1  }
0x91: {  	s18 =	sld [smem:$0x3FFB];
	_ =	sdelay $0x3  }
0x92: {  	_ =	strace s18  }
0x93: {  	s2 =	sld [smem:$0x3FFC];
	_ =	sdelay $0x3  }
0x94: {  	_ =	strace s2  }
0x95: {  	s2 =	sld [smem:$0x3FFD];
	_ =	sdelay $0x3  }
0x96: {  	_ =	strace s2  }
0x97: {  	_ =	strace $0x8FFFFFFF  }
0x98: {  	s19 =	sld [smem:$0x3FDB];
	_ =	sdelay $0x1  }
0x99: {  	s20 =	simm.s32 $_scs_section_size  }
0x9a: {  	s4 =	simm.s32 $_size__tile_overlayer_lowered;
	s5 =	simm.s32 $_tile_overlayer_lowered  }
0x9b: {  	s6 =	simm.s32 $0x1BFF;
	s21 =	sshll.u32 s5, $0x1;
	s3 =	sadd.s32 s20, s19  }
0x9c: {  	s22 =	simm.s32 $0x0;
	s4 =	sshll.u32 s4, $0x1;
	s5 =	sadd.s32 s21, s3  }
0x9d: {  	[timem:s22], [sflag:s6] =	dma.local [hbm:s5], s4  }
0x9e: {  	_ =	swait.ge [sflag:s6], s4  }
0x9f: {  	s4 =	ssub.s32 $0x0, s4;
	[sflag:s6] =	ssyncset.done $0x0  }
0xa0: {  	[sflag:s6] =	ssyncadd.s32 s4;
	_ =	sdelay $0x1  }
0xa1: {  	s23 =	simm.s32 $0x1B8B  }
0xa2: {  	_ =	swait.ge [sflag:s23], $0x1  }
0xa3: {  	[sflag:s23] =	ssyncset.done $0x0  }
0xa4: {  	[sflag:s23] =	ssyncadd.s32 $0xFFFFFFFF  }
0xa5: {  	s4 =	sld [smem:$0x0]  }
0xa6: {  	s5 =	sand.u32 $0xFFFFFFFE, s1  }
0xa7: {  	p0 =	sne.s32 s1, s5  }
0xa8: {  	s5 =	sshll.u32 @p0 s5, $0xE  }
0xa9: {  	s5 =	sadd.s32 @p0 $0x11B8D, s5;
	s6 =	sshll.u32 @p0 s4, $0x11  }
0xaa: {  	s5 =	sor.u32 @p0 s6, s5  }
0xab: {  	[sflag:s5] =	ssyncadd.remote.s32 @p0 $0x1;
	_ =	sdelay $0x1  }
0xac: {  	s5 =	simm.s32 @p0 $0x1B8D  }
0xad: {  	_ =	swait.eq @p0 [sflag:s5], $0x1  }
0xae: {  	[sflag:s5] =	ssyncadd.s32 @p0 $0xFFFFFFFF  }
0xaf: {  	s6 =	sshll.u32 @!p0 s1, $0xE  }
0xb0: {  	s6 =	sor.u32 @!p0 $0x4000, s6;
	s5 =	simm.s32 @!p0 $0x1B8D  }
0xb1: {  	s4 =	sshll.u32 @!p0 s4, $0x11;
	s6 =	sadd.s32 @!p0 $0x11B8D, s6;
	_ =	swait.eq @!p0 [sflag:s5], $0x1  }
0xb2: {  	s4 =	sor.u32 @!p0 s4, s6;
	[sflag:s5] =	ssyncadd.s32 @!p0 $0xFFFFFFFF  }
0xb3: {  	s25 =	simm.s32 $0x1B8E;
	s24 =	sld [smem:$0x3FFE];
	[sflag:s4] =	ssyncadd.remote.s32 @!p0 $0x1  }
0xb4: {  	s26 =	simm.s32 $execute0_lowered;
	[smem:$0x3FD2] =	sst s25  }
0xb5: {  	s5 =	sshll.u32 s26, $0x1;
	_ =	strace $0x80000049;
	[dreg:$0x1] =	wrdreg $0xFFFFFFFF  }
0xb6: {  	s28 =	simm.s32 $_size_execute0_lowered;
	s3 =	sadd.s32 s3, s5;
	[dreg:$0x0] =	wrdreg $0x0  }
0xb7: {  	s5 =	sshll.u32 s28, $0x1;
	[dreg:$0x2] =	wrdreg s3  }
0xb8: {  	[dreg:$0x3] =	wrdreg s5  }
0xb9: {  	[dreg:$0x4] =	wrdreg $0xC0  }
0xba: {  	_ =	task [dreg:s22], $0x5FFFF  }
0xbb: {  	[dreg:$0x1] =	wrdreg $0xFFFFFFFF  }
0xbc: {  	[dreg:$0x0] =	wrdreg $0x60  }
0xbd: {  	[dreg:$0x2] =	wrdreg s24  }
0xbe: {  	[dreg:$0x3] =	wrdreg $0x0  }
0xbf: {  	[dreg:$0x4] =	wrdreg $0xA  }
0xc0: {  	_ =	task.clear_ibuf [dreg:s22], $0x5FFFF;
	_ =	strace $0x90000049  }
0xc1: {  	s29 =	simm.s32 $0xA;
	_ =	strace $0x8000004B  }
0xc2: {  	_ =	swait.ge [sflag:s29], $0x1  }
0xc3: {  	[sflag:s29] =	ssyncadd.s32 $0xFFFFFFFF  }
0xc4: {  	_ =	strace $0x9000004B  }
0xc5: {  	_ =	sfence  }
0xc6: {  	s30 =	sld [smem:$0x0];
	_ =	sdelay $0x2  }
0xc7: {  	s31 =	sshll.u32 s1, $0xD;
	s1 =	sshrl.u32 s1, $0x2  }
0xc8: {  	s4 =	sand.u32 $0x4000, s31;
	s1 =	sadd.s32 s1, s30  }
0xc9: {  	s0 =	sor.u32 s4, s0;
	s1 =	sshll.u32 s1, $0x11  }
0xca: {  	s0 =	sor.u32 s1, s0  }
0xcb: {  	s0 =	sadd.s32 $0x8F2B, s0  }
0xcc: {  	[sflag:s0] =	ssyncadd.remote.s32 $0x1  }
0xcd: {  	_ =	sfence.sel $0xFFFF  }
0xce: {  	[dreg:$0x0] =	wrdreg $0xFFFFFFFF;
	(pc) =	sbr.abs _section_cstart, $3  }
0xcf: {  	[dreg:$0x1] =	wrdreg $0xFFFFFFFF  }
0xd0: {  	_ =	task.clear_ibuf [dreg:s22], $0x2FFFF;
	_ =	strace $0x9FFFFFFF  }
0xd1: {  	(tm) =	ssettm $0x7FFFFFFF  }
tec
execute0_lowered:
.L_overlay_start_1:
0x0: {  	(tag) =	ssettag $0x1  }
0x1: {  	s0 =	srdreg.scid;
	s1 =	rddreg [dreg:$0x0]  }
0x2: {  	s12 =	stileid.u32;
	s2 =	rddreg [dreg:$0x1];
	s29 =	simm.s32 $0x1A8C0  }
0x3: {  	s30 =	simm.s32 $0x1;
	s16 =	simm.s32 $0x158C0;
	s17 =	simm.s32 $0x16440  }
0x4: {  	s18 =	simm.s32 $0x15940;
	s28 =	simm.s32 $0x164C0;
	s31 =	simm.s32 $0x159C0  }
0x5: {  	s13 =	simm.s32 $0x15A40;
	s14 =	simm.s32 $0x165C0;
	s15 =	simm.s32 $0x16640  }
0x6: {  	s0 =	sand.u32 $0x1, s0;
	s5 =	smul.u32 $0x3C00, s12;
	s6 =	sadd.s32 $0x10B200, s1  }
0x7: {  	s10 =	smul.u32 $0x4E200, s12;
	s7 =	sadd.s32 $0x67600, s1;
	s26 =	sadd.s32 $0x138800, s2  }
0x8: {  	p0 =	sne.s32 s12, $0x0;
	s3 =	sshll.u32 s0, $0x4;
	s9 =	smul.u32 $0x3C000, s0  }
0x9: {  	s0 =	ssub.s32 $0x2, s0;
	s4 =	sor.u32 s12, s3;
	s3 =	simm.s32 $0x0  }
0xa: {  	s19 =	sshrl.u32 s0, $0x1;
	s20 =	sshrl.u32 s10, $0x2;
	s11 =	sshrl.u32 s5, $0x3  }
0xb: {  	s12 =	simm.s32 $0x16540;
	s8 =	smul.u32 $0x2780, s4;
	[smem:$0x7FF] =	sst s3  }
0xc: {  	s4 =	sadd.s32 $0x6EE00, s1;
	s0 =	ssub.s32 s0, s19;
	s22 =	sadd.s32 s7, s11  }
0xd: {  	s19 =	simm.s32 $0x138C0;
	_ =	strace $0x8000004A;
	[dreg:$0x5] =	wrdreg s22  }
0xe: {  	[dreg:$0xa] =	wrdreg s26;
	s0 =	smax.u32 s0, $0x1;
	s1 =	sadd.s32 s8, s1  }
0xf: {  	s8 =	sadd.s32 s5, s9;
	s9 =	sadd.s32 s20, s2;
	[dreg:$0xc] =	wrdreg s0  }
0x10: {  	s22 =	simm.s32 $0x5;
	s23 =	sadd.s32 $0x3E80, s9;
	[dreg:$0x3] =	wrdreg s9  }
0x11: {  	s26 =	simm.s32 $0x80;
	s24 =	sadd.s32 $0x7D00, s9;
	[dreg:$0x6] =	wrdreg s23  }
0x12: {  	s20 =	simm.s32 $0x144C0;
	s25 =	sadd.s32 $0xBB80, s9;
	[dreg:$0x7] =	wrdreg s24  }
0x13: {  	s0 =	simm.s32 $0x2;
	s9 =	sadd.s32 $0xFA00, s9;
	[dreg:$0x8] =	wrdreg s25  }
0x14: {  	s21 =	sshrl.u32 s8, $0x3;
	s1 =	sadd.s32 $0x11A200, s1;
	[dreg:$0x9] =	wrdreg s9  }
0x15: {  	s10 =	sadd.s32 s6, s21;
	[dreg:$0xb] =	wrdreg s1;
	s21 =	simm.s32 $0x168C0  }
0x16: {  	s23 =	simm.s32 $0x150C0;
	s24 =	simm.s32 $0x15CC0;
	s25 =	simm.s32 $0x3  }
0x17: {  	v0 =	vimm.f32 $0.0e+00;
	s9 =	simm.s32 $0x4;
	[dreg:$0x4] =	wrdreg s10;
	s10 =	simm.s32 $0x0  }
.LBB2_1:
0x18: {  	[dreg:$0xd] =	wrdreg s10  }
0x19: {  	s1 =	rddreg [dreg:$0x4]  }
0x1a: {  	[tilespmem:s19], [sflag:$0x3] =	stream.linear.gather [hbm4b:s1+s3], $0xA00, $0x38;
	[tilespmem:$0x1E8C0] =	vst v63  }
0x1b: {  	s11 =	rddreg [dreg:$0x5];
	s10 =	simm.s32 $0x3C0;
	s1 =	simm.s32 $0x70  }
0x1c: {  	[tilespmem:s20], [sflag:$0x3] =	stream.linear.gather [hbm4b:s11+s3], $0xA00, $0x38;
	[tilespmem:$0x1E8C0] =	vst v63  }
.LBB2_2:
0x1d: {  	p1 =	sne.s32 s10, $0xF9C0;
	[tilespmem:s1+$0x168C0] =	vst v0  }
0x1e: {  	[tilespmem:s1+$0x16850] =	vst v0  }
0x1f: {  	[tilespmem:s1+$0x16860] =	vst v0  }
.Ltmp0:
0x20: {  	[tilespmem:s1+$0x16870] =	vst v0;
	(pc) =	sbr.rel @p1 .LBB2_2-.Ltmp0, $4  }
0x21: {  	[tilespmem:s1+$0x16880] =	vst v0  }
0x22: {  	[tilespmem:s1+$0x16890] =	vst v0  }
0x23: {  	[tilespmem:s1+$0x168A0] =	vst v0  }
0x24: {  	[tilespmem:s1+$0x168B0] =	vst v0;
	s1 =	sshra.s32 s10, $0x2;
	s10 =	sadd.s32 $0x200, s10  }
0x25: {  	[tilespmem:s1+$0x168C0] =	vst v0  }
0x26: {  	[tilespmem:s1+$0x16850] =	vst v0  }
0x27: {  	[tilespmem:s1+$0x16860] =	vst v0  }
0x28: {  	[tilespmem:s1+$0x16870] =	vst v0  }
0x29: {  	[tilespmem:s1+$0x16880] =	vst v0  }
0x2a: {  	[tilespmem:s1+$0x16890] =	vst v0  }
0x2b: {  	[tilespmem:s1+$0x168A0] =	vst v0  }
0x2c: {  	[tilespmem:s1+$0x168B0] =	vst v0;
	s11 =	rddreg [dreg:$0x3]  }
0x2d: {  	[spmem:s11] =	stream.linear.scatter [tilespmem:s21], [sflag:$0x5], $0x3E80, $0x38;
	[tilespmem:$0x1E8C0] =	vst v63  }
0x2e: {  	_ =	swait.ge [sflag:s22], $0x3E80  }
0x2f: {  	[sflag:s22] =	ssyncset.done $0x0  }
0x30: {  	s10 =	rddreg [dreg:$0x6];
	[sflag:s22] =	ssyncadd.s32 $0xFFFFC180  }
0x31: {  	[spmem:s10] =	stream.linear.scatter [tilespmem:s21], [sflag:$0x5], $0x3E80, $0x38;
	[tilespmem:$0x1E8C0] =	vst v63  }
0x32: {  	_ =	swait.ge [sflag:s22], $0x3E80  }
0x33: {  	[sflag:s22] =	ssyncset.done $0x0  }
0x34: {  	s11 =	rddreg [dreg:$0x7];
	[sflag:s22] =	ssyncadd.s32 $0xFFFFC180  }
0x35: {  	[spmem:s11] =	stream.linear.scatter [tilespmem:s21], [sflag:$0x5], $0x3E80, $0x38;
	[tilespmem:$0x1E8C0] =	vst v63  }
0x36: {  	_ =	swait.ge [sflag:s22], $0x3E80  }
0x37: {  	[sflag:s22] =	ssyncset.done $0x0  }
0x38: {  	s10 =	rddreg [dreg:$0x8];
	[sflag:s22] =	ssyncadd.s32 $0xFFFFC180  }
0x39: {  	[spmem:s10] =	stream.linear.scatter [tilespmem:s21], [sflag:$0x5], $0x3E80, $0x38;
	[tilespmem:$0x1E8C0] =	vst v63  }
0x3a: {  	_ =	swait.ge [sflag:s22], $0x3E80  }
0x3b: {  	[sflag:s22] =	ssyncset.done $0x0  }
0x3c: {  	s11 =	rddreg [dreg:$0x9];
	[sflag:s22] =	ssyncadd.s32 $0xFFFFC180  }
0x3d: {  	[spmem:s11] =	stream.linear.scatter [tilespmem:s21], [sflag:$0x5], $0x3E80, $0x38;
	[tilespmem:$0x1E8C0] =	vst v63  }
0x3e: {  	_ =	swait.ge [sflag:s22], $0x3E80  }
0x3f: {  	[sflag:s22] =	ssyncset.done $0x0  }
0x40: {  	s1 =	simm.s32 @!p0 $0x168C0;
	s10 =	rddreg [dreg:$0xa];
	[sflag:s22] =	ssyncadd.s32 $0xFFFFC180  }
0x41: {  	[spmem:s10] =	stream.linear.scatter @!p0 [tilespmem:s1], [sflag:$0x5], $0x400, $0x38;
	[tilespmem:$0x1E8C0] =	vst v63  }
0x42: {  	s1 =	simm.s32 @!p0 $0x5  }
0x43: {  	_ =	swait.ge @!p0 [sflag:s1], $0x400  }
0x44: {  	[sflag:s1] =	ssyncset.done @!p0 $0x0  }
0x45: {  	[sflag:s1] =	ssyncadd.s32 @!p0 $0xFFFFFC00  }
0x46: {  	p1 =	por $0x1, $0x1;
	s1 =	simm.s32 $0x0;
	[bflag:$0x0] =	sbarrier.arrive $0xFFFF  }
.LBB2_4:
0x47: {  	s10 =	sadd.s32 $0xC00, s1  }
0x48: {  	s11 =	sadd.s32 s8, s10  }
0x49: {  	s10 =	sadd.s32 s5, s10;
	s11 =	sshrl.u32 s11, $0x3  }
0x4a: {  	s10 =	sshrl.u32 s10, $0x3;
	s11 =	sadd.s32 s6, s11  }
0x4b: {  	[tilespmem:s23], [sflag:$0x4] =	stream.linear.gather [hbm4b:s11+s3], $0xA00, $0x38;
	[tilespmem:$0x1E8C0] =	vst v63  }
0x4c: {  	s10 =	sadd.s32 s7, s10  }
0x4d: {  	[tilespmem:s24], [sflag:$0x4] =	stream.linear.gather [hbm4b:s10+s3], $0xA00, $0x38;
	[tilespmem:$0x1E8C0] =	vst v63  }
0x4e: {  	_ =	swait.ge [sflag:s25], $0xA00  }
0x4f: {  	[sflag:s25] =	ssyncset.done $0x0  }
0x50: {  	[sflag:s25] =	ssyncadd.s32 $0xFFFFF600  }
0x51: {  	_ =	swait.ge [sflag:s25], $0xA00  }
0x52: {  	[sflag:s25] =	ssyncset.done $0x0  }
0x53: {  	[sflag:s25] =	ssyncadd.s32 $0xFFFFF600  }
0x54: {  	[tilespmem:s21], [sflag:$0x1] =	stream.indirect.gather [hbm4b:s4+s26], $0x80, s19, s26, $0xb8;
	[tilespmem:$0x1E8C0] =	vst v63  }
0x55: {  	s11 =	simm.s32 $0x13940  }
0x56: {  	[tilespmem:s29], [sflag:$0x2] =	stream.indirect.gather [hbm4b:s4+s26], $0x80, s11, s26, $0xb8;
	[tilespmem:$0x1E8C0] =	vst v63  }
0x57: {  	_ =	swait.ge [sflag:s30], $0x4000  }
0x58: {  	[sflag:s30] =	ssyncset.done $0x0  }
0x59: {  	[sflag:s30] =	ssyncadd.s32 $0xFFFFC000  }
0x5a: {  	[spmem:s2] =	stream.indirect.scatter.add.f32 [tilespmem:s21], [sflag:$0x5], $0x80, s20, s26, $0xb8;
	[tilespmem:$0x1E8C0] =	vst v63  }
0x5b: {  	_ =	swait.ge [sflag:s22], $0x4000  }
0x5c: {  	[sflag:s22] =	ssyncset.done $0x0  }
0x5d: {  	s11 =	simm.s32 $0x139C0;
	[sflag:s22] =	ssyncadd.s32 $0xFFFFC000  }
0x5e: {  	[tilespmem:s21], [sflag:$0x1] =	stream.indirect.gather [hbm4b:s4+s26], $0x80, s11, s26, $0xb8;
	[tilespmem:$0x1E8C0] =	vst v63  }
0x5f: {  	_ =	swait.ge [sflag:s0], $0x4000  }
0x60: {  	[sflag:s0] =	ssyncset.done $0x0  }
0x61: {  	s11 =	simm.s32 $0x14540;
	[sflag:s0] =	ssyncadd.s32 $0xFFFFC000  }
0x62: {  	[spmem:s2] =	stream.indirect.scatter.add.f32 [tilespmem:s29], [sflag:$0x5], $0x80, s11, s26, $0xb8;
	[tilespmem:$0x1E8C0] =	vst v63  }
0x63: {  	_ =	swait.ge [sflag:s22], $0x4000  }
0x64: {  	[sflag:s22] =	ssyncset.done $0x0  }
0x65: {  	s11 =	simm.s32 $0x13A40;
	[sflag:s22] =	ssyncadd.s32 $0xFFFFC000  }
0x66: {  	[tilespmem:s29], [sflag:$0x2] =	stream.indirect.gather [hbm4b:s4+s26], $0x80, s11, s26, $0xb8;
	[tilespmem:$0x1E8C0] =	vst v63  }
0x67: {  	_ =	swait.ge [sflag:s30], $0x4000  }
0x68: {  	[sflag:s30] =	ssyncset.done $0x0  }
0x69: {  	s11 =	simm.s32 $0x145C0;
	[sflag:s30] =	ssyncadd.s32 $0xFFFFC000  }
0x6a: {  	[spmem:s2] =	stream.indirect.scatter.add.f32 [tilespmem:s21], [sflag:$0x5], $0x80, s11, s26, $0xb8;
	[tilespmem:$0x1E8C0] =	vst v63  }
0x6b: {  	_ =	swait.ge [sflag:s22], $0x4000  }
0x6c: {  	[sflag:s22] =	ssyncset.done $0x0  }
0x6d: {  	s11 =	simm.s32 $0x13AC0;
	[sflag:s22] =	ssyncadd.s32 $0xFFFFC000  }
0x6e: {  	[tilespmem:s21], [sflag:$0x1] =	stream.indirect.gather [hbm4b:s4+s26], $0x80, s11, s26, $0xb8;
	[tilespmem:$0x1E8C0] =	vst v63  }
0x6f: {  	_ =	swait.ge [sflag:s0], $0x4000  }
0x70: {  	[sflag:s0] =	ssyncset.done $0x0  }
0x71: {  	s11 =	simm.s32 $0x14640;
	[sflag:s0] =	ssyncadd.s32 $0xFFFFC000  }
0x72: {  	[spmem:s2] =	stream.indirect.scatter.add.f32 [tilespmem:s29], [sflag:$0x5], $0x80, s11, s26, $0xb8;
	[tilespmem:$0x1E8C0] =	vst v63  }
0x73: {  	_ =	swait.ge [sflag:s22], $0x4000  }
0x74: {  	[sflag:s22] =	ssyncset.done $0x0  }
0x75: {  	s11 =	simm.s32 $0x13B40;
	[sflag:s22] =	ssyncadd.s32 $0xFFFFC000  }
0x76: {  	[tilespmem:s29], [sflag:$0x2] =	stream.indirect.gather [hbm4b:s4+s26], $0x80, s11, s26, $0xb8;
	[tilespmem:$0x1E8C0] =	vst v63  }
0x77: {  	_ =	swait.ge [sflag:s30], $0x4000  }
0x78: {  	[sflag:s30] =	ssyncset.done $0x0  }
0x79: {  	s11 =	simm.s32 $0x146C0;
	[sflag:s30] =	ssyncadd.s32 $0xFFFFC000  }
0x7a: {  	[spmem:s2] =	stream.indirect.scatter.add.f32 [tilespmem:s21], [sflag:$0x5], $0x80, s11, s26, $0xb8;
	[tilespmem:$0x1E8C0] =	vst v63  }
0x7b: {  	_ =	swait.ge [sflag:s22], $0x4000  }
0x7c: {  	[sflag:s22] =	ssyncset.done $0x0  }
0x7d: {  	s11 =	simm.s32 $0x13BC0;
	[sflag:s22] =	ssyncadd.s32 $0xFFFFC000  }
0x7e: {  	[tilespmem:s21], [sflag:$0x1] =	stream.indirect.gather [hbm4b:s4+s26], $0x80, s11, s26, $0xb8;
	[tilespmem:$0x1E8C0] =	vst v63  }
0x7f: {  	_ =	swait.ge [sflag:s0], $0x4000  }
0x80: {  	[sflag:s0] =	ssyncset.done $0x0  }
0x81: {  	s11 =	simm.s32 $0x14740;
	[sflag:s0] =	ssyncadd.s32 $0xFFFFC000  }
0x82: {  	[spmem:s2] =	stream.indirect.scatter.add.f32 [tilespmem:s29], [sflag:$0x5], $0x80, s11, s26, $0xb8;
	[tilespmem:$0x1E8C0] =	vst v63  }
0x83: {  	_ =	swait.ge [sflag:s22], $0x4000  }
0x84: {  	[sflag:s22] =	ssyncset.done $0x0  }
0x85: {  	s11 =	simm.s32 $0x13C40;
	[sflag:s22] =	ssyncadd.s32 $0xFFFFC000  }
0x86: {  	[tilespmem:s29], [sflag:$0x2] =	stream.indirect.gather [hbm4b:s4+s26], $0x80, s11, s26, $0xb8;
	[tilespmem:$0x1E8C0] =	vst v63  }
0x87: {  	_ =	swait.ge [sflag:s30], $0x4000  }
0x88: {  	[sflag:s30] =	ssyncset.done $0x0  }
0x89: {  	s11 =	simm.s32 $0x147C0;
	[sflag:s30] =	ssyncadd.s32 $0xFFFFC000  }
0x8a: {  	[spmem:s2] =	stream.indirect.scatter.add.f32 [tilespmem:s21], [sflag:$0x5], $0x80, s11, s26, $0xb8;
	[tilespmem:$0x1E8C0] =	vst v63  }
0x8b: {  	_ =	swait.ge [sflag:s22], $0x4000  }
0x8c: {  	[sflag:s22] =	ssyncset.done $0x0  }
0x8d: {  	s11 =	simm.s32 $0x13CC0;
	[sflag:s22] =	ssyncadd.s32 $0xFFFFC000  }
0x8e: {  	[tilespmem:s21], [sflag:$0x1] =	stream.indirect.gather [hbm4b:s4+s26], $0x80, s11, s26, $0xb8;
	[tilespmem:$0x1E8C0] =	vst v63  }
0x8f: {  	_ =	swait.ge [sflag:s0], $0x4000  }
0x90: {  	[sflag:s0] =	ssyncset.done $0x0  }
0x91: {  	s11 =	simm.s32 $0x14840;
	[sflag:s0] =	ssyncadd.s32 $0xFFFFC000  }
0x92: {  	[spmem:s2] =	stream.indirect.scatter.add.f32 [tilespmem:s29], [sflag:$0x5], $0x80, s11, s26, $0xb8;
	[tilespmem:$0x1E8C0] =	vst v63  }
0x93: {  	_ =	swait.ge [sflag:s22], $0x4000  }
0x94: {  	[sflag:s22] =	ssyncset.done $0x0  }
0x95: {  	s11 =	simm.s32 $0x13D40;
	[sflag:s22] =	ssyncadd.s32 $0xFFFFC000  }
0x96: {  	[tilespmem:s29], [sflag:$0x2] =	stream.indirect.gather [hbm4b:s4+s26], $0x80, s11, s26, $0xb8;
	[tilespmem:$0x1E8C0] =	vst v63  }
0x97: {  	_ =	swait.ge [sflag:s30], $0x4000  }
0x98: {  	[sflag:s30] =	ssyncset.done $0x0  }
0x99: {  	s11 =	simm.s32 $0x148C0;
	[sflag:s30] =	ssyncadd.s32 $0xFFFFC000  }
0x9a: {  	[spmem:s2] =	stream.indirect.scatter.add.f32 [tilespmem:s21], [sflag:$0x5], $0x80, s11, s26, $0xb8;
	[tilespmem:$0x1E8C0] =	vst v63  }
0x9b: {  	_ =	swait.ge [sflag:s22], $0x4000  }
0x9c: {  	[sflag:s22] =	ssyncset.done $0x0  }
0x9d: {  	s11 =	simm.s32 $0x13DC0;
	[sflag:s22] =	ssyncadd.s32 $0xFFFFC000  }
0x9e: {  	[tilespmem:s21], [sflag:$0x1] =	stream.indirect.gather [hbm4b:s4+s26], $0x80, s11, s26, $0xb8;
	[tilespmem:$0x1E8C0] =	vst v63  }
0x9f: {  	_ =	swait.ge [sflag:s0], $0x4000  }
0xa0: {  	[sflag:s0] =	ssyncset.done $0x0  }
0xa1: {  	s11 =	simm.s32 $0x14940;
	[sflag:s0] =	ssyncadd.s32 $0xFFFFC000  }
0xa2: {  	[spmem:s2] =	stream.indirect.scatter.add.f32 [tilespmem:s29], [sflag:$0x5], $0x80, s11, s26, $0xb8;
	[tilespmem:$0x1E8C0] =	vst v63  }
0xa3: {  	_ =	swait.ge [sflag:s22], $0x4000  }
0xa4: {  	[sflag:s22] =	ssyncset.done $0x0  }
0xa5: {  	s11 =	simm.s32 $0x13E40;
	[sflag:s22] =	ssyncadd.s32 $0xFFFFC000  }
0xa6: {  	[tilespmem:s29], [sflag:$0x2] =	stream.indirect.gather [hbm4b:s4+s26], $0x80, s11, s26, $0xb8;
	[tilespmem:$0x1E8C0] =	vst v63  }
0xa7: {  	_ =	swait.ge [sflag:s30], $0x4000  }
0xa8: {  	[sflag:s30] =	ssyncset.done $0x0  }
0xa9: {  	s11 =	simm.s32 $0x149C0;
	[sflag:s30] =	ssyncadd.s32 $0xFFFFC000  }
0xaa: {  	[spmem:s2] =	stream.indirect.scatter.add.f32 [tilespmem:s21], [sflag:$0x5], $0x80, s11, s26, $0xb8;
	[tilespmem:$0x1E8C0] =	vst v63  }
0xab: {  	_ =	swait.ge [sflag:s22], $0x4000  }
0xac: {  	[sflag:s22] =	ssyncset.done $0x0  }
0xad: {  	s11 =	simm.s32 $0x13EC0;
	[sflag:s22] =	ssyncadd.s32 $0xFFFFC000  }
0xae: {  	[tilespmem:s21], [sflag:$0x1] =	stream.indirect.gather [hbm4b:s4+s26], $0x80, s11, s26, $0xb8;
	[tilespmem:$0x1E8C0] =	vst v63  }
0xaf: {  	_ =	swait.ge [sflag:s0], $0x4000  }
0xb0: {  	[sflag:s0] =	ssyncset.done $0x0  }
0xb1: {  	s11 =	simm.s32 $0x14A40;
	[sflag:s0] =	ssyncadd.s32 $0xFFFFC000  }
0xb2: {  	[spmem:s2] =	stream.indirect.scatter.add.f32 [tilespmem:s29], [sflag:$0x5], $0x80, s11, s26, $0xb8;
	[tilespmem:$0x1E8C0] =	vst v63  }
0xb3: {  	_ =	swait.ge [sflag:s22], $0x4000  }
0xb4: {  	[sflag:s22] =	ssyncset.done $0x0  }
0xb5: {  	s11 =	simm.s32 $0x13F40;
	[sflag:s22] =	ssyncadd.s32 $0xFFFFC000  }
0xb6: {  	[tilespmem:s29], [sflag:$0x2] =	stream.indirect.gather [hbm4b:s4+s26], $0x80, s11, s26, $0xb8;
	[tilespmem:$0x1E8C0] =	vst v63  }
0xb7: {  	_ =	swait.ge [sflag:s30], $0x4000  }
0xb8: {  	[sflag:s30] =	ssyncset.done $0x0  }
0xb9: {  	s11 =	simm.s32 $0x14AC0;
	[sflag:s30] =	ssyncadd.s32 $0xFFFFC000  }
0xba: {  	[spmem:s2] =	stream.indirect.scatter.add.f32 [tilespmem:s21], [sflag:$0x5], $0x80, s11, s26, $0xb8;
	[tilespmem:$0x1E8C0] =	vst v63  }
0xbb: {  	_ =	swait.ge [sflag:s22], $0x4000  }
0xbc: {  	[sflag:s22] =	ssyncset.done $0x0  }
0xbd: {  	s11 =	simm.s32 $0x13FC0;
	[sflag:s22] =	ssyncadd.s32 $0xFFFFC000  }
0xbe: {  	[tilespmem:s21], [sflag:$0x1] =	stream.indirect.gather [hbm4b:s4+s26], $0x80, s11, s26, $0xb8;
	[tilespmem:$0x1E8C0] =	vst v63  }
0xbf: {  	_ =	swait.ge [sflag:s0], $0x4000  }
0xc0: {  	[sflag:s0] =	ssyncset.done $0x0  }
0xc1: {  	s11 =	simm.s32 $0x14B40;
	[sflag:s0] =	ssyncadd.s32 $0xFFFFC000  }
0xc2: {  	[spmem:s2] =	stream.indirect.scatter.add.f32 [tilespmem:s29], [sflag:$0x5], $0x80, s11, s26, $0xb8;
	[tilespmem:$0x1E8C0] =	vst v63  }
0xc3: {  	_ =	swait.ge [sflag:s22], $0x4000  }
0xc4: {  	[sflag:s22] =	ssyncset.done $0x0  }
0xc5: {  	s11 =	simm.s32 $0x14040;
	[sflag:s22] =	ssyncadd.s32 $0xFFFFC000  }
0xc6: {  	[tilespmem:s29], [sflag:$0x2] =	stream.indirect.gather [hbm4b:s4+s26], $0x80, s11, s26, $0xb8;
	[tilespmem:$0x1E8C0] =	vst v63  }
0xc7: {  	_ =	swait.ge [sflag:s30], $0x4000  }
0xc8: {  	[sflag:s30] =	ssyncset.done $0x0  }
0xc9: {  	s11 =	simm.s32 $0x14BC0;
	[sflag:s30] =	ssyncadd.s32 $0xFFFFC000  }
0xca: {  	[spmem:s2] =	stream.indirect.scatter.add.f32 [tilespmem:s21], [sflag:$0x5], $0x80, s11, s26, $0xb8;
	[tilespmem:$0x1E8C0] =	vst v63  }
0xcb: {  	_ =	swait.ge [sflag:s22], $0x4000  }
0xcc: {  	[sflag:s22] =	ssyncset.done $0x0  }
0xcd: {  	s11 =	simm.s32 $0x140C0;
	[sflag:s22] =	ssyncadd.s32 $0xFFFFC000  }
0xce: {  	[tilespmem:s21], [sflag:$0x1] =	stream.indirect.gather [hbm4b:s4+s26], $0x80, s11, s26, $0xb8;
	[tilespmem:$0x1E8C0] =	vst v63  }
0xcf: {  	_ =	swait.ge [sflag:s0], $0x4000  }
0xd0: {  	[sflag:s0] =	ssyncset.done $0x0  }
0xd1: {  	s11 =	simm.s32 $0x14C40;
	[sflag:s0] =	ssyncadd.s32 $0xFFFFC000  }
0xd2: {  	[spmem:s2] =	stream.indirect.scatter.add.f32 [tilespmem:s29], [sflag:$0x5], $0x80, s11, s26, $0xb8;
	[tilespmem:$0x1E8C0] =	vst v63  }
0xd3: {  	_ =	swait.ge [sflag:s22], $0x4000  }
0xd4: {  	[sflag:s22] =	ssyncset.done $0x0  }
0xd5: {  	s11 =	simm.s32 $0x14140;
	[sflag:s22] =	ssyncadd.s32 $0xFFFFC000  }
0xd6: {  	[tilespmem:s29], [sflag:$0x2] =	stream.indirect.gather [hbm4b:s4+s26], $0x80, s11, s26, $0xb8;
	[tilespmem:$0x1E8C0] =	vst v63  }
0xd7: {  	_ =	swait.ge [sflag:s30], $0x4000  }
0xd8: {  	[sflag:s30] =	ssyncset.done $0x0  }
0xd9: {  	s11 =	simm.s32 $0x14CC0;
	[sflag:s30] =	ssyncadd.s32 $0xFFFFC000  }
0xda: {  	[spmem:s2] =	stream.indirect.scatter.add.f32 [tilespmem:s21], [sflag:$0x5], $0x80, s11, s26, $0xb8;
	[tilespmem:$0x1E8C0] =	vst v63  }
0xdb: {  	_ =	swait.ge [sflag:s22], $0x4000  }
0xdc: {  	[sflag:s22] =	ssyncset.done $0x0  }
0xdd: {  	s11 =	simm.s32 $0x141C0;
	[sflag:s22] =	ssyncadd.s32 $0xFFFFC000  }
0xde: {  	[tilespmem:s21], [sflag:$0x1] =	stream.indirect.gather [hbm4b:s4+s26], $0x80, s11, s26, $0xb8;
	[tilespmem:$0x1E8C0] =	vst v63  }
0xdf: {  	_ =	swait.ge [sflag:s0], $0x4000  }
0xe0: {  	[sflag:s0] =	ssyncset.done $0x0  }
0xe1: {  	s11 =	simm.s32 $0x14D40;
	[sflag:s0] =	ssyncadd.s32 $0xFFFFC000  }
0xe2: {  	[spmem:s2] =	stream.indirect.scatter.add.f32 [tilespmem:s29], [sflag:$0x5], $0x80, s11, s26, $0xb8;
	[tilespmem:$0x1E8C0] =	vst v63  }
0xe3: {  	_ =	swait.ge [sflag:s22], $0x4000  }
0xe4: {  	[sflag:s22] =	ssyncset.done $0x0  }
0xe5: {  	s11 =	simm.s32 $0x14240;
	[sflag:s22] =	ssyncadd.s32 $0xFFFFC000  }
0xe6: {  	[tilespmem:s29], [sflag:$0x2] =	stream.indirect.gather [hbm4b:s4+s26], $0x80, s11, s26, $0xb8;
	[tilespmem:$0x1E8C0] =	vst v63  }
0xe7: {  	_ =	swait.ge [sflag:s30], $0x4000  }
0xe8: {  	[sflag:s30] =	ssyncset.done $0x0  }
0xe9: {  	s11 =	simm.s32 $0x14DC0;
	[sflag:s30] =	ssyncadd.s32 $0xFFFFC000  }
0xea: {  	[spmem:s2] =	stream.indirect.scatter.add.f32 [tilespmem:s21], [sflag:$0x5], $0x80, s11, s26, $0xb8;
	[tilespmem:$0x1E8C0] =	vst v63  }
0xeb: {  	_ =	swait.ge [sflag:s22], $0x4000  }
0xec: {  	[sflag:s22] =	ssyncset.done $0x0  }
0xed: {  	[sflag:s22] =	ssyncadd.s32 $0xFFFFC000  }
0xee: {  	_ =	swait.ge [sflag:s0], $0x4000  }
0xef: {  	[sflag:s0] =	ssyncset.done $0x0  }
0xf0: {  	s1 =	sadd.s32 $0x1800, s1;
	s11 =	simm.s32 $0x14E40;
	[sflag:s0] =	ssyncadd.s32 $0xFFFFC000  }
0xf1: {  	[spmem:s2] =	stream.indirect.scatter.add.f32 [tilespmem:s29], [sflag:$0x5], $0x80, s11, s26, $0xb8;
	[tilespmem:$0x1E8C0] =	vst v63  }
0xf2: {  	s11 =	sadd.s32 s8, s1;
	_ =	swait.ge [sflag:s22], $0x4000  }
0xf3: {  	s1 =	sadd.s32 s5, s1;
	s10 =	sshrl.u32 s11, $0x3;
	[sflag:s22] =	ssyncset.done $0x0  }
0xf4: {  	s1 =	sshrl.u32 s1, $0x3;
	s10 =	sadd.s32 s6, s10;
	[sflag:s22] =	ssyncadd.s32 $0xFFFFC000  }
0xf5: {  	[tilespmem:s19], [sflag:$0x3] =	stream.linear.gather [hbm4b:s10+s3], $0xA00, $0x38;
	[tilespmem:$0x1E8C0] =	vst v63  }
0xf6: {  	s1 =	sadd.s32 s7, s1  }
0xf7: {  	[tilespmem:s20], [sflag:$0x3] =	stream.linear.gather [hbm4b:s1+s3], $0xA00, $0x38;
	[tilespmem:$0x1E8C0] =	vst v63  }
0xf8: {  	_ =	swait.ge [sflag:s9], $0xA00  }
0xf9: {  	[sflag:s9] =	ssyncset.done $0x0  }
0xfa: {  	[sflag:s9] =	ssyncadd.s32 $0xFFFFF600  }
0xfb: {  	_ =	swait.ge [sflag:s9], $0xA00  }
0xfc: {  	[sflag:s9] =	ssyncset.done $0x0  }
0xfd: {  	[sflag:s9] =	ssyncadd.s32 $0xFFFFF600  }
0xfe: {  	[tilespmem:s21], [sflag:$0x1] =	stream.indirect.gather [hbm4b:s4+s26], $0x80, s23, s26, $0xb8;
	[tilespmem:$0x1E8C0] =	vst v63  }
0xff: {  	s11 =	simm.s32 $0x15140  }
0x100: {  	[tilespmem:s29], [sflag:$0x2] =	stream.indirect.gather [hbm4b:s4+s26], $0x80, s11, s26, $0xb8;
	[tilespmem:$0x1E8C0] =	vst v63  }
0x101: {  	_ =	swait.ge [sflag:s30], $0x4000  }
0x102: {  	[sflag:s30] =	ssyncset.done $0x0  }
0x103: {  	[sflag:s30] =	ssyncadd.s32 $0xFFFFC000  }
0x104: {  	[spmem:s2] =	stream.indirect.scatter.add.f32 [tilespmem:s21], [sflag:$0x5], $0x80, s24, s26, $0xb8;
	[tilespmem:$0x1E8C0] =	vst v63  }
0x105: {  	_ =	swait.ge [sflag:s22], $0x4000  }
0x106: {  	[sflag:s22] =	ssyncset.done $0x0  }
0x107: {  	s10 =	simm.s32 $0x151C0;
	[sflag:s22] =	ssyncadd.s32 $0xFFFFC000  }
0x108: {  	[tilespmem:s21], [sflag:$0x1] =	stream.indirect.gather [hbm4b:s4+s26], $0x80, s10, s26, $0xb8;
	[tilespmem:$0x1E8C0] =	vst v63  }
0x109: {  	_ =	swait.ge [sflag:s0], $0x4000  }
0x10a: {  	[sflag:s0] =	ssyncset.done $0x0  }
0x10b: {  	s11 =	simm.s32 $0x15D40;
	[sflag:s0] =	ssyncadd.s32 $0xFFFFC000  }
0x10c: {  	[spmem:s2] =	stream.indirect.scatter.add.f32 [tilespmem:s29], [sflag:$0x5], $0x80, s11, s26, $0xb8;
	[tilespmem:$0x1E8C0] =	vst v63  }
0x10d: {  	_ =	swait.ge [sflag:s22], $0x4000  }
0x10e: {  	[sflag:s22] =	ssyncset.done $0x0  }
0x10f: {  	s10 =	simm.s32 $0x15240;
	[sflag:s22] =	ssyncadd.s32 $0xFFFFC000  }
0x110: {  	[tilespmem:s29], [sflag:$0x2] =	stream.indirect.gather [hbm4b:s4+s26], $0x80, s10, s26, $0xb8;
	[tilespmem:$0x1E8C0] =	vst v63  }
0x111: {  	_ =	swait.ge [sflag:s30], $0x4000  }
0x112: {  	[sflag:s30] =	ssyncset.done $0x0  }
0x113: {  	s11 =	simm.s32 $0x15DC0;
	[sflag:s30] =	ssyncadd.s32 $0xFFFFC000  }
0x114: {  	[spmem:s2] =	stream.indirect.scatter.add.f32 [tilespmem:s21], [sflag:$0x5], $0x80, s11, s26, $0xb8;
	[tilespmem:$0x1E8C0] =	vst v63  }
0x115: {  	_ =	swait.ge [sflag:s22], $0x4000  }
0x116: {  	[sflag:s22] =	ssyncset.done $0x0  }
0x117: {  	s10 =	simm.s32 $0x152C0;
	[sflag:s22] =	ssyncadd.s32 $0xFFFFC000  }
0x118: {  	[tilespmem:s21], [sflag:$0x1] =	stream.indirect.gather [hbm4b:s4+s26], $0x80, s10, s26, $0xb8;
	[tilespmem:$0x1E8C0] =	vst v63  }
0x119: {  	_ =	swait.ge [sflag:s0], $0x4000  }
0x11a: {  	[sflag:s0] =	ssyncset.done $0x0  }
0x11b: {  	s11 =	simm.s32 $0x15E40;
	[sflag:s0] =	ssyncadd.s32 $0xFFFFC000  }
0x11c: {  	[spmem:s2] =	stream.indirect.scatter.add.f32 [tilespmem:s29], [sflag:$0x5], $0x80, s11, s26, $0xb8;
	[tilespmem:$0x1E8C0] =	vst v63  }
0x11d: {  	_ =	swait.ge [sflag:s22], $0x4000  }
0x11e: {  	[sflag:s22] =	ssyncset.done $0x0  }
0x11f: {  	s10 =	simm.s32 $0x15340;
	[sflag:s22] =	ssyncadd.s32 $0xFFFFC000  }
0x120: {  	[tilespmem:s29], [sflag:$0x2] =	stream.indirect.gather [hbm4b:s4+s26], $0x80, s10, s26, $0xb8;
	[tilespmem:$0x1E8C0] =	vst v63  }
0x121: {  	_ =	swait.ge [sflag:s30], $0x4000  }
0x122: {  	[sflag:s30] =	ssyncset.done $0x0  }
0x123: {  	s11 =	simm.s32 $0x15EC0;
	[sflag:s30] =	ssyncadd.s32 $0xFFFFC000  }
0x124: {  	[spmem:s2] =	stream.indirect.scatter.add.f32 [tilespmem:s21], [sflag:$0x5], $0x80, s11, s26, $0xb8;
	[tilespmem:$0x1E8C0] =	vst v63  }
0x125: {  	_ =	swait.ge [sflag:s22], $0x4000  }
0x126: {  	[sflag:s22] =	ssyncset.done $0x0  }
0x127: {  	s10 =	simm.s32 $0x153C0;
	[sflag:s22] =	ssyncadd.s32 $0xFFFFC000  }
0x128: {  	[tilespmem:s21], [sflag:$0x1] =	stream.indirect.gather [hbm4b:s4+s26], $0x80, s10, s26, $0xb8;
	[tilespmem:$0x1E8C0] =	vst v63  }
0x129: {  	_ =	swait.ge [sflag:s0], $0x4000  }
0x12a: {  	[sflag:s0] =	ssyncset.done $0x0  }
0x12b: {  	s11 =	simm.s32 $0x15F40;
	[sflag:s0] =	ssyncadd.s32 $0xFFFFC000  }
0x12c: {  	[spmem:s2] =	stream.indirect.scatter.add.f32 [tilespmem:s29], [sflag:$0x5], $0x80, s11, s26, $0xb8;
	[tilespmem:$0x1E8C0] =	vst v63  }
0x12d: {  	_ =	swait.ge [sflag:s22], $0x4000  }
0x12e: {  	[sflag:s22] =	ssyncset.done $0x0  }
0x12f: {  	s10 =	simm.s32 $0x15440;
	[sflag:s22] =	ssyncadd.s32 $0xFFFFC000  }
0x130: {  	[tilespmem:s29], [sflag:$0x2] =	stream.indirect.gather [hbm4b:s4+s26], $0x80, s10, s26, $0xb8;
	[tilespmem:$0x1E8C0] =	vst v63  }
0x131: {  	_ =	swait.ge [sflag:s30], $0x4000  }
0x132: {  	[sflag:s30] =	ssyncset.done $0x0  }
0x133: {  	s11 =	simm.s32 $0x15FC0;
	[sflag:s30] =	ssyncadd.s32 $0xFFFFC000  }
0x134: {  	[spmem:s2] =	stream.indirect.scatter.add.f32 [tilespmem:s21], [sflag:$0x5], $0x80, s11, s26, $0xb8;
	[tilespmem:$0x1E8C0] =	vst v63  }
0x135: {  	_ =	swait.ge [sflag:s22], $0x4000  }
0x136: {  	[sflag:s22] =	ssyncset.done $0x0  }
0x137: {  	s10 =	simm.s32 $0x154C0;
	[sflag:s22] =	ssyncadd.s32 $0xFFFFC000  }
0x138: {  	[tilespmem:s21], [sflag:$0x1] =	stream.indirect.gather [hbm4b:s4+s26], $0x80, s10, s26, $0xb8;
	[tilespmem:$0x1E8C0] =	vst v63  }
0x139: {  	_ =	swait.ge [sflag:s0], $0x4000  }
0x13a: {  	[sflag:s0] =	ssyncset.done $0x0  }
0x13b: {  	s11 =	simm.s32 $0x16040;
	[sflag:s0] =	ssyncadd.s32 $0xFFFFC000  }
0x13c: {  	[spmem:s2] =	stream.indirect.scatter.add.f32 [tilespmem:s29], [sflag:$0x5], $0x80, s11, s26, $0xb8;
	[tilespmem:$0x1E8C0] =	vst v63  }
0x13d: {  	_ =	swait.ge [sflag:s22], $0x4000  }
0x13e: {  	[sflag:s22] =	ssyncset.done $0x0  }
0x13f: {  	s10 =	simm.s32 $0x15540;
	[sflag:s22] =	ssyncadd.s32 $0xFFFFC000  }
0x140: {  	[tilespmem:s29], [sflag:$0x2] =	stream.indirect.gather [hbm4b:s4+s26], $0x80, s10, s26, $0xb8;
	[tilespmem:$0x1E8C0] =	vst v63  }
0x141: {  	_ =	swait.ge [sflag:s30], $0x4000  }
0x142: {  	[sflag:s30] =	ssyncset.done $0x0  }
0x143: {  	s11 =	simm.s32 $0x160C0;
	[sflag:s30] =	ssyncadd.s32 $0xFFFFC000  }
0x144: {  	[spmem:s2] =	stream.indirect.scatter.add.f32 [tilespmem:s21], [sflag:$0x5], $0x80, s11, s26, $0xb8;
	[tilespmem:$0x1E8C0] =	vst v63  }
0x145: {  	_ =	swait.ge [sflag:s22], $0x4000  }
0x146: {  	[sflag:s22] =	ssyncset.done $0x0  }
0x147: {  	s10 =	simm.s32 $0x155C0;
	[sflag:s22] =	ssyncadd.s32 $0xFFFFC000  }
0x148: {  	[tilespmem:s21], [sflag:$0x1] =	stream.indirect.gather [hbm4b:s4+s26], $0x80, s10, s26, $0xb8;
	[tilespmem:$0x1E8C0] =	vst v63  }
0x149: {  	_ =	swait.ge [sflag:s0], $0x4000  }
0x14a: {  	[sflag:s0] =	ssyncset.done $0x0  }
0x14b: {  	s11 =	simm.s32 $0x16140;
	[sflag:s0] =	ssyncadd.s32 $0xFFFFC000  }
0x14c: {  	[spmem:s2] =	stream.indirect.scatter.add.f32 [tilespmem:s29], [sflag:$0x5], $0x80, s11, s26, $0xb8;
	[tilespmem:$0x1E8C0] =	vst v63  }
0x14d: {  	_ =	swait.ge [sflag:s22], $0x4000  }
0x14e: {  	[sflag:s22] =	ssyncset.done $0x0  }
0x14f: {  	s10 =	simm.s32 $0x15640;
	[sflag:s22] =	ssyncadd.s32 $0xFFFFC000  }
0x150: {  	[tilespmem:s29], [sflag:$0x2] =	stream.indirect.gather [hbm4b:s4+s26], $0x80, s10, s26, $0xb8;
	[tilespmem:$0x1E8C0] =	vst v63  }
0x151: {  	_ =	swait.ge [sflag:s30], $0x4000  }
0x152: {  	[sflag:s30] =	ssyncset.done $0x0  }
0x153: {  	s11 =	simm.s32 $0x161C0;
	[sflag:s30] =	ssyncadd.s32 $0xFFFFC000  }
0x154: {  	[spmem:s2] =	stream.indirect.scatter.add.f32 [tilespmem:s21], [sflag:$0x5], $0x80, s11, s26, $0xb8;
	[tilespmem:$0x1E8C0] =	vst v63  }
0x155: {  	_ =	swait.ge [sflag:s22], $0x4000  }
0x156: {  	[sflag:s22] =	ssyncset.done $0x0  }
0x157: {  	s10 =	simm.s32 $0x156C0;
	[sflag:s22] =	ssyncadd.s32 $0xFFFFC000  }
0x158: {  	[tilespmem:s21], [sflag:$0x1] =	stream.indirect.gather [hbm4b:s4+s26], $0x80, s10, s26, $0xb8;
	[tilespmem:$0x1E8C0] =	vst v63  }
0x159: {  	_ =	swait.ge [sflag:s0], $0x4000  }
0x15a: {  	[sflag:s0] =	ssyncset.done $0x0  }
0x15b: {  	s11 =	simm.s32 $0x16240;
	[sflag:s0] =	ssyncadd.s32 $0xFFFFC000  }
0x15c: {  	[spmem:s2] =	stream.indirect.scatter.add.f32 [tilespmem:s29], [sflag:$0x5], $0x80, s11, s26, $0xb8;
	[tilespmem:$0x1E8C0] =	vst v63  }
0x15d: {  	_ =	swait.ge [sflag:s22], $0x4000  }
0x15e: {  	[sflag:s22] =	ssyncset.done $0x0  }
0x15f: {  	s10 =	simm.s32 $0x15740;
	[sflag:s22] =	ssyncadd.s32 $0xFFFFC000  }
0x160: {  	[tilespmem:s29], [sflag:$0x2] =	stream.indirect.gather [hbm4b:s4+s26], $0x80, s10, s26, $0xb8;
	[tilespmem:$0x1E8C0] =	vst v63  }
0x161: {  	_ =	swait.ge [sflag:s30], $0x4000  }
0x162: {  	[sflag:s30] =	ssyncset.done $0x0  }
0x163: {  	s11 =	simm.s32 $0x162C0;
	[sflag:s30] =	ssyncadd.s32 $0xFFFFC000  }
0x164: {  	[spmem:s2] =	stream.indirect.scatter.add.f32 [tilespmem:s21], [sflag:$0x5], $0x80, s11, s26, $0xb8;
	[tilespmem:$0x1E8C0] =	vst v63  }
0x165: {  	_ =	swait.ge [sflag:s22], $0x4000  }
0x166: {  	[sflag:s22] =	ssyncset.done $0x0  }
0x167: {  	s10 =	simm.s32 $0x157C0;
	[sflag:s22] =	ssyncadd.s32 $0xFFFFC000  }
0x168: {  	[tilespmem:s21], [sflag:$0x1] =	stream.indirect.gather [hbm4b:s4+s26], $0x80, s10, s26, $0xb8;
	[tilespmem:$0x1E8C0] =	vst v63  }
0x169: {  	_ =	swait.ge [sflag:s0], $0x4000  }
0x16a: {  	[sflag:s0] =	ssyncset.done $0x0  }
0x16b: {  	s11 =	simm.s32 $0x16340;
	[sflag:s0] =	ssyncadd.s32 $0xFFFFC000  }
0x16c: {  	[spmem:s2] =	stream.indirect.scatter.add.f32 [tilespmem:s29], [sflag:$0x5], $0x80, s11, s26, $0xb8;
	[tilespmem:$0x1E8C0] =	vst v63  }
0x16d: {  	_ =	swait.ge [sflag:s22], $0x4000  }
0x16e: {  	[sflag:s22] =	ssyncset.done $0x0  }
0x16f: {  	s10 =	simm.s32 $0x15840;
	[sflag:s22] =	ssyncadd.s32 $0xFFFFC000  }
0x170: {  	[tilespmem:s29], [sflag:$0x2] =	stream.indirect.gather [hbm4b:s4+s26], $0x80, s10, s26, $0xb8;
	[tilespmem:$0x1E8C0] =	vst v63  }
0x171: {  	_ =	swait.ge [sflag:s30], $0x4000  }
0x172: {  	[sflag:s30] =	ssyncset.done $0x0  }
0x173: {  	s11 =	simm.s32 $0x163C0;
	[sflag:s30] =	ssyncadd.s32 $0xFFFFC000  }
0x174: {  	[spmem:s2] =	stream.indirect.scatter.add.f32 [tilespmem:s21], [sflag:$0x5], $0x80, s11, s26, $0xb8;
	[tilespmem:$0x1E8C0] =	vst v63  }
0x175: {  	_ =	swait.ge [sflag:s22], $0x4000  }
0x176: {  	[sflag:s22] =	ssyncset.done $0x0  }
0x177: {  	[sflag:s22] =	ssyncadd.s32 $0xFFFFC000  }
0x178: {  	[tilespmem:s21], [sflag:$0x1] =	stream.indirect.gather [hbm4b:s4+s26], $0x80, s16, s26, $0xb8;
	[tilespmem:$0x1E8C0] =	vst v63  }
0x179: {  	_ =	swait.ge [sflag:s0], $0x4000  }
0x17a: {  	[sflag:s0] =	ssyncset.done $0x0  }
0x17b: {  	[sflag:s0] =	ssyncadd.s32 $0xFFFFC000  }
0x17c: {  	[spmem:s2] =	stream.indirect.scatter.add.f32 [tilespmem:s29], [sflag:$0x5], $0x80, s17, s26, $0xb8;
	[tilespmem:$0x1E8C0] =	vst v63  }
0x17d: {  	_ =	swait.ge [sflag:s22], $0x4000  }
0x17e: {  	[sflag:s22] =	ssyncset.done $0x0  }
0x17f: {  	[sflag:s22] =	ssyncadd.s32 $0xFFFFC000  }
0x180: {  	[tilespmem:s29], [sflag:$0x2] =	stream.indirect.gather [hbm4b:s4+s26], $0x80, s18, s26, $0xb8;
	[tilespmem:$0x1E8C0] =	vst v63  }
0x181: {  	_ =	swait.ge [sflag:s30], $0x4000  }
0x182: {  	[sflag:s30] =	ssyncset.done $0x0  }
0x183: {  	[sflag:s30] =	ssyncadd.s32 $0xFFFFC000  }
0x184: {  	[spmem:s2] =	stream.indirect.scatter.add.f32 [tilespmem:s21], [sflag:$0x5], $0x80, s28, s26, $0xb8;
	[tilespmem:$0x1E8C0] =	vst v63  }
0x185: {  	_ =	swait.ge [sflag:s22], $0x4000  }
0x186: {  	[sflag:s22] =	ssyncset.done $0x0  }
0x187: {  	[sflag:s22] =	ssyncadd.s32 $0xFFFFC000  }
0x188: {  	[tilespmem:s21], [sflag:$0x1] =	stream.indirect.gather [hbm4b:s4+s26], $0x80, s31, s26, $0xb8;
	[tilespmem:$0x1E8C0] =	vst v63  }
0x189: {  	_ =	swait.ge [sflag:s0], $0x4000  }
0x18a: {  	[sflag:s0] =	ssyncset.done $0x0  }
0x18b: {  	[sflag:s0] =	ssyncadd.s32 $0xFFFFC000  }
0x18c: {  	[spmem:s2] =	stream.indirect.scatter.add.f32 [tilespmem:s29], [sflag:$0x5], $0x80, s12, s26, $0xb8;
	[tilespmem:$0x1E8C0] =	vst v63  }
0x18d: {  	_ =	swait.ge [sflag:s22], $0x4000  }
0x18e: {  	[sflag:s22] =	ssyncset.done $0x0  }
0x18f: {  	[sflag:s22] =	ssyncadd.s32 $0xFFFFC000  }
0x190: {  	[tilespmem:s29], [sflag:$0x2] =	stream.indirect.gather [hbm4b:s4+s26], $0x80, s13, s26, $0xb8;
	[tilespmem:$0x1E8C0] =	vst v63  }
0x191: {  	_ =	swait.ge [sflag:s30], $0x4000  }
0x192: {  	[sflag:s30] =	ssyncset.done $0x0  }
0x193: {  	[sflag:s30] =	ssyncadd.s32 $0xFFFFC000  }
0x194: {  	[spmem:s2] =	stream.indirect.scatter.add.f32 [tilespmem:s21], [sflag:$0x5], $0x80, s14, s26, $0xb8;
	[tilespmem:$0x1E8C0] =	vst v63  }
0x195: {  	_ =	swait.ge [sflag:s22], $0x4000  }
0x196: {  	[sflag:s22] =	ssyncset.done $0x0  }
0x197: {  	[sflag:s22] =	ssyncadd.s32 $0xFFFFC000  }
0x198: {  	_ =	swait.ge [sflag:s0], $0x4000  }
0x199: {  	p2 =	por p1, p1;
	[sflag:s0] =	ssyncset.done $0x0  }
.Ltmp1:
0x19a: {  	[sflag:s0] =	ssyncadd.s32 $0xFFFFC000;
	(pc) =	sbr.rel @p2 .LBB2_4-.Ltmp1, $4  }
0x19b: {  	[spmem:s2] =	stream.indirect.scatter.add.f32 [tilespmem:s29], [sflag:$0x5], $0x80, s15, s26, $0xb8;
	[tilespmem:$0x1E8C0] =	vst v63  }
0x19c: {  	_ =	swait.ge [sflag:s22], $0x4000  }
0x19d: {  	[sflag:s22] =	ssyncset.done $0x0  }
0x19e: {  	p1 =	por $0x0, $0x0;
	s1 =	simm.s32 $0x1800;
	[sflag:s22] =	ssyncadd.s32 $0xFFFFC000  }
0x19f: {  	_ =	swait.ge [sflag:s25], $0xA00  }
0x1a0: {  	[sflag:s25] =	ssyncset.done $0x0  }
0x1a1: {  	[sflag:s25] =	ssyncadd.s32 $0xFFFFF600  }
0x1a2: {  	_ =	swait.ge [sflag:s25], $0xA00  }
0x1a3: {  	[sflag:s25] =	ssyncset.done $0x0  }
0x1a4: {  	[sflag:s25] =	ssyncadd.s32 $0xFFFFF600  }
0x1a5: {  	s1 =	stileid.u32;
	[bflag:$0x0] =	sbarrier.arrive $0xFFFF  }
0x1a6: {  	s1 =	sshll.u32 s1, $0x6;
	s10 =	rddreg [dreg:$0x3]  }
0x1a7: {  	s1 =	sor.u32 $0x1C05, s1;
	s11 =	rddreg [dreg:$0xb];
	s10 =	sshrl.u32 s10, $0x3  }
0x1a8: {  	[hbm:s11], [sflag:s1] =	dma.local [spmem:s10], $0x2710  }
0x1a9: {  	_ =	swait.ge [sflag:s22], $0x2710  }
0x1aa: {  	s1 =	rddreg [dreg:$0xd]  }
0x1ab: {  	s11 =	rddreg [dreg:$0xc];
	s10 =	sadd.s32 $0x1, s1  }
0x1ac: {  	p1 =	sne.s32 s10, s11  }
.Ltmp2:
0x1ad: {  	_ = 	snop;
	(pc) =	sbr.rel @p1 .LBB2_1-.Ltmp2, $3  }
0x1ae: {  	_ =	sdelay $0x1  }
0x1af: {  	[sflag:s22] =	ssyncset.done $0x0  }
0x1b0: {  	[sflag:s22] =	ssyncadd.s32 $0xFFFFD8F0  }
0x1b1: {  	_ =	sfence.sel $0x180000  }
0x1b2: {  	[bflag:$0x0] =	sbarrier.arrive $0xFFFF  }
0x1b3: {  	_ =	strace $0x9000004A  }
0x1b4: {  	[bflag:$0x2] =	sbarrier.arrive $0xFFFF  }
0x1b5: {  	s0 =	rddreg [dreg:$0x2]  }
0x1b6: {  	s0 =	sadd.s32 @!p0 $0x100000, s0  }
0x1b7: {  	[sflag:s0] =	ssyncadd.tile.s32 @!p0 $0x1;
	_ =	shalt  }
.Lfunc_end2:
_tile_overlayer_lowered:
.L_overlay_start_2:
0x1b8: {  	(tag) =	ssettag $0x2  }
0x1b9: {  	s0 =	rddreg [dreg:$0x0];
	s2 =	stileid.u32  }
0x1ba: {  	s1 =	rddreg [dreg:$0x1];
	p0 =	sne.s32 s2, $0x0  }
0x1bb: {  	s3 =	rddreg [dreg:$0x2];
	[bflag:$0x3] =	sbarrier.arrive $0xFFFF;
	s2 =	simm.s32 @!p0 $0x1C05  }
0x1bc: {  	[timem:s3], [sflag:s2] =	dma.local @!p0 [hbm:s0], s1  }
0x1bd: {  	s0 =	simm.s32 @!p0 $0x5  }
0x1be: {  	_ =	swait.ge @!p0 [sflag:s0], s1  }
0x1bf: {  	s1 =	ssub.s32 @!p0 $0x0, s1;
	[sflag:s0] =	ssyncset.done @!p0 $0x0  }
0x1c0: {  	[sflag:s0] =	ssyncadd.s32 @!p0 s1  }
0x1c1: {  	[bflag:$0x3] =	sbarrier.arrive $0xFFFF  }
0x1c2: {  	_ =	shalt  }

// kernel: kernel.9.cloned.1.call-start
scs
__scs_entry_jumppad:
0x0: {  	(pc) =	sbr.rel $0x88, $3  }
0x1: {  	(tag) =	ssettag $0x0;
	lr =	simm.s32 $0x1  }
0x2: {  	[smem:$0x3F94] =	sst lr;
	_ =	strace $0xD0000000  }
0x3: {  	_ = 	snop  }
0x4: {  	_ = 	snop  }
0x5: {  	_ = 	snop  }
0x6: {  	_ = 	snop  }
0x7: {  	_ = 	snop  }
__scs_overlays_trampoline_lowered:
0x8: {  	[smem:$0x3FA3] =	sst s0  }
0x9: {  	[smem:$0x3FA4] =	sst s1  }
0xa: {  	[smem:$0x3FA5] =	sst s2  }
0xb: {  	[smem:$0x3FA6] =	sst s3  }
0xc: {  	[smem:$0x3FA7] =	sst s4  }
0xd: {  	[smem:$0x3FA8] =	sst s5  }
0xe: {  	[smem:$0x3FA9] =	sst s6  }
0xf: {  	[smem:$0x3FAA] =	sst s7  }
0x10: {  	[smem:$0x3FAB] =	sst s8  }
0x11: {  	[smem:$0x3FAC] =	sst s9;
	s0 =	simm.s32 @!p0 $0x0  }
0x12: {  	s1 =	sld [smem:$0x3F92];
	s0 =	simm.s32 @p0 $0x1  }
0x13: {  	[smem:$0x3FAD] =	sst s0;
	s0 =	simm.s32 @!p1 $0x0  }
0x14: {  	s2 =	sld [smem:$0x3F91];
	s0 =	simm.s32 @p1 $0x1  }
0x15: {  	[smem:$0x3FAE] =	sst s0;
	s0 =	simm.s32 @!p2 $0x0  }
0x16: {  	s3 =	sld [smem:$0x3FDB];
	s0 =	simm.s32 @p2 $0x1  }
0x17: {  	s4 =	simm.s32 $0x1BF5;
	[smem:$0x3FB0] =	sst s0  }
0x18: {  	s0 =	sld [smem:$0x3F93];
	_ =	swait.ge [sflag:s4], $0x0  }
0x19: {  	s7 =	sld [smem:$0x3F94]  }
0x1a: {  	s8 =	sadd.s32 $0xFFFFE003, lr  }
0x1b: {  	s9 =	sadd.s32 $0xFFFFFEF7, lr;
	s5 =	simm.s32 $0xFFFFFFFF;
	p2 =	slt.u32 s8, $0xFFFFF086  }
0x1c: {  	p1 =	slt.u32 s9, $0xF7A;
	s5 =	simm.s32 @!p2 $0x0  }
0x1d: {  	s5 =	simm.s32 @p1 $0x1;
	p0 =	seq.s32 s7, s2  }
0x1e: {  	s7 =	smul.u32 @!p0 $0xF7A, s2;
	p2 =	seq.s32 @!p0 s5, $0x0  }
0x1f: {  	s9 =	smul.u32 $0xF7A, s1;
	s8 =	simm.s32 @!p0 $0x1BF5;
	p2 =	por !p2, p0  }
0x20: {  	[sflag:s8] =	ssyncset.s32 @!p0 $0xFFFFF086;
	s6 =	sadd.s32 @!p0 s3, s7;
	s7 =	simm.s32 @!p0 $0x108  }
0x21: {  	s3 =	sadd.s32 s3, s9;
	s6 =	sadd.s32 @!p0 $0x88, s6;
	s7 =	simm.s32 @p2 $0x1082  }
0x22: {  	[simem:s7], [sflag:s8] =	dma.local @!p0 [hbm:s6], $0xF7A  }
0x23: {  	s9 =	sor.u32 $0xD0000000, s2;
	s6 =	simm.s32 $0x108;
	_ =	swait.ge @!p0 [sflag:s8], $0x0  }
0x24: {  	s3 =	sadd.s32 $0x88, s3;
	s6 =	simm.s32 @!p1 $0x1082;
	[sflag:s4] =	ssyncset.s32 $0xFFFFF086  }
0x25: {  	[simem:s6], [sflag:s4] =	dma.local [hbm:s3], $0xF7A  }
0x26: {  	[smem:$0x3F94] =	sst s1;
	(tag) =	ssettag s2;
	_ =	strace s9  }
0x27: {  	s1 =	sld [smem:$0x3FA4]  }
0x28: {  	s2 =	sld [smem:$0x3FA5]  }
0x29: {  	s4 =	sld [smem:$0x3FA7]  }
0x2a: {  	p0 =	seq.s32 s5, $0x0;
	s5 =	sld [smem:$0x3FA8]  }
0x2b: {  	s6 =	sld [smem:$0x3FA9]  }
0x2c: {  	s7 =	sld [smem:$0x3FAA]  }
0x2d: {  	s3 =	simm.s32 $0x108;
	s8 =	sld [smem:$0x3FAB]  }
0x2e: {  	s3 =	simm.s32 @!p0 $0x1082;
	s9 =	sld [smem:$0x3FAC]  }
0x2f: {  	lr =	sadd.s32 s0, s3;
	s0 =	sld [smem:$0x3FA3]  }
0x30: {  	s3 =	sld [smem:$0x3FA6]  }
0x31: {  	[smem:$0x3FAF] =	sst s10  }
0x32: {  	s10 =	sld [smem:$0x3FAD];
	_ =	sdelay $0x3  }
0x33: {  	p0 =	seq.s32 s10, $0x1;
	s10 =	sld [smem:$0x3FAF];
	_ =	sdelay $0x3  }
0x34: {  	[smem:$0x3FAF] =	sst s10  }
0x35: {  	s10 =	sld [smem:$0x3FAE];
	_ =	sdelay $0x3  }
0x36: {  	p1 =	seq.s32 s10, $0x1;
	s10 =	sld [smem:$0x3FAF];
	_ =	sdelay $0x3  }
0x37: {  	[smem:$0x3FAF] =	sst s10  }
0x38: {  	s10 =	sld [smem:$0x3FB0]  }
0x39: {  	_ = 	snop;
	(pc) =	sbr.ind lr, $3  }
0x3a: {  	_ = 	snop  }
0x3b: {  	_ = 	snop  }
0x3c: {  	p2 =	seq.s32 s10, $0x1;
	s10 =	sld [smem:$0x3FAF]  }
0x3d: {  	_ =	shalt  }
0x3e: {  	_ =	shalt  }
0x3f: {  	_ =	shalt  }
0x40: {  	_ =	shalt  }
0x41: {  	_ =	shalt  }
0x42: {  	_ =	shalt  }
0x43: {  	_ =	shalt  }
0x44: {  	_ =	shalt  }
0x45: {  	_ =	shalt  }
0x46: {  	_ =	shalt  }
0x47: {  	_ =	shalt  }
0x48: {  	_ =	shalt  }
0x49: {  	_ =	shalt  }
0x4a: {  	_ =	shalt  }
0x4b: {  	_ =	shalt  }
0x4c: {  	_ =	shalt  }
0x4d: {  	_ =	shalt  }
0x4e: {  	_ =	shalt  }
0x4f: {  	_ =	shalt  }
0x50: {  	_ =	shalt  }
0x51: {  	_ =	shalt  }
0x52: {  	_ =	shalt  }
0x53: {  	_ =	shalt  }
0x54: {  	_ =	shalt  }
0x55: {  	_ =	shalt  }
0x56: {  	_ =	shalt  }
0x57: {  	_ =	shalt  }
0x58: {  	_ =	shalt  }
0x59: {  	_ =	shalt  }
0x5a: {  	_ =	shalt  }
0x5b: {  	_ =	shalt  }
0x5c: {  	_ =	shalt  }
0x5d: {  	_ =	shalt  }
0x5e: {  	_ =	shalt  }
0x5f: {  	_ =	shalt  }
0x60: {  	_ =	shalt  }
0x61: {  	_ =	shalt  }
0x62: {  	_ =	shalt  }
0x63: {  	_ =	shalt  }
0x64: {  	_ =	shalt  }
0x65: {  	_ =	shalt  }
0x66: {  	_ =	shalt  }
0x67: {  	_ =	shalt  }
0x68: {  	_ =	shalt  }
0x69: {  	_ =	shalt  }
0x6a: {  	_ =	shalt  }
0x6b: {  	_ =	shalt  }
0x6c: {  	_ =	shalt  }
0x6d: {  	_ =	shalt  }
0x6e: {  	_ =	shalt  }
0x6f: {  	_ =	shalt  }
0x70: {  	_ =	shalt  }
0x71: {  	_ =	shalt  }
0x72: {  	_ =	shalt  }
0x73: {  	_ =	shalt  }
0x74: {  	_ =	shalt  }
0x75: {  	_ =	shalt  }
0x76: {  	_ =	shalt  }
0x77: {  	_ =	shalt  }
0x78: {  	_ =	shalt  }
0x79: {  	_ =	shalt  }
0x7a: {  	_ =	shalt  }
0x7b: {  	_ =	shalt  }
0x7c: {  	_ =	shalt  }
0x7d: {  	_ =	shalt  }
0x7e: {  	_ =	shalt  }
0x7f: {  	_ =	shalt  }
0x80: {  	_ =	shalt  }
0x81: {  	_ =	shalt  }
0x82: {  	_ =	shalt  }
0x83: {  	_ =	shalt  }
0x84: {  	_ =	shalt  }
0x85: {  	_ =	shalt  }
0x86: {  	_ =	shalt  }
0x87: {  	_ =	shalt  }
.Lfunc_end0:
.L_simem_size_0:
called_computation_lowered:
.L_overlay_start_0:
0x88: {  	s2 =	sld [smem:$0x3FD9]  }
0x89: {  	s3 =	sld [smem:$0x3FFE];
	_ =	sdelay $0x1  }
0x8a: {  	s1 =	srdreg.scid  }
0x8b: {  	s0 =	sand.u32 $0x1, s1  }
0x8c: {  	s17 =	sshll.u32 s0, $0xA;
	s2 =	sadd.s32 s3, s2  }
0x8d: {  	s2 =	sadd.s32 s2, s17  }
0x8e: {  	[smem:$0x3FBB] =	sst s2  }
0x8f: {  	_ = 	snop  }
0x90: {  	s2 =	sld [smem:$0x3FD0];
	(tm) =	ssettm $0x1  }
0x91: {  	s18 =	sld [smem:$0x3FFB];
	_ =	sdelay $0x3  }
0x92: {  	_ =	strace s18  }
0x93: {  	s3 =	sld [smem:$0x3FFC];
	_ =	sdelay $0x3  }
0x94: {  	_ =	strace s3  }
0x95: {  	s3 =	sld [smem:$0x3FFD];
	_ =	sdelay $0x3  }
0x96: {  	_ =	strace s3  }
0x97: {  	_ =	strace $0x8FFFFFFF  }
0x98: {  	s19 =	sld [smem:$0x3FDB];
	_ =	sdelay $0x1  }
0x99: {  	s4 =	simm.s32 $_scs_section_size  }
0x9a: {  	s5 =	simm.s32 $_size__tile_overlayer_lowered;
	s6 =	simm.s32 $_tile_overlayer_lowered  }
0x9b: {  	s22 =	simm.s32 $0x1BFF;
	s21 =	sshll.u32 s6, $0x1;
	s3 =	sadd.s32 s4, s19  }
0x9c: {  	s7 =	simm.s32 $0x0;
	s20 =	sshll.u32 s5, $0x1;
	s5 =	sadd.s32 s21, s3  }
0x9d: {  	[timem:s7], [sflag:s22] =	dma.local [hbm:s5], s20  }
0x9e: {  	_ =	swait.ge [sflag:s22], s20  }
0x9f: {  	s4 =	ssub.s32 $0x0, s20;
	[sflag:s22] =	ssyncset.done $0x0  }
0xa0: {  	[sflag:s22] =	ssyncadd.s32 s4;
	_ =	sdelay $0x1  }
0xa1: {  	s23 =	simm.s32 $0x1B8B  }
0xa2: {  	_ =	swait.ge [sflag:s23], $0x1  }
0xa3: {  	[sflag:s23] =	ssyncset.done $0x0  }
0xa4: {  	s25 =	simm.s32 $0x1B8E;
	s24 =	sld [smem:$0x3FFE];
	[sflag:s23] =	ssyncadd.s32 $0xFFFFFFFF  }
0xa5: {  	s26 =	simm.s32 $execute0_lowered;
	[smem:$0x3FD2] =	sst s25  }
0xa6: {  	s5 =	sshll.u32 s26, $0x1;
	_ =	strace $0x80000046;
	[dreg:$0x1] =	wrdreg $0xFFFFFFFF  }
0xa7: {  	s28 =	simm.s32 $_size_execute0_lowered;
	s3 =	sadd.s32 s3, s5;
	[dreg:$0x0] =	wrdreg $0x0  }
0xa8: {  	s5 =	sshll.u32 s28, $0x1;
	[dreg:$0x2] =	wrdreg s3  }
0xa9: {  	[dreg:$0x3] =	wrdreg s5  }
0xaa: {  	[dreg:$0x4] =	wrdreg $0xC0  }
0xab: {  	_ =	task [dreg:s7], $0x5FFFF  }
0xac: {  	[dreg:$0x1] =	wrdreg $0xFFFFFFFF  }
0xad: {  	[dreg:$0x0] =	wrdreg $0x60  }
0xae: {  	[dreg:$0x2] =	wrdreg s2  }
0xaf: {  	[dreg:$0x3] =	wrdreg s24  }
0xb0: {  	[dreg:$0x4] =	wrdreg $0x0  }
0xb1: {  	[dreg:$0x5] =	wrdreg $0x9  }
0xb2: {  	_ =	task.clear_ibuf [dreg:s7], $0x6FFFF;
	_ =	strace $0x90000046  }
0xb3: {  	s29 =	simm.s32 $0x9;
	_ =	strace $0x80000048  }
0xb4: {  	_ =	swait.ge [sflag:s29], $0x1  }
0xb5: {  	[sflag:s29] =	ssyncadd.s32 $0xFFFFFFFF  }
0xb6: {  	_ =	strace $0x90000048  }
0xb7: {  	_ =	sfence  }
0xb8: {  	s30 =	sld [smem:$0x0];
	_ =	sdelay $0x2  }
0xb9: {  	s31 =	sshll.u32 s1, $0xD;
	s1 =	sshrl.u32 s1, $0x2  }
0xba: {  	s3 =	sand.u32 $0x4000, s31;
	s1 =	sadd.s32 s1, s30  }
0xbb: {  	s0 =	sor.u32 s3, s0;
	s1 =	sshll.u32 s1, $0x11  }
0xbc: {  	s0 =	sor.u32 s1, s0  }
0xbd: {  	s0 =	sadd.s32 $0x8F2B, s0  }
0xbe: {  	[sflag:s0] =	ssyncadd.remote.s32 $0x1  }
0xbf: {  	_ =	sfence.sel $0xFFFF  }
0xc0: {  	[dreg:$0x0] =	wrdreg $0xFFFFFFFF;
	(pc) =	sbr.abs _section_cstart, $3  }
0xc1: {  	[dreg:$0x1] =	wrdreg $0xFFFFFFFF  }
0xc2: {  	_ =	task.clear_ibuf [dreg:s7], $0x2FFFF;
	_ =	strace $0x9FFFFFFF  }
0xc3: {  	(tm) =	ssettm $0x7FFFFFFF  }
tec
execute0_lowered:
.L_overlay_start_1:
0x0: {  	(tag) =	ssettag $0x1  }
0x1: {  	s0 =	rddreg [dreg:$0x0]  }
0x2: {  	s1 =	srdreg.scid;
	s2 =	rddreg [dreg:$0x1]  }
0x3: {  	s12 =	stileid.u32;
	s3 =	rddreg [dreg:$0x2]  }
0x4: {  	s29 =	simm.s32 $0x1A8C0;
	s30 =	simm.s32 $0x1;
	s16 =	simm.s32 $0x158C0  }
0x5: {  	s17 =	simm.s32 $0x16440;
	s18 =	simm.s32 $0x15940;
	s28 =	simm.s32 $0x164C0  }
0x6: {  	s31 =	simm.s32 $0x159C0;
	s13 =	simm.s32 $0x15A40;
	s14 =	simm.s32 $0x165C0  }
0x7: {  	s15 =	simm.s32 $0x16640;
	s1 =	sand.u32 $0x1, s1;
	s6 =	sadd.s32 $0x9600, s2  }
0x8: {  	s10 =	smul.u32 $0x4E200, s12;
	s7 =	sadd.s32 $0x1E00, s2;
	s26 =	sadd.s32 $0x138800, s3  }
0x9: {  	p0 =	sne.s32 s12, $0x0;
	s4 =	sshll.u32 s1, $0x4;
	s9 =	smul.u32 $0x3C000, s1  }
0xa: {  	s1 =	ssub.s32 $0x2, s1;
	s5 =	sor.u32 s12, s4;
	s4 =	simm.s32 $0x0  }
0xb: {  	s19 =	sshrl.u32 s1, $0x1;
	s20 =	sshrl.u32 s10, $0x2;
	s8 =	smul.u32 $0x2780, s5  }
0xc: {  	[smem:$0x7FF] =	sst s4;
	s5 =	smul.u32 $0x3C00, s12;
	s1 =	ssub.s32 s1, s19  }
0xd: {  	s19 =	simm.s32 $0x138C0;
	_ =	strace $0x80000047;
	[dreg:$0xb] =	wrdreg s26  }
0xe: {  	s1 =	smax.u32 s1, $0x1;
	s2 =	sadd.s32 s8, s2;
	s8 =	sadd.s32 s5, s9  }
0xf: {  	s11 =	sshrl.u32 s5, $0x3;
	s9 =	sadd.s32 s20, s3;
	[dreg:$0xd] =	wrdreg s1  }
0x10: {  	s12 =	simm.s32 $0x16540;
	s22 =	sadd.s32 s7, s11;
	[dreg:$0x4] =	wrdreg s9  }
0x11: {  	s26 =	simm.s32 $0x80;
	s23 =	sadd.s32 $0x3E80, s9;
	[dreg:$0x6] =	wrdreg s22  }
0x12: {  	s20 =	simm.s32 $0x144C0;
	s24 =	sadd.s32 $0x7D00, s9;
	[dreg:$0x7] =	wrdreg s23  }
0x13: {  	s1 =	simm.s32 $0x2;
	s25 =	sadd.s32 $0xBB80, s9;
	[dreg:$0x8] =	wrdreg s24  }
0x14: {  	s21 =	sshrl.u32 s8, $0x3;
	s9 =	sadd.s32 $0xFA00, s9;
	[dreg:$0x9] =	wrdreg s25  }
0x15: {  	s2 =	sadd.s32 $0x18600, s2;
	s10 =	sadd.s32 s6, s21;
	[dreg:$0xa] =	wrdreg s9  }
0x16: {  	[dreg:$0xc] =	wrdreg s2;
	s21 =	simm.s32 $0x168C0;
	s22 =	simm.s32 $0x5  }
0x17: {  	s23 =	simm.s32 $0x150C0;
	s24 =	simm.s32 $0x15CC0;
	s25 =	simm.s32 $0x3  }
0x18: {  	v0 =	vimm.f32 $0.0e+00;
	s9 =	simm.s32 $0x4;
	[dreg:$0x5] =	wrdreg s10;
	s10 =	simm.s32 $0x0  }
.LBB2_1:
0x19: {  	[dreg:$0xe] =	wrdreg s10  }
0x1a: {  	s2 =	rddreg [dreg:$0x5]  }
0x1b: {  	[tilespmem:s19], [sflag:$0x3] =	stream.linear.gather [hbm4b:s2+s4], $0xA00, $0x38;
	[tilespmem:$0x1E8C0] =	vst v63  }
0x1c: {  	s11 =	rddreg [dreg:$0x6];
	s10 =	simm.s32 $0x3C0;
	s2 =	simm.s32 $0x70  }
0x1d: {  	[tilespmem:s20], [sflag:$0x3] =	stream.linear.gather [hbm4b:s11+s4], $0xA00, $0x38;
	[tilespmem:$0x1E8C0] =	vst v63  }
.LBB2_2:
0x1e: {  	p1 =	sne.s32 s10, $0xF9C0;
	[tilespmem:s2+$0x168C0] =	vst v0  }
0x1f: {  	[tilespmem:s2+$0x16850] =	vst v0  }
0x20: {  	[tilespmem:s2+$0x16860] =	vst v0  }
.Ltmp0:
0x21: {  	[tilespmem:s2+$0x16870] =	vst v0;
	(pc) =	sbr.rel @p1 .LBB2_2-.Ltmp0, $4  }
0x22: {  	[tilespmem:s2+$0x16880] =	vst v0  }
0x23: {  	[tilespmem:s2+$0x16890] =	vst v0  }
0x24: {  	[tilespmem:s2+$0x168A0] =	vst v0  }
0x25: {  	[tilespmem:s2+$0x168B0] =	vst v0;
	s2 =	sshra.s32 s10, $0x2;
	s10 =	sadd.s32 $0x200, s10  }
0x26: {  	[tilespmem:s2+$0x168C0] =	vst v0  }
0x27: {  	[tilespmem:s2+$0x16850] =	vst v0  }
0x28: {  	[tilespmem:s2+$0x16860] =	vst v0  }
0x29: {  	[tilespmem:s2+$0x16870] =	vst v0  }
0x2a: {  	[tilespmem:s2+$0x16880] =	vst v0  }
0x2b: {  	[tilespmem:s2+$0x16890] =	vst v0  }
0x2c: {  	[tilespmem:s2+$0x168A0] =	vst v0  }
0x2d: {  	[tilespmem:s2+$0x168B0] =	vst v0;
	s11 =	rddreg [dreg:$0x4]  }
0x2e: {  	[spmem:s11] =	stream.linear.scatter [tilespmem:s21], [sflag:$0x5], $0x3E80, $0x38;
	[tilespmem:$0x1E8C0] =	vst v63  }
0x2f: {  	_ =	swait.ge [sflag:s22], $0x3E80  }
0x30: {  	[sflag:s22] =	ssyncset.done $0x0  }
0x31: {  	s10 =	rddreg [dreg:$0x7];
	[sflag:s22] =	ssyncadd.s32 $0xFFFFC180  }
0x32: {  	[spmem:s10] =	stream.linear.scatter [tilespmem:s21], [sflag:$0x5], $0x3E80, $0x38;
	[tilespmem:$0x1E8C0] =	vst v63  }
0x33: {  	_ =	swait.ge [sflag:s22], $0x3E80  }
0x34: {  	[sflag:s22] =	ssyncset.done $0x0  }
0x35: {  	s11 =	rddreg [dreg:$0x8];
	[sflag:s22] =	ssyncadd.s32 $0xFFFFC180  }
0x36: {  	[spmem:s11] =	stream.linear.scatter [tilespmem:s21], [sflag:$0x5], $0x3E80, $0x38;
	[tilespmem:$0x1E8C0] =	vst v63  }
0x37: {  	_ =	swait.ge [sflag:s22], $0x3E80  }
0x38: {  	[sflag:s22] =	ssyncset.done $0x0  }
0x39: {  	s10 =	rddreg [dreg:$0x9];
	[sflag:s22] =	ssyncadd.s32 $0xFFFFC180  }
0x3a: {  	[spmem:s10] =	stream.linear.scatter [tilespmem:s21], [sflag:$0x5], $0x3E80, $0x38;
	[tilespmem:$0x1E8C0] =	vst v63  }
0x3b: {  	_ =	swait.ge [sflag:s22], $0x3E80  }
0x3c: {  	[sflag:s22] =	ssyncset.done $0x0  }
0x3d: {  	s11 =	rddreg [dreg:$0xa];
	[sflag:s22] =	ssyncadd.s32 $0xFFFFC180  }
0x3e: {  	[spmem:s11] =	stream.linear.scatter [tilespmem:s21], [sflag:$0x5], $0x3E80, $0x38;
	[tilespmem:$0x1E8C0] =	vst v63  }
0x3f: {  	_ =	swait.ge [sflag:s22], $0x3E80  }
0x40: {  	[sflag:s22] =	ssyncset.done $0x0  }
0x41: {  	s2 =	simm.s32 @!p0 $0x168C0;
	s10 =	rddreg [dreg:$0xb];
	[sflag:s22] =	ssyncadd.s32 $0xFFFFC180  }
0x42: {  	[spmem:s10] =	stream.linear.scatter @!p0 [tilespmem:s2], [sflag:$0x5], $0x400, $0x38;
	[tilespmem:$0x1E8C0] =	vst v63  }
0x43: {  	s2 =	simm.s32 @!p0 $0x5  }
0x44: {  	_ =	swait.ge @!p0 [sflag:s2], $0x400  }
0x45: {  	[sflag:s2] =	ssyncset.done @!p0 $0x0  }
0x46: {  	[sflag:s2] =	ssyncadd.s32 @!p0 $0xFFFFFC00  }
0x47: {  	p1 =	por $0x1, $0x1;
	s2 =	simm.s32 $0x0;
	[bflag:$0x0] =	sbarrier.arrive $0xFFFF  }
.LBB2_4:
0x48: {  	s10 =	sadd.s32 $0xC00, s2  }
0x49: {  	s11 =	sadd.s32 s8, s10  }
0x4a: {  	s10 =	sadd.s32 s5, s10;
	s11 =	sshrl.u32 s11, $0x3  }
0x4b: {  	s10 =	sshrl.u32 s10, $0x3;
	s11 =	sadd.s32 s6, s11  }
0x4c: {  	[tilespmem:s23], [sflag:$0x4] =	stream.linear.gather [hbm4b:s11+s4], $0xA00, $0x38;
	[tilespmem:$0x1E8C0] =	vst v63  }
0x4d: {  	s10 =	sadd.s32 s7, s10  }
0x4e: {  	[tilespmem:s24], [sflag:$0x4] =	stream.linear.gather [hbm4b:s10+s4], $0xA00, $0x38;
	[tilespmem:$0x1E8C0] =	vst v63  }
0x4f: {  	_ =	swait.ge [sflag:s25], $0xA00  }
0x50: {  	[sflag:s25] =	ssyncset.done $0x0  }
0x51: {  	[sflag:s25] =	ssyncadd.s32 $0xFFFFF600  }
0x52: {  	_ =	swait.ge [sflag:s25], $0xA00  }
0x53: {  	[sflag:s25] =	ssyncset.done $0x0  }
0x54: {  	[sflag:s25] =	ssyncadd.s32 $0xFFFFF600  }
0x55: {  	[tilespmem:s21], [sflag:$0x1] =	stream.indirect.gather [hbm4b:s0+s26], $0x80, s19, s26, $0xb8;
	[tilespmem:$0x1E8C0] =	vst v63  }
0x56: {  	s11 =	simm.s32 $0x13940  }
0x57: {  	[tilespmem:s29], [sflag:$0x2] =	stream.indirect.gather [hbm4b:s0+s26], $0x80, s11, s26, $0xb8;
	[tilespmem:$0x1E8C0] =	vst v63  }
0x58: {  	_ =	swait.ge [sflag:s30], $0x4000  }
0x59: {  	[sflag:s30] =	ssyncset.done $0x0  }
0x5a: {  	[sflag:s30] =	ssyncadd.s32 $0xFFFFC000  }
0x5b: {  	[spmem:s3] =	stream.indirect.scatter.add.f32 [tilespmem:s21], [sflag:$0x5], $0x80, s20, s26, $0xb8;
	[tilespmem:$0x1E8C0] =	vst v63  }
0x5c: {  	_ =	swait.ge [sflag:s22], $0x4000  }
0x5d: {  	[sflag:s22] =	ssyncset.done $0x0  }
0x5e: {  	s11 =	simm.s32 $0x139C0;
	[sflag:s22] =	ssyncadd.s32 $0xFFFFC000  }
0x5f: {  	[tilespmem:s21], [sflag:$0x1] =	stream.indirect.gather [hbm4b:s0+s26], $0x80, s11, s26, $0xb8;
	[tilespmem:$0x1E8C0] =	vst v63  }
0x60: {  	_ =	swait.ge [sflag:s1], $0x4000  }
0x61: {  	[sflag:s1] =	ssyncset.done $0x0  }
0x62: {  	s11 =	simm.s32 $0x14540;
	[sflag:s1] =	ssyncadd.s32 $0xFFFFC000  }
0x63: {  	[spmem:s3] =	stream.indirect.scatter.add.f32 [tilespmem:s29], [sflag:$0x5], $0x80, s11, s26, $0xb8;
	[tilespmem:$0x1E8C0] =	vst v63  }
0x64: {  	_ =	swait.ge [sflag:s22], $0x4000  }
0x65: {  	[sflag:s22] =	ssyncset.done $0x0  }
0x66: {  	s11 =	simm.s32 $0x13A40;
	[sflag:s22] =	ssyncadd.s32 $0xFFFFC000  }
0x67: {  	[tilespmem:s29], [sflag:$0x2] =	stream.indirect.gather [hbm4b:s0+s26], $0x80, s11, s26, $0xb8;
	[tilespmem:$0x1E8C0] =	vst v63  }
0x68: {  	_ =	swait.ge [sflag:s30], $0x4000  }
0x69: {  	[sflag:s30] =	ssyncset.done $0x0  }
0x6a: {  	s11 =	simm.s32 $0x145C0;
	[sflag:s30] =	ssyncadd.s32 $0xFFFFC000  }
0x6b: {  	[spmem:s3] =	stream.indirect.scatter.add.f32 [tilespmem:s21], [sflag:$0x5], $0x80, s11, s26, $0xb8;
	[tilespmem:$0x1E8C0] =	vst v63  }
0x6c: {  	_ =	swait.ge [sflag:s22], $0x4000  }
0x6d: {  	[sflag:s22] =	ssyncset.done $0x0  }
0x6e: {  	s11 =	simm.s32 $0x13AC0;
	[sflag:s22] =	ssyncadd.s32 $0xFFFFC000  }
0x6f: {  	[tilespmem:s21], [sflag:$0x1] =	stream.indirect.gather [hbm4b:s0+s26], $0x80, s11, s26, $0xb8;
	[tilespmem:$0x1E8C0] =	vst v63  }
0x70: {  	_ =	swait.ge [sflag:s1], $0x4000  }
0x71: {  	[sflag:s1] =	ssyncset.done $0x0  }
0x72: {  	s11 =	simm.s32 $0x14640;
	[sflag:s1] =	ssyncadd.s32 $0xFFFFC000  }
0x73: {  	[spmem:s3] =	stream.indirect.scatter.add.f32 [tilespmem:s29], [sflag:$0x5], $0x80, s11, s26, $0xb8;
	[tilespmem:$0x1E8C0] =	vst v63  }
0x74: {  	_ =	swait.ge [sflag:s22], $0x4000  }
0x75: {  	[sflag:s22] =	ssyncset.done $0x0  }
0x76: {  	s11 =	simm.s32 $0x13B40;
	[sflag:s22] =	ssyncadd.s32 $0xFFFFC000  }
0x77: {  	[tilespmem:s29], [sflag:$0x2] =	stream.indirect.gather [hbm4b:s0+s26], $0x80, s11, s26, $0xb8;
	[tilespmem:$0x1E8C0] =	vst v63  }
0x78: {  	_ =	swait.ge [sflag:s30], $0x4000  }
0x79: {  	[sflag:s30] =	ssyncset.done $0x0  }
0x7a: {  	s11 =	simm.s32 $0x146C0;
	[sflag:s30] =	ssyncadd.s32 $0xFFFFC000  }
0x7b: {  	[spmem:s3] =	stream.indirect.scatter.add.f32 [tilespmem:s21], [sflag:$0x5], $0x80, s11, s26, $0xb8;
	[tilespmem:$0x1E8C0] =	vst v63  }
0x7c: {  	_ =	swait.ge [sflag:s22], $0x4000  }
0x7d: {  	[sflag:s22] =	ssyncset.done $0x0  }
0x7e: {  	s11 =	simm.s32 $0x13BC0;
	[sflag:s22] =	ssyncadd.s32 $0xFFFFC000  }
0x7f: {  	[tilespmem:s21], [sflag:$0x1] =	stream.indirect.gather [hbm4b:s0+s26], $0x80, s11, s26, $0xb8;
	[tilespmem:$0x1E8C0] =	vst v63  }
0x80: {  	_ =	swait.ge [sflag:s1], $0x4000  }
0x81: {  	[sflag:s1] =	ssyncset.done $0x0  }
0x82: {  	s11 =	simm.s32 $0x14740;
	[sflag:s1] =	ssyncadd.s32 $0xFFFFC000  }
0x83: {  	[spmem:s3] =	stream.indirect.scatter.add.f32 [tilespmem:s29], [sflag:$0x5], $0x80, s11, s26, $0xb8;
	[tilespmem:$0x1E8C0] =	vst v63  }
0x84: {  	_ =	swait.ge [sflag:s22], $0x4000  }
0x85: {  	[sflag:s22] =	ssyncset.done $0x0  }
0x86: {  	s11 =	simm.s32 $0x13C40;
	[sflag:s22] =	ssyncadd.s32 $0xFFFFC000  }
0x87: {  	[tilespmem:s29], [sflag:$0x2] =	stream.indirect.gather [hbm4b:s0+s26], $0x80, s11, s26, $0xb8;
	[tilespmem:$0x1E8C0] =	vst v63  }
0x88: {  	_ =	swait.ge [sflag:s30], $0x4000  }
0x89: {  	[sflag:s30] =	ssyncset.done $0x0  }
0x8a: {  	s11 =	simm.s32 $0x147C0;
	[sflag:s30] =	ssyncadd.s32 $0xFFFFC000  }
0x8b: {  	[spmem:s3] =	stream.indirect.scatter.add.f32 [tilespmem:s21], [sflag:$0x5], $0x80, s11, s26, $0xb8;
	[tilespmem:$0x1E8C0] =	vst v63  }
0x8c: {  	_ =	swait.ge [sflag:s22], $0x4000  }
0x8d: {  	[sflag:s22] =	ssyncset.done $0x0  }
0x8e: {  	s11 =	simm.s32 $0x13CC0;
	[sflag:s22] =	ssyncadd.s32 $0xFFFFC000  }
0x8f: {  	[tilespmem:s21], [sflag:$0x1] =	stream.indirect.gather [hbm4b:s0+s26], $0x80, s11, s26, $0xb8;
	[tilespmem:$0x1E8C0] =	vst v63  }
0x90: {  	_ =	swait.ge [sflag:s1], $0x4000  }
0x91: {  	[sflag:s1] =	ssyncset.done $0x0  }
0x92: {  	s11 =	simm.s32 $0x14840;
	[sflag:s1] =	ssyncadd.s32 $0xFFFFC000  }
0x93: {  	[spmem:s3] =	stream.indirect.scatter.add.f32 [tilespmem:s29], [sflag:$0x5], $0x80, s11, s26, $0xb8;
	[tilespmem:$0x1E8C0] =	vst v63  }
0x94: {  	_ =	swait.ge [sflag:s22], $0x4000  }
0x95: {  	[sflag:s22] =	ssyncset.done $0x0  }
0x96: {  	s11 =	simm.s32 $0x13D40;
	[sflag:s22] =	ssyncadd.s32 $0xFFFFC000  }
0x97: {  	[tilespmem:s29], [sflag:$0x2] =	stream.indirect.gather [hbm4b:s0+s26], $0x80, s11, s26, $0xb8;
	[tilespmem:$0x1E8C0] =	vst v63  }
0x98: {  	_ =	swait.ge [sflag:s30], $0x4000  }
0x99: {  	[sflag:s30] =	ssyncset.done $0x0  }
0x9a: {  	s11 =	simm.s32 $0x148C0;
	[sflag:s30] =	ssyncadd.s32 $0xFFFFC000  }
0x9b: {  	[spmem:s3] =	stream.indirect.scatter.add.f32 [tilespmem:s21], [sflag:$0x5], $0x80, s11, s26, $0xb8;
	[tilespmem:$0x1E8C0] =	vst v63  }
0x9c: {  	_ =	swait.ge [sflag:s22], $0x4000  }
0x9d: {  	[sflag:s22] =	ssyncset.done $0x0  }
0x9e: {  	s11 =	simm.s32 $0x13DC0;
	[sflag:s22] =	ssyncadd.s32 $0xFFFFC000  }
0x9f: {  	[tilespmem:s21], [sflag:$0x1] =	stream.indirect.gather [hbm4b:s0+s26], $0x80, s11, s26, $0xb8;
	[tilespmem:$0x1E8C0] =	vst v63  }
0xa0: {  	_ =	swait.ge [sflag:s1], $0x4000  }
0xa1: {  	[sflag:s1] =	ssyncset.done $0x0  }
0xa2: {  	s11 =	simm.s32 $0x14940;
	[sflag:s1] =	ssyncadd.s32 $0xFFFFC000  }
0xa3: {  	[spmem:s3] =	stream.indirect.scatter.add.f32 [tilespmem:s29], [sflag:$0x5], $0x80, s11, s26, $0xb8;
	[tilespmem:$0x1E8C0] =	vst v63  }
0xa4: {  	_ =	swait.ge [sflag:s22], $0x4000  }
0xa5: {  	[sflag:s22] =	ssyncset.done $0x0  }
0xa6: {  	s11 =	simm.s32 $0x13E40;
	[sflag:s22] =	ssyncadd.s32 $0xFFFFC000  }
0xa7: {  	[tilespmem:s29], [sflag:$0x2] =	stream.indirect.gather [hbm4b:s0+s26], $0x80, s11, s26, $0xb8;
	[tilespmem:$0x1E8C0] =	vst v63  }
0xa8: {  	_ =	swait.ge [sflag:s30], $0x4000  }
0xa9: {  	[sflag:s30] =	ssyncset.done $0x0  }
0xaa: {  	s11 =	simm.s32 $0x149C0;
	[sflag:s30] =	ssyncadd.s32 $0xFFFFC000  }
0xab: {  	[spmem:s3] =	stream.indirect.scatter.add.f32 [tilespmem:s21], [sflag:$0x5], $0x80, s11, s26, $0xb8;
	[tilespmem:$0x1E8C0] =	vst v63  }
0xac: {  	_ =	swait.ge [sflag:s22], $0x4000  }
0xad: {  	[sflag:s22] =	ssyncset.done $0x0  }
0xae: {  	s11 =	simm.s32 $0x13EC0;
	[sflag:s22] =	ssyncadd.s32 $0xFFFFC000  }
0xaf: {  	[tilespmem:s21], [sflag:$0x1] =	stream.indirect.gather [hbm4b:s0+s26], $0x80, s11, s26, $0xb8;
	[tilespmem:$0x1E8C0] =	vst v63  }
0xb0: {  	_ =	swait.ge [sflag:s1], $0x4000  }
0xb1: {  	[sflag:s1] =	ssyncset.done $0x0  }
0xb2: {  	s11 =	simm.s32 $0x14A40;
	[sflag:s1] =	ssyncadd.s32 $0xFFFFC000  }
0xb3: {  	[spmem:s3] =	stream.indirect.scatter.add.f32 [tilespmem:s29], [sflag:$0x5], $0x80, s11, s26, $0xb8;
	[tilespmem:$0x1E8C0] =	vst v63  }
0xb4: {  	_ =	swait.ge [sflag:s22], $0x4000  }
0xb5: {  	[sflag:s22] =	ssyncset.done $0x0  }
0xb6: {  	s11 =	simm.s32 $0x13F40;
	[sflag:s22] =	ssyncadd.s32 $0xFFFFC000  }
0xb7: {  	[tilespmem:s29], [sflag:$0x2] =	stream.indirect.gather [hbm4b:s0+s26], $0x80, s11, s26, $0xb8;
	[tilespmem:$0x1E8C0] =	vst v63  }
0xb8: {  	_ =	swait.ge [sflag:s30], $0x4000  }
0xb9: {  	[sflag:s30] =	ssyncset.done $0x0  }
0xba: {  	s11 =	simm.s32 $0x14AC0;
	[sflag:s30] =	ssyncadd.s32 $0xFFFFC000  }
0xbb: {  	[spmem:s3] =	stream.indirect.scatter.add.f32 [tilespmem:s21], [sflag:$0x5], $0x80, s11, s26, $0xb8;
	[tilespmem:$0x1E8C0] =	vst v63  }
0xbc: {  	_ =	swait.ge [sflag:s22], $0x4000  }
0xbd: {  	[sflag:s22] =	ssyncset.done $0x0  }
0xbe: {  	s11 =	simm.s32 $0x13FC0;
	[sflag:s22] =	ssyncadd.s32 $0xFFFFC000  }
0xbf: {  	[tilespmem:s21], [sflag:$0x1] =	stream.indirect.gather [hbm4b:s0+s26], $0x80, s11, s26, $0xb8;
	[tilespmem:$0x1E8C0] =	vst v63  }
0xc0: {  	_ =	swait.ge [sflag:s1], $0x4000  }
0xc1: {  	[sflag:s1] =	ssyncset.done $0x0  }
0xc2: {  	s11 =	simm.s32 $0x14B40;
	[sflag:s1] =	ssyncadd.s32 $0xFFFFC000  }
0xc3: {  	[spmem:s3] =	stream.indirect.scatter.add.f32 [tilespmem:s29], [sflag:$0x5], $0x80, s11, s26, $0xb8;
	[tilespmem:$0x1E8C0] =	vst v63  }
0xc4: {  	_ =	swait.ge [sflag:s22], $0x4000  }
0xc5: {  	[sflag:s22] =	ssyncset.done $0x0  }
0xc6: {  	s11 =	simm.s32 $0x14040;
	[sflag:s22] =	ssyncadd.s32 $0xFFFFC000  }
0xc7: {  	[tilespmem:s29], [sflag:$0x2] =	stream.indirect.gather [hbm4b:s0+s26], $0x80, s11, s26, $0xb8;
	[tilespmem:$0x1E8C0] =	vst v63  }
0xc8: {  	_ =	swait.ge [sflag:s30], $0x4000  }
0xc9: {  	[sflag:s30] =	ssyncset.done $0x0  }
0xca: {  	s11 =	simm.s32 $0x14BC0;
	[sflag:s30] =	ssyncadd.s32 $0xFFFFC000  }
0xcb: {  	[spmem:s3] =	stream.indirect.scatter.add.f32 [tilespmem:s21], [sflag:$0x5], $0x80, s11, s26, $0xb8;
	[tilespmem:$0x1E8C0] =	vst v63  }
0xcc: {  	_ =	swait.ge [sflag:s22], $0x4000  }
0xcd: {  	[sflag:s22] =	ssyncset.done $0x0  }
0xce: {  	s11 =	simm.s32 $0x140C0;
	[sflag:s22] =	ssyncadd.s32 $0xFFFFC000  }
0xcf: {  	[tilespmem:s21], [sflag:$0x1] =	stream.indirect.gather [hbm4b:s0+s26], $0x80, s11, s26, $0xb8;
	[tilespmem:$0x1E8C0] =	vst v63  }
0xd0: {  	_ =	swait.ge [sflag:s1], $0x4000  }
0xd1: {  	[sflag:s1] =	ssyncset.done $0x0  }
0xd2: {  	s11 =	simm.s32 $0x14C40;
	[sflag:s1] =	ssyncadd.s32 $0xFFFFC000  }
0xd3: {  	[spmem:s3] =	stream.indirect.scatter.add.f32 [tilespmem:s29], [sflag:$0x5], $0x80, s11, s26, $0xb8;
	[tilespmem:$0x1E8C0] =	vst v63  }
0xd4: {  	_ =	swait.ge [sflag:s22], $0x4000  }
0xd5: {  	[sflag:s22] =	ssyncset.done $0x0  }
0xd6: {  	s11 =	simm.s32 $0x14140;
	[sflag:s22] =	ssyncadd.s32 $0xFFFFC000  }
0xd7: {  	[tilespmem:s29], [sflag:$0x2] =	stream.indirect.gather [hbm4b:s0+s26], $0x80, s11, s26, $0xb8;
	[tilespmem:$0x1E8C0] =	vst v63  }
0xd8: {  	_ =	swait.ge [sflag:s30], $0x4000  }
0xd9: {  	[sflag:s30] =	ssyncset.done $0x0  }
0xda: {  	s11 =	simm.s32 $0x14CC0;
	[sflag:s30] =	ssyncadd.s32 $0xFFFFC000  }
0xdb: {  	[spmem:s3] =	stream.indirect.scatter.add.f32 [tilespmem:s21], [sflag:$0x5], $0x80, s11, s26, $0xb8;
	[tilespmem:$0x1E8C0] =	vst v63  }
0xdc: {  	_ =	swait.ge [sflag:s22], $0x4000  }
0xdd: {  	[sflag:s22] =	ssyncset.done $0x0  }
0xde: {  	s11 =	simm.s32 $0x141C0;
	[sflag:s22] =	ssyncadd.s32 $0xFFFFC000  }
0xdf: {  	[tilespmem:s21], [sflag:$0x1] =	stream.indirect.gather [hbm4b:s0+s26], $0x80, s11, s26, $0xb8;
	[tilespmem:$0x1E8C0] =	vst v63  }
0xe0: {  	_ =	swait.ge [sflag:s1], $0x4000  }
0xe1: {  	[sflag:s1] =	ssyncset.done $0x0  }
0xe2: {  	s11 =	simm.s32 $0x14D40;
	[sflag:s1] =	ssyncadd.s32 $0xFFFFC000  }
0xe3: {  	[spmem:s3] =	stream.indirect.scatter.add.f32 [tilespmem:s29], [sflag:$0x5], $0x80, s11, s26, $0xb8;
	[tilespmem:$0x1E8C0] =	vst v63  }
0xe4: {  	_ =	swait.ge [sflag:s22], $0x4000  }
0xe5: {  	[sflag:s22] =	ssyncset.done $0x0  }
0xe6: {  	s11 =	simm.s32 $0x14240;
	[sflag:s22] =	ssyncadd.s32 $0xFFFFC000  }
0xe7: {  	[tilespmem:s29], [sflag:$0x2] =	stream.indirect.gather [hbm4b:s0+s26], $0x80, s11, s26, $0xb8;
	[tilespmem:$0x1E8C0] =	vst v63  }
0xe8: {  	_ =	swait.ge [sflag:s30], $0x4000  }
0xe9: {  	[sflag:s30] =	ssyncset.done $0x0  }
0xea: {  	s11 =	simm.s32 $0x14DC0;
	[sflag:s30] =	ssyncadd.s32 $0xFFFFC000  }
0xeb: {  	[spmem:s3] =	stream.indirect.scatter.add.f32 [tilespmem:s21], [sflag:$0x5], $0x80, s11, s26, $0xb8;
	[tilespmem:$0x1E8C0] =	vst v63  }
0xec: {  	_ =	swait.ge [sflag:s22], $0x4000  }
0xed: {  	[sflag:s22] =	ssyncset.done $0x0  }
0xee: {  	[sflag:s22] =	ssyncadd.s32 $0xFFFFC000  }
0xef: {  	_ =	swait.ge [sflag:s1], $0x4000  }
0xf0: {  	[sflag:s1] =	ssyncset.done $0x0  }
0xf1: {  	s2 =	sadd.s32 $0x1800, s2;
	s11 =	simm.s32 $0x14E40;
	[sflag:s1] =	ssyncadd.s32 $0xFFFFC000  }
0xf2: {  	[spmem:s3] =	stream.indirect.scatter.add.f32 [tilespmem:s29], [sflag:$0x5], $0x80, s11, s26, $0xb8;
	[tilespmem:$0x1E8C0] =	vst v63  }
0xf3: {  	s11 =	sadd.s32 s8, s2;
	_ =	swait.ge [sflag:s22], $0x4000  }
0xf4: {  	s2 =	sadd.s32 s5, s2;
	s10 =	sshrl.u32 s11, $0x3;
	[sflag:s22] =	ssyncset.done $0x0  }
0xf5: {  	s2 =	sshrl.u32 s2, $0x3;
	s10 =	sadd.s32 s6, s10;
	[sflag:s22] =	ssyncadd.s32 $0xFFFFC000  }
0xf6: {  	[tilespmem:s19], [sflag:$0x3] =	stream.linear.gather [hbm4b:s10+s4], $0xA00, $0x38;
	[tilespmem:$0x1E8C0] =	vst v63  }
0xf7: {  	s2 =	sadd.s32 s7, s2  }
0xf8: {  	[tilespmem:s20], [sflag:$0x3] =	stream.linear.gather [hbm4b:s2+s4], $0xA00, $0x38;
	[tilespmem:$0x1E8C0] =	vst v63  }
0xf9: {  	_ =	swait.ge [sflag:s9], $0xA00  }
0xfa: {  	[sflag:s9] =	ssyncset.done $0x0  }
0xfb: {  	[sflag:s9] =	ssyncadd.s32 $0xFFFFF600  }
0xfc: {  	_ =	swait.ge [sflag:s9], $0xA00  }
0xfd: {  	[sflag:s9] =	ssyncset.done $0x0  }
0xfe: {  	[sflag:s9] =	ssyncadd.s32 $0xFFFFF600  }
0xff: {  	[tilespmem:s21], [sflag:$0x1] =	stream.indirect.gather [hbm4b:s0+s26], $0x80, s23, s26, $0xb8;
	[tilespmem:$0x1E8C0] =	vst v63  }
0x100: {  	s11 =	simm.s32 $0x15140  }
0x101: {  	[tilespmem:s29], [sflag:$0x2] =	stream.indirect.gather [hbm4b:s0+s26], $0x80, s11, s26, $0xb8;
	[tilespmem:$0x1E8C0] =	vst v63  }
0x102: {  	_ =	swait.ge [sflag:s30], $0x4000  }
0x103: {  	[sflag:s30] =	ssyncset.done $0x0  }
0x104: {  	[sflag:s30] =	ssyncadd.s32 $0xFFFFC000  }
0x105: {  	[spmem:s3] =	stream.indirect.scatter.add.f32 [tilespmem:s21], [sflag:$0x5], $0x80, s24, s26, $0xb8;
	[tilespmem:$0x1E8C0] =	vst v63  }
0x106: {  	_ =	swait.ge [sflag:s22], $0x4000  }
0x107: {  	[sflag:s22] =	ssyncset.done $0x0  }
0x108: {  	s10 =	simm.s32 $0x151C0;
	[sflag:s22] =	ssyncadd.s32 $0xFFFFC000  }
0x109: {  	[tilespmem:s21], [sflag:$0x1] =	stream.indirect.gather [hbm4b:s0+s26], $0x80, s10, s26, $0xb8;
	[tilespmem:$0x1E8C0] =	vst v63  }
0x10a: {  	_ =	swait.ge [sflag:s1], $0x4000  }
0x10b: {  	[sflag:s1] =	ssyncset.done $0x0  }
0x10c: {  	s11 =	simm.s32 $0x15D40;
	[sflag:s1] =	ssyncadd.s32 $0xFFFFC000  }
0x10d: {  	[spmem:s3] =	stream.indirect.scatter.add.f32 [tilespmem:s29], [sflag:$0x5], $0x80, s11, s26, $0xb8;
	[tilespmem:$0x1E8C0] =	vst v63  }
0x10e: {  	_ =	swait.ge [sflag:s22], $0x4000  }
0x10f: {  	[sflag:s22] =	ssyncset.done $0x0  }
0x110: {  	s10 =	simm.s32 $0x15240;
	[sflag:s22] =	ssyncadd.s32 $0xFFFFC000  }
0x111: {  	[tilespmem:s29], [sflag:$0x2] =	stream.indirect.gather [hbm4b:s0+s26], $0x80, s10, s26, $0xb8;
	[tilespmem:$0x1E8C0] =	vst v63  }
0x112: {  	_ =	swait.ge [sflag:s30], $0x4000  }
0x113: {  	[sflag:s30] =	ssyncset.done $0x0  }
0x114: {  	s11 =	simm.s32 $0x15DC0;
	[sflag:s30] =	ssyncadd.s32 $0xFFFFC000  }
0x115: {  	[spmem:s3] =	stream.indirect.scatter.add.f32 [tilespmem:s21], [sflag:$0x5], $0x80, s11, s26, $0xb8;
	[tilespmem:$0x1E8C0] =	vst v63  }
0x116: {  	_ =	swait.ge [sflag:s22], $0x4000  }
0x117: {  	[sflag:s22] =	ssyncset.done $0x0  }
0x118: {  	s10 =	simm.s32 $0x152C0;
	[sflag:s22] =	ssyncadd.s32 $0xFFFFC000  }
0x119: {  	[tilespmem:s21], [sflag:$0x1] =	stream.indirect.gather [hbm4b:s0+s26], $0x80, s10, s26, $0xb8;
	[tilespmem:$0x1E8C0] =	vst v63  }
0x11a: {  	_ =	swait.ge [sflag:s1], $0x4000  }
0x11b: {  	[sflag:s1] =	ssyncset.done $0x0  }
0x11c: {  	s11 =	simm.s32 $0x15E40;
	[sflag:s1] =	ssyncadd.s32 $0xFFFFC000  }
0x11d: {  	[spmem:s3] =	stream.indirect.scatter.add.f32 [tilespmem:s29], [sflag:$0x5], $0x80, s11, s26, $0xb8;
	[tilespmem:$0x1E8C0] =	vst v63  }
0x11e: {  	_ =	swait.ge [sflag:s22], $0x4000  }
0x11f: {  	[sflag:s22] =	ssyncset.done $0x0  }
0x120: {  	s10 =	simm.s32 $0x15340;
	[sflag:s22] =	ssyncadd.s32 $0xFFFFC000  }
0x121: {  	[tilespmem:s29], [sflag:$0x2] =	stream.indirect.gather [hbm4b:s0+s26], $0x80, s10, s26, $0xb8;
	[tilespmem:$0x1E8C0] =	vst v63  }
0x122: {  	_ =	swait.ge [sflag:s30], $0x4000  }
0x123: {  	[sflag:s30] =	ssyncset.done $0x0  }
0x124: {  	s11 =	simm.s32 $0x15EC0;
	[sflag:s30] =	ssyncadd.s32 $0xFFFFC000  }
0x125: {  	[spmem:s3] =	stream.indirect.scatter.add.f32 [tilespmem:s21], [sflag:$0x5], $0x80, s11, s26, $0xb8;
	[tilespmem:$0x1E8C0] =	vst v63  }
0x126: {  	_ =	swait.ge [sflag:s22], $0x4000  }
0x127: {  	[sflag:s22] =	ssyncset.done $0x0  }
0x128: {  	s10 =	simm.s32 $0x153C0;
	[sflag:s22] =	ssyncadd.s32 $0xFFFFC000  }
0x129: {  	[tilespmem:s21], [sflag:$0x1] =	stream.indirect.gather [hbm4b:s0+s26], $0x80, s10, s26, $0xb8;
	[tilespmem:$0x1E8C0] =	vst v63  }
0x12a: {  	_ =	swait.ge [sflag:s1], $0x4000  }
0x12b: {  	[sflag:s1] =	ssyncset.done $0x0  }
0x12c: {  	s11 =	simm.s32 $0x15F40;
	[sflag:s1] =	ssyncadd.s32 $0xFFFFC000  }
0x12d: {  	[spmem:s3] =	stream.indirect.scatter.add.f32 [tilespmem:s29], [sflag:$0x5], $0x80, s11, s26, $0xb8;
	[tilespmem:$0x1E8C0] =	vst v63  }
0x12e: {  	_ =	swait.ge [sflag:s22], $0x4000  }
0x12f: {  	[sflag:s22] =	ssyncset.done $0x0  }
0x130: {  	s10 =	simm.s32 $0x15440;
	[sflag:s22] =	ssyncadd.s32 $0xFFFFC000  }
0x131: {  	[tilespmem:s29], [sflag:$0x2] =	stream.indirect.gather [hbm4b:s0+s26], $0x80, s10, s26, $0xb8;
	[tilespmem:$0x1E8C0] =	vst v63  }
0x132: {  	_ =	swait.ge [sflag:s30], $0x4000  }
0x133: {  	[sflag:s30] =	ssyncset.done $0x0  }
0x134: {  	s11 =	simm.s32 $0x15FC0;
	[sflag:s30] =	ssyncadd.s32 $0xFFFFC000  }
0x135: {  	[spmem:s3] =	stream.indirect.scatter.add.f32 [tilespmem:s21], [sflag:$0x5], $0x80, s11, s26, $0xb8;
	[tilespmem:$0x1E8C0] =	vst v63  }
0x136: {  	_ =	swait.ge [sflag:s22], $0x4000  }
0x137: {  	[sflag:s22] =	ssyncset.done $0x0  }
0x138: {  	s10 =	simm.s32 $0x154C0;
	[sflag:s22] =	ssyncadd.s32 $0xFFFFC000  }
0x139: {  	[tilespmem:s21], [sflag:$0x1] =	stream.indirect.gather [hbm4b:s0+s26], $0x80, s10, s26, $0xb8;
	[tilespmem:$0x1E8C0] =	vst v63  }
0x13a: {  	_ =	swait.ge [sflag:s1], $0x4000  }
0x13b: {  	[sflag:s1] =	ssyncset.done $0x0  }
0x13c: {  	s11 =	simm.s32 $0x16040;
	[sflag:s1] =	ssyncadd.s32 $0xFFFFC000  }
0x13d: {  	[spmem:s3] =	stream.indirect.scatter.add.f32 [tilespmem:s29], [sflag:$0x5], $0x80, s11, s26, $0xb8;
	[tilespmem:$0x1E8C0] =	vst v63  }
0x13e: {  	_ =	swait.ge [sflag:s22], $0x4000  }
0x13f: {  	[sflag:s22] =	ssyncset.done $0x0  }
0x140: {  	s10 =	simm.s32 $0x15540;
	[sflag:s22] =	ssyncadd.s32 $0xFFFFC000  }
0x141: {  	[tilespmem:s29], [sflag:$0x2] =	stream.indirect.gather [hbm4b:s0+s26], $0x80, s10, s26, $0xb8;
	[tilespmem:$0x1E8C0] =	vst v63  }
0x142: {  	_ =	swait.ge [sflag:s30], $0x4000  }
0x143: {  	[sflag:s30] =	ssyncset.done $0x0  }
0x144: {  	s11 =	simm.s32 $0x160C0;
	[sflag:s30] =	ssyncadd.s32 $0xFFFFC000  }
0x145: {  	[spmem:s3] =	stream.indirect.scatter.add.f32 [tilespmem:s21], [sflag:$0x5], $0x80, s11, s26, $0xb8;
	[tilespmem:$0x1E8C0] =	vst v63  }
0x146: {  	_ =	swait.ge [sflag:s22], $0x4000  }
0x147: {  	[sflag:s22] =	ssyncset.done $0x0  }
0x148: {  	s10 =	simm.s32 $0x155C0;
	[sflag:s22] =	ssyncadd.s32 $0xFFFFC000  }
0x149: {  	[tilespmem:s21], [sflag:$0x1] =	stream.indirect.gather [hbm4b:s0+s26], $0x80, s10, s26, $0xb8;
	[tilespmem:$0x1E8C0] =	vst v63  }
0x14a: {  	_ =	swait.ge [sflag:s1], $0x4000  }
0x14b: {  	[sflag:s1] =	ssyncset.done $0x0  }
0x14c: {  	s11 =	simm.s32 $0x16140;
	[sflag:s1] =	ssyncadd.s32 $0xFFFFC000  }
0x14d: {  	[spmem:s3] =	stream.indirect.scatter.add.f32 [tilespmem:s29], [sflag:$0x5], $0x80, s11, s26, $0xb8;
	[tilespmem:$0x1E8C0] =	vst v63  }
0x14e: {  	_ =	swait.ge [sflag:s22], $0x4000  }
0x14f: {  	[sflag:s22] =	ssyncset.done $0x0  }
0x150: {  	s10 =	simm.s32 $0x15640;
	[sflag:s22] =	ssyncadd.s32 $0xFFFFC000  }
0x151: {  	[tilespmem:s29], [sflag:$0x2] =	stream.indirect.gather [hbm4b:s0+s26], $0x80, s10, s26, $0xb8;
	[tilespmem:$0x1E8C0] =	vst v63  }
0x152: {  	_ =	swait.ge [sflag:s30], $0x4000  }
0x153: {  	[sflag:s30] =	ssyncset.done $0x0  }
0x154: {  	s11 =	simm.s32 $0x161C0;
	[sflag:s30] =	ssyncadd.s32 $0xFFFFC000  }
0x155: {  	[spmem:s3] =	stream.indirect.scatter.add.f32 [tilespmem:s21], [sflag:$0x5], $0x80, s11, s26, $0xb8;
	[tilespmem:$0x1E8C0] =	vst v63  }
0x156: {  	_ =	swait.ge [sflag:s22], $0x4000  }
0x157: {  	[sflag:s22] =	ssyncset.done $0x0  }
0x158: {  	s10 =	simm.s32 $0x156C0;
	[sflag:s22] =	ssyncadd.s32 $0xFFFFC000  }
0x159: {  	[tilespmem:s21], [sflag:$0x1] =	stream.indirect.gather [hbm4b:s0+s26], $0x80, s10, s26, $0xb8;
	[tilespmem:$0x1E8C0] =	vst v63  }
0x15a: {  	_ =	swait.ge [sflag:s1], $0x4000  }
0x15b: {  	[sflag:s1] =	ssyncset.done $0x0  }
0x15c: {  	s11 =	simm.s32 $0x16240;
	[sflag:s1] =	ssyncadd.s32 $0xFFFFC000  }
0x15d: {  	[spmem:s3] =	stream.indirect.scatter.add.f32 [tilespmem:s29], [sflag:$0x5], $0x80, s11, s26, $0xb8;
	[tilespmem:$0x1E8C0] =	vst v63  }
0x15e: {  	_ =	swait.ge [sflag:s22], $0x4000  }
0x15f: {  	[sflag:s22] =	ssyncset.done $0x0  }
0x160: {  	s10 =	simm.s32 $0x15740;
	[sflag:s22] =	ssyncadd.s32 $0xFFFFC000  }
0x161: {  	[tilespmem:s29], [sflag:$0x2] =	stream.indirect.gather [hbm4b:s0+s26], $0x80, s10, s26, $0xb8;
	[tilespmem:$0x1E8C0] =	vst v63  }
0x162: {  	_ =	swait.ge [sflag:s30], $0x4000  }
0x163: {  	[sflag:s30] =	ssyncset.done $0x0  }
0x164: {  	s11 =	simm.s32 $0x162C0;
	[sflag:s30] =	ssyncadd.s32 $0xFFFFC000  }
0x165: {  	[spmem:s3] =	stream.indirect.scatter.add.f32 [tilespmem:s21], [sflag:$0x5], $0x80, s11, s26, $0xb8;
	[tilespmem:$0x1E8C0] =	vst v63  }
0x166: {  	_ =	swait.ge [sflag:s22], $0x4000  }
0x167: {  	[sflag:s22] =	ssyncset.done $0x0  }
0x168: {  	s10 =	simm.s32 $0x157C0;
	[sflag:s22] =	ssyncadd.s32 $0xFFFFC000  }
0x169: {  	[tilespmem:s21], [sflag:$0x1] =	stream.indirect.gather [hbm4b:s0+s26], $0x80, s10, s26, $0xb8;
	[tilespmem:$0x1E8C0] =	vst v63  }
0x16a: {  	_ =	swait.ge [sflag:s1], $0x4000  }
0x16b: {  	[sflag:s1] =	ssyncset.done $0x0  }
0x16c: {  	s11 =	simm.s32 $0x16340;
	[sflag:s1] =	ssyncadd.s32 $0xFFFFC000  }
0x16d: {  	[spmem:s3] =	stream.indirect.scatter.add.f32 [tilespmem:s29], [sflag:$0x5], $0x80, s11, s26, $0xb8;
	[tilespmem:$0x1E8C0] =	vst v63  }
0x16e: {  	_ =	swait.ge [sflag:s22], $0x4000  }
0x16f: {  	[sflag:s22] =	ssyncset.done $0x0  }
0x170: {  	s10 =	simm.s32 $0x15840;
	[sflag:s22] =	ssyncadd.s32 $0xFFFFC000  }
0x171: {  	[tilespmem:s29], [sflag:$0x2] =	stream.indirect.gather [hbm4b:s0+s26], $0x80, s10, s26, $0xb8;
	[tilespmem:$0x1E8C0] =	vst v63  }
0x172: {  	_ =	swait.ge [sflag:s30], $0x4000  }
0x173: {  	[sflag:s30] =	ssyncset.done $0x0  }
0x174: {  	s11 =	simm.s32 $0x163C0;
	[sflag:s30] =	ssyncadd.s32 $0xFFFFC000  }
0x175: {  	[spmem:s3] =	stream.indirect.scatter.add.f32 [tilespmem:s21], [sflag:$0x5], $0x80, s11, s26, $0xb8;
	[tilespmem:$0x1E8C0] =	vst v63  }
0x176: {  	_ =	swait.ge [sflag:s22], $0x4000  }
0x177: {  	[sflag:s22] =	ssyncset.done $0x0  }
0x178: {  	[sflag:s22] =	ssyncadd.s32 $0xFFFFC000  }
0x179: {  	[tilespmem:s21], [sflag:$0x1] =	stream.indirect.gather [hbm4b:s0+s26], $0x80, s16, s26, $0xb8;
	[tilespmem:$0x1E8C0] =	vst v63  }
0x17a: {  	_ =	swait.ge [sflag:s1], $0x4000  }
0x17b: {  	[sflag:s1] =	ssyncset.done $0x0  }
0x17c: {  	[sflag:s1] =	ssyncadd.s32 $0xFFFFC000  }
0x17d: {  	[spmem:s3] =	stream.indirect.scatter.add.f32 [tilespmem:s29], [sflag:$0x5], $0x80, s17, s26, $0xb8;
	[tilespmem:$0x1E8C0] =	vst v63  }
0x17e: {  	_ =	swait.ge [sflag:s22], $0x4000  }
0x17f: {  	[sflag:s22] =	ssyncset.done $0x0  }
0x180: {  	[sflag:s22] =	ssyncadd.s32 $0xFFFFC000  }
0x181: {  	[tilespmem:s29], [sflag:$0x2] =	stream.indirect.gather [hbm4b:s0+s26], $0x80, s18, s26, $0xb8;
	[tilespmem:$0x1E8C0] =	vst v63  }
0x182: {  	_ =	swait.ge [sflag:s30], $0x4000  }
0x183: {  	[sflag:s30] =	ssyncset.done $0x0  }
0x184: {  	[sflag:s30] =	ssyncadd.s32 $0xFFFFC000  }
0x185: {  	[spmem:s3] =	stream.indirect.scatter.add.f32 [tilespmem:s21], [sflag:$0x5], $0x80, s28, s26, $0xb8;
	[tilespmem:$0x1E8C0] =	vst v63  }
0x186: {  	_ =	swait.ge [sflag:s22], $0x4000  }
0x187: {  	[sflag:s22] =	ssyncset.done $0x0  }
0x188: {  	[sflag:s22] =	ssyncadd.s32 $0xFFFFC000  }
0x189: {  	[tilespmem:s21], [sflag:$0x1] =	stream.indirect.gather [hbm4b:s0+s26], $0x80, s31, s26, $0xb8;
	[tilespmem:$0x1E8C0] =	vst v63  }
0x18a: {  	_ =	swait.ge [sflag:s1], $0x4000  }
0x18b: {  	[sflag:s1] =	ssyncset.done $0x0  }
0x18c: {  	[sflag:s1] =	ssyncadd.s32 $0xFFFFC000  }
0x18d: {  	[spmem:s3] =	stream.indirect.scatter.add.f32 [tilespmem:s29], [sflag:$0x5], $0x80, s12, s26, $0xb8;
	[tilespmem:$0x1E8C0] =	vst v63  }
0x18e: {  	_ =	swait.ge [sflag:s22], $0x4000  }
0x18f: {  	[sflag:s22] =	ssyncset.done $0x0  }
0x190: {  	[sflag:s22] =	ssyncadd.s32 $0xFFFFC000  }
0x191: {  	[tilespmem:s29], [sflag:$0x2] =	stream.indirect.gather [hbm4b:s0+s26], $0x80, s13, s26, $0xb8;
	[tilespmem:$0x1E8C0] =	vst v63  }
0x192: {  	_ =	swait.ge [sflag:s30], $0x4000  }
0x193: {  	[sflag:s30] =	ssyncset.done $0x0  }
0x194: {  	[sflag:s30] =	ssyncadd.s32 $0xFFFFC000  }
0x195: {  	[spmem:s3] =	stream.indirect.scatter.add.f32 [tilespmem:s21], [sflag:$0x5], $0x80, s14, s26, $0xb8;
	[tilespmem:$0x1E8C0] =	vst v63  }
0x196: {  	_ =	swait.ge [sflag:s22], $0x4000  }
0x197: {  	[sflag:s22] =	ssyncset.done $0x0  }
0x198: {  	[sflag:s22] =	ssyncadd.s32 $0xFFFFC000  }
0x199: {  	_ =	swait.ge [sflag:s1], $0x4000  }
0x19a: {  	p2 =	por p1, p1;
	[sflag:s1] =	ssyncset.done $0x0  }
.Ltmp1:
0x19b: {  	[sflag:s1] =	ssyncadd.s32 $0xFFFFC000;
	(pc) =	sbr.rel @p2 .LBB2_4-.Ltmp1, $4  }
0x19c: {  	[spmem:s3] =	stream.indirect.scatter.add.f32 [tilespmem:s29], [sflag:$0x5], $0x80, s15, s26, $0xb8;
	[tilespmem:$0x1E8C0] =	vst v63  }
0x19d: {  	_ =	swait.ge [sflag:s22], $0x4000  }
0x19e: {  	[sflag:s22] =	ssyncset.done $0x0  }
0x19f: {  	p1 =	por $0x0, $0x0;
	s2 =	simm.s32 $0x1800;
	[sflag:s22] =	ssyncadd.s32 $0xFFFFC000  }
0x1a0: {  	_ =	swait.ge [sflag:s25], $0xA00  }
0x1a1: {  	[sflag:s25] =	ssyncset.done $0x0  }
0x1a2: {  	[sflag:s25] =	ssyncadd.s32 $0xFFFFF600  }
0x1a3: {  	_ =	swait.ge [sflag:s25], $0xA00  }
0x1a4: {  	[sflag:s25] =	ssyncset.done $0x0  }
0x1a5: {  	[sflag:s25] =	ssyncadd.s32 $0xFFFFF600  }
0x1a6: {  	s2 =	stileid.u32;
	[bflag:$0x0] =	sbarrier.arrive $0xFFFF  }
0x1a7: {  	s2 =	sshll.u32 s2, $0x6;
	s10 =	rddreg [dreg:$0x4]  }
0x1a8: {  	s2 =	sor.u32 $0x1C05, s2;
	s11 =	rddreg [dreg:$0xc];
	s10 =	sshrl.u32 s10, $0x3  }
0x1a9: {  	[hbm:s11], [sflag:s2] =	dma.local [spmem:s10], $0x2710  }
0x1aa: {  	_ =	swait.ge [sflag:s22], $0x2710  }
0x1ab: {  	s2 =	rddreg [dreg:$0xe]  }
0x1ac: {  	s11 =	rddreg [dreg:$0xd];
	s10 =	sadd.s32 $0x1, s2  }
0x1ad: {  	p1 =	sne.s32 s10, s11  }
.Ltmp2:
0x1ae: {  	_ = 	snop;
	(pc) =	sbr.rel @p1 .LBB2_1-.Ltmp2, $3  }
0x1af: {  	_ =	sdelay $0x1  }
0x1b0: {  	[sflag:s22] =	ssyncset.done $0x0  }
0x1b1: {  	[sflag:s22] =	ssyncadd.s32 $0xFFFFD8F0  }
0x1b2: {  	_ =	sfence.sel $0x180000  }
0x1b3: {  	[bflag:$0x0] =	sbarrier.arrive $0xFFFF  }
0x1b4: {  	_ =	strace $0x90000047  }
0x1b5: {  	[bflag:$0x2] =	sbarrier.arrive $0xFFFF  }
0x1b6: {  	s0 =	rddreg [dreg:$0x3]  }
0x1b7: {  	s0 =	sadd.s32 @!p0 $0x100000, s0  }
0x1b8: {  	[sflag:s0] =	ssyncadd.tile.s32 @!p0 $0x1;
	_ =	shalt  }
.Lfunc_end2:
_tile_overlayer_lowered:
.L_overlay_start_2:
0x1b9: {  	(tag) =	ssettag $0x2  }
0x1ba: {  	s0 =	rddreg [dreg:$0x0];
	s2 =	stileid.u32  }
0x1bb: {  	s1 =	rddreg [dreg:$0x1];
	p0 =	sne.s32 s2, $0x0  }
0x1bc: {  	s3 =	rddreg [dreg:$0x2];
	[bflag:$0x3] =	sbarrier.arrive $0xFFFF;
	s2 =	simm.s32 @!p0 $0x1C05  }
0x1bd: {  	[timem:s3], [sflag:s2] =	dma.local @!p0 [hbm:s0], s1  }
0x1be: {  	s0 =	simm.s32 @!p0 $0x5  }
0x1bf: {  	_ =	swait.ge @!p0 [sflag:s0], s1  }
0x1c0: {  	s1 =	ssub.s32 @!p0 $0x0, s1;
	[sflag:s0] =	ssyncset.done @!p0 $0x0  }
0x1c1: {  	[sflag:s0] =	ssyncadd.s32 @!p0 s1  }
0x1c2: {  	[bflag:$0x3] =	sbarrier.arrive $0xFFFF  }
0x1c3: {  	_ =	shalt  }

</sc_bundles>
